<compile_context>
chip_gen: v7x
topology: tpu7x:2x2x1
jax: 0.10.2.dev20260603
libtpu: 0.0.44.dev20260713+nightly
codegen_flags: <defaults>
</compile_context>

<pallas_src>
import functools

import jax
import jax.numpy as jnp
from jax import lax
from jax.experimental import pallas as pl
from jax.experimental.pallas import tpu as pltpu
from jax.experimental.pallas import tpu_sc as plsc

VOCAB = 100000
HIDDEN = 768
EPS = 1e-07
L = 16
NCHUNK = HIDDEN // L
NC, NS = 2, 16
NW = NC * NS
N_IDS = 4 * 4096
BPW = N_IDS // NW
C = 32
G = BPW // C
K = G // 2
REL_ROWS = 511
REL_PW = 16
NACC = 2


def _perm16(v, idx):
    dn = lax.GatherDimensionNumbers(
        offset_dims=(), collapsed_slice_dims=(0,), start_index_map=(0,))
    return lax.gather(v, idx[:, None], dn, slice_sizes=(1,),
                      mode=lax.GatherScatterMode.PROMISE_IN_BOUNDS)


def _xlane_sum(v):
    base = lax.iota(jnp.int32, L)
    for m in (1, 2, 4, 8):
        v = v + _perm16(v, base ^ m)
    return v


def _rsqrt16(x):
    i = lax.bitcast_convert_type(x, jnp.int32)
    i = jnp.int32(0x5F3759DF) - lax.shift_right_logical(i, 1)
    y = lax.bitcast_convert_type(i, jnp.float32)
    for _ in range(3):
        y = y * (1.5 - 0.5 * x * y * y)
    return y


def _ln_row(src, dst, r):
    sums = [jnp.zeros((L,), jnp.float32) for _ in range(NACC)]
    sqs = [jnp.zeros((L,), jnp.float32) for _ in range(NACC)]
    for j in range(NCHUNK):
        a = j % NACC
        x = src[r, pl.ds(j * L, L)]
        sums[a] = sums[a] + x
        sqs[a] = sqs[a] + x * x
    while len(sums) > 1:
        sums = [sums[i] + sums[i + 1] for i in range(0, len(sums), 2)]
        sqs = [sqs[i] + sqs[i + 1] for i in range(0, len(sqs), 2)]
    mv = _xlane_sum(sums[0]) * (1.0 / HIDDEN)
    var = _xlane_sum(sqs[0]) * (1.0 / HIDDEN) - mv * mv
    rstd = _rsqrt16(var + EPS)
    for j in range(NCHUNK):
        x = src[r, pl.ds(j * L, L)]
        dst[r, pl.ds(j * L, L)] = (x - mv) * rstd


def _make_sc_kernel():
    mesh = plsc.VectorSubcoreMesh(core_axis_name="c", subcore_axis_name="s")

    @functools.partial(
        pl.kernel,
        mesh=mesh,
        out_type=jax.ShapeDtypeStruct((N_IDS, HIDDEN), jnp.float32),
        scratch_types=[
            pltpu.VMEM((BPW,), jnp.int32),
            pltpu.VMEM((C, HIDDEN), jnp.float32),
            pltpu.VMEM((C, HIDDEN), jnp.float32),
            pltpu.VMEM((C, HIDDEN), jnp.float32),
            pltpu.VMEM((C, HIDDEN), jnp.float32),
            pltpu.SemaphoreType.DMA,
            pltpu.SemaphoreType.DMA,
            pltpu.SemaphoreType.DMA,
            pltpu.SemaphoreType.DMA,
        ],
    )
    def sc_kernel(ids_hbm, table_hbm, word_out_hbm,
                  idx_all, in0, in1, out0, out1,
                  gsem0, gsem1, wsem0, wsem1):
        wid = lax.axis_index("s") * NC + lax.axis_index("c")
        base0 = wid * BPW

        def ln_block(src, dst, n):
            @plsc.parallel_loop(0, n, 1, unroll=4)
            def row_body(r):
                _ln_row(src, dst, r)

        def start_gather(in_v, sem, g):
            pltpu.async_copy(table_hbm.at[idx_all.at[pl.ds(g * C, C)]],
                             in_v, sem)

        def wait_gather(in_v, sem, g):
            pltpu.make_async_copy(table_hbm.at[idx_all.at[pl.ds(g * C, C)]],
                                  in_v, sem).wait()

        def start_wb(out_v, sem, g):
            pltpu.async_copy(out_v, word_out_hbm.at[pl.ds(base0 + g * C, C)],
                             sem)

        def wait_wb(out_v, sem, g):
            pltpu.make_async_copy(
                out_v, word_out_hbm.at[pl.ds(base0 + g * C, C)], sem).wait()

        pltpu.sync_copy(ids_hbm.at[pl.ds(base0, BPW)], idx_all)
        start_gather(in0, gsem0, 0)
        start_gather(in1, gsem1, 1)

        def pipe_body(k, carry):
            g0 = k * 2

            wait_gather(in0, gsem0, g0)

            @pl.when(k > 0)
            def _():
                wait_wb(out0, wsem0, g0 - 2)

            ln_block(in0, out0, C)
            start_wb(out0, wsem0, g0)

            @pl.when(k < K - 1)
            def _():
                start_gather(in0, gsem0, g0 + 2)

            wait_gather(in1, gsem1, g0 + 1)

            @pl.when(k > 0)
            def _():
                wait_wb(out1, wsem1, g0 - 1)

            ln_block(in1, out1, C)
            start_wb(out1, wsem1, g0 + 1)

            @pl.when(k < K - 1)
            def _():
                start_gather(in1, gsem1, g0 + 3)

            return carry

        lax.fori_loop(0, K, pipe_body, 0)
        wait_wb(out0, wsem0, G - 2)
        wait_wb(out1, wsem1, G - 1)

    return sc_kernel


_SC_KERNEL = _make_sc_kernel()


def _tc_rel_body(x_ref, g_ref, b_ref, o_ref):
    x = x_ref[...]
    mean = jnp.mean(x, axis=-1, keepdims=True)
    xc = x - mean
    var = jnp.mean(xc * xc, axis=-1, keepdims=True)
    o_ref[...] = xc * lax.rsqrt(var + EPS) * g_ref[...] + b_ref[...]


def _tc_rel(rel, gamma, beta):
    return pl.pallas_call(
        _tc_rel_body,
        out_shape=jax.ShapeDtypeStruct((REL_ROWS, HIDDEN), jnp.float32),
    )(rel, gamma, beta)


def kernel(input_ids, word_table, relative_embedding, rel_ln_gamma, rel_ln_beta):
    ids = input_ids.reshape(-1).astype(jnp.int32)
    word_flat = _SC_KERNEL(ids, word_table)
    rel_out = _tc_rel(relative_embedding, rel_ln_gamma, rel_ln_beta)
    word = word_flat.reshape(input_ids.shape + (HIDDEN,))
    return (word, rel_out)

# --- scband reference (transcript-rebuilt; emitter-appended) ---
"""Pipeline reference for scband-embedding-12532714570580 (READ-ONLY COPY).

The authoritative reference and input builder live on the scoring server;
editing this copy changes nothing except your own understanding.
"""

import jax, jax.numpy as jnp
import numpy as np

VOCAB = 100000
HIDDEN = 768
BUCKETS = 256
EPS = 1e-07
BATCH = 4
SEQ = 4096


def _layer_norm(x, eps):
    mean = jnp.mean(x, axis=-1, keepdims=True)
    var = jnp.var(x, axis=-1, keepdims=True)
    return (x - mean) / jnp.sqrt(var + eps)


def setup_inputs(seed: int = 0) -> dict:
    key = jax.random.key(seed)
    k1, k2, k3 = jax.random.split(key, 3)
    input_ids = jax.random.randint(k1, (BATCH, SEQ), 0, VOCAB)
    word_table = jax.random.normal(k2, (VOCAB, HIDDEN), dtype=jnp.float32) * 0.02
    relative_embedding = jax.random.normal(k3, (2 * BUCKETS - 1, HIDDEN), dtype=jnp.float32) * 0.02
    rel_ln_gamma = jnp.ones((HIDDEN,), dtype=jnp.float32)
    rel_ln_beta = jnp.zeros((HIDDEN,), dtype=jnp.float32)
    return {
        "input_ids": input_ids,
        "word_table": word_table,
        "relative_embedding": relative_embedding,
        "rel_ln_gamma": rel_ln_gamma,
        "rel_ln_beta": rel_ln_beta,
    }


def reference(input_ids, word_table, relative_embedding, rel_ln_gamma, rel_ln_beta):
    # word path: embedding gather -> LayerNorm (no affine) -> dropout (identity in eval)
    we = jnp.take(word_table, input_ids, axis=0)
    word_embedding = _layer_norm(we, EPS)
    # relative path: LayerNorm with affine params
    rel_norm = _layer_norm(relative_embedding, EPS) * rel_ln_gamma + rel_ln_beta
    return (word_embedding, rel_norm)

if __name__ == "__main__":
    import jax
    _d = setup_inputs()
    print(jax.jit(kernel)(*tuple(_d.values())))

</pallas_src>

<mosaic_0001>
#map = affine_map<(d0, d1) -> (0)>
#map1 = affine_map<(d0, d1) -> (0, 0)>
module attributes {stable_mosaic.version = 14 : i64} {
  func.func @sc_kernel(%arg0: i32, %arg1: i32, %arg2: memref<16384xi32, #tpu.memory_space<hbm>>, %arg3: memref<100000x768xf32, #tpu.memory_space<hbm>>, %arg4: memref<16384x768xf32, #tpu.memory_space<hbm>>, %arg5: memref<512xi32, #tpu.memory_space<vmem>>, %arg6: memref<32x768xf32, #tpu.memory_space<vmem>>, %arg7: memref<32x768xf32, #tpu.memory_space<vmem>>, %arg8: memref<32x768xf32, #tpu.memory_space<vmem>>, %arg9: memref<32x768xf32, #tpu.memory_space<vmem>>, %arg10: memref<!tpu.dma_semaphore, #tpu.memory_space<semaphore_mem>>, %arg11: memref<!tpu.dma_semaphore, #tpu.memory_space<semaphore_mem>>, %arg12: memref<!tpu.dma_semaphore, #tpu.memory_space<semaphore_mem>>, %arg13: memref<!tpu.dma_semaphore, #tpu.memory_space<semaphore_mem>>) attributes {dimension_semantics = [#tpu.dimension_semantics<core_parallel>, #tpu.dimension_semantics<subcore_parallel>], iteration_bounds = array<i64: 2, 16>, scalar_prefetch = 0 : i64, scratch_operands = 9 : i64, tpu.core_type = #tpu.core_type<sc_vector_subcore>, window_params = [{transform_indices = #map}, {transform_indices = #map1}, {transform_indices = #map1}]} {
    %mul3A = arith.constant 2 : i32
    %mul3A_0 = arith.muli %arg1, %mul3A : i32
    %add3A = arith.addi %mul3A_0, %arg0 : i32
    %mul3A_1 = arith.constant 512 : i32
    %mul3A_2 = arith.muli %add3A, %mul3A_1 : i32
    "tpu.region"() ({
      %run_scoped3A = tpu.sem_alloc : memref<!tpu.dma_semaphore, #tpu.memory_space<semaphore_mem>>
      %dma_start3A_28 = tpu.memref_slice %arg2[%mul3A_2] : memref<16384xi32, #tpu.memory_space<hbm>> -> memref<512xi32, #tpu.memory_space<hbm>>
      %dma_start3A_29 = tpu.memref_slice %arg2[%mul3A_2] : memref<16384xi32, #tpu.memory_space<hbm>> -> memref<512xi32, #tpu.memory_space<hbm>>
      tpu.enqueue_dma source(%dma_start3A_29 : memref<512xi32, #tpu.memory_space<hbm>>) target(%arg5 : memref<512xi32, #tpu.memory_space<vmem>>) target_semaphore(%run_scoped3A : memref<!tpu.dma_semaphore, #tpu.memory_space<semaphore_mem>>)
      %dma_wait3A_30 = tpu.memref_slice %arg2[%mul3A_2] : memref<16384xi32, #tpu.memory_space<hbm>> -> memref<512xi32, #tpu.memory_space<hbm>>
      %dma_wait3A_31 = tpu.memref_slice %arg2[%mul3A_2] : memref<16384xi32, #tpu.memory_space<hbm>> -> memref<512xi32, #tpu.memory_space<hbm>>
      tpu.wait_dma2 semaphore(%run_scoped3A : memref<!tpu.dma_semaphore, #tpu.memory_space<semaphore_mem>>) src(%dma_wait3A_31 : memref<512xi32, #tpu.memory_space<hbm>>) dst(%arg5 : memref<512xi32, #tpu.memory_space<vmem>>)
      tpu.yield
    }) : () -> ()
    %dma_start3A = arith.constant 0 : i32
    %dma_start3A_3 = tpu.memref_slice %arg5[%dma_start3A] : memref<512xi32, #tpu.memory_space<vmem>> -> memref<32xi32, #tpu.memory_space<vmem>>
    %dma_start3A_4 = arith.constant 0 : i32
    %dma_start3A_5 = arith.constant 0 : i32
    %dma_start3A_6 = tpu.memref_slice %arg3[%dma_start3A_4, %dma_start3A_5] : memref<100000x768xf32, #tpu.memory_space<hbm>> -> memref<100000x768xf32, #tpu.memory_space<hbm>>
    tpu.enqueue_indirect_dma source(%dma_start3A_6 : memref<100000x768xf32, #tpu.memory_space<hbm>>) target(%arg6 : memref<32x768xf32, #tpu.memory_space<vmem>>) offsets(%dma_start3A_3 : memref<32xi32, #tpu.memory_space<vmem>>) semaphore(%arg10 : memref<!tpu.dma_semaphore, #tpu.memory_space<semaphore_mem>>)
    %dma_start3A_7 = arith.constant 32 : i32
    %dma_start3A_8 = tpu.memref_slice %arg5[%dma_start3A_7] : memref<512xi32, #tpu.memory_space<vmem>> -> memref<32xi32, #tpu.memory_space<vmem>>
    %dma_start3A_9 = arith.constant 0 : i32
    %dma_start3A_10 = arith.constant 0 : i32
    %dma_start3A_11 = tpu.memref_slice %arg3[%dma_start3A_9, %dma_start3A_10] : memref<100000x768xf32, #tpu.memory_space<hbm>> -> memref<100000x768xf32, #tpu.memory_space<hbm>>
    tpu.enqueue_indirect_dma source(%dma_start3A_11 : memref<100000x768xf32, #tpu.memory_space<hbm>>) target(%arg7 : memref<32x768xf32, #tpu.memory_space<vmem>>) offsets(%dma_start3A_8 : memref<32xi32, #tpu.memory_space<vmem>>) semaphore(%arg11 : memref<!tpu.dma_semaphore, #tpu.memory_space<semaphore_mem>>)
    %scan3A = arith.constant 0 : i32
    %scan3A_12 = arith.constant 0 : i32
    %scan3A_13 = arith.constant 8 : i32
    %scan3A_14 = arith.addi %scan3A_12, %scan3A_13 : i32
    %scan3A_15 = arith.constant 1 : i32
    scf.for %scan3A_28 = %scan3A_12 to %scan3A_14 step %scan3A_15  : i32 {
      %mul3A_29 = arith.constant 2 : i32
      %mul3A_30 = arith.muli %scan3A_28, %mul3A_29 : i32
      %mul3A_31 = arith.constant 32 : i32
      %mul3A_32 = arith.muli %mul3A_30, %mul3A_31 : i32
      %dma_wait3A_33 = tpu.memref_slice %arg5[%mul3A_32] : memref<512xi32, #tpu.memory_space<vmem>> -> memref<32xi32, #tpu.memory_space<vmem>>
      %dma_wait3A_34 = arith.constant 0 : i32
      %dma_wait3A_35 = arith.constant 0 : i32
      %dma_wait3A_36 = tpu.memref_slice %arg3[%dma_wait3A_34, %dma_wait3A_35] : memref<100000x768xf32, #tpu.memory_space<hbm>> -> memref<100000x768xf32, #tpu.memory_space<hbm>>
      tpu.wait_indirect_dma semaphore(%arg10 : memref<!tpu.dma_semaphore, #tpu.memory_space<semaphore_mem>>) src(%dma_wait3A_36 : memref<100000x768xf32, #tpu.memory_space<hbm>>) dst(%arg6 : memref<32x768xf32, #tpu.memory_space<vmem>>)
      %gt3A = arith.constant 0 : i32
      %gt3A_37 = arith.cmpi sgt, %scan3A_28, %gt3A : i32
      %convert_element_type3A = arith.extui %gt3A_37 : i1 to i32
      %cond3A = arith.constant 0 : i32
      %cond3A_38 = arith.cmpi ne, %convert_element_type3A, %cond3A : i32
      scf.if %cond3A_38 {
        %sub3A = arith.constant 2 : i32
        %sub3A_82 = arith.subi %mul3A_30, %sub3A : i32
        %mul3A_83 = arith.constant 32 : i32
        %mul3A_84 = arith.muli %sub3A_82, %mul3A_83 : i32
        %add3A_85 = arith.addi %mul3A_2, %mul3A_84 : i32
        %dma_wait3A_86 = arith.constant 0 : i32
        %dma_wait3A_87 = tpu.memref_slice %arg4[%add3A_85, %dma_wait3A_86] : memref<16384x768xf32, #tpu.memory_space<hbm>> -> memref<32x768xf32, #tpu.memory_space<hbm>>
        %dma_wait3A_88 = arith.constant 0 : i32
        %dma_wait3A_89 = tpu.memref_slice %arg4[%add3A_85, %dma_wait3A_88] : memref<16384x768xf32, #tpu.memory_space<hbm>> -> memref<32x768xf32, #tpu.memory_space<hbm>>
        tpu.wait_dma2 semaphore(%arg12 : memref<!tpu.dma_semaphore, #tpu.memory_space<semaphore_mem>>) src(%arg8 : memref<32x768xf32, #tpu.memory_space<vmem>>) dst(%dma_wait3A_89 : memref<32x768xf32, #tpu.memory_space<hbm>>)
      } else {
      }
      %parallel_loop3A = arith.constant 0 : i32
      %parallel_loop3A_39 = arith.constant 32 : i32
      %parallel_loop3A_40 = arith.constant 1 : i32
      scf.for %parallel_loop3A_82 = %parallel_loop3A to %parallel_loop3A_39 step %parallel_loop3A_40  : i32 {
        %parallel_loop3A_83 = arith.constant 0.000000e+00 : f32
        %parallel_loop3A_84 = vector.broadcast %parallel_loop3A_83 : f32 to vector<16xf32>
        %parallel_loop3A_85 = arith.constant 0.000000e+00 : f32
        %parallel_loop3A_86 = vector.broadcast %parallel_loop3A_85 : f32 to vector<16xf32>
        %parallel_loop3A_87 = arith.constant 0.000000e+00 : f32
        %parallel_loop3A_88 = vector.broadcast %parallel_loop3A_87 : f32 to vector<16xf32>
        %parallel_loop3A_89 = arith.constant 0.000000e+00 : f32
        %parallel_loop3A_90 = vector.broadcast %parallel_loop3A_89 : f32 to vector<16xf32>
        %parallel_loop3A_91 = arith.index_cast %parallel_loop3A_82 : i32 to index
        %parallel_loop3A_92 = arith.constant 0 : index
        %parallel_loop3A_93 = tpu.vector_load %arg6[%parallel_loop3A_91, %parallel_loop3A_92] {strides = array<i32>} : memref<32x768xf32, #tpu.memory_space<vmem>>, vector<1x16xf32>,
        %parallel_loop3A_94 = vector.shape_cast %parallel_loop3A_93 : vector<1x16xf32> to vector<16xf32>
        %parallel_loop3A_95 = arith.addf %parallel_loop3A_84, %parallel_loop3A_94 : vector<16xf32>
        %parallel_loop3A_96 = arith.mulf %parallel_loop3A_94, %parallel_loop3A_94 : vector<16xf32>
        %parallel_loop3A_97 = arith.addf %parallel_loop3A_88, %parallel_loop3A_96 : vector<16xf32>
        %parallel_loop3A_98 = arith.index_cast %parallel_loop3A_82 : i32 to index
        %parallel_loop3A_99 = arith.constant 16 : index
        %parallel_loop3A_100 = tpu.vector_load %arg6[%parallel_loop3A_98, %parallel_loop3A_99] {strides = array<i32>} : memref<32x768xf32, #tpu.memory_space<vmem>>, vector<1x16xf32>,
        %parallel_loop3A_101 = vector.shape_cast %parallel_loop3A_100 : vector<1x16xf32> to vector<16xf32>
        %parallel_loop3A_102 = arith.addf %parallel_loop3A_86, %parallel_loop3A_101 : vector<16xf32>
        %parallel_loop3A_103 = arith.mulf %parallel_loop3A_101, %parallel_loop3A_101 : vector<16xf32>
        %parallel_loop3A_104 = arith.addf %parallel_loop3A_90, %parallel_loop3A_103 : vector<16xf32>
        %parallel_loop3A_105 = arith.index_cast %parallel_loop3A_82 : i32 to index
        %parallel_loop3A_106 = arith.constant 32 : index
        %parallel_loop3A_107 = tpu.vector_load %arg6[%parallel_loop3A_105, %parallel_loop3A_106] {strides = array<i32>} : memref<32x768xf32, #tpu.memory_space<vmem>>, vector<1x16xf32>,
        %parallel_loop3A_108 = vector.shape_cast %parallel_loop3A_107 : vector<1x16xf32> to vector<16xf32>
        %parallel_loop3A_109 = arith.addf %parallel_loop3A_95, %parallel_loop3A_108 : vector<16xf32>
        %parallel_loop3A_110 = arith.mulf %parallel_loop3A_108, %parallel_loop3A_108 : vector<16xf32>
        %parallel_loop3A_111 = arith.addf %parallel_loop3A_97, %parallel_loop3A_110 : vector<16xf32>
        %parallel_loop3A_112 = arith.index_cast %parallel_loop3A_82 : i32 to index
        %parallel_loop3A_113 = arith.constant 48 : index
        %parallel_loop3A_114 = tpu.vector_load %arg6[%parallel_loop3A_112, %parallel_loop3A_113] {strides = array<i32>} : memref<32x768xf32, #tpu.memory_space<vmem>>, vector<1x16xf32>,
        %parallel_loop3A_115 = vector.shape_cast %parallel_loop3A_114 : vector<1x16xf32> to vector<16xf32>
        %parallel_loop3A_116 = arith.addf %parallel_loop3A_102, %parallel_loop3A_115 : vector<16xf32>
        %parallel_loop3A_117 = arith.mulf %parallel_loop3A_115, %parallel_loop3A_115 : vector<16xf32>
        %parallel_loop3A_118 = arith.addf %parallel_loop3A_104, %parallel_loop3A_117 : vector<16xf32>
        %parallel_loop3A_119 = arith.index_cast %parallel_loop3A_82 : i32 to index
        %parallel_loop3A_120 = arith.constant 64 : index
        %parallel_loop3A_121 = tpu.vector_load %arg6[%parallel_loop3A_119, %parallel_loop3A_120] {strides = array<i32>} : memref<32x768xf32, #tpu.memory_space<vmem>>, vector<1x16xf32>,
        %parallel_loop3A_122 = vector.shape_cast %parallel_loop3A_121 : vector<1x16xf32> to vector<16xf32>
        %parallel_loop3A_123 = arith.addf %parallel_loop3A_109, %parallel_loop3A_122 : vector<16xf32>
        %parallel_loop3A_124 = arith.mulf %parallel_loop3A_122, %parallel_loop3A_122 : vector<16xf32>
        %parallel_loop3A_125 = arith.addf %parallel_loop3A_111, %parallel_loop3A_124 : vector<16xf32>
        %parallel_loop3A_126 = arith.index_cast %parallel_loop3A_82 : i32 to index
        %parallel_loop3A_127 = arith.constant 80 : index
        %parallel_loop3A_128 = tpu.vector_load %arg6[%parallel_loop3A_126, %parallel_loop3A_127] {strides = array<i32>} : memref<32x768xf32, #tpu.memory_space<vmem>>, vector<1x16xf32>,
        %parallel_loop3A_129 = vector.shape_cast %parallel_loop3A_128 : vector<1x16xf32> to vector<16xf32>
        %parallel_loop3A_130 = arith.addf %parallel_loop3A_116, %parallel_loop3A_129 : vector<16xf32>
        %parallel_loop3A_131 = arith.mulf %parallel_loop3A_129, %parallel_loop3A_129 : vector<16xf32>
        %parallel_loop3A_132 = arith.addf %parallel_loop3A_118, %parallel_loop3A_131 : vector<16xf32>
        %parallel_loop3A_133 = arith.index_cast %parallel_loop3A_82 : i32 to index
        %parallel_loop3A_134 = arith.constant 96 : index
        %parallel_loop3A_135 = tpu.vector_load %arg6[%parallel_loop3A_133, %parallel_loop3A_134] {strides = array<i32>} : memref<32x768xf32, #tpu.memory_space<vmem>>, vector<1x16xf32>,
        %parallel_loop3A_136 = vector.shape_cast %parallel_loop3A_135 : vector<1x16xf32> to vector<16xf32>
        %parallel_loop3A_137 = arith.addf %parallel_loop3A_123, %parallel_loop3A_136 : vector<16xf32>
        %parallel_loop3A_138 = arith.mulf %parallel_loop3A_136, %parallel_loop3A_136 : vector<16xf32>
        %parallel_loop3A_139 = arith.addf %parallel_loop3A_125, %parallel_loop3A_138 : vector<16xf32>
        %parallel_loop3A_140 = arith.index_cast %parallel_loop3A_82 : i32 to index
        %parallel_loop3A_141 = arith.constant 112 : index
        %parallel_loop3A_142 = tpu.vector_load %arg6[%parallel_loop3A_140, %parallel_loop3A_141] {strides = array<i32>} : memref<32x768xf32, #tpu.memory_space<vmem>>, vector<1x16xf32>,
        %parallel_loop3A_143 = vector.shape_cast %parallel_loop3A_142 : vector<1x16xf32> to vector<16xf32>
        %parallel_loop3A_144 = arith.addf %parallel_loop3A_130, %parallel_loop3A_143 : vector<16xf32>
        %parallel_loop3A_145 = arith.mulf %parallel_loop3A_143, %parallel_loop3A_143 : vector<16xf32>
        %parallel_loop3A_146 = arith.addf %parallel_loop3A_132, %parallel_loop3A_145 : vector<16xf32>
        %parallel_loop3A_147 = arith.index_cast %parallel_loop3A_82 : i32 to index
        %parallel_loop3A_148 = arith.constant 128 : index
        %parallel_loop3A_149 = tpu.vector_load %arg6[%parallel_loop3A_147, %parallel_loop3A_148] {strides = array<i32>} : memref<32x768xf32, #tpu.memory_space<vmem>>, vector<1x16xf32>,
        %parallel_loop3A_150 = vector.shape_cast %parallel_loop3A_149 : vector<1x16xf32> to vector<16xf32>
        %parallel_loop3A_151 = arith.addf %parallel_loop3A_137, %parallel_loop3A_150 : vector<16xf32>
        %parallel_loop3A_152 = arith.mulf %parallel_loop3A_150, %parallel_loop3A_150 : vector<16xf32>
        %parallel_loop3A_153 = arith.addf %parallel_loop3A_139, %parallel_loop3A_152 : vector<16xf32>
        %parallel_loop3A_154 = arith.index_cast %parallel_loop3A_82 : i32 to index
        %parallel_loop3A_155 = arith.constant 144 : index
        %parallel_loop3A_156 = tpu.vector_load %arg6[%parallel_loop3A_154, %parallel_loop3A_155] {strides = array<i32>} : memref<32x768xf32, #tpu.memory_space<vmem>>, vector<1x16xf32>,
        %parallel_loop3A_157 = vector.shape_cast %parallel_loop3A_156 : vector<1x16xf32> to vector<16xf32>
        %parallel_loop3A_158 = arith.addf %parallel_loop3A_144, %parallel_loop3A_157 : vector<16xf32>
        %parallel_loop3A_159 = arith.mulf %parallel_loop3A_157, %parallel_loop3A_157 : vector<16xf32>
        %parallel_loop3A_160 = arith.addf %parallel_loop3A_146, %parallel_loop3A_159 : vector<16xf32>
        %parallel_loop3A_161 = arith.index_cast %parallel_loop3A_82 : i32 to index
        %parallel_loop3A_162 = arith.constant 160 : index
        %parallel_loop3A_163 = tpu.vector_load %arg6[%parallel_loop3A_161, %parallel_loop3A_162] {strides = array<i32>} : memref<32x768xf32, #tpu.memory_space<vmem>>, vector<1x16xf32>,
        %parallel_loop3A_164 = vector.shape_cast %parallel_loop3A_163 : vector<1x16xf32> to vector<16xf32>
        %parallel_loop3A_165 = arith.addf %parallel_loop3A_151, %parallel_loop3A_164 : vector<16xf32>
        %parallel_loop3A_166 = arith.mulf %parallel_loop3A_164, %parallel_loop3A_164 : vector<16xf32>
        %parallel_loop3A_167 = arith.addf %parallel_loop3A_153, %parallel_loop3A_166 : vector<16xf32>
        %parallel_loop3A_168 = arith.index_cast %parallel_loop3A_82 : i32 to index
        %parallel_loop3A_169 = arith.constant 176 : index
        %parallel_loop3A_170 = tpu.vector_load %arg6[%parallel_loop3A_168, %parallel_loop3A_169] {strides = array<i32>} : memref<32x768xf32, #tpu.memory_space<vmem>>, vector<1x16xf32>,
        %parallel_loop3A_171 = vector.shape_cast %parallel_loop3A_170 : vector<1x16xf32> to vector<16xf32>
        %parallel_loop3A_172 = arith.addf %parallel_loop3A_158, %parallel_loop3A_171 : vector<16xf32>
        %parallel_loop3A_173 = arith.mulf %parallel_loop3A_171, %parallel_loop3A_171 : vector<16xf32>
        %parallel_loop3A_174 = arith.addf %parallel_loop3A_160, %parallel_loop3A_173 : vector<16xf32>
        %parallel_loop3A_175 = arith.index_cast %parallel_loop3A_82 : i32 to index
        %parallel_loop3A_176 = arith.constant 192 : index
        %parallel_loop3A_177 = tpu.vector_load %arg6[%parallel_loop3A_175, %parallel_loop3A_176] {strides = array<i32>} : memref<32x768xf32, #tpu.memory_space<vmem>>, vector<1x16xf32>,
        %parallel_loop3A_178 = vector.shape_cast %parallel_loop3A_177 : vector<1x16xf32> to vector<16xf32>
        %parallel_loop3A_179 = arith.addf %parallel_loop3A_165, %parallel_loop3A_178 : vector<16xf32>
        %parallel_loop3A_180 = arith.mulf %parallel_loop3A_178, %parallel_loop3A_178 : vector<16xf32>
        %parallel_loop3A_181 = arith.addf %parallel_loop3A_167, %parallel_loop3A_180 : vector<16xf32>
        %parallel_loop3A_182 = arith.index_cast %parallel_loop3A_82 : i32 to index
        %parallel_loop3A_183 = arith.constant 208 : index
        %parallel_loop3A_184 = tpu.vector_load %arg6[%parallel_loop3A_182, %parallel_loop3A_183] {strides = array<i32>} : memref<32x768xf32, #tpu.memory_space<vmem>>, vector<1x16xf32>,
        %parallel_loop3A_185 = vector.shape_cast %parallel_loop3A_184 : vector<1x16xf32> to vector<16xf32>
        %parallel_loop3A_186 = arith.addf %parallel_loop3A_172, %parallel_loop3A_185 : vector<16xf32>
        %parallel_loop3A_187 = arith.mulf %parallel_loop3A_185, %parallel_loop3A_185 : vector<16xf32>
        %parallel_loop3A_188 = arith.addf %parallel_loop3A_174, %parallel_loop3A_187 : vector<16xf32>
        %parallel_loop3A_189 = arith.index_cast %parallel_loop3A_82 : i32 to index
        %parallel_loop3A_190 = arith.constant 224 : index
        %parallel_loop3A_191 = tpu.vector_load %arg6[%parallel_loop3A_189, %parallel_loop3A_190] {strides = array<i32>} : memref<32x768xf32, #tpu.memory_space<vmem>>, vector<1x16xf32>,
        %parallel_loop3A_192 = vector.shape_cast %parallel_loop3A_191 : vector<1x16xf32> to vector<16xf32>
        %parallel_loop3A_193 = arith.addf %parallel_loop3A_179, %parallel_loop3A_192 : vector<16xf32>
        %parallel_loop3A_194 = arith.mulf %parallel_loop3A_192, %parallel_loop3A_192 : vector<16xf32>
        %parallel_loop3A_195 = arith.addf %parallel_loop3A_181, %parallel_loop3A_194 : vector<16xf32>
        %parallel_loop3A_196 = arith.index_cast %parallel_loop3A_82 : i32 to index
        %parallel_loop3A_197 = arith.constant 240 : index
        %parallel_loop3A_198 = tpu.vector_load %arg6[%parallel_loop3A_196, %parallel_loop3A_197] {strides = array<i32>} : memref<32x768xf32, #tpu.memory_space<vmem>>, vector<1x16xf32>,
        %parallel_loop3A_199 = vector.shape_cast %parallel_loop3A_198 : vector<1x16xf32> to vector<16xf32>
        %parallel_loop3A_200 = arith.addf %parallel_loop3A_186, %parallel_loop3A_199 : vector<16xf32>
        %parallel_loop3A_201 = arith.mulf %parallel_loop3A_199, %parallel_loop3A_199 : vector<16xf32>
        %parallel_loop3A_202 = arith.addf %parallel_loop3A_188, %parallel_loop3A_201 : vector<16xf32>
        %parallel_loop3A_203 = arith.index_cast %parallel_loop3A_82 : i32 to index
        %parallel_loop3A_204 = arith.constant 256 : index
        %parallel_loop3A_205 = tpu.vector_load %arg6[%parallel_loop3A_203, %parallel_loop3A_204] {strides = array<i32>} : memref<32x768xf32, #tpu.memory_space<vmem>>, vector<1x16xf32>,
        %parallel_loop3A_206 = vector.shape_cast %parallel_loop3A_205 : vector<1x16xf32> to vector<16xf32>
        %parallel_loop3A_207 = arith.addf %parallel_loop3A_193, %parallel_loop3A_206 : vector<16xf32>
        %parallel_loop3A_208 = arith.mulf %parallel_loop3A_206, %parallel_loop3A_206 : vector<16xf32>
        %parallel_loop3A_209 = arith.addf %parallel_loop3A_195, %parallel_loop3A_208 : vector<16xf32>
        %parallel_loop3A_210 = arith.index_cast %parallel_loop3A_82 : i32 to index
        %parallel_loop3A_211 = arith.constant 272 : index
        %parallel_loop3A_212 = tpu.vector_load %arg6[%parallel_loop3A_210, %parallel_loop3A_211] {strides = array<i32>} : memref<32x768xf32, #tpu.memory_space<vmem>>, vector<1x16xf32>,
        %parallel_loop3A_213 = vector.shape_cast %parallel_loop3A_212 : vector<1x16xf32> to vector<16xf32>
        %parallel_loop3A_214 = arith.addf %parallel_loop3A_200, %parallel_loop3A_213 : vector<16xf32>
        %parallel_loop3A_215 = arith.mulf %parallel_loop3A_213, %parallel_loop3A_213 : vector<16xf32>
        %parallel_loop3A_216 = arith.addf %parallel_loop3A_202, %parallel_loop3A_215 : vector<16xf32>
        %parallel_loop3A_217 = arith.index_cast %parallel_loop3A_82 : i32 to index
        %parallel_loop3A_218 = arith.constant 288 : index
        %parallel_loop3A_219 = tpu.vector_load %arg6[%parallel_loop3A_217, %parallel_loop3A_218] {strides = array<i32>} : memref<32x768xf32, #tpu.memory_space<vmem>>, vector<1x16xf32>,
        %parallel_loop3A_220 = vector.shape_cast %parallel_loop3A_219 : vector<1x16xf32> to vector<16xf32>
        %parallel_loop3A_221 = arith.addf %parallel_loop3A_207, %parallel_loop3A_220 : vector<16xf32>
        %parallel_loop3A_222 = arith.mulf %parallel_loop3A_220, %parallel_loop3A_220 : vector<16xf32>
        %parallel_loop3A_223 = arith.addf %parallel_loop3A_209, %parallel_loop3A_222 : vector<16xf32>
        %parallel_loop3A_224 = arith.index_cast %parallel_loop3A_82 : i32 to index
        %parallel_loop3A_225 = arith.constant 304 : index
        %parallel_loop3A_226 = tpu.vector_load %arg6[%parallel_loop3A_224, %parallel_loop3A_225] {strides = array<i32>} : memref<32x768xf32, #tpu.memory_space<vmem>>, vector<1x16xf32>,
        %parallel_loop3A_227 = vector.shape_cast %parallel_loop3A_226 : vector<1x16xf32> to vector<16xf32>
        %parallel_loop3A_228 = arith.addf %parallel_loop3A_214, %parallel_loop3A_227 : vector<16xf32>
        %parallel_loop3A_229 = arith.mulf %parallel_loop3A_227, %parallel_loop3A_227 : vector<16xf32>
        %parallel_loop3A_230 = arith.addf %parallel_loop3A_216, %parallel_loop3A_229 : vector<16xf32>
        %parallel_loop3A_231 = arith.index_cast %parallel_loop3A_82 : i32 to index
        %parallel_loop3A_232 = arith.constant 320 : index
        %parallel_loop3A_233 = tpu.vector_load %arg6[%parallel_loop3A_231, %parallel_loop3A_232] {strides = array<i32>} : memref<32x768xf32, #tpu.memory_space<vmem>>, vector<1x16xf32>,
        %parallel_loop3A_234 = vector.shape_cast %parallel_loop3A_233 : vector<1x16xf32> to vector<16xf32>
        %parallel_loop3A_235 = arith.addf %parallel_loop3A_221, %parallel_loop3A_234 : vector<16xf32>
        %parallel_loop3A_236 = arith.mulf %parallel_loop3A_234, %parallel_loop3A_234 : vector<16xf32>
        %parallel_loop3A_237 = arith.addf %parallel_loop3A_223, %parallel_loop3A_236 : vector<16xf32>
        %parallel_loop3A_238 = arith.index_cast %parallel_loop3A_82 : i32 to index
        %parallel_loop3A_239 = arith.constant 336 : index
        %parallel_loop3A_240 = tpu.vector_load %arg6[%parallel_loop3A_238, %parallel_loop3A_239] {strides = array<i32>} : memref<32x768xf32, #tpu.memory_space<vmem>>, vector<1x16xf32>,
        %parallel_loop3A_241 = vector.shape_cast %parallel_loop3A_240 : vector<1x16xf32> to vector<16xf32>
        %parallel_loop3A_242 = arith.addf %parallel_loop3A_228, %parallel_loop3A_241 : vector<16xf32>
        %parallel_loop3A_243 = arith.mulf %parallel_loop3A_241, %parallel_loop3A_241 : vector<16xf32>
        %parallel_loop3A_244 = arith.addf %parallel_loop3A_230, %parallel_loop3A_243 : vector<16xf32>
        %parallel_loop3A_245 = arith.index_cast %parallel_loop3A_82 : i32 to index
        %parallel_loop3A_246 = arith.constant 352 : index
        %parallel_loop3A_247 = tpu.vector_load %arg6[%parallel_loop3A_245, %parallel_loop3A_246] {strides = array<i32>} : memref<32x768xf32, #tpu.memory_space<vmem>>, vector<1x16xf32>,
        %parallel_loop3A_248 = vector.shape_cast %parallel_loop3A_247 : vector<1x16xf32> to vector<16xf32>
        %parallel_loop3A_249 = arith.addf %parallel_loop3A_235, %parallel_loop3A_248 : vector<16xf32>
        %parallel_loop3A_250 = arith.mulf %parallel_loop3A_248, %parallel_loop3A_248 : vector<16xf32>
        %parallel_loop3A_251 = arith.addf %parallel_loop3A_237, %parallel_loop3A_250 : vector<16xf32>
        %parallel_loop3A_252 = arith.index_cast %parallel_loop3A_82 : i32 to index
        %parallel_loop3A_253 = arith.constant 368 : index
        %parallel_loop3A_254 = tpu.vector_load %arg6[%parallel_loop3A_252, %parallel_loop3A_253] {strides = array<i32>} : memref<32x768xf32, #tpu.memory_space<vmem>>, vector<1x16xf32>,
        %parallel_loop3A_255 = vector.shape_cast %parallel_loop3A_254 : vector<1x16xf32> to vector<16xf32>
        %parallel_loop3A_256 = arith.addf %parallel_loop3A_242, %parallel_loop3A_255 : vector<16xf32>
        %parallel_loop3A_257 = arith.mulf %parallel_loop3A_255, %parallel_loop3A_255 : vector<16xf32>
        %parallel_loop3A_258 = arith.addf %parallel_loop3A_244, %parallel_loop3A_257 : vector<16xf32>
        %parallel_loop3A_259 = arith.index_cast %parallel_loop3A_82 : i32 to index
        %parallel_loop3A_260 = arith.constant 384 : index
        %parallel_loop3A_261 = tpu.vector_load %arg6[%parallel_loop3A_259, %parallel_loop3A_260] {strides = array<i32>} : memref<32x768xf32, #tpu.memory_space<vmem>>, vector<1x16xf32>,
        %parallel_loop3A_262 = vector.shape_cast %parallel_loop3A_261 : vector<1x16xf32> to vector<16xf32>
        %parallel_loop3A_263 = arith.addf %parallel_loop3A_249, %parallel_loop3A_262 : vector<16xf32>
        %parallel_loop3A_264 = arith.mulf %parallel_loop3A_262, %parallel_loop3A_262 : vector<16xf32>
        %parallel_loop3A_265 = arith.addf %parallel_loop3A_251, %parallel_loop3A_264 : vector<16xf32>
        %parallel_loop3A_266 = arith.index_cast %parallel_loop3A_82 : i32 to index
        %parallel_loop3A_267 = arith.constant 400 : index
        %parallel_loop3A_268 = tpu.vector_load %arg6[%parallel_loop3A_266, %parallel_loop3A_267] {strides = array<i32>} : memref<32x768xf32, #tpu.memory_space<vmem>>, vector<1x16xf32>,
        %parallel_loop3A_269 = vector.shape_cast %parallel_loop3A_268 : vector<1x16xf32> to vector<16xf32>
        %parallel_loop3A_270 = arith.addf %parallel_loop3A_256, %parallel_loop3A_269 : vector<16xf32>
        %parallel_loop3A_271 = arith.mulf %parallel_loop3A_269, %parallel_loop3A_269 : vector<16xf32>
        %parallel_loop3A_272 = arith.addf %parallel_loop3A_258, %parallel_loop3A_271 : vector<16xf32>
        %parallel_loop3A_273 = arith.index_cast %parallel_loop3A_82 : i32 to index
        %parallel_loop3A_274 = arith.constant 416 : index
        %parallel_loop3A_275 = tpu.vector_load %arg6[%parallel_loop3A_273, %parallel_loop3A_274] {strides = array<i32>} : memref<32x768xf32, #tpu.memory_space<vmem>>, vector<1x16xf32>,
        %parallel_loop3A_276 = vector.shape_cast %parallel_loop3A_275 : vector<1x16xf32> to vector<16xf32>
        %parallel_loop3A_277 = arith.addf %parallel_loop3A_263, %parallel_loop3A_276 : vector<16xf32>
        %parallel_loop3A_278 = arith.mulf %parallel_loop3A_276, %parallel_loop3A_276 : vector<16xf32>
        %parallel_loop3A_279 = arith.addf %parallel_loop3A_265, %parallel_loop3A_278 : vector<16xf32>
        %parallel_loop3A_280 = arith.index_cast %parallel_loop3A_82 : i32 to index
        %parallel_loop3A_281 = arith.constant 432 : index
        %parallel_loop3A_282 = tpu.vector_load %arg6[%parallel_loop3A_280, %parallel_loop3A_281] {strides = array<i32>} : memref<32x768xf32, #tpu.memory_space<vmem>>, vector<1x16xf32>,
        %parallel_loop3A_283 = vector.shape_cast %parallel_loop3A_282 : vector<1x16xf32> to vector<16xf32>
        %parallel_loop3A_284 = arith.addf %parallel_loop3A_270, %parallel_loop3A_283 : vector<16xf32>
        %parallel_loop3A_285 = arith.mulf %parallel_loop3A_283, %parallel_loop3A_283 : vector<16xf32>
        %parallel_loop3A_286 = arith.addf %parallel_loop3A_272, %parallel_loop3A_285 : vector<16xf32>
        %parallel_loop3A_287 = arith.index_cast %parallel_loop3A_82 : i32 to index
        %parallel_loop3A_288 = arith.constant 448 : index
        %parallel_loop3A_289 = tpu.vector_load %arg6[%parallel_loop3A_287, %parallel_loop3A_288] {strides = array<i32>} : memref<32x768xf32, #tpu.memory_space<vmem>>, vector<1x16xf32>,
        %parallel_loop3A_290 = vector.shape_cast %parallel_loop3A_289 : vector<1x16xf32> to vector<16xf32>
        %parallel_loop3A_291 = arith.addf %parallel_loop3A_277, %parallel_loop3A_290 : vector<16xf32>
        %parallel_loop3A_292 = arith.mulf %parallel_loop3A_290, %parallel_loop3A_290 : vector<16xf32>
        %parallel_loop3A_293 = arith.addf %parallel_loop3A_279, %parallel_loop3A_292 : vector<16xf32>
        %parallel_loop3A_294 = arith.index_cast %parallel_loop3A_82 : i32 to index
        %parallel_loop3A_295 = arith.constant 464 : index
        %parallel_loop3A_296 = tpu.vector_load %arg6[%parallel_loop3A_294, %parallel_loop3A_295] {strides = array<i32>} : memref<32x768xf32, #tpu.memory_space<vmem>>, vector<1x16xf32>,
        %parallel_loop3A_297 = vector.shape_cast %parallel_loop3A_296 : vector<1x16xf32> to vector<16xf32>
        %parallel_loop3A_298 = arith.addf %parallel_loop3A_284, %parallel_loop3A_297 : vector<16xf32>
        %parallel_loop3A_299 = arith.mulf %parallel_loop3A_297, %parallel_loop3A_297 : vector<16xf32>
        %parallel_loop3A_300 = arith.addf %parallel_loop3A_286, %parallel_loop3A_299 : vector<16xf32>
        %parallel_loop3A_301 = arith.index_cast %parallel_loop3A_82 : i32 to index
        %parallel_loop3A_302 = arith.constant 480 : index
        %parallel_loop3A_303 = tpu.vector_load %arg6[%parallel_loop3A_301, %parallel_loop3A_302] {strides = array<i32>} : memref<32x768xf32, #tpu.memory_space<vmem>>, vector<1x16xf32>,
        %parallel_loop3A_304 = vector.shape_cast %parallel_loop3A_303 : vector<1x16xf32> to vector<16xf32>
        %parallel_loop3A_305 = arith.addf %parallel_loop3A_291, %parallel_loop3A_304 : vector<16xf32>
        %parallel_loop3A_306 = arith.mulf %parallel_loop3A_304, %parallel_loop3A_304 : vector<16xf32>
        %parallel_loop3A_307 = arith.addf %parallel_loop3A_293, %parallel_loop3A_306 : vector<16xf32>
        %parallel_loop3A_308 = arith.index_cast %parallel_loop3A_82 : i32 to index
        %parallel_loop3A_309 = arith.constant 496 : index
        %parallel_loop3A_310 = tpu.vector_load %arg6[%parallel_loop3A_308, %parallel_loop3A_309] {strides = array<i32>} : memref<32x768xf32, #tpu.memory_space<vmem>>, vector<1x16xf32>,
        %parallel_loop3A_311 = vector.shape_cast %parallel_loop3A_310 : vector<1x16xf32> to vector<16xf32>
        %parallel_loop3A_312 = arith.addf %parallel_loop3A_298, %parallel_loop3A_311 : vector<16xf32>
        %parallel_loop3A_313 = arith.mulf %parallel_loop3A_311, %parallel_loop3A_311 : vector<16xf32>
        %parallel_loop3A_314 = arith.addf %parallel_loop3A_300, %parallel_loop3A_313 : vector<16xf32>
        %parallel_loop3A_315 = arith.index_cast %parallel_loop3A_82 : i32 to index
        %parallel_loop3A_316 = arith.constant 512 : index
        %parallel_loop3A_317 = tpu.vector_load %arg6[%parallel_loop3A_315, %parallel_loop3A_316] {strides = array<i32>} : memref<32x768xf32, #tpu.memory_space<vmem>>, vector<1x16xf32>,
        %parallel_loop3A_318 = vector.shape_cast %parallel_loop3A_317 : vector<1x16xf32> to vector<16xf32>
        %parallel_loop3A_319 = arith.addf %parallel_loop3A_305, %parallel_loop3A_318 : vector<16xf32>
        %parallel_loop3A_320 = arith.mulf %parallel_loop3A_318, %parallel_loop3A_318 : vector<16xf32>
        %parallel_loop3A_321 = arith.addf %parallel_loop3A_307, %parallel_loop3A_320 : vector<16xf32>
        %parallel_loop3A_322 = arith.index_cast %parallel_loop3A_82 : i32 to index
        %parallel_loop3A_323 = arith.constant 528 : index
        %parallel_loop3A_324 = tpu.vector_load %arg6[%parallel_loop3A_322, %parallel_loop3A_323] {strides = array<i32>} : memref<32x768xf32, #tpu.memory_space<vmem>>, vector<1x16xf32>,
        %parallel_loop3A_325 = vector.shape_cast %parallel_loop3A_324 : vector<1x16xf32> to vector<16xf32>
        %parallel_loop3A_326 = arith.addf %parallel_loop3A_312, %parallel_loop3A_325 : vector<16xf32>
        %parallel_loop3A_327 = arith.mulf %parallel_loop3A_325, %parallel_loop3A_325 : vector<16xf32>
        %parallel_loop3A_328 = arith.addf %parallel_loop3A_314, %parallel_loop3A_327 : vector<16xf32>
        %parallel_loop3A_329 = arith.index_cast %parallel_loop3A_82 : i32 to index
        %parallel_loop3A_330 = arith.constant 544 : index
        %parallel_loop3A_331 = tpu.vector_load %arg6[%parallel_loop3A_329, %parallel_loop3A_330] {strides = array<i32>} : memref<32x768xf32, #tpu.memory_space<vmem>>, vector<1x16xf32>,
        %parallel_loop3A_332 = vector.shape_cast %parallel_loop3A_331 : vector<1x16xf32> to vector<16xf32>
        %parallel_loop3A_333 = arith.addf %parallel_loop3A_319, %parallel_loop3A_332 : vector<16xf32>
        %parallel_loop3A_334 = arith.mulf %parallel_loop3A_332, %parallel_loop3A_332 : vector<16xf32>
        %parallel_loop3A_335 = arith.addf %parallel_loop3A_321, %parallel_loop3A_334 : vector<16xf32>
        %parallel_loop3A_336 = arith.index_cast %parallel_loop3A_82 : i32 to index
        %parallel_loop3A_337 = arith.constant 560 : index
        %parallel_loop3A_338 = tpu.vector_load %arg6[%parallel_loop3A_336, %parallel_loop3A_337] {strides = array<i32>} : memref<32x768xf32, #tpu.memory_space<vmem>>, vector<1x16xf32>,
        %parallel_loop3A_339 = vector.shape_cast %parallel_loop3A_338 : vector<1x16xf32> to vector<16xf32>
        %parallel_loop3A_340 = arith.addf %parallel_loop3A_326, %parallel_loop3A_339 : vector<16xf32>
        %parallel_loop3A_341 = arith.mulf %parallel_loop3A_339, %parallel_loop3A_339 : vector<16xf32>
        %parallel_loop3A_342 = arith.addf %parallel_loop3A_328, %parallel_loop3A_341 : vector<16xf32>
        %parallel_loop3A_343 = arith.index_cast %parallel_loop3A_82 : i32 to index
        %parallel_loop3A_344 = arith.constant 576 : index
        %parallel_loop3A_345 = tpu.vector_load %arg6[%parallel_loop3A_343, %parallel_loop3A_344] {strides = array<i32>} : memref<32x768xf32, #tpu.memory_space<vmem>>, vector<1x16xf32>,
        %parallel_loop3A_346 = vector.shape_cast %parallel_loop3A_345 : vector<1x16xf32> to vector<16xf32>
        %parallel_loop3A_347 = arith.addf %parallel_loop3A_333, %parallel_loop3A_346 : vector<16xf32>
        %parallel_loop3A_348 = arith.mulf %parallel_loop3A_346, %parallel_loop3A_346 : vector<16xf32>
        %parallel_loop3A_349 = arith.addf %parallel_loop3A_335, %parallel_loop3A_348 : vector<16xf32>
        %parallel_loop3A_350 = arith.index_cast %parallel_loop3A_82 : i32 to index
        %parallel_loop3A_351 = arith.constant 592 : index
        %parallel_loop3A_352 = tpu.vector_load %arg6[%parallel_loop3A_350, %parallel_loop3A_351] {strides = array<i32>} : memref<32x768xf32, #tpu.memory_space<vmem>>, vector<1x16xf32>,
        %parallel_loop3A_353 = vector.shape_cast %parallel_loop3A_352 : vector<1x16xf32> to vector<16xf32>
        %parallel_loop3A_354 = arith.addf %parallel_loop3A_340, %parallel_loop3A_353 : vector<16xf32>
        %parallel_loop3A_355 = arith.mulf %parallel_loop3A_353, %parallel_loop3A_353 : vector<16xf32>
        %parallel_loop3A_356 = arith.addf %parallel_loop3A_342, %parallel_loop3A_355 : vector<16xf32>
        %parallel_loop3A_357 = arith.index_cast %parallel_loop3A_82 : i32 to index
        %parallel_loop3A_358 = arith.constant 608 : index
        %parallel_loop3A_359 = tpu.vector_load %arg6[%parallel_loop3A_357, %parallel_loop3A_358] {strides = array<i32>} : memref<32x768xf32, #tpu.memory_space<vmem>>, vector<1x16xf32>,
        %parallel_loop3A_360 = vector.shape_cast %parallel_loop3A_359 : vector<1x16xf32> to vector<16xf32>
        %parallel_loop3A_361 = arith.addf %parallel_loop3A_347, %parallel_loop3A_360 : vector<16xf32>
        %parallel_loop3A_362 = arith.mulf %parallel_loop3A_360, %parallel_loop3A_360 : vector<16xf32>
        %parallel_loop3A_363 = arith.addf %parallel_loop3A_349, %parallel_loop3A_362 : vector<16xf32>
        %parallel_loop3A_364 = arith.index_cast %parallel_loop3A_82 : i32 to index
        %parallel_loop3A_365 = arith.constant 624 : index
        %parallel_loop3A_366 = tpu.vector_load %arg6[%parallel_loop3A_364, %parallel_loop3A_365] {strides = array<i32>} : memref<32x768xf32, #tpu.memory_space<vmem>>, vector<1x16xf32>,
        %parallel_loop3A_367 = vector.shape_cast %parallel_loop3A_366 : vector<1x16xf32> to vector<16xf32>
        %parallel_loop3A_368 = arith.addf %parallel_loop3A_354, %parallel_loop3A_367 : vector<16xf32>
        %parallel_loop3A_369 = arith.mulf %parallel_loop3A_367, %parallel_loop3A_367 : vector<16xf32>
        %parallel_loop3A_370 = arith.addf %parallel_loop3A_356, %parallel_loop3A_369 : vector<16xf32>
        %parallel_loop3A_371 = arith.index_cast %parallel_loop3A_82 : i32 to index
        %parallel_loop3A_372 = arith.constant 640 : index
        %parallel_loop3A_373 = tpu.vector_load %arg6[%parallel_loop3A_371, %parallel_loop3A_372] {strides = array<i32>} : memref<32x768xf32, #tpu.memory_space<vmem>>, vector<1x16xf32>,
        %parallel_loop3A_374 = vector.shape_cast %parallel_loop3A_373 : vector<1x16xf32> to vector<16xf32>
        %parallel_loop3A_375 = arith.addf %parallel_loop3A_361, %parallel_loop3A_374 : vector<16xf32>
        %parallel_loop3A_376 = arith.mulf %parallel_loop3A_374, %parallel_loop3A_374 : vector<16xf32>
        %parallel_loop3A_377 = arith.addf %parallel_loop3A_363, %parallel_loop3A_376 : vector<16xf32>
        %parallel_loop3A_378 = arith.index_cast %parallel_loop3A_82 : i32 to index
        %parallel_loop3A_379 = arith.constant 656 : index
        %parallel_loop3A_380 = tpu.vector_load %arg6[%parallel_loop3A_378, %parallel_loop3A_379] {strides = array<i32>} : memref<32x768xf32, #tpu.memory_space<vmem>>, vector<1x16xf32>,
        %parallel_loop3A_381 = vector.shape_cast %parallel_loop3A_380 : vector<1x16xf32> to vector<16xf32>
        %parallel_loop3A_382 = arith.addf %parallel_loop3A_368, %parallel_loop3A_381 : vector<16xf32>
        %parallel_loop3A_383 = arith.mulf %parallel_loop3A_381, %parallel_loop3A_381 : vector<16xf32>
        %parallel_loop3A_384 = arith.addf %parallel_loop3A_370, %parallel_loop3A_383 : vector<16xf32>
        %parallel_loop3A_385 = arith.index_cast %parallel_loop3A_82 : i32 to index
        %parallel_loop3A_386 = arith.constant 672 : index
        %parallel_loop3A_387 = tpu.vector_load %arg6[%parallel_loop3A_385, %parallel_loop3A_386] {strides = array<i32>} : memref<32x768xf32, #tpu.memory_space<vmem>>, vector<1x16xf32>,
        %parallel_loop3A_388 = vector.shape_cast %parallel_loop3A_387 : vector<1x16xf32> to vector<16xf32>
        %parallel_loop3A_389 = arith.addf %parallel_loop3A_375, %parallel_loop3A_388 : vector<16xf32>
        %parallel_loop3A_390 = arith.mulf %parallel_loop3A_388, %parallel_loop3A_388 : vector<16xf32>
        %parallel_loop3A_391 = arith.addf %parallel_loop3A_377, %parallel_loop3A_390 : vector<16xf32>
        %parallel_loop3A_392 = arith.index_cast %parallel_loop3A_82 : i32 to index
        %parallel_loop3A_393 = arith.constant 688 : index
        %parallel_loop3A_394 = tpu.vector_load %arg6[%parallel_loop3A_392, %parallel_loop3A_393] {strides = array<i32>} : memref<32x768xf32, #tpu.memory_space<vmem>>, vector<1x16xf32>,
        %parallel_loop3A_395 = vector.shape_cast %parallel_loop3A_394 : vector<1x16xf32> to vector<16xf32>
        %parallel_loop3A_396 = arith.addf %parallel_loop3A_382, %parallel_loop3A_395 : vector<16xf32>
        %parallel_loop3A_397 = arith.mulf %parallel_loop3A_395, %parallel_loop3A_395 : vector<16xf32>
        %parallel_loop3A_398 = arith.addf %parallel_loop3A_384, %parallel_loop3A_397 : vector<16xf32>
        %parallel_loop3A_399 = arith.index_cast %parallel_loop3A_82 : i32 to index
        %parallel_loop3A_400 = arith.constant 704 : index
        %parallel_loop3A_401 = tpu.vector_load %arg6[%parallel_loop3A_399, %parallel_loop3A_400] {strides = array<i32>} : memref<32x768xf32, #tpu.memory_space<vmem>>, vector<1x16xf32>,
        %parallel_loop3A_402 = vector.shape_cast %parallel_loop3A_401 : vector<1x16xf32> to vector<16xf32>
        %parallel_loop3A_403 = arith.addf %parallel_loop3A_389, %parallel_loop3A_402 : vector<16xf32>
        %parallel_loop3A_404 = arith.mulf %parallel_loop3A_402, %parallel_loop3A_402 : vector<16xf32>
        %parallel_loop3A_405 = arith.addf %parallel_loop3A_391, %parallel_loop3A_404 : vector<16xf32>
        %parallel_loop3A_406 = arith.index_cast %parallel_loop3A_82 : i32 to index
        %parallel_loop3A_407 = arith.constant 720 : index
        %parallel_loop3A_408 = tpu.vector_load %arg6[%parallel_loop3A_406, %parallel_loop3A_407] {strides = array<i32>} : memref<32x768xf32, #tpu.memory_space<vmem>>, vector<1x16xf32>,
        %parallel_loop3A_409 = vector.shape_cast %parallel_loop3A_408 : vector<1x16xf32> to vector<16xf32>
        %parallel_loop3A_410 = arith.addf %parallel_loop3A_396, %parallel_loop3A_409 : vector<16xf32>
        %parallel_loop3A_411 = arith.mulf %parallel_loop3A_409, %parallel_loop3A_409 : vector<16xf32>
        %parallel_loop3A_412 = arith.addf %parallel_loop3A_398, %parallel_loop3A_411 : vector<16xf32>
        %parallel_loop3A_413 = arith.index_cast %parallel_loop3A_82 : i32 to index
        %parallel_loop3A_414 = arith.constant 736 : index
        %parallel_loop3A_415 = tpu.vector_load %arg6[%parallel_loop3A_413, %parallel_loop3A_414] {strides = array<i32>} : memref<32x768xf32, #tpu.memory_space<vmem>>, vector<1x16xf32>,
        %parallel_loop3A_416 = vector.shape_cast %parallel_loop3A_415 : vector<1x16xf32> to vector<16xf32>
        %parallel_loop3A_417 = arith.addf %parallel_loop3A_403, %parallel_loop3A_416 : vector<16xf32>
        %parallel_loop3A_418 = arith.mulf %parallel_loop3A_416, %parallel_loop3A_416 : vector<16xf32>
        %parallel_loop3A_419 = arith.addf %parallel_loop3A_405, %parallel_loop3A_418 : vector<16xf32>
        %parallel_loop3A_420 = arith.index_cast %parallel_loop3A_82 : i32 to index
        %parallel_loop3A_421 = arith.constant 752 : index
        %parallel_loop3A_422 = tpu.vector_load %arg6[%parallel_loop3A_420, %parallel_loop3A_421] {strides = array<i32>} : memref<32x768xf32, #tpu.memory_space<vmem>>, vector<1x16xf32>,
        %parallel_loop3A_423 = vector.shape_cast %parallel_loop3A_422 : vector<1x16xf32> to vector<16xf32>
        %parallel_loop3A_424 = arith.addf %parallel_loop3A_410, %parallel_loop3A_423 : vector<16xf32>
        %parallel_loop3A_425 = arith.mulf %parallel_loop3A_423, %parallel_loop3A_423 : vector<16xf32>
        %parallel_loop3A_426 = arith.addf %parallel_loop3A_412, %parallel_loop3A_425 : vector<16xf32>
        %parallel_loop3A_427 = arith.addf %parallel_loop3A_417, %parallel_loop3A_424 : vector<16xf32>
        %parallel_loop3A_428 = arith.addf %parallel_loop3A_419, %parallel_loop3A_426 : vector<16xf32>
        %parallel_loop3A_429 = tpu.iota {dimensions = array<i32: 0>} : vector<16xi32>
        %parallel_loop3A_430 = arith.constant 1 : i32
        %parallel_loop3A_431 = vector.broadcast %parallel_loop3A_430 : i32 to vector<16xi32>
        %parallel_loop3A_432 = arith.xori %parallel_loop3A_429, %parallel_loop3A_431 : vector<16xi32>
        %parallel_loop3A_433 = vector.shape_cast %parallel_loop3A_432 : vector<16xi32> to vector<16x1xi32>
        %parallel_loop3A_434 = vector.shape_cast %parallel_loop3A_433 : vector<16x1xi32> to vector<16xi32>
        %parallel_loop3A_435 = tpu.dynamic_gather %parallel_loop3A_427[%parallel_loop3A_434] in [0] : vector<16xf32>, vector<16xi32> -> vector<16xf32>
        %parallel_loop3A_436 = arith.addf %parallel_loop3A_427, %parallel_loop3A_435 : vector<16xf32>
        %parallel_loop3A_437 = arith.constant 2 : i32
        %parallel_loop3A_438 = vector.broadcast %parallel_loop3A_437 : i32 to vector<16xi32>
        %parallel_loop3A_439 = arith.xori %parallel_loop3A_429, %parallel_loop3A_438 : vector<16xi32>
        %parallel_loop3A_440 = vector.shape_cast %parallel_loop3A_439 : vector<16xi32> to vector<16x1xi32>
        %parallel_loop3A_441 = vector.shape_cast %parallel_loop3A_440 : vector<16x1xi32> to vector<16xi32>
        %parallel_loop3A_442 = tpu.dynamic_gather %parallel_loop3A_436[%parallel_loop3A_441] in [0] : vector<16xf32>, vector<16xi32> -> vector<16xf32>
        %parallel_loop3A_443 = arith.addf %parallel_loop3A_436, %parallel_loop3A_442 : vector<16xf32>
        %parallel_loop3A_444 = arith.constant 4 : i32
        %parallel_loop3A_445 = vector.broadcast %parallel_loop3A_444 : i32 to vector<16xi32>
        %parallel_loop3A_446 = arith.xori %parallel_loop3A_429, %parallel_loop3A_445 : vector<16xi32>
        %parallel_loop3A_447 = vector.shape_cast %parallel_loop3A_446 : vector<16xi32> to vector<16x1xi32>
        %parallel_loop3A_448 = vector.shape_cast %parallel_loop3A_447 : vector<16x1xi32> to vector<16xi32>
        %parallel_loop3A_449 = tpu.dynamic_gather %parallel_loop3A_443[%parallel_loop3A_448] in [0] : vector<16xf32>, vector<16xi32> -> vector<16xf32>
        %parallel_loop3A_450 = arith.addf %parallel_loop3A_443, %parallel_loop3A_449 : vector<16xf32>
        %parallel_loop3A_451 = arith.constant 8 : i32
        %parallel_loop3A_452 = vector.broadcast %parallel_loop3A_451 : i32 to vector<16xi32>
        %parallel_loop3A_453 = arith.xori %parallel_loop3A_429, %parallel_loop3A_452 : vector<16xi32>
        %parallel_loop3A_454 = vector.shape_cast %parallel_loop3A_453 : vector<16xi32> to vector<16x1xi32>
        %parallel_loop3A_455 = vector.shape_cast %parallel_loop3A_454 : vector<16x1xi32> to vector<16xi32>
        %parallel_loop3A_456 = tpu.dynamic_gather %parallel_loop3A_450[%parallel_loop3A_455] in [0] : vector<16xf32>, vector<16xi32> -> vector<16xf32>
        %parallel_loop3A_457 = arith.addf %parallel_loop3A_450, %parallel_loop3A_456 : vector<16xf32>
        %parallel_loop3A_458 = arith.constant 0.00130208337 : f32
        %parallel_loop3A_459 = vector.broadcast %parallel_loop3A_458 : f32 to vector<16xf32>
        %parallel_loop3A_460 = arith.mulf %parallel_loop3A_457, %parallel_loop3A_459 : vector<16xf32>
        %parallel_loop3A_461 = tpu.iota {dimensions = array<i32: 0>} : vector<16xi32>
        %parallel_loop3A_462 = arith.constant 1 : i32
        %parallel_loop3A_463 = vector.broadcast %parallel_loop3A_462 : i32 to vector<16xi32>
        %parallel_loop3A_464 = arith.xori %parallel_loop3A_461, %parallel_loop3A_463 : vector<16xi32>
        %parallel_loop3A_465 = vector.shape_cast %parallel_loop3A_464 : vector<16xi32> to vector<16x1xi32>
        %parallel_loop3A_466 = vector.shape_cast %parallel_loop3A_465 : vector<16x1xi32> to vector<16xi32>
        %parallel_loop3A_467 = tpu.dynamic_gather %parallel_loop3A_428[%parallel_loop3A_466] in [0] : vector<16xf32>, vector<16xi32> -> vector<16xf32>
        %parallel_loop3A_468 = arith.addf %parallel_loop3A_428, %parallel_loop3A_467 : vector<16xf32>
        %parallel_loop3A_469 = arith.constant 2 : i32
        %parallel_loop3A_470 = vector.broadcast %parallel_loop3A_469 : i32 to vector<16xi32>
        %parallel_loop3A_471 = arith.xori %parallel_loop3A_461, %parallel_loop3A_470 : vector<16xi32>
        %parallel_loop3A_472 = vector.shape_cast %parallel_loop3A_471 : vector<16xi32> to vector<16x1xi32>
        %parallel_loop3A_473 = vector.shape_cast %parallel_loop3A_472 : vector<16x1xi32> to vector<16xi32>
        %parallel_loop3A_474 = tpu.dynamic_gather %parallel_loop3A_468[%parallel_loop3A_473] in [0] : vector<16xf32>, vector<16xi32> -> vector<16xf32>
        %parallel_loop3A_475 = arith.addf %parallel_loop3A_468, %parallel_loop3A_474 : vector<16xf32>
        %parallel_loop3A_476 = arith.constant 4 : i32
        %parallel_loop3A_477 = vector.broadcast %parallel_loop3A_476 : i32 to vector<16xi32>
        %parallel_loop3A_478 = arith.xori %parallel_loop3A_461, %parallel_loop3A_477 : vector<16xi32>
        %parallel_loop3A_479 = vector.shape_cast %parallel_loop3A_478 : vector<16xi32> to vector<16x1xi32>
        %parallel_loop3A_480 = vector.shape_cast %parallel_loop3A_479 : vector<16x1xi32> to vector<16xi32>
        %parallel_loop3A_481 = tpu.dynamic_gather %parallel_loop3A_475[%parallel_loop3A_480] in [0] : vector<16xf32>, vector<16xi32> -> vector<16xf32>
        %parallel_loop3A_482 = arith.addf %parallel_loop3A_475, %parallel_loop3A_481 : vector<16xf32>
        %parallel_loop3A_483 = arith.constant 8 : i32
        %parallel_loop3A_484 = vector.broadcast %parallel_loop3A_483 : i32 to vector<16xi32>
        %parallel_loop3A_485 = arith.xori %parallel_loop3A_461, %parallel_loop3A_484 : vector<16xi32>
        %parallel_loop3A_486 = vector.shape_cast %parallel_loop3A_485 : vector<16xi32> to vector<16x1xi32>
        %parallel_loop3A_487 = vector.shape_cast %parallel_loop3A_486 : vector<16x1xi32> to vector<16xi32>
        %parallel_loop3A_488 = tpu.dynamic_gather %parallel_loop3A_482[%parallel_loop3A_487] in [0] : vector<16xf32>, vector<16xi32> -> vector<16xf32>
        %parallel_loop3A_489 = arith.addf %parallel_loop3A_482, %parallel_loop3A_488 : vector<16xf32>
        %parallel_loop3A_490 = arith.constant 0.00130208337 : f32
        %parallel_loop3A_491 = vector.broadcast %parallel_loop3A_490 : f32 to vector<16xf32>
        %parallel_loop3A_492 = arith.mulf %parallel_loop3A_489, %parallel_loop3A_491 : vector<16xf32>
        %parallel_loop3A_493 = arith.mulf %parallel_loop3A_460, %parallel_loop3A_460 : vector<16xf32>
        %parallel_loop3A_494 = arith.subf %parallel_loop3A_492, %parallel_loop3A_493 : vector<16xf32>
        %parallel_loop3A_495 = arith.constant 1.000000e-07 : f32
        %parallel_loop3A_496 = vector.broadcast %parallel_loop3A_495 : f32 to vector<16xf32>
        %parallel_loop3A_497 = arith.addf %parallel_loop3A_494, %parallel_loop3A_496 : vector<16xf32>
        %parallel_loop3A_498 = tpu.bitcast %parallel_loop3A_497 : vector<16xf32> -> vector<16xi32>
        %parallel_loop3A_499 = arith.constant 1 : i32
        %parallel_loop3A_500 = vector.broadcast %parallel_loop3A_499 : i32 to vector<16xi32>
        %parallel_loop3A_501 = arith.shrui %parallel_loop3A_498, %parallel_loop3A_500 : vector<16xi32>
        %parallel_loop3A_502 = arith.constant 1597463007 : i32
        %parallel_loop3A_503 = vector.broadcast %parallel_loop3A_502 : i32 to vector<16xi32>
        %parallel_loop3A_504 = arith.subi %parallel_loop3A_503, %parallel_loop3A_501 : vector<16xi32>
        %parallel_loop3A_505 = tpu.bitcast %parallel_loop3A_504 : vector<16xi32> -> vector<16xf32>
        %parallel_loop3A_506 = arith.constant 5.000000e-01 : f32
        %parallel_loop3A_507 = vector.broadcast %parallel_loop3A_506 : f32 to vector<16xf32>
        %parallel_loop3A_508 = arith.mulf %parallel_loop3A_507, %parallel_loop3A_497 : vector<16xf32>
        %parallel_loop3A_509 = arith.mulf %parallel_loop3A_508, %parallel_loop3A_505 : vector<16xf32>
        %parallel_loop3A_510 = arith.mulf %parallel_loop3A_509, %parallel_loop3A_505 : vector<16xf32>
        %parallel_loop3A_511 = arith.constant 1.500000e+00 : f32
        %parallel_loop3A_512 = vector.broadcast %parallel_loop3A_511 : f32 to vector<16xf32>
        %parallel_loop3A_513 = arith.subf %parallel_loop3A_512, %parallel_loop3A_510 : vector<16xf32>
        %parallel_loop3A_514 = arith.mulf %parallel_loop3A_505, %parallel_loop3A_513 : vector<16xf32>
        %parallel_loop3A_515 = arith.constant 5.000000e-01 : f32
        %parallel_loop3A_516 = vector.broadcast %parallel_loop3A_515 : f32 to vector<16xf32>
        %parallel_loop3A_517 = arith.mulf %parallel_loop3A_516, %parallel_loop3A_497 : vector<16xf32>
        %parallel_loop3A_518 = arith.mulf %parallel_loop3A_517, %parallel_loop3A_514 : vector<16xf32>
        %parallel_loop3A_519 = arith.mulf %parallel_loop3A_518, %parallel_loop3A_514 : vector<16xf32>
        %parallel_loop3A_520 = arith.constant 1.500000e+00 : f32
        %parallel_loop3A_521 = vector.broadcast %parallel_loop3A_520 : f32 to vector<16xf32>
        %parallel_loop3A_522 = arith.subf %parallel_loop3A_521, %parallel_loop3A_519 : vector<16xf32>
        %parallel_loop3A_523 = arith.mulf %parallel_loop3A_514, %parallel_loop3A_522 : vector<16xf32>
        %parallel_loop3A_524 = arith.constant 5.000000e-01 : f32
        %parallel_loop3A_525 = vector.broadcast %parallel_loop3A_524 : f32 to vector<16xf32>
        %parallel_loop3A_526 = arith.mulf %parallel_loop3A_525, %parallel_loop3A_497 : vector<16xf32>
        %parallel_loop3A_527 = arith.mulf %parallel_loop3A_526, %parallel_loop3A_523 : vector<16xf32>
        %parallel_loop3A_528 = arith.mulf %parallel_loop3A_527, %parallel_loop3A_523 : vector<16xf32>
        %parallel_loop3A_529 = arith.constant 1.500000e+00 : f32
        %parallel_loop3A_530 = vector.broadcast %parallel_loop3A_529 : f32 to vector<16xf32>
        %parallel_loop3A_531 = arith.subf %parallel_loop3A_530, %parallel_loop3A_528 : vector<16xf32>
        %parallel_loop3A_532 = arith.mulf %parallel_loop3A_523, %parallel_loop3A_531 : vector<16xf32>
        %parallel_loop3A_533 = arith.index_cast %parallel_loop3A_82 : i32 to index
        %parallel_loop3A_534 = arith.constant 0 : index
        %parallel_loop3A_535 = tpu.vector_load %arg6[%parallel_loop3A_533, %parallel_loop3A_534] {strides = array<i32>} : memref<32x768xf32, #tpu.memory_space<vmem>>, vector<1x16xf32>,
        %parallel_loop3A_536 = vector.shape_cast %parallel_loop3A_535 : vector<1x16xf32> to vector<16xf32>
        %parallel_loop3A_537 = arith.subf %parallel_loop3A_536, %parallel_loop3A_460 : vector<16xf32>
        %parallel_loop3A_538 = arith.mulf %parallel_loop3A_537, %parallel_loop3A_532 : vector<16xf32>
        %parallel_loop3A_539 = arith.index_cast %parallel_loop3A_82 : i32 to index
        %parallel_loop3A_540 = arith.constant 0 : index
        %parallel_loop3A_541 = tpu.vector_load %arg8[%parallel_loop3A_539, %parallel_loop3A_540] {strides = array<i32>} : memref<32x768xf32, #tpu.memory_space<vmem>>, vector<1x16xf32>,
        %parallel_loop3A_542 = vector.shape_cast %parallel_loop3A_541 : vector<1x16xf32> to vector<16xf32>
        %parallel_loop3A_543 = vector.shape_cast %parallel_loop3A_538 : vector<16xf32> to vector<1x16xf32>
        tpu.vector_store %arg8[%parallel_loop3A_539, %parallel_loop3A_540], %parallel_loop3A_543 {strides = array<i32>} : memref<32x768xf32, #tpu.memory_space<vmem>>, vector<1x16xf32>,
        %parallel_loop3A_544 = arith.index_cast %parallel_loop3A_82 : i32 to index
        %parallel_loop3A_545 = arith.constant 16 : index
        %parallel_loop3A_546 = tpu.vector_load %arg6[%parallel_loop3A_544, %parallel_loop3A_545] {strides = array<i32>} : memref<32x768xf32, #tpu.memory_space<vmem>>, vector<1x16xf32>,
        %parallel_loop3A_547 = vector.shape_cast %parallel_loop3A_546 : vector<1x16xf32> to vector<16xf32>
        %parallel_loop3A_548 = arith.subf %parallel_loop3A_547, %parallel_loop3A_460 : vector<16xf32>
        %parallel_loop3A_549 = arith.mulf %parallel_loop3A_548, %parallel_loop3A_532 : vector<16xf32>
        %parallel_loop3A_550 = arith.index_cast %parallel_loop3A_82 : i32 to index
        %parallel_loop3A_551 = arith.constant 16 : index
        %parallel_loop3A_552 = tpu.vector_load %arg8[%parallel_loop3A_550, %parallel_loop3A_551] {strides = array<i32>} : memref<32x768xf32, #tpu.memory_space<vmem>>, vector<1x16xf32>,
        %parallel_loop3A_553 = vector.shape_cast %parallel_loop3A_552 : vector<1x16xf32> to vector<16xf32>
        %parallel_loop3A_554 = vector.shape_cast %parallel_loop3A_549 : vector<16xf32> to vector<1x16xf32>
        tpu.vector_store %arg8[%parallel_loop3A_550, %parallel_loop3A_551], %parallel_loop3A_554 {strides = array<i32>} : memref<32x768xf32, #tpu.memory_space<vmem>>, vector<1x16xf32>,
        %parallel_loop3A_555 = arith.index_cast %parallel_loop3A_82 : i32 to index
        %parallel_loop3A_556 = arith.constant 32 : index
        %parallel_loop3A_557 = tpu.vector_load %arg6[%parallel_loop3A_555, %parallel_loop3A_556] {strides = array<i32>} : memref<32x768xf32, #tpu.memory_space<vmem>>, vector<1x16xf32>,
        %parallel_loop3A_558 = vector.shape_cast %parallel_loop3A_557 : vector<1x16xf32> to vector<16xf32>
        %parallel_loop3A_559 = arith.subf %parallel_loop3A_558, %parallel_loop3A_460 : vector<16xf32>
        %parallel_loop3A_560 = arith.mulf %parallel_loop3A_559, %parallel_loop3A_532 : vector<16xf32>
        %parallel_loop3A_561 = arith.index_cast %parallel_loop3A_82 : i32 to index
        %parallel_loop3A_562 = arith.constant 32 : index
        %parallel_loop3A_563 = tpu.vector_load %arg8[%parallel_loop3A_561, %parallel_loop3A_562] {strides = array<i32>} : memref<32x768xf32, #tpu.memory_space<vmem>>, vector<1x16xf32>,
        %parallel_loop3A_564 = vector.shape_cast %parallel_loop3A_563 : vector<1x16xf32> to vector<16xf32>
        %parallel_loop3A_565 = vector.shape_cast %parallel_loop3A_560 : vector<16xf32> to vector<1x16xf32>
        tpu.vector_store %arg8[%parallel_loop3A_561, %parallel_loop3A_562], %parallel_loop3A_565 {strides = array<i32>} : memref<32x768xf32, #tpu.memory_space<vmem>>, vector<1x16xf32>,
        %parallel_loop3A_566 = arith.index_cast %parallel_loop3A_82 : i32 to index
        %parallel_loop3A_567 = arith.constant 48 : index
        %parallel_loop3A_568 = tpu.vector_load %arg6[%parallel_loop3A_566, %parallel_loop3A_567] {strides = array<i32>} : memref<32x768xf32, #tpu.memory_space<vmem>>, vector<1x16xf32>,
        %parallel_loop3A_569 = vector.shape_cast %parallel_loop3A_568 : vector<1x16xf32> to vector<16xf32>
        %parallel_loop3A_570 = arith.subf %parallel_loop3A_569, %parallel_loop3A_460 : vector<16xf32>
        %parallel_loop3A_571 = arith.mulf %parallel_loop3A_570, %parallel_loop3A_532 : vector<16xf32>
        %parallel_loop3A_572 = arith.index_cast %parallel_loop3A_82 : i32 to index
        %parallel_loop3A_573 = arith.constant 48 : index
        %parallel_loop3A_574 = tpu.vector_load %arg8[%parallel_loop3A_572, %parallel_loop3A_573] {strides = array<i32>} : memref<32x768xf32, #tpu.memory_space<vmem>>, vector<1x16xf32>,
        %parallel_loop3A_575 = vector.shape_cast %parallel_loop3A_574 : vector<1x16xf32> to vector<16xf32>
        %parallel_loop3A_576 = vector.shape_cast %parallel_loop3A_571 : vector<16xf32> to vector<1x16xf32>
        tpu.vector_store %arg8[%parallel_loop3A_572, %parallel_loop3A_573], %parallel_loop3A_576 {strides = array<i32>} : memref<32x768xf32, #tpu.memory_space<vmem>>, vector<1x16xf32>,
        %parallel_loop3A_577 = arith.index_cast %parallel_loop3A_82 : i32 to index
        %parallel_loop3A_578 = arith.constant 64 : index
        %parallel_loop3A_579 = tpu.vector_load %arg6[%parallel_loop3A_577, %parallel_loop3A_578] {strides = array<i32>} : memref<32x768xf32, #tpu.memory_space<vmem>>, vector<1x16xf32>,
        %parallel_loop3A_580 = vector.shape_cast %parallel_loop3A_579 : vector<1x16xf32> to vector<16xf32>
        %parallel_loop3A_581 = arith.subf %parallel_loop3A_580, %parallel_loop3A_460 : vector<16xf32>
        %parallel_loop3A_582 = arith.mulf %parallel_loop3A_581, %parallel_loop3A_532 : vector<16xf32>
        %parallel_loop3A_583 = arith.index_cast %parallel_loop3A_82 : i32 to index
        %parallel_loop3A_584 = arith.constant 64 : index
        %parallel_loop3A_585 = tpu.vector_load %arg8[%parallel_loop3A_583, %parallel_loop3A_584] {strides = array<i32>} : memref<32x768xf32, #tpu.memory_space<vmem>>, vector<1x16xf32>,
        %parallel_loop3A_586 = vector.shape_cast %parallel_loop3A_585 : vector<1x16xf32> to vector<16xf32>
        %parallel_loop3A_587 = vector.shape_cast %parallel_loop3A_582 : vector<16xf32> to vector<1x16xf32>
        tpu.vector_store %arg8[%parallel_loop3A_583, %parallel_loop3A_584], %parallel_loop3A_587 {strides = array<i32>} : memref<32x768xf32, #tpu.memory_space<vmem>>, vector<1x16xf32>,
        %parallel_loop3A_588 = arith.index_cast %parallel_loop3A_82 : i32 to index
        %parallel_loop3A_589 = arith.constant 80 : index
        %parallel_loop3A_590 = tpu.vector_load %arg6[%parallel_loop3A_588, %parallel_loop3A_589] {strides = array<i32>} : memref<32x768xf32, #tpu.memory_space<vmem>>, vector<1x16xf32>,
        %parallel_loop3A_591 = vector.shape_cast %parallel_loop3A_590 : vector<1x16xf32> to vector<16xf32>
        %parallel_loop3A_592 = arith.subf %parallel_loop3A_591, %parallel_loop3A_460 : vector<16xf32>
        %parallel_loop3A_593 = arith.mulf %parallel_loop3A_592, %parallel_loop3A_532 : vector<16xf32>
        %parallel_loop3A_594 = arith.index_cast %parallel_loop3A_82 : i32 to index
        %parallel_loop3A_595 = arith.constant 80 : index
        %parallel_loop3A_596 = tpu.vector_load %arg8[%parallel_loop3A_594, %parallel_loop3A_595] {strides = array<i32>} : memref<32x768xf32, #tpu.memory_space<vmem>>, vector<1x16xf32>,
        %parallel_loop3A_597 = vector.shape_cast %parallel_loop3A_596 : vector<1x16xf32> to vector<16xf32>
        %parallel_loop3A_598 = vector.shape_cast %parallel_loop3A_593 : vector<16xf32> to vector<1x16xf32>
        tpu.vector_store %arg8[%parallel_loop3A_594, %parallel_loop3A_595], %parallel_loop3A_598 {strides = array<i32>} : memref<32x768xf32, #tpu.memory_space<vmem>>, vector<1x16xf32>,
        %parallel_loop3A_599 = arith.index_cast %parallel_loop3A_82 : i32 to index
        %parallel_loop3A_600 = arith.constant 96 : index
        %parallel_loop3A_601 = tpu.vector_load %arg6[%parallel_loop3A_599, %parallel_loop3A_600] {strides = array<i32>} : memref<32x768xf32, #tpu.memory_space<vmem>>, vector<1x16xf32>,
        %parallel_loop3A_602 = vector.shape_cast %parallel_loop3A_601 : vector<1x16xf32> to vector<16xf32>
        %parallel_loop3A_603 = arith.subf %parallel_loop3A_602, %parallel_loop3A_460 : vector<16xf32>
        %parallel_loop3A_604 = arith.mulf %parallel_loop3A_603, %parallel_loop3A_532 : vector<16xf32>
        %parallel_loop3A_605 = arith.index_cast %parallel_loop3A_82 : i32 to index
        %parallel_loop3A_606 = arith.constant 96 : index
        %parallel_loop3A_607 = tpu.vector_load %arg8[%parallel_loop3A_605, %parallel_loop3A_606] {strides = array<i32>} : memref<32x768xf32, #tpu.memory_space<vmem>>, vector<1x16xf32>,
        %parallel_loop3A_608 = vector.shape_cast %parallel_loop3A_607 : vector<1x16xf32> to vector<16xf32>
        %parallel_loop3A_609 = vector.shape_cast %parallel_loop3A_604 : vector<16xf32> to vector<1x16xf32>
        tpu.vector_store %arg8[%parallel_loop3A_605, %parallel_loop3A_606], %parallel_loop3A_609 {strides = array<i32>} : memref<32x768xf32, #tpu.memory_space<vmem>>, vector<1x16xf32>,
        %parallel_loop3A_610 = arith.index_cast %parallel_loop3A_82 : i32 to index
        %parallel_loop3A_611 = arith.constant 112 : index
        %parallel_loop3A_612 = tpu.vector_load %arg6[%parallel_loop3A_610, %parallel_loop3A_611] {strides = array<i32>} : memref<32x768xf32, #tpu.memory_space<vmem>>, vector<1x16xf32>,
        %parallel_loop3A_613 = vector.shape_cast %parallel_loop3A_612 : vector<1x16xf32> to vector<16xf32>
        %parallel_loop3A_614 = arith.subf %parallel_loop3A_613, %parallel_loop3A_460 : vector<16xf32>
        %parallel_loop3A_615 = arith.mulf %parallel_loop3A_614, %parallel_loop3A_532 : vector<16xf32>
        %parallel_loop3A_616 = arith.index_cast %parallel_loop3A_82 : i32 to index
        %parallel_loop3A_617 = arith.constant 112 : index
        %parallel_loop3A_618 = tpu.vector_load %arg8[%parallel_loop3A_616, %parallel_loop3A_617] {strides = array<i32>} : memref<32x768xf32, #tpu.memory_space<vmem>>, vector<1x16xf32>,
        %parallel_loop3A_619 = vector.shape_cast %parallel_loop3A_618 : vector<1x16xf32> to vector<16xf32>
        %parallel_loop3A_620 = vector.shape_cast %parallel_loop3A_615 : vector<16xf32> to vector<1x16xf32>
        tpu.vector_store %arg8[%parallel_loop3A_616, %parallel_loop3A_617], %parallel_loop3A_620 {strides = array<i32>} : memref<32x768xf32, #tpu.memory_space<vmem>>, vector<1x16xf32>,
        %parallel_loop3A_621 = arith.index_cast %parallel_loop3A_82 : i32 to index
        %parallel_loop3A_622 = arith.constant 128 : index
        %parallel_loop3A_623 = tpu.vector_load %arg6[%parallel_loop3A_621, %parallel_loop3A_622] {strides = array<i32>} : memref<32x768xf32, #tpu.memory_space<vmem>>, vector<1x16xf32>,
        %parallel_loop3A_624 = vector.shape_cast %parallel_loop3A_623 : vector<1x16xf32> to vector<16xf32>
        %parallel_loop3A_625 = arith.subf %parallel_loop3A_624, %parallel_loop3A_460 : vector<16xf32>
        %parallel_loop3A_626 = arith.mulf %parallel_loop3A_625, %parallel_loop3A_532 : vector<16xf32>
        %parallel_loop3A_627 = arith.index_cast %parallel_loop3A_82 : i32 to index
        %parallel_loop3A_628 = arith.constant 128 : index
        %parallel_loop3A_629 = tpu.vector_load %arg8[%parallel_loop3A_627, %parallel_loop3A_628] {strides = array<i32>} : memref<32x768xf32, #tpu.memory_space<vmem>>, vector<1x16xf32>,
        %parallel_loop3A_630 = vector.shape_cast %parallel_loop3A_629 : vector<1x16xf32> to vector<16xf32>
        %parallel_loop3A_631 = vector.shape_cast %parallel_loop3A_626 : vector<16xf32> to vector<1x16xf32>
        tpu.vector_store %arg8[%parallel_loop3A_627, %parallel_loop3A_628], %parallel_loop3A_631 {strides = array<i32>} : memref<32x768xf32, #tpu.memory_space<vmem>>, vector<1x16xf32>,
        %parallel_loop3A_632 = arith.index_cast %parallel_loop3A_82 : i32 to index
        %parallel_loop3A_633 = arith.constant 144 : index
        %parallel_loop3A_634 = tpu.vector_load %arg6[%parallel_loop3A_632, %parallel_loop3A_633] {strides = array<i32>} : memref<32x768xf32, #tpu.memory_space<vmem>>, vector<1x16xf32>,
        %parallel_loop3A_635 = vector.shape_cast %parallel_loop3A_634 : vector<1x16xf32> to vector<16xf32>
        %parallel_loop3A_636 = arith.subf %parallel_loop3A_635, %parallel_loop3A_460 : vector<16xf32>
        %parallel_loop3A_637 = arith.mulf %parallel_loop3A_636, %parallel_loop3A_532 : vector<16xf32>
        %parallel_loop3A_638 = arith.index_cast %parallel_loop3A_82 : i32 to index
        %parallel_loop3A_639 = arith.constant 144 : index
        %parallel_loop3A_640 = tpu.vector_load %arg8[%parallel_loop3A_638, %parallel_loop3A_639] {strides = array<i32>} : memref<32x768xf32, #tpu.memory_space<vmem>>, vector<1x16xf32>,
        %parallel_loop3A_641 = vector.shape_cast %parallel_loop3A_640 : vector<1x16xf32> to vector<16xf32>
        %parallel_loop3A_642 = vector.shape_cast %parallel_loop3A_637 : vector<16xf32> to vector<1x16xf32>
        tpu.vector_store %arg8[%parallel_loop3A_638, %parallel_loop3A_639], %parallel_loop3A_642 {strides = array<i32>} : memref<32x768xf32, #tpu.memory_space<vmem>>, vector<1x16xf32>,
        %parallel_loop3A_643 = arith.index_cast %parallel_loop3A_82 : i32 to index
        %parallel_loop3A_644 = arith.constant 160 : index
        %parallel_loop3A_645 = tpu.vector_load %arg6[%parallel_loop3A_643, %parallel_loop3A_644] {strides = array<i32>} : memref<32x768xf32, #tpu.memory_space<vmem>>, vector<1x16xf32>,
        %parallel_loop3A_646 = vector.shape_cast %parallel_loop3A_645 : vector<1x16xf32> to vector<16xf32>
        %parallel_loop3A_647 = arith.subf %parallel_loop3A_646, %parallel_loop3A_460 : vector<16xf32>
        %parallel_loop3A_648 = arith.mulf %parallel_loop3A_647, %parallel_loop3A_532 : vector<16xf32>
        %parallel_loop3A_649 = arith.index_cast %parallel_loop3A_82 : i32 to index
        %parallel_loop3A_650 = arith.constant 160 : index
        %parallel_loop3A_651 = tpu.vector_load %arg8[%parallel_loop3A_649, %parallel_loop3A_650] {strides = array<i32>} : memref<32x768xf32, #tpu.memory_space<vmem>>, vector<1x16xf32>,
        %parallel_loop3A_652 = vector.shape_cast %parallel_loop3A_651 : vector<1x16xf32> to vector<16xf32>
        %parallel_loop3A_653 = vector.shape_cast %parallel_loop3A_648 : vector<16xf32> to vector<1x16xf32>
        tpu.vector_store %arg8[%parallel_loop3A_649, %parallel_loop3A_650], %parallel_loop3A_653 {strides = array<i32>} : memref<32x768xf32, #tpu.memory_space<vmem>>, vector<1x16xf32>,
        %parallel_loop3A_654 = arith.index_cast %parallel_loop3A_82 : i32 to index
        %parallel_loop3A_655 = arith.constant 176 : index
        %parallel_loop3A_656 = tpu.vector_load %arg6[%parallel_loop3A_654, %parallel_loop3A_655] {strides = array<i32>} : memref<32x768xf32, #tpu.memory_space<vmem>>, vector<1x16xf32>,
        %parallel_loop3A_657 = vector.shape_cast %parallel_loop3A_656 : vector<1x16xf32> to vector<16xf32>
        %parallel_loop3A_658 = arith.subf %parallel_loop3A_657, %parallel_loop3A_460 : vector<16xf32>
        %parallel_loop3A_659 = arith.mulf %parallel_loop3A_658, %parallel_loop3A_532 : vector<16xf32>
        %parallel_loop3A_660 = arith.index_cast %parallel_loop3A_82 : i32 to index
        %parallel_loop3A_661 = arith.constant 176 : index
        %parallel_loop3A_662 = tpu.vector_load %arg8[%parallel_loop3A_660, %parallel_loop3A_661] {strides = array<i32>} : memref<32x768xf32, #tpu.memory_space<vmem>>, vector<1x16xf32>,
        %parallel_loop3A_663 = vector.shape_cast %parallel_loop3A_662 : vector<1x16xf32> to vector<16xf32>
        %parallel_loop3A_664 = vector.shape_cast %parallel_loop3A_659 : vector<16xf32> to vector<1x16xf32>
        tpu.vector_store %arg8[%parallel_loop3A_660, %parallel_loop3A_661], %parallel_loop3A_664 {strides = array<i32>} : memref<32x768xf32, #tpu.memory_space<vmem>>, vector<1x16xf32>,
        %parallel_loop3A_665 = arith.index_cast %parallel_loop3A_82 : i32 to index
        %parallel_loop3A_666 = arith.constant 192 : index
        %parallel_loop3A_667 = tpu.vector_load %arg6[%parallel_loop3A_665, %parallel_loop3A_666] {strides = array<i32>} : memref<32x768xf32, #tpu.memory_space<vmem>>, vector<1x16xf32>,
        %parallel_loop3A_668 = vector.shape_cast %parallel_loop3A_667 : vector<1x16xf32> to vector<16xf32>
        %parallel_loop3A_669 = arith.subf %parallel_loop3A_668, %parallel_loop3A_460 : vector<16xf32>
        %parallel_loop3A_670 = arith.mulf %parallel_loop3A_669, %parallel_loop3A_532 : vector<16xf32>
        %parallel_loop3A_671 = arith.index_cast %parallel_loop3A_82 : i32 to index
        %parallel_loop3A_672 = arith.constant 192 : index
        %parallel_loop3A_673 = tpu.vector_load %arg8[%parallel_loop3A_671, %parallel_loop3A_672] {strides = array<i32>} : memref<32x768xf32, #tpu.memory_space<vmem>>, vector<1x16xf32>,
        %parallel_loop3A_674 = vector.shape_cast %parallel_loop3A_673 : vector<1x16xf32> to vector<16xf32>
        %parallel_loop3A_675 = vector.shape_cast %parallel_loop3A_670 : vector<16xf32> to vector<1x16xf32>
        tpu.vector_store %arg8[%parallel_loop3A_671, %parallel_loop3A_672], %parallel_loop3A_675 {strides = array<i32>} : memref<32x768xf32, #tpu.memory_space<vmem>>, vector<1x16xf32>,
        %parallel_loop3A_676 = arith.index_cast %parallel_loop3A_82 : i32 to index
        %parallel_loop3A_677 = arith.constant 208 : index
        %parallel_loop3A_678 = tpu.vector_load %arg6[%parallel_loop3A_676, %parallel_loop3A_677] {strides = array<i32>} : memref<32x768xf32, #tpu.memory_space<vmem>>, vector<1x16xf32>,
        %parallel_loop3A_679 = vector.shape_cast %parallel_loop3A_678 : vector<1x16xf32> to vector<16xf32>
        %parallel_loop3A_680 = arith.subf %parallel_loop3A_679, %parallel_loop3A_460 : vector<16xf32>
        %parallel_loop3A_681 = arith.mulf %parallel_loop3A_680, %parallel_loop3A_532 : vector<16xf32>
        %parallel_loop3A_682 = arith.index_cast %parallel_loop3A_82 : i32 to index
        %parallel_loop3A_683 = arith.constant 208 : index
        %parallel_loop3A_684 = tpu.vector_load %arg8[%parallel_loop3A_682, %parallel_loop3A_683] {strides = array<i32>} : memref<32x768xf32, #tpu.memory_space<vmem>>, vector<1x16xf32>,
        %parallel_loop3A_685 = vector.shape_cast %parallel_loop3A_684 : vector<1x16xf32> to vector<16xf32>
        %parallel_loop3A_686 = vector.shape_cast %parallel_loop3A_681 : vector<16xf32> to vector<1x16xf32>
        tpu.vector_store %arg8[%parallel_loop3A_682, %parallel_loop3A_683], %parallel_loop3A_686 {strides = array<i32>} : memref<32x768xf32, #tpu.memory_space<vmem>>, vector<1x16xf32>,
        %parallel_loop3A_687 = arith.index_cast %parallel_loop3A_82 : i32 to index
        %parallel_loop3A_688 = arith.constant 224 : index
        %parallel_loop3A_689 = tpu.vector_load %arg6[%parallel_loop3A_687, %parallel_loop3A_688] {strides = array<i32>} : memref<32x768xf32, #tpu.memory_space<vmem>>, vector<1x16xf32>,
        %parallel_loop3A_690 = vector.shape_cast %parallel_loop3A_689 : vector<1x16xf32> to vector<16xf32>
        %parallel_loop3A_691 = arith.subf %parallel_loop3A_690, %parallel_loop3A_460 : vector<16xf32>
        %parallel_loop3A_692 = arith.mulf %parallel_loop3A_691, %parallel_loop3A_532 : vector<16xf32>
        %parallel_loop3A_693 = arith.index_cast %parallel_loop3A_82 : i32 to index
        %parallel_loop3A_694 = arith.constant 224 : index
        %parallel_loop3A_695 = tpu.vector_load %arg8[%parallel_loop3A_693, %parallel_loop3A_694] {strides = array<i32>} : memref<32x768xf32, #tpu.memory_space<vmem>>, vector<1x16xf32>,
        %parallel_loop3A_696 = vector.shape_cast %parallel_loop3A_695 : vector<1x16xf32> to vector<16xf32>
        %parallel_loop3A_697 = vector.shape_cast %parallel_loop3A_692 : vector<16xf32> to vector<1x16xf32>
        tpu.vector_store %arg8[%parallel_loop3A_693, %parallel_loop3A_694], %parallel_loop3A_697 {strides = array<i32>} : memref<32x768xf32, #tpu.memory_space<vmem>>, vector<1x16xf32>,
        %parallel_loop3A_698 = arith.index_cast %parallel_loop3A_82 : i32 to index
        %parallel_loop3A_699 = arith.constant 240 : index
        %parallel_loop3A_700 = tpu.vector_load %arg6[%parallel_loop3A_698, %parallel_loop3A_699] {strides = array<i32>} : memref<32x768xf32, #tpu.memory_space<vmem>>, vector<1x16xf32>,
        %parallel_loop3A_701 = vector.shape_cast %parallel_loop3A_700 : vector<1x16xf32> to vector<16xf32>
        %parallel_loop3A_702 = arith.subf %parallel_loop3A_701, %parallel_loop3A_460 : vector<16xf32>
        %parallel_loop3A_703 = arith.mulf %parallel_loop3A_702, %parallel_loop3A_532 : vector<16xf32>
        %parallel_loop3A_704 = arith.index_cast %parallel_loop3A_82 : i32 to index
        %parallel_loop3A_705 = arith.constant 240 : index
        %parallel_loop3A_706 = tpu.vector_load %arg8[%parallel_loop3A_704, %parallel_loop3A_705] {strides = array<i32>} : memref<32x768xf32, #tpu.memory_space<vmem>>, vector<1x16xf32>,
        %parallel_loop3A_707 = vector.shape_cast %parallel_loop3A_706 : vector<1x16xf32> to vector<16xf32>
        %parallel_loop3A_708 = vector.shape_cast %parallel_loop3A_703 : vector<16xf32> to vector<1x16xf32>
        tpu.vector_store %arg8[%parallel_loop3A_704, %parallel_loop3A_705], %parallel_loop3A_708 {strides = array<i32>} : memref<32x768xf32, #tpu.memory_space<vmem>>, vector<1x16xf32>,
        %parallel_loop3A_709 = arith.index_cast %parallel_loop3A_82 : i32 to index
        %parallel_loop3A_710 = arith.constant 256 : index
        %parallel_loop3A_711 = tpu.vector_load %arg6[%parallel_loop3A_709, %parallel_loop3A_710] {strides = array<i32>} : memref<32x768xf32, #tpu.memory_space<vmem>>, vector<1x16xf32>,
        %parallel_loop3A_712 = vector.shape_cast %parallel_loop3A_711 : vector<1x16xf32> to vector<16xf32>
        %parallel_loop3A_713 = arith.subf %parallel_loop3A_712, %parallel_loop3A_460 : vector<16xf32>
        %parallel_loop3A_714 = arith.mulf %parallel_loop3A_713, %parallel_loop3A_532 : vector<16xf32>
        %parallel_loop3A_715 = arith.index_cast %parallel_loop3A_82 : i32 to index
        %parallel_loop3A_716 = arith.constant 256 : index
        %parallel_loop3A_717 = tpu.vector_load %arg8[%parallel_loop3A_715, %parallel_loop3A_716] {strides = array<i32>} : memref<32x768xf32, #tpu.memory_space<vmem>>, vector<1x16xf32>,
        %parallel_loop3A_718 = vector.shape_cast %parallel_loop3A_717 : vector<1x16xf32> to vector<16xf32>
        %parallel_loop3A_719 = vector.shape_cast %parallel_loop3A_714 : vector<16xf32> to vector<1x16xf32>
        tpu.vector_store %arg8[%parallel_loop3A_715, %parallel_loop3A_716], %parallel_loop3A_719 {strides = array<i32>} : memref<32x768xf32, #tpu.memory_space<vmem>>, vector<1x16xf32>,
        %parallel_loop3A_720 = arith.index_cast %parallel_loop3A_82 : i32 to index
        %parallel_loop3A_721 = arith.constant 272 : index
        %parallel_loop3A_722 = tpu.vector_load %arg6[%parallel_loop3A_720, %parallel_loop3A_721] {strides = array<i32>} : memref<32x768xf32, #tpu.memory_space<vmem>>, vector<1x16xf32>,
        %parallel_loop3A_723 = vector.shape_cast %parallel_loop3A_722 : vector<1x16xf32> to vector<16xf32>
        %parallel_loop3A_724 = arith.subf %parallel_loop3A_723, %parallel_loop3A_460 : vector<16xf32>
        %parallel_loop3A_725 = arith.mulf %parallel_loop3A_724, %parallel_loop3A_532 : vector<16xf32>
        %parallel_loop3A_726 = arith.index_cast %parallel_loop3A_82 : i32 to index
        %parallel_loop3A_727 = arith.constant 272 : index
        %parallel_loop3A_728 = tpu.vector_load %arg8[%parallel_loop3A_726, %parallel_loop3A_727] {strides = array<i32>} : memref<32x768xf32, #tpu.memory_space<vmem>>, vector<1x16xf32>,
        %parallel_loop3A_729 = vector.shape_cast %parallel_loop3A_728 : vector<1x16xf32> to vector<16xf32>
        %parallel_loop3A_730 = vector.shape_cast %parallel_loop3A_725 : vector<16xf32> to vector<1x16xf32>
        tpu.vector_store %arg8[%parallel_loop3A_726, %parallel_loop3A_727], %parallel_loop3A_730 {strides = array<i32>} : memref<32x768xf32, #tpu.memory_space<vmem>>, vector<1x16xf32>,
        %parallel_loop3A_731 = arith.index_cast %parallel_loop3A_82 : i32 to index
        %parallel_loop3A_732 = arith.constant 288 : index
        %parallel_loop3A_733 = tpu.vector_load %arg6[%parallel_loop3A_731, %parallel_loop3A_732] {strides = array<i32>} : memref<32x768xf32, #tpu.memory_space<vmem>>, vector<1x16xf32>,
        %parallel_loop3A_734 = vector.shape_cast %parallel_loop3A_733 : vector<1x16xf32> to vector<16xf32>
        %parallel_loop3A_735 = arith.subf %parallel_loop3A_734, %parallel_loop3A_460 : vector<16xf32>
        %parallel_loop3A_736 = arith.mulf %parallel_loop3A_735, %parallel_loop3A_532 : vector<16xf32>
        %parallel_loop3A_737 = arith.index_cast %parallel_loop3A_82 : i32 to index
        %parallel_loop3A_738 = arith.constant 288 : index
        %parallel_loop3A_739 = tpu.vector_load %arg8[%parallel_loop3A_737, %parallel_loop3A_738] {strides = array<i32>} : memref<32x768xf32, #tpu.memory_space<vmem>>, vector<1x16xf32>,
        %parallel_loop3A_740 = vector.shape_cast %parallel_loop3A_739 : vector<1x16xf32> to vector<16xf32>
        %parallel_loop3A_741 = vector.shape_cast %parallel_loop3A_736 : vector<16xf32> to vector<1x16xf32>
        tpu.vector_store %arg8[%parallel_loop3A_737, %parallel_loop3A_738], %parallel_loop3A_741 {strides = array<i32>} : memref<32x768xf32, #tpu.memory_space<vmem>>, vector<1x16xf32>,
        %parallel_loop3A_742 = arith.index_cast %parallel_loop3A_82 : i32 to index
        %parallel_loop3A_743 = arith.constant 304 : index
        %parallel_loop3A_744 = tpu.vector_load %arg6[%parallel_loop3A_742, %parallel_loop3A_743] {strides = array<i32>} : memref<32x768xf32, #tpu.memory_space<vmem>>, vector<1x16xf32>,
        %parallel_loop3A_745 = vector.shape_cast %parallel_loop3A_744 : vector<1x16xf32> to vector<16xf32>
        %parallel_loop3A_746 = arith.subf %parallel_loop3A_745, %parallel_loop3A_460 : vector<16xf32>
        %parallel_loop3A_747 = arith.mulf %parallel_loop3A_746, %parallel_loop3A_532 : vector<16xf32>
        %parallel_loop3A_748 = arith.index_cast %parallel_loop3A_82 : i32 to index
        %parallel_loop3A_749 = arith.constant 304 : index
        %parallel_loop3A_750 = tpu.vector_load %arg8[%parallel_loop3A_748, %parallel_loop3A_749] {strides = array<i32>} : memref<32x768xf32, #tpu.memory_space<vmem>>, vector<1x16xf32>,
        %parallel_loop3A_751 = vector.shape_cast %parallel_loop3A_750 : vector<1x16xf32> to vector<16xf32>
        %parallel_loop3A_752 = vector.shape_cast %parallel_loop3A_747 : vector<16xf32> to vector<1x16xf32>
        tpu.vector_store %arg8[%parallel_loop3A_748, %parallel_loop3A_749], %parallel_loop3A_752 {strides = array<i32>} : memref<32x768xf32, #tpu.memory_space<vmem>>, vector<1x16xf32>,
        %parallel_loop3A_753 = arith.index_cast %parallel_loop3A_82 : i32 to index
        %parallel_loop3A_754 = arith.constant 320 : index
        %parallel_loop3A_755 = tpu.vector_load %arg6[%parallel_loop3A_753, %parallel_loop3A_754] {strides = array<i32>} : memref<32x768xf32, #tpu.memory_space<vmem>>, vector<1x16xf32>,
        %parallel_loop3A_756 = vector.shape_cast %parallel_loop3A_755 : vector<1x16xf32> to vector<16xf32>
        %parallel_loop3A_757 = arith.subf %parallel_loop3A_756, %parallel_loop3A_460 : vector<16xf32>
        %parallel_loop3A_758 = arith.mulf %parallel_loop3A_757, %parallel_loop3A_532 : vector<16xf32>
        %parallel_loop3A_759 = arith.index_cast %parallel_loop3A_82 : i32 to index
        %parallel_loop3A_760 = arith.constant 320 : index
        %parallel_loop3A_761 = tpu.vector_load %arg8[%parallel_loop3A_759, %parallel_loop3A_760] {strides = array<i32>} : memref<32x768xf32, #tpu.memory_space<vmem>>, vector<1x16xf32>,
        %parallel_loop3A_762 = vector.shape_cast %parallel_loop3A_761 : vector<1x16xf32> to vector<16xf32>
        %parallel_loop3A_763 = vector.shape_cast %parallel_loop3A_758 : vector<16xf32> to vector<1x16xf32>
        tpu.vector_store %arg8[%parallel_loop3A_759, %parallel_loop3A_760], %parallel_loop3A_763 {strides = array<i32>} : memref<32x768xf32, #tpu.memory_space<vmem>>, vector<1x16xf32>,
        %parallel_loop3A_764 = arith.index_cast %parallel_loop3A_82 : i32 to index
        %parallel_loop3A_765 = arith.constant 336 : index
        %parallel_loop3A_766 = tpu.vector_load %arg6[%parallel_loop3A_764, %parallel_loop3A_765] {strides = array<i32>} : memref<32x768xf32, #tpu.memory_space<vmem>>, vector<1x16xf32>,
        %parallel_loop3A_767 = vector.shape_cast %parallel_loop3A_766 : vector<1x16xf32> to vector<16xf32>
        %parallel_loop3A_768 = arith.subf %parallel_loop3A_767, %parallel_loop3A_460 : vector<16xf32>
        %parallel_loop3A_769 = arith.mulf %parallel_loop3A_768, %parallel_loop3A_532 : vector<16xf32>
        %parallel_loop3A_770 = arith.index_cast %parallel_loop3A_82 : i32 to index
        %parallel_loop3A_771 = arith.constant 336 : index
        %parallel_loop3A_772 = tpu.vector_load %arg8[%parallel_loop3A_770, %parallel_loop3A_771] {strides = array<i32>} : memref<32x768xf32, #tpu.memory_space<vmem>>, vector<1x16xf32>,
        %parallel_loop3A_773 = vector.shape_cast %parallel_loop3A_772 : vector<1x16xf32> to vector<16xf32>
        %parallel_loop3A_774 = vector.shape_cast %parallel_loop3A_769 : vector<16xf32> to vector<1x16xf32>
        tpu.vector_store %arg8[%parallel_loop3A_770, %parallel_loop3A_771], %parallel_loop3A_774 {strides = array<i32>} : memref<32x768xf32, #tpu.memory_space<vmem>>, vector<1x16xf32>,
        %parallel_loop3A_775 = arith.index_cast %parallel_loop3A_82 : i32 to index
        %parallel_loop3A_776 = arith.constant 352 : index
        %parallel_loop3A_777 = tpu.vector_load %arg6[%parallel_loop3A_775, %parallel_loop3A_776] {strides = array<i32>} : memref<32x768xf32, #tpu.memory_space<vmem>>, vector<1x16xf32>,
        %parallel_loop3A_778 = vector.shape_cast %parallel_loop3A_777 : vector<1x16xf32> to vector<16xf32>
        %parallel_loop3A_779 = arith.subf %parallel_loop3A_778, %parallel_loop3A_460 : vector<16xf32>
        %parallel_loop3A_780 = arith.mulf %parallel_loop3A_779, %parallel_loop3A_532 : vector<16xf32>
        %parallel_loop3A_781 = arith.index_cast %parallel_loop3A_82 : i32 to index
        %parallel_loop3A_782 = arith.constant 352 : index
        %parallel_loop3A_783 = tpu.vector_load %arg8[%parallel_loop3A_781, %parallel_loop3A_782] {strides = array<i32>} : memref<32x768xf32, #tpu.memory_space<vmem>>, vector<1x16xf32>,
        %parallel_loop3A_784 = vector.shape_cast %parallel_loop3A_783 : vector<1x16xf32> to vector<16xf32>
        %parallel_loop3A_785 = vector.shape_cast %parallel_loop3A_780 : vector<16xf32> to vector<1x16xf32>
        tpu.vector_store %arg8[%parallel_loop3A_781, %parallel_loop3A_782], %parallel_loop3A_785 {strides = array<i32>} : memref<32x768xf32, #tpu.memory_space<vmem>>, vector<1x16xf32>,
        %parallel_loop3A_786 = arith.index_cast %parallel_loop3A_82 : i32 to index
        %parallel_loop3A_787 = arith.constant 368 : index
        %parallel_loop3A_788 = tpu.vector_load %arg6[%parallel_loop3A_786, %parallel_loop3A_787] {strides = array<i32>} : memref<32x768xf32, #tpu.memory_space<vmem>>, vector<1x16xf32>,
        %parallel_loop3A_789 = vector.shape_cast %parallel_loop3A_788 : vector<1x16xf32> to vector<16xf32>
        %parallel_loop3A_790 = arith.subf %parallel_loop3A_789, %parallel_loop3A_460 : vector<16xf32>
        %parallel_loop3A_791 = arith.mulf %parallel_loop3A_790, %parallel_loop3A_532 : vector<16xf32>
        %parallel_loop3A_792 = arith.index_cast %parallel_loop3A_82 : i32 to index
        %parallel_loop3A_793 = arith.constant 368 : index
        %parallel_loop3A_794 = tpu.vector_load %arg8[%parallel_loop3A_792, %parallel_loop3A_793] {strides = array<i32>} : memref<32x768xf32, #tpu.memory_space<vmem>>, vector<1x16xf32>,
        %parallel_loop3A_795 = vector.shape_cast %parallel_loop3A_794 : vector<1x16xf32> to vector<16xf32>
        %parallel_loop3A_796 = vector.shape_cast %parallel_loop3A_791 : vector<16xf32> to vector<1x16xf32>
        tpu.vector_store %arg8[%parallel_loop3A_792, %parallel_loop3A_793], %parallel_loop3A_796 {strides = array<i32>} : memref<32x768xf32, #tpu.memory_space<vmem>>, vector<1x16xf32>,
        %parallel_loop3A_797 = arith.index_cast %parallel_loop3A_82 : i32 to index
        %parallel_loop3A_798 = arith.constant 384 : index
        %parallel_loop3A_799 = tpu.vector_load %arg6[%parallel_loop3A_797, %parallel_loop3A_798] {strides = array<i32>} : memref<32x768xf32, #tpu.memory_space<vmem>>, vector<1x16xf32>,
        %parallel_loop3A_800 = vector.shape_cast %parallel_loop3A_799 : vector<1x16xf32> to vector<16xf32>
        %parallel_loop3A_801 = arith.subf %parallel_loop3A_800, %parallel_loop3A_460 : vector<16xf32>
        %parallel_loop3A_802 = arith.mulf %parallel_loop3A_801, %parallel_loop3A_532 : vector<16xf32>
        %parallel_loop3A_803 = arith.index_cast %parallel_loop3A_82 : i32 to index
        %parallel_loop3A_804 = arith.constant 384 : index
        %parallel_loop3A_805 = tpu.vector_load %arg8[%parallel_loop3A_803, %parallel_loop3A_804] {strides = array<i32>} : memref<32x768xf32, #tpu.memory_space<vmem>>, vector<1x16xf32>,
        %parallel_loop3A_806 = vector.shape_cast %parallel_loop3A_805 : vector<1x16xf32> to vector<16xf32>
        %parallel_loop3A_807 = vector.shape_cast %parallel_loop3A_802 : vector<16xf32> to vector<1x16xf32>
        tpu.vector_store %arg8[%parallel_loop3A_803, %parallel_loop3A_804], %parallel_loop3A_807 {strides = array<i32>} : memref<32x768xf32, #tpu.memory_space<vmem>>, vector<1x16xf32>,
        %parallel_loop3A_808 = arith.index_cast %parallel_loop3A_82 : i32 to index
        %parallel_loop3A_809 = arith.constant 400 : index
        %parallel_loop3A_810 = tpu.vector_load %arg6[%parallel_loop3A_808, %parallel_loop3A_809] {strides = array<i32>} : memref<32x768xf32, #tpu.memory_space<vmem>>, vector<1x16xf32>,
        %parallel_loop3A_811 = vector.shape_cast %parallel_loop3A_810 : vector<1x16xf32> to vector<16xf32>
        %parallel_loop3A_812 = arith.subf %parallel_loop3A_811, %parallel_loop3A_460 : vector<16xf32>
        %parallel_loop3A_813 = arith.mulf %parallel_loop3A_812, %parallel_loop3A_532 : vector<16xf32>
        %parallel_loop3A_814 = arith.index_cast %parallel_loop3A_82 : i32 to index
        %parallel_loop3A_815 = arith.constant 400 : index
        %parallel_loop3A_816 = tpu.vector_load %arg8[%parallel_loop3A_814, %parallel_loop3A_815] {strides = array<i32>} : memref<32x768xf32, #tpu.memory_space<vmem>>, vector<1x16xf32>,
        %parallel_loop3A_817 = vector.shape_cast %parallel_loop3A_816 : vector<1x16xf32> to vector<16xf32>
        %parallel_loop3A_818 = vector.shape_cast %parallel_loop3A_813 : vector<16xf32> to vector<1x16xf32>
        tpu.vector_store %arg8[%parallel_loop3A_814, %parallel_loop3A_815], %parallel_loop3A_818 {strides = array<i32>} : memref<32x768xf32, #tpu.memory_space<vmem>>, vector<1x16xf32>,
        %parallel_loop3A_819 = arith.index_cast %parallel_loop3A_82 : i32 to index
        %parallel_loop3A_820 = arith.constant 416 : index
        %parallel_loop3A_821 = tpu.vector_load %arg6[%parallel_loop3A_819, %parallel_loop3A_820] {strides = array<i32>} : memref<32x768xf32, #tpu.memory_space<vmem>>, vector<1x16xf32>,
        %parallel_loop3A_822 = vector.shape_cast %parallel_loop3A_821 : vector<1x16xf32> to vector<16xf32>
        %parallel_loop3A_823 = arith.subf %parallel_loop3A_822, %parallel_loop3A_460 : vector<16xf32>
        %parallel_loop3A_824 = arith.mulf %parallel_loop3A_823, %parallel_loop3A_532 : vector<16xf32>
        %parallel_loop3A_825 = arith.index_cast %parallel_loop3A_82 : i32 to index
        %parallel_loop3A_826 = arith.constant 416 : index
        %parallel_loop3A_827 = tpu.vector_load %arg8[%parallel_loop3A_825, %parallel_loop3A_826] {strides = array<i32>} : memref<32x768xf32, #tpu.memory_space<vmem>>, vector<1x16xf32>,
        %parallel_loop3A_828 = vector.shape_cast %parallel_loop3A_827 : vector<1x16xf32> to vector<16xf32>
        %parallel_loop3A_829 = vector.shape_cast %parallel_loop3A_824 : vector<16xf32> to vector<1x16xf32>
        tpu.vector_store %arg8[%parallel_loop3A_825, %parallel_loop3A_826], %parallel_loop3A_829 {strides = array<i32>} : memref<32x768xf32, #tpu.memory_space<vmem>>, vector<1x16xf32>,
        %parallel_loop3A_830 = arith.index_cast %parallel_loop3A_82 : i32 to index
        %parallel_loop3A_831 = arith.constant 432 : index
        %parallel_loop3A_832 = tpu.vector_load %arg6[%parallel_loop3A_830, %parallel_loop3A_831] {strides = array<i32>} : memref<32x768xf32, #tpu.memory_space<vmem>>, vector<1x16xf32>,
        %parallel_loop3A_833 = vector.shape_cast %parallel_loop3A_832 : vector<1x16xf32> to vector<16xf32>
        %parallel_loop3A_834 = arith.subf %parallel_loop3A_833, %parallel_loop3A_460 : vector<16xf32>
        %parallel_loop3A_835 = arith.mulf %parallel_loop3A_834, %parallel_loop3A_532 : vector<16xf32>
        %parallel_loop3A_836 = arith.index_cast %parallel_loop3A_82 : i32 to index
        %parallel_loop3A_837 = arith.constant 432 : index
        %parallel_loop3A_838 = tpu.vector_load %arg8[%parallel_loop3A_836, %parallel_loop3A_837] {strides = array<i32>} : memref<32x768xf32, #tpu.memory_space<vmem>>, vector<1x16xf32>,
        %parallel_loop3A_839 = vector.shape_cast %parallel_loop3A_838 : vector<1x16xf32> to vector<16xf32>
        %parallel_loop3A_840 = vector.shape_cast %parallel_loop3A_835 : vector<16xf32> to vector<1x16xf32>
        tpu.vector_store %arg8[%parallel_loop3A_836, %parallel_loop3A_837], %parallel_loop3A_840 {strides = array<i32>} : memref<32x768xf32, #tpu.memory_space<vmem>>, vector<1x16xf32>,
        %parallel_loop3A_841 = arith.index_cast %parallel_loop3A_82 : i32 to index
        %parallel_loop3A_842 = arith.constant 448 : index
        %parallel_loop3A_843 = tpu.vector_load %arg6[%parallel_loop3A_841, %parallel_loop3A_842] {strides = array<i32>} : memref<32x768xf32, #tpu.memory_space<vmem>>, vector<1x16xf32>,
        %parallel_loop3A_844 = vector.shape_cast %parallel_loop3A_843 : vector<1x16xf32> to vector<16xf32>
        %parallel_loop3A_845 = arith.subf %parallel_loop3A_844, %parallel_loop3A_460 : vector<16xf32>
        %parallel_loop3A_846 = arith.mulf %parallel_loop3A_845, %parallel_loop3A_532 : vector<16xf32>
        %parallel_loop3A_847 = arith.index_cast %parallel_loop3A_82 : i32 to index
        %parallel_loop3A_848 = arith.constant 448 : index
        %parallel_loop3A_849 = tpu.vector_load %arg8[%parallel_loop3A_847, %parallel_loop3A_848] {strides = array<i32>} : memref<32x768xf32, #tpu.memory_space<vmem>>, vector<1x16xf32>,
        %parallel_loop3A_850 = vector.shape_cast %parallel_loop3A_849 : vector<1x16xf32> to vector<16xf32>
        %parallel_loop3A_851 = vector.shape_cast %parallel_loop3A_846 : vector<16xf32> to vector<1x16xf32>
        tpu.vector_store %arg8[%parallel_loop3A_847, %parallel_loop3A_848], %parallel_loop3A_851 {strides = array<i32>} : memref<32x768xf32, #tpu.memory_space<vmem>>, vector<1x16xf32>,
        %parallel_loop3A_852 = arith.index_cast %parallel_loop3A_82 : i32 to index
        %parallel_loop3A_853 = arith.constant 464 : index
        %parallel_loop3A_854 = tpu.vector_load %arg6[%parallel_loop3A_852, %parallel_loop3A_853] {strides = array<i32>} : memref<32x768xf32, #tpu.memory_space<vmem>>, vector<1x16xf32>,
        %parallel_loop3A_855 = vector.shape_cast %parallel_loop3A_854 : vector<1x16xf32> to vector<16xf32>
        %parallel_loop3A_856 = arith.subf %parallel_loop3A_855, %parallel_loop3A_460 : vector<16xf32>
        %parallel_loop3A_857 = arith.mulf %parallel_loop3A_856, %parallel_loop3A_532 : vector<16xf32>
        %parallel_loop3A_858 = arith.index_cast %parallel_loop3A_82 : i32 to index
        %parallel_loop3A_859 = arith.constant 464 : index
        %parallel_loop3A_860 = tpu.vector_load %arg8[%parallel_loop3A_858, %parallel_loop3A_859] {strides = array<i32>} : memref<32x768xf32, #tpu.memory_space<vmem>>, vector<1x16xf32>,
        %parallel_loop3A_861 = vector.shape_cast %parallel_loop3A_860 : vector<1x16xf32> to vector<16xf32>
        %parallel_loop3A_862 = vector.shape_cast %parallel_loop3A_857 : vector<16xf32> to vector<1x16xf32>
        tpu.vector_store %arg8[%parallel_loop3A_858, %parallel_loop3A_859], %parallel_loop3A_862 {strides = array<i32>} : memref<32x768xf32, #tpu.memory_space<vmem>>, vector<1x16xf32>,
        %parallel_loop3A_863 = arith.index_cast %parallel_loop3A_82 : i32 to index
        %parallel_loop3A_864 = arith.constant 480 : index
        %parallel_loop3A_865 = tpu.vector_load %arg6[%parallel_loop3A_863, %parallel_loop3A_864] {strides = array<i32>} : memref<32x768xf32, #tpu.memory_space<vmem>>, vector<1x16xf32>,
        %parallel_loop3A_866 = vector.shape_cast %parallel_loop3A_865 : vector<1x16xf32> to vector<16xf32>
        %parallel_loop3A_867 = arith.subf %parallel_loop3A_866, %parallel_loop3A_460 : vector<16xf32>
        %parallel_loop3A_868 = arith.mulf %parallel_loop3A_867, %parallel_loop3A_532 : vector<16xf32>
        %parallel_loop3A_869 = arith.index_cast %parallel_loop3A_82 : i32 to index
        %parallel_loop3A_870 = arith.constant 480 : index
        %parallel_loop3A_871 = tpu.vector_load %arg8[%parallel_loop3A_869, %parallel_loop3A_870] {strides = array<i32>} : memref<32x768xf32, #tpu.memory_space<vmem>>, vector<1x16xf32>,
        %parallel_loop3A_872 = vector.shape_cast %parallel_loop3A_871 : vector<1x16xf32> to vector<16xf32>
        %parallel_loop3A_873 = vector.shape_cast %parallel_loop3A_868 : vector<16xf32> to vector<1x16xf32>
        tpu.vector_store %arg8[%parallel_loop3A_869, %parallel_loop3A_870], %parallel_loop3A_873 {strides = array<i32>} : memref<32x768xf32, #tpu.memory_space<vmem>>, vector<1x16xf32>,
        %parallel_loop3A_874 = arith.index_cast %parallel_loop3A_82 : i32 to index
        %parallel_loop3A_875 = arith.constant 496 : index
        %parallel_loop3A_876 = tpu.vector_load %arg6[%parallel_loop3A_874, %parallel_loop3A_875] {strides = array<i32>} : memref<32x768xf32, #tpu.memory_space<vmem>>, vector<1x16xf32>,
        %parallel_loop3A_877 = vector.shape_cast %parallel_loop3A_876 : vector<1x16xf32> to vector<16xf32>
        %parallel_loop3A_878 = arith.subf %parallel_loop3A_877, %parallel_loop3A_460 : vector<16xf32>
        %parallel_loop3A_879 = arith.mulf %parallel_loop3A_878, %parallel_loop3A_532 : vector<16xf32>
        %parallel_loop3A_880 = arith.index_cast %parallel_loop3A_82 : i32 to index
        %parallel_loop3A_881 = arith.constant 496 : index
        %parallel_loop3A_882 = tpu.vector_load %arg8[%parallel_loop3A_880, %parallel_loop3A_881] {strides = array<i32>} : memref<32x768xf32, #tpu.memory_space<vmem>>, vector<1x16xf32>,
        %parallel_loop3A_883 = vector.shape_cast %parallel_loop3A_882 : vector<1x16xf32> to vector<16xf32>
        %parallel_loop3A_884 = vector.shape_cast %parallel_loop3A_879 : vector<16xf32> to vector<1x16xf32>
        tpu.vector_store %arg8[%parallel_loop3A_880, %parallel_loop3A_881], %parallel_loop3A_884 {strides = array<i32>} : memref<32x768xf32, #tpu.memory_space<vmem>>, vector<1x16xf32>,
        %parallel_loop3A_885 = arith.index_cast %parallel_loop3A_82 : i32 to index
        %parallel_loop3A_886 = arith.constant 512 : index
        %parallel_loop3A_887 = tpu.vector_load %arg6[%parallel_loop3A_885, %parallel_loop3A_886] {strides = array<i32>} : memref<32x768xf32, #tpu.memory_space<vmem>>, vector<1x16xf32>,
        %parallel_loop3A_888 = vector.shape_cast %parallel_loop3A_887 : vector<1x16xf32> to vector<16xf32>
        %parallel_loop3A_889 = arith.subf %parallel_loop3A_888, %parallel_loop3A_460 : vector<16xf32>
        %parallel_loop3A_890 = arith.mulf %parallel_loop3A_889, %parallel_loop3A_532 : vector<16xf32>
        %parallel_loop3A_891 = arith.index_cast %parallel_loop3A_82 : i32 to index
        %parallel_loop3A_892 = arith.constant 512 : index
        %parallel_loop3A_893 = tpu.vector_load %arg8[%parallel_loop3A_891, %parallel_loop3A_892] {strides = array<i32>} : memref<32x768xf32, #tpu.memory_space<vmem>>, vector<1x16xf32>,
        %parallel_loop3A_894 = vector.shape_cast %parallel_loop3A_893 : vector<1x16xf32> to vector<16xf32>
        %parallel_loop3A_895 = vector.shape_cast %parallel_loop3A_890 : vector<16xf32> to vector<1x16xf32>
        tpu.vector_store %arg8[%parallel_loop3A_891, %parallel_loop3A_892], %parallel_loop3A_895 {strides = array<i32>} : memref<32x768xf32, #tpu.memory_space<vmem>>, vector<1x16xf32>,
        %parallel_loop3A_896 = arith.index_cast %parallel_loop3A_82 : i32 to index
        %parallel_loop3A_897 = arith.constant 528 : index
        %parallel_loop3A_898 = tpu.vector_load %arg6[%parallel_loop3A_896, %parallel_loop3A_897] {strides = array<i32>} : memref<32x768xf32, #tpu.memory_space<vmem>>, vector<1x16xf32>,
        %parallel_loop3A_899 = vector.shape_cast %parallel_loop3A_898 : vector<1x16xf32> to vector<16xf32>
        %parallel_loop3A_900 = arith.subf %parallel_loop3A_899, %parallel_loop3A_460 : vector<16xf32>
        %parallel_loop3A_901 = arith.mulf %parallel_loop3A_900, %parallel_loop3A_532 : vector<16xf32>
        %parallel_loop3A_902 = arith.index_cast %parallel_loop3A_82 : i32 to index
        %parallel_loop3A_903 = arith.constant 528 : index
        %parallel_loop3A_904 = tpu.vector_load %arg8[%parallel_loop3A_902, %parallel_loop3A_903] {strides = array<i32>} : memref<32x768xf32, #tpu.memory_space<vmem>>, vector<1x16xf32>,
        %parallel_loop3A_905 = vector.shape_cast %parallel_loop3A_904 : vector<1x16xf32> to vector<16xf32>
        %parallel_loop3A_906 = vector.shape_cast %parallel_loop3A_901 : vector<16xf32> to vector<1x16xf32>
        tpu.vector_store %arg8[%parallel_loop3A_902, %parallel_loop3A_903], %parallel_loop3A_906 {strides = array<i32>} : memref<32x768xf32, #tpu.memory_space<vmem>>, vector<1x16xf32>,
        %parallel_loop3A_907 = arith.index_cast %parallel_loop3A_82 : i32 to index
        %parallel_loop3A_908 = arith.constant 544 : index
        %parallel_loop3A_909 = tpu.vector_load %arg6[%parallel_loop3A_907, %parallel_loop3A_908] {strides = array<i32>} : memref<32x768xf32, #tpu.memory_space<vmem>>, vector<1x16xf32>,
        %parallel_loop3A_910 = vector.shape_cast %parallel_loop3A_909 : vector<1x16xf32> to vector<16xf32>
        %parallel_loop3A_911 = arith.subf %parallel_loop3A_910, %parallel_loop3A_460 : vector<16xf32>
        %parallel_loop3A_912 = arith.mulf %parallel_loop3A_911, %parallel_loop3A_532 : vector<16xf32>
        %parallel_loop3A_913 = arith.index_cast %parallel_loop3A_82 : i32 to index
        %parallel_loop3A_914 = arith.constant 544 : index
        %parallel_loop3A_915 = tpu.vector_load %arg8[%parallel_loop3A_913, %parallel_loop3A_914] {strides = array<i32>} : memref<32x768xf32, #tpu.memory_space<vmem>>, vector<1x16xf32>,
        %parallel_loop3A_916 = vector.shape_cast %parallel_loop3A_915 : vector<1x16xf32> to vector<16xf32>
        %parallel_loop3A_917 = vector.shape_cast %parallel_loop3A_912 : vector<16xf32> to vector<1x16xf32>
        tpu.vector_store %arg8[%parallel_loop3A_913, %parallel_loop3A_914], %parallel_loop3A_917 {strides = array<i32>} : memref<32x768xf32, #tpu.memory_space<vmem>>, vector<1x16xf32>,
        %parallel_loop3A_918 = arith.index_cast %parallel_loop3A_82 : i32 to index
        %parallel_loop3A_919 = arith.constant 560 : index
        %parallel_loop3A_920 = tpu.vector_load %arg6[%parallel_loop3A_918, %parallel_loop3A_919] {strides = array<i32>} : memref<32x768xf32, #tpu.memory_space<vmem>>, vector<1x16xf32>,
        %parallel_loop3A_921 = vector.shape_cast %parallel_loop3A_920 : vector<1x16xf32> to vector<16xf32>
        %parallel_loop3A_922 = arith.subf %parallel_loop3A_921, %parallel_loop3A_460 : vector<16xf32>
        %parallel_loop3A_923 = arith.mulf %parallel_loop3A_922, %parallel_loop3A_532 : vector<16xf32>
        %parallel_loop3A_924 = arith.index_cast %parallel_loop3A_82 : i32 to index
        %parallel_loop3A_925 = arith.constant 560 : index
        %parallel_loop3A_926 = tpu.vector_load %arg8[%parallel_loop3A_924, %parallel_loop3A_925] {strides = array<i32>} : memref<32x768xf32, #tpu.memory_space<vmem>>, vector<1x16xf32>,
        %parallel_loop3A_927 = vector.shape_cast %parallel_loop3A_926 : vector<1x16xf32> to vector<16xf32>
        %parallel_loop3A_928 = vector.shape_cast %parallel_loop3A_923 : vector<16xf32> to vector<1x16xf32>
        tpu.vector_store %arg8[%parallel_loop3A_924, %parallel_loop3A_925], %parallel_loop3A_928 {strides = array<i32>} : memref<32x768xf32, #tpu.memory_space<vmem>>, vector<1x16xf32>,
        %parallel_loop3A_929 = arith.index_cast %parallel_loop3A_82 : i32 to index
        %parallel_loop3A_930 = arith.constant 576 : index
        %parallel_loop3A_931 = tpu.vector_load %arg6[%parallel_loop3A_929, %parallel_loop3A_930] {strides = array<i32>} : memref<32x768xf32, #tpu.memory_space<vmem>>, vector<1x16xf32>,
        %parallel_loop3A_932 = vector.shape_cast %parallel_loop3A_931 : vector<1x16xf32> to vector<16xf32>
        %parallel_loop3A_933 = arith.subf %parallel_loop3A_932, %parallel_loop3A_460 : vector<16xf32>
        %parallel_loop3A_934 = arith.mulf %parallel_loop3A_933, %parallel_loop3A_532 : vector<16xf32>
        %parallel_loop3A_935 = arith.index_cast %parallel_loop3A_82 : i32 to index
        %parallel_loop3A_936 = arith.constant 576 : index
        %parallel_loop3A_937 = tpu.vector_load %arg8[%parallel_loop3A_935, %parallel_loop3A_936] {strides = array<i32>} : memref<32x768xf32, #tpu.memory_space<vmem>>, vector<1x16xf32>,
        %parallel_loop3A_938 = vector.shape_cast %parallel_loop3A_937 : vector<1x16xf32> to vector<16xf32>
        %parallel_loop3A_939 = vector.shape_cast %parallel_loop3A_934 : vector<16xf32> to vector<1x16xf32>
        tpu.vector_store %arg8[%parallel_loop3A_935, %parallel_loop3A_936], %parallel_loop3A_939 {strides = array<i32>} : memref<32x768xf32, #tpu.memory_space<vmem>>, vector<1x16xf32>,
        %parallel_loop3A_940 = arith.index_cast %parallel_loop3A_82 : i32 to index
        %parallel_loop3A_941 = arith.constant 592 : index
        %parallel_loop3A_942 = tpu.vector_load %arg6[%parallel_loop3A_940, %parallel_loop3A_941] {strides = array<i32>} : memref<32x768xf32, #tpu.memory_space<vmem>>, vector<1x16xf32>,
        %parallel_loop3A_943 = vector.shape_cast %parallel_loop3A_942 : vector<1x16xf32> to vector<16xf32>
        %parallel_loop3A_944 = arith.subf %parallel_loop3A_943, %parallel_loop3A_460 : vector<16xf32>
        %parallel_loop3A_945 = arith.mulf %parallel_loop3A_944, %parallel_loop3A_532 : vector<16xf32>
        %parallel_loop3A_946 = arith.index_cast %parallel_loop3A_82 : i32 to index
        %parallel_loop3A_947 = arith.constant 592 : index
        %parallel_loop3A_948 = tpu.vector_load %arg8[%parallel_loop3A_946, %parallel_loop3A_947] {strides = array<i32>} : memref<32x768xf32, #tpu.memory_space<vmem>>, vector<1x16xf32>,
        %parallel_loop3A_949 = vector.shape_cast %parallel_loop3A_948 : vector<1x16xf32> to vector<16xf32>
        %parallel_loop3A_950 = vector.shape_cast %parallel_loop3A_945 : vector<16xf32> to vector<1x16xf32>
        tpu.vector_store %arg8[%parallel_loop3A_946, %parallel_loop3A_947], %parallel_loop3A_950 {strides = array<i32>} : memref<32x768xf32, #tpu.memory_space<vmem>>, vector<1x16xf32>,
        %parallel_loop3A_951 = arith.index_cast %parallel_loop3A_82 : i32 to index
        %parallel_loop3A_952 = arith.constant 608 : index
        %parallel_loop3A_953 = tpu.vector_load %arg6[%parallel_loop3A_951, %parallel_loop3A_952] {strides = array<i32>} : memref<32x768xf32, #tpu.memory_space<vmem>>, vector<1x16xf32>,
        %parallel_loop3A_954 = vector.shape_cast %parallel_loop3A_953 : vector<1x16xf32> to vector<16xf32>
        %parallel_loop3A_955 = arith.subf %parallel_loop3A_954, %parallel_loop3A_460 : vector<16xf32>
        %parallel_loop3A_956 = arith.mulf %parallel_loop3A_955, %parallel_loop3A_532 : vector<16xf32>
        %parallel_loop3A_957 = arith.index_cast %parallel_loop3A_82 : i32 to index
        %parallel_loop3A_958 = arith.constant 608 : index
        %parallel_loop3A_959 = tpu.vector_load %arg8[%parallel_loop3A_957, %parallel_loop3A_958] {strides = array<i32>} : memref<32x768xf32, #tpu.memory_space<vmem>>, vector<1x16xf32>,
        %parallel_loop3A_960 = vector.shape_cast %parallel_loop3A_959 : vector<1x16xf32> to vector<16xf32>
        %parallel_loop3A_961 = vector.shape_cast %parallel_loop3A_956 : vector<16xf32> to vector<1x16xf32>
        tpu.vector_store %arg8[%parallel_loop3A_957, %parallel_loop3A_958], %parallel_loop3A_961 {strides = array<i32>} : memref<32x768xf32, #tpu.memory_space<vmem>>, vector<1x16xf32>,
        %parallel_loop3A_962 = arith.index_cast %parallel_loop3A_82 : i32 to index
        %parallel_loop3A_963 = arith.constant 624 : index
        %parallel_loop3A_964 = tpu.vector_load %arg6[%parallel_loop3A_962, %parallel_loop3A_963] {strides = array<i32>} : memref<32x768xf32, #tpu.memory_space<vmem>>, vector<1x16xf32>,
        %parallel_loop3A_965 = vector.shape_cast %parallel_loop3A_964 : vector<1x16xf32> to vector<16xf32>
        %parallel_loop3A_966 = arith.subf %parallel_loop3A_965, %parallel_loop3A_460 : vector<16xf32>
        %parallel_loop3A_967 = arith.mulf %parallel_loop3A_966, %parallel_loop3A_532 : vector<16xf32>
        %parallel_loop3A_968 = arith.index_cast %parallel_loop3A_82 : i32 to index
        %parallel_loop3A_969 = arith.constant 624 : index
        %parallel_loop3A_970 = tpu.vector_load %arg8[%parallel_loop3A_968, %parallel_loop3A_969] {strides = array<i32>} : memref<32x768xf32, #tpu.memory_space<vmem>>, vector<1x16xf32>,
        %parallel_loop3A_971 = vector.shape_cast %parallel_loop3A_970 : vector<1x16xf32> to vector<16xf32>
        %parallel_loop3A_972 = vector.shape_cast %parallel_loop3A_967 : vector<16xf32> to vector<1x16xf32>
        tpu.vector_store %arg8[%parallel_loop3A_968, %parallel_loop3A_969], %parallel_loop3A_972 {strides = array<i32>} : memref<32x768xf32, #tpu.memory_space<vmem>>, vector<1x16xf32>,
        %parallel_loop3A_973 = arith.index_cast %parallel_loop3A_82 : i32 to index
        %parallel_loop3A_974 = arith.constant 640 : index
        %parallel_loop3A_975 = tpu.vector_load %arg6[%parallel_loop3A_973, %parallel_loop3A_974] {strides = array<i32>} : memref<32x768xf32, #tpu.memory_space<vmem>>, vector<1x16xf32>,
        %parallel_loop3A_976 = vector.shape_cast %parallel_loop3A_975 : vector<1x16xf32> to vector<16xf32>
        %parallel_loop3A_977 = arith.subf %parallel_loop3A_976, %parallel_loop3A_460 : vector<16xf32>
        %parallel_loop3A_978 = arith.mulf %parallel_loop3A_977, %parallel_loop3A_532 : vector<16xf32>
        %parallel_loop3A_979 = arith.index_cast %parallel_loop3A_82 : i32 to index
        %parallel_loop3A_980 = arith.constant 640 : index
        %parallel_loop3A_981 = tpu.vector_load %arg8[%parallel_loop3A_979, %parallel_loop3A_980] {strides = array<i32>} : memref<32x768xf32, #tpu.memory_space<vmem>>, vector<1x16xf32>,
        %parallel_loop3A_982 = vector.shape_cast %parallel_loop3A_981 : vector<1x16xf32> to vector<16xf32>
        %parallel_loop3A_983 = vector.shape_cast %parallel_loop3A_978 : vector<16xf32> to vector<1x16xf32>
        tpu.vector_store %arg8[%parallel_loop3A_979, %parallel_loop3A_980], %parallel_loop3A_983 {strides = array<i32>} : memref<32x768xf32, #tpu.memory_space<vmem>>, vector<1x16xf32>,
        %parallel_loop3A_984 = arith.index_cast %parallel_loop3A_82 : i32 to index
        %parallel_loop3A_985 = arith.constant 656 : index
        %parallel_loop3A_986 = tpu.vector_load %arg6[%parallel_loop3A_984, %parallel_loop3A_985] {strides = array<i32>} : memref<32x768xf32, #tpu.memory_space<vmem>>, vector<1x16xf32>,
        %parallel_loop3A_987 = vector.shape_cast %parallel_loop3A_986 : vector<1x16xf32> to vector<16xf32>
        %parallel_loop3A_988 = arith.subf %parallel_loop3A_987, %parallel_loop3A_460 : vector<16xf32>
        %parallel_loop3A_989 = arith.mulf %parallel_loop3A_988, %parallel_loop3A_532 : vector<16xf32>
        %parallel_loop3A_990 = arith.index_cast %parallel_loop3A_82 : i32 to index
        %parallel_loop3A_991 = arith.constant 656 : index
        %parallel_loop3A_992 = tpu.vector_load %arg8[%parallel_loop3A_990, %parallel_loop3A_991] {strides = array<i32>} : memref<32x768xf32, #tpu.memory_space<vmem>>, vector<1x16xf32>,
        %parallel_loop3A_993 = vector.shape_cast %parallel_loop3A_992 : vector<1x16xf32> to vector<16xf32>
        %parallel_loop3A_994 = vector.shape_cast %parallel_loop3A_989 : vector<16xf32> to vector<1x16xf32>
        tpu.vector_store %arg8[%parallel_loop3A_990, %parallel_loop3A_991], %parallel_loop3A_994 {strides = array<i32>} : memref<32x768xf32, #tpu.memory_space<vmem>>, vector<1x16xf32>,
        %parallel_loop3A_995 = arith.index_cast %parallel_loop3A_82 : i32 to index
        %parallel_loop3A_996 = arith.constant 672 : index
        %parallel_loop3A_997 = tpu.vector_load %arg6[%parallel_loop3A_995, %parallel_loop3A_996] {strides = array<i32>} : memref<32x768xf32, #tpu.memory_space<vmem>>, vector<1x16xf32>,
        %parallel_loop3A_998 = vector.shape_cast %parallel_loop3A_997 : vector<1x16xf32> to vector<16xf32>
        %parallel_loop3A_999 = arith.subf %parallel_loop3A_998, %parallel_loop3A_460 : vector<16xf32>
        %parallel_loop3A_1000 = arith.mulf %parallel_loop3A_999, %parallel_loop3A_532 : vector<16xf32>
        %parallel_loop3A_1001 = arith.index_cast %parallel_loop3A_82 : i32 to index
        %parallel_loop3A_1002 = arith.constant 672 : index
        %parallel_loop3A_1003 = tpu.vector_load %arg8[%parallel_loop3A_1001, %parallel_loop3A_1002] {strides = array<i32>} : memref<32x768xf32, #tpu.memory_space<vmem>>, vector<1x16xf32>,
        %parallel_loop3A_1004 = vector.shape_cast %parallel_loop3A_1003 : vector<1x16xf32> to vector<16xf32>
        %parallel_loop3A_1005 = vector.shape_cast %parallel_loop3A_1000 : vector<16xf32> to vector<1x16xf32>
        tpu.vector_store %arg8[%parallel_loop3A_1001, %parallel_loop3A_1002], %parallel_loop3A_1005 {strides = array<i32>} : memref<32x768xf32, #tpu.memory_space<vmem>>, vector<1x16xf32>,
        %parallel_loop3A_1006 = arith.index_cast %parallel_loop3A_82 : i32 to index
        %parallel_loop3A_1007 = arith.constant 688 : index
        %parallel_loop3A_1008 = tpu.vector_load %arg6[%parallel_loop3A_1006, %parallel_loop3A_1007] {strides = array<i32>} : memref<32x768xf32, #tpu.memory_space<vmem>>, vector<1x16xf32>,
        %parallel_loop3A_1009 = vector.shape_cast %parallel_loop3A_1008 : vector<1x16xf32> to vector<16xf32>
        %parallel_loop3A_1010 = arith.subf %parallel_loop3A_1009, %parallel_loop3A_460 : vector<16xf32>
        %parallel_loop3A_1011 = arith.mulf %parallel_loop3A_1010, %parallel_loop3A_532 : vector<16xf32>
        %parallel_loop3A_1012 = arith.index_cast %parallel_loop3A_82 : i32 to index
        %parallel_loop3A_1013 = arith.constant 688 : index
        %parallel_loop3A_1014 = tpu.vector_load %arg8[%parallel_loop3A_1012, %parallel_loop3A_1013] {strides = array<i32>} : memref<32x768xf32, #tpu.memory_space<vmem>>, vector<1x16xf32>,
        %parallel_loop3A_1015 = vector.shape_cast %parallel_loop3A_1014 : vector<1x16xf32> to vector<16xf32>
        %parallel_loop3A_1016 = vector.shape_cast %parallel_loop3A_1011 : vector<16xf32> to vector<1x16xf32>
        tpu.vector_store %arg8[%parallel_loop3A_1012, %parallel_loop3A_1013], %parallel_loop3A_1016 {strides = array<i32>} : memref<32x768xf32, #tpu.memory_space<vmem>>, vector<1x16xf32>,
        %parallel_loop3A_1017 = arith.index_cast %parallel_loop3A_82 : i32 to index
        %parallel_loop3A_1018 = arith.constant 704 : index
        %parallel_loop3A_1019 = tpu.vector_load %arg6[%parallel_loop3A_1017, %parallel_loop3A_1018] {strides = array<i32>} : memref<32x768xf32, #tpu.memory_space<vmem>>, vector<1x16xf32>,
        %parallel_loop3A_1020 = vector.shape_cast %parallel_loop3A_1019 : vector<1x16xf32> to vector<16xf32>
        %parallel_loop3A_1021 = arith.subf %parallel_loop3A_1020, %parallel_loop3A_460 : vector<16xf32>
        %parallel_loop3A_1022 = arith.mulf %parallel_loop3A_1021, %parallel_loop3A_532 : vector<16xf32>
        %parallel_loop3A_1023 = arith.index_cast %parallel_loop3A_82 : i32 to index
        %parallel_loop3A_1024 = arith.constant 704 : index
        %parallel_loop3A_1025 = tpu.vector_load %arg8[%parallel_loop3A_1023, %parallel_loop3A_1024] {strides = array<i32>} : memref<32x768xf32, #tpu.memory_space<vmem>>, vector<1x16xf32>,
        %parallel_loop3A_1026 = vector.shape_cast %parallel_loop3A_1025 : vector<1x16xf32> to vector<16xf32>
        %parallel_loop3A_1027 = vector.shape_cast %parallel_loop3A_1022 : vector<16xf32> to vector<1x16xf32>
        tpu.vector_store %arg8[%parallel_loop3A_1023, %parallel_loop3A_1024], %parallel_loop3A_1027 {strides = array<i32>} : memref<32x768xf32, #tpu.memory_space<vmem>>, vector<1x16xf32>,
        %parallel_loop3A_1028 = arith.index_cast %parallel_loop3A_82 : i32 to index
        %parallel_loop3A_1029 = arith.constant 720 : index
        %parallel_loop3A_1030 = tpu.vector_load %arg6[%parallel_loop3A_1028, %parallel_loop3A_1029] {strides = array<i32>} : memref<32x768xf32, #tpu.memory_space<vmem>>, vector<1x16xf32>,
        %parallel_loop3A_1031 = vector.shape_cast %parallel_loop3A_1030 : vector<1x16xf32> to vector<16xf32>
        %parallel_loop3A_1032 = arith.subf %parallel_loop3A_1031, %parallel_loop3A_460 : vector<16xf32>
        %parallel_loop3A_1033 = arith.mulf %parallel_loop3A_1032, %parallel_loop3A_532 : vector<16xf32>
        %parallel_loop3A_1034 = arith.index_cast %parallel_loop3A_82 : i32 to index
        %parallel_loop3A_1035 = arith.constant 720 : index
        %parallel_loop3A_1036 = tpu.vector_load %arg8[%parallel_loop3A_1034, %parallel_loop3A_1035] {strides = array<i32>} : memref<32x768xf32, #tpu.memory_space<vmem>>, vector<1x16xf32>,
        %parallel_loop3A_1037 = vector.shape_cast %parallel_loop3A_1036 : vector<1x16xf32> to vector<16xf32>
        %parallel_loop3A_1038 = vector.shape_cast %parallel_loop3A_1033 : vector<16xf32> to vector<1x16xf32>
        tpu.vector_store %arg8[%parallel_loop3A_1034, %parallel_loop3A_1035], %parallel_loop3A_1038 {strides = array<i32>} : memref<32x768xf32, #tpu.memory_space<vmem>>, vector<1x16xf32>,
        %parallel_loop3A_1039 = arith.index_cast %parallel_loop3A_82 : i32 to index
        %parallel_loop3A_1040 = arith.constant 736 : index
        %parallel_loop3A_1041 = tpu.vector_load %arg6[%parallel_loop3A_1039, %parallel_loop3A_1040] {strides = array<i32>} : memref<32x768xf32, #tpu.memory_space<vmem>>, vector<1x16xf32>,
        %parallel_loop3A_1042 = vector.shape_cast %parallel_loop3A_1041 : vector<1x16xf32> to vector<16xf32>
        %parallel_loop3A_1043 = arith.subf %parallel_loop3A_1042, %parallel_loop3A_460 : vector<16xf32>
        %parallel_loop3A_1044 = arith.mulf %parallel_loop3A_1043, %parallel_loop3A_532 : vector<16xf32>
        %parallel_loop3A_1045 = arith.index_cast %parallel_loop3A_82 : i32 to index
        %parallel_loop3A_1046 = arith.constant 736 : index
        %parallel_loop3A_1047 = tpu.vector_load %arg8[%parallel_loop3A_1045, %parallel_loop3A_1046] {strides = array<i32>} : memref<32x768xf32, #tpu.memory_space<vmem>>, vector<1x16xf32>,
        %parallel_loop3A_1048 = vector.shape_cast %parallel_loop3A_1047 : vector<1x16xf32> to vector<16xf32>
        %parallel_loop3A_1049 = vector.shape_cast %parallel_loop3A_1044 : vector<16xf32> to vector<1x16xf32>
        tpu.vector_store %arg8[%parallel_loop3A_1045, %parallel_loop3A_1046], %parallel_loop3A_1049 {strides = array<i32>} : memref<32x768xf32, #tpu.memory_space<vmem>>, vector<1x16xf32>,
        %parallel_loop3A_1050 = arith.index_cast %parallel_loop3A_82 : i32 to index
        %parallel_loop3A_1051 = arith.constant 752 : index
        %parallel_loop3A_1052 = tpu.vector_load %arg6[%parallel_loop3A_1050, %parallel_loop3A_1051] {strides = array<i32>} : memref<32x768xf32, #tpu.memory_space<vmem>>, vector<1x16xf32>,
        %parallel_loop3A_1053 = vector.shape_cast %parallel_loop3A_1052 : vector<1x16xf32> to vector<16xf32>
        %parallel_loop3A_1054 = arith.subf %parallel_loop3A_1053, %parallel_loop3A_460 : vector<16xf32>
        %parallel_loop3A_1055 = arith.mulf %parallel_loop3A_1054, %parallel_loop3A_532 : vector<16xf32>
        %parallel_loop3A_1056 = arith.index_cast %parallel_loop3A_82 : i32 to index
        %parallel_loop3A_1057 = arith.constant 752 : index
        %parallel_loop3A_1058 = tpu.vector_load %arg8[%parallel_loop3A_1056, %parallel_loop3A_1057] {strides = array<i32>} : memref<32x768xf32, #tpu.memory_space<vmem>>, vector<1x16xf32>,
        %parallel_loop3A_1059 = vector.shape_cast %parallel_loop3A_1058 : vector<1x16xf32> to vector<16xf32>
        %parallel_loop3A_1060 = vector.shape_cast %parallel_loop3A_1055 : vector<16xf32> to vector<1x16xf32>
        tpu.vector_store %arg8[%parallel_loop3A_1056, %parallel_loop3A_1057], %parallel_loop3A_1060 {strides = array<i32>} : memref<32x768xf32, #tpu.memory_space<vmem>>, vector<1x16xf32>,
      } {sc.loop_unroll_factor = 4 : i64, sc.parallel_access}
      %mul3A_41 = arith.constant 32 : i32
      %mul3A_42 = arith.muli %mul3A_30, %mul3A_41 : i32
      %add3A_43 = arith.addi %mul3A_2, %mul3A_42 : i32
      %dma_start3A_44 = arith.constant 0 : i32
      %dma_start3A_45 = tpu.memref_slice %arg4[%add3A_43, %dma_start3A_44] : memref<16384x768xf32, #tpu.memory_space<hbm>> -> memref<32x768xf32, #tpu.memory_space<hbm>>
      %dma_start3A_46 = arith.constant 0 : i32
      %dma_start3A_47 = tpu.memref_slice %arg4[%add3A_43, %dma_start3A_46] : memref<16384x768xf32, #tpu.memory_space<hbm>> -> memref<32x768xf32, #tpu.memory_space<hbm>>
      tpu.enqueue_dma source(%arg8 : memref<32x768xf32, #tpu.memory_space<vmem>>) target(%dma_start3A_47 : memref<32x768xf32, #tpu.memory_space<hbm>>) target_semaphore(%arg12 : memref<!tpu.dma_semaphore, #tpu.memory_space<semaphore_mem>>)
      %lt3A = arith.constant 7 : i32
      %lt3A_48 = arith.cmpi slt, %scan3A_28, %lt3A : i32
      %convert_element_type3A_49 = arith.extui %lt3A_48 : i1 to i32
      %cond3A_50 = arith.constant 0 : i32
      %cond3A_51 = arith.cmpi ne, %convert_element_type3A_49, %cond3A_50 : i32
      scf.if %cond3A_51 {
        %add3A_82 = arith.constant 2 : i32
        %add3A_83 = arith.addi %mul3A_30, %add3A_82 : i32
        %mul3A_84 = arith.constant 32 : i32
        %mul3A_85 = arith.muli %add3A_83, %mul3A_84 : i32
        %dma_start3A_86 = tpu.memref_slice %arg5[%mul3A_85] : memref<512xi32, #tpu.memory_space<vmem>> -> memref<32xi32, #tpu.memory_space<vmem>>
        %dma_start3A_87 = arith.constant 0 : i32
        %dma_start3A_88 = arith.constant 0 : i32
        %dma_start3A_89 = tpu.memref_slice %arg3[%dma_start3A_87, %dma_start3A_88] : memref<100000x768xf32, #tpu.memory_space<hbm>> -> memref<100000x768xf32, #tpu.memory_space<hbm>>
        tpu.enqueue_indirect_dma source(%dma_start3A_89 : memref<100000x768xf32, #tpu.memory_space<hbm>>) target(%arg6 : memref<32x768xf32, #tpu.memory_space<vmem>>) offsets(%dma_start3A_86 : memref<32xi32, #tpu.memory_space<vmem>>) semaphore(%arg10 : memref<!tpu.dma_semaphore, #tpu.memory_space<semaphore_mem>>)
      } else {
      }
      %add3A_52 = arith.constant 1 : i32
      %add3A_53 = arith.addi %mul3A_30, %add3A_52 : i32
      %mul3A_54 = arith.constant 32 : i32
      %mul3A_55 = arith.muli %add3A_53, %mul3A_54 : i32
      %dma_wait3A_56 = tpu.memref_slice %arg5[%mul3A_55] : memref<512xi32, #tpu.memory_space<vmem>> -> memref<32xi32, #tpu.memory_space<vmem>>
      %dma_wait3A_57 = arith.constant 0 : i32
      %dma_wait3A_58 = arith.constant 0 : i32
      %dma_wait3A_59 = tpu.memref_slice %arg3[%dma_wait3A_57, %dma_wait3A_58] : memref<100000x768xf32, #tpu.memory_space<hbm>> -> memref<100000x768xf32, #tpu.memory_space<hbm>>
      tpu.wait_indirect_dma semaphore(%arg11 : memref<!tpu.dma_semaphore, #tpu.memory_space<semaphore_mem>>) src(%dma_wait3A_59 : memref<100000x768xf32, #tpu.memory_space<hbm>>) dst(%arg7 : memref<32x768xf32, #tpu.memory_space<vmem>>)
      %gt3A_60 = arith.constant 0 : i32
      %gt3A_61 = arith.cmpi sgt, %scan3A_28, %gt3A_60 : i32
      %convert_element_type3A_62 = arith.extui %gt3A_61 : i1 to i32
      %cond3A_63 = arith.constant 0 : i32
      %cond3A_64 = arith.cmpi ne, %convert_element_type3A_62, %cond3A_63 : i32
      scf.if %cond3A_64 {
        %sub3A = arith.constant 1 : i32
        %sub3A_82 = arith.subi %mul3A_30, %sub3A : i32
        %mul3A_83 = arith.constant 32 : i32
        %mul3A_84 = arith.muli %sub3A_82, %mul3A_83 : i32
        %add3A_85 = arith.addi %mul3A_2, %mul3A_84 : i32
        %dma_wait3A_86 = arith.constant 0 : i32
        %dma_wait3A_87 = tpu.memref_slice %arg4[%add3A_85, %dma_wait3A_86] : memref<16384x768xf32, #tpu.memory_space<hbm>> -> memref<32x768xf32, #tpu.memory_space<hbm>>
        %dma_wait3A_88 = arith.constant 0 : i32
        %dma_wait3A_89 = tpu.memref_slice %arg4[%add3A_85, %dma_wait3A_88] : memref<16384x768xf32, #tpu.memory_space<hbm>> -> memref<32x768xf32, #tpu.memory_space<hbm>>
        tpu.wait_dma2 semaphore(%arg13 : memref<!tpu.dma_semaphore, #tpu.memory_space<semaphore_mem>>) src(%arg9 : memref<32x768xf32, #tpu.memory_space<vmem>>) dst(%dma_wait3A_89 : memref<32x768xf32, #tpu.memory_space<hbm>>)
      } else {
      }
      %parallel_loop3A_65 = arith.constant 0 : i32
      %parallel_loop3A_66 = arith.constant 32 : i32
      %parallel_loop3A_67 = arith.constant 1 : i32
      scf.for %parallel_loop3A_82 = %parallel_loop3A_65 to %parallel_loop3A_66 step %parallel_loop3A_67  : i32 {
        %parallel_loop3A_83 = arith.constant 0.000000e+00 : f32
        %parallel_loop3A_84 = vector.broadcast %parallel_loop3A_83 : f32 to vector<16xf32>
        %parallel_loop3A_85 = arith.constant 0.000000e+00 : f32
        %parallel_loop3A_86 = vector.broadcast %parallel_loop3A_85 : f32 to vector<16xf32>
        %parallel_loop3A_87 = arith.constant 0.000000e+00 : f32
        %parallel_loop3A_88 = vector.broadcast %parallel_loop3A_87 : f32 to vector<16xf32>
        %parallel_loop3A_89 = arith.constant 0.000000e+00 : f32
        %parallel_loop3A_90 = vector.broadcast %parallel_loop3A_89 : f32 to vector<16xf32>
        %parallel_loop3A_91 = arith.index_cast %parallel_loop3A_82 : i32 to index
        %parallel_loop3A_92 = arith.constant 0 : index
        %parallel_loop3A_93 = tpu.vector_load %arg7[%parallel_loop3A_91, %parallel_loop3A_92] {strides = array<i32>} : memref<32x768xf32, #tpu.memory_space<vmem>>, vector<1x16xf32>,
        %parallel_loop3A_94 = vector.shape_cast %parallel_loop3A_93 : vector<1x16xf32> to vector<16xf32>
        %parallel_loop3A_95 = arith.addf %parallel_loop3A_84, %parallel_loop3A_94 : vector<16xf32>
        %parallel_loop3A_96 = arith.mulf %parallel_loop3A_94, %parallel_loop3A_94 : vector<16xf32>
        %parallel_loop3A_97 = arith.addf %parallel_loop3A_88, %parallel_loop3A_96 : vector<16xf32>
        %parallel_loop3A_98 = arith.index_cast %parallel_loop3A_82 : i32 to index
        %parallel_loop3A_99 = arith.constant 16 : index
        %parallel_loop3A_100 = tpu.vector_load %arg7[%parallel_loop3A_98, %parallel_loop3A_99] {strides = array<i32>} : memref<32x768xf32, #tpu.memory_space<vmem>>, vector<1x16xf32>,
        %parallel_loop3A_101 = vector.shape_cast %parallel_loop3A_100 : vector<1x16xf32> to vector<16xf32>
        %parallel_loop3A_102 = arith.addf %parallel_loop3A_86, %parallel_loop3A_101 : vector<16xf32>
        %parallel_loop3A_103 = arith.mulf %parallel_loop3A_101, %parallel_loop3A_101 : vector<16xf32>
        %parallel_loop3A_104 = arith.addf %parallel_loop3A_90, %parallel_loop3A_103 : vector<16xf32>
        %parallel_loop3A_105 = arith.index_cast %parallel_loop3A_82 : i32 to index
        %parallel_loop3A_106 = arith.constant 32 : index
        %parallel_loop3A_107 = tpu.vector_load %arg7[%parallel_loop3A_105, %parallel_loop3A_106] {strides = array<i32>} : memref<32x768xf32, #tpu.memory_space<vmem>>, vector<1x16xf32>,
        %parallel_loop3A_108 = vector.shape_cast %parallel_loop3A_107 : vector<1x16xf32> to vector<16xf32>
        %parallel_loop3A_109 = arith.addf %parallel_loop3A_95, %parallel_loop3A_108 : vector<16xf32>
        %parallel_loop3A_110 = arith.mulf %parallel_loop3A_108, %parallel_loop3A_108 : vector<16xf32>
        %parallel_loop3A_111 = arith.addf %parallel_loop3A_97, %parallel_loop3A_110 : vector<16xf32>
        %parallel_loop3A_112 = arith.index_cast %parallel_loop3A_82 : i32 to index
        %parallel_loop3A_113 = arith.constant 48 : index
        %parallel_loop3A_114 = tpu.vector_load %arg7[%parallel_loop3A_112, %parallel_loop3A_113] {strides = array<i32>} : memref<32x768xf32, #tpu.memory_space<vmem>>, vector<1x16xf32>,
        %parallel_loop3A_115 = vector.shape_cast %parallel_loop3A_114 : vector<1x16xf32> to vector<16xf32>
        %parallel_loop3A_116 = arith.addf %parallel_loop3A_102, %parallel_loop3A_115 : vector<16xf32>
        %parallel_loop3A_117 = arith.mulf %parallel_loop3A_115, %parallel_loop3A_115 : vector<16xf32>
        %parallel_loop3A_118 = arith.addf %parallel_loop3A_104, %parallel_loop3A_117 : vector<16xf32>
        %parallel_loop3A_119 = arith.index_cast %parallel_loop3A_82 : i32 to index
        %parallel_loop3A_120 = arith.constant 64 : index
        %parallel_loop3A_121 = tpu.vector_load %arg7[%parallel_loop3A_119, %parallel_loop3A_120] {strides = array<i32>} : memref<32x768xf32, #tpu.memory_space<vmem>>, vector<1x16xf32>,
        %parallel_loop3A_122 = vector.shape_cast %parallel_loop3A_121 : vector<1x16xf32> to vector<16xf32>
        %parallel_loop3A_123 = arith.addf %parallel_loop3A_109, %parallel_loop3A_122 : vector<16xf32>
        %parallel_loop3A_124 = arith.mulf %parallel_loop3A_122, %parallel_loop3A_122 : vector<16xf32>
        %parallel_loop3A_125 = arith.addf %parallel_loop3A_111, %parallel_loop3A_124 : vector<16xf32>
        %parallel_loop3A_126 = arith.index_cast %parallel_loop3A_82 : i32 to index
        %parallel_loop3A_127 = arith.constant 80 : index
        %parallel_loop3A_128 = tpu.vector_load %arg7[%parallel_loop3A_126, %parallel_loop3A_127] {strides = array<i32>} : memref<32x768xf32, #tpu.memory_space<vmem>>, vector<1x16xf32>,
        %parallel_loop3A_129 = vector.shape_cast %parallel_loop3A_128 : vector<1x16xf32> to vector<16xf32>
        %parallel_loop3A_130 = arith.addf %parallel_loop3A_116, %parallel_loop3A_129 : vector<16xf32>
        %parallel_loop3A_131 = arith.mulf %parallel_loop3A_129, %parallel_loop3A_129 : vector<16xf32>
        %parallel_loop3A_132 = arith.addf %parallel_loop3A_118, %parallel_loop3A_131 : vector<16xf32>
        %parallel_loop3A_133 = arith.index_cast %parallel_loop3A_82 : i32 to index
        %parallel_loop3A_134 = arith.constant 96 : index
        %parallel_loop3A_135 = tpu.vector_load %arg7[%parallel_loop3A_133, %parallel_loop3A_134] {strides = array<i32>} : memref<32x768xf32, #tpu.memory_space<vmem>>, vector<1x16xf32>,
        %parallel_loop3A_136 = vector.shape_cast %parallel_loop3A_135 : vector<1x16xf32> to vector<16xf32>
        %parallel_loop3A_137 = arith.addf %parallel_loop3A_123, %parallel_loop3A_136 : vector<16xf32>
        %parallel_loop3A_138 = arith.mulf %parallel_loop3A_136, %parallel_loop3A_136 : vector<16xf32>
        %parallel_loop3A_139 = arith.addf %parallel_loop3A_125, %parallel_loop3A_138 : vector<16xf32>
        %parallel_loop3A_140 = arith.index_cast %parallel_loop3A_82 : i32 to index
        %parallel_loop3A_141 = arith.constant 112 : index
        %parallel_loop3A_142 = tpu.vector_load %arg7[%parallel_loop3A_140, %parallel_loop3A_141] {strides = array<i32>} : memref<32x768xf32, #tpu.memory_space<vmem>>, vector<1x16xf32>,
        %parallel_loop3A_143 = vector.shape_cast %parallel_loop3A_142 : vector<1x16xf32> to vector<16xf32>
        %parallel_loop3A_144 = arith.addf %parallel_loop3A_130, %parallel_loop3A_143 : vector<16xf32>
        %parallel_loop3A_145 = arith.mulf %parallel_loop3A_143, %parallel_loop3A_143 : vector<16xf32>
        %parallel_loop3A_146 = arith.addf %parallel_loop3A_132, %parallel_loop3A_145 : vector<16xf32>
        %parallel_loop3A_147 = arith.index_cast %parallel_loop3A_82 : i32 to index
        %parallel_loop3A_148 = arith.constant 128 : index
        %parallel_loop3A_149 = tpu.vector_load %arg7[%parallel_loop3A_147, %parallel_loop3A_148] {strides = array<i32>} : memref<32x768xf32, #tpu.memory_space<vmem>>, vector<1x16xf32>,
        %parallel_loop3A_150 = vector.shape_cast %parallel_loop3A_149 : vector<1x16xf32> to vector<16xf32>
        %parallel_loop3A_151 = arith.addf %parallel_loop3A_137, %parallel_loop3A_150 : vector<16xf32>
        %parallel_loop3A_152 = arith.mulf %parallel_loop3A_150, %parallel_loop3A_150 : vector<16xf32>
        %parallel_loop3A_153 = arith.addf %parallel_loop3A_139, %parallel_loop3A_152 : vector<16xf32>
        %parallel_loop3A_154 = arith.index_cast %parallel_loop3A_82 : i32 to index
        %parallel_loop3A_155 = arith.constant 144 : index
        %parallel_loop3A_156 = tpu.vector_load %arg7[%parallel_loop3A_154, %parallel_loop3A_155] {strides = array<i32>} : memref<32x768xf32, #tpu.memory_space<vmem>>, vector<1x16xf32>,
        %parallel_loop3A_157 = vector.shape_cast %parallel_loop3A_156 : vector<1x16xf32> to vector<16xf32>
        %parallel_loop3A_158 = arith.addf %parallel_loop3A_144, %parallel_loop3A_157 : vector<16xf32>
        %parallel_loop3A_159 = arith.mulf %parallel_loop3A_157, %parallel_loop3A_157 : vector<16xf32>
        %parallel_loop3A_160 = arith.addf %parallel_loop3A_146, %parallel_loop3A_159 : vector<16xf32>
        %parallel_loop3A_161 = arith.index_cast %parallel_loop3A_82 : i32 to index
        %parallel_loop3A_162 = arith.constant 160 : index
        %parallel_loop3A_163 = tpu.vector_load %arg7[%parallel_loop3A_161, %parallel_loop3A_162] {strides = array<i32>} : memref<32x768xf32, #tpu.memory_space<vmem>>, vector<1x16xf32>,
        %parallel_loop3A_164 = vector.shape_cast %parallel_loop3A_163 : vector<1x16xf32> to vector<16xf32>
        %parallel_loop3A_165 = arith.addf %parallel_loop3A_151, %parallel_loop3A_164 : vector<16xf32>
        %parallel_loop3A_166 = arith.mulf %parallel_loop3A_164, %parallel_loop3A_164 : vector<16xf32>
        %parallel_loop3A_167 = arith.addf %parallel_loop3A_153, %parallel_loop3A_166 : vector<16xf32>
        %parallel_loop3A_168 = arith.index_cast %parallel_loop3A_82 : i32 to index
        %parallel_loop3A_169 = arith.constant 176 : index
        %parallel_loop3A_170 = tpu.vector_load %arg7[%parallel_loop3A_168, %parallel_loop3A_169] {strides = array<i32>} : memref<32x768xf32, #tpu.memory_space<vmem>>, vector<1x16xf32>,
        %parallel_loop3A_171 = vector.shape_cast %parallel_loop3A_170 : vector<1x16xf32> to vector<16xf32>
        %parallel_loop3A_172 = arith.addf %parallel_loop3A_158, %parallel_loop3A_171 : vector<16xf32>
        %parallel_loop3A_173 = arith.mulf %parallel_loop3A_171, %parallel_loop3A_171 : vector<16xf32>
        %parallel_loop3A_174 = arith.addf %parallel_loop3A_160, %parallel_loop3A_173 : vector<16xf32>
        %parallel_loop3A_175 = arith.index_cast %parallel_loop3A_82 : i32 to index
        %parallel_loop3A_176 = arith.constant 192 : index
        %parallel_loop3A_177 = tpu.vector_load %arg7[%parallel_loop3A_175, %parallel_loop3A_176] {strides = array<i32>} : memref<32x768xf32, #tpu.memory_space<vmem>>, vector<1x16xf32>,
        %parallel_loop3A_178 = vector.shape_cast %parallel_loop3A_177 : vector<1x16xf32> to vector<16xf32>
        %parallel_loop3A_179 = arith.addf %parallel_loop3A_165, %parallel_loop3A_178 : vector<16xf32>
        %parallel_loop3A_180 = arith.mulf %parallel_loop3A_178, %parallel_loop3A_178 : vector<16xf32>
        %parallel_loop3A_181 = arith.addf %parallel_loop3A_167, %parallel_loop3A_180 : vector<16xf32>
        %parallel_loop3A_182 = arith.index_cast %parallel_loop3A_82 : i32 to index
        %parallel_loop3A_183 = arith.constant 208 : index
        %parallel_loop3A_184 = tpu.vector_load %arg7[%parallel_loop3A_182, %parallel_loop3A_183] {strides = array<i32>} : memref<32x768xf32, #tpu.memory_space<vmem>>, vector<1x16xf32>,
        %parallel_loop3A_185 = vector.shape_cast %parallel_loop3A_184 : vector<1x16xf32> to vector<16xf32>
        %parallel_loop3A_186 = arith.addf %parallel_loop3A_172, %parallel_loop3A_185 : vector<16xf32>
        %parallel_loop3A_187 = arith.mulf %parallel_loop3A_185, %parallel_loop3A_185 : vector<16xf32>
        %parallel_loop3A_188 = arith.addf %parallel_loop3A_174, %parallel_loop3A_187 : vector<16xf32>
        %parallel_loop3A_189 = arith.index_cast %parallel_loop3A_82 : i32 to index
        %parallel_loop3A_190 = arith.constant 224 : index
        %parallel_loop3A_191 = tpu.vector_load %arg7[%parallel_loop3A_189, %parallel_loop3A_190] {strides = array<i32>} : memref<32x768xf32, #tpu.memory_space<vmem>>, vector<1x16xf32>,
        %parallel_loop3A_192 = vector.shape_cast %parallel_loop3A_191 : vector<1x16xf32> to vector<16xf32>
        %parallel_loop3A_193 = arith.addf %parallel_loop3A_179, %parallel_loop3A_192 : vector<16xf32>
        %parallel_loop3A_194 = arith.mulf %parallel_loop3A_192, %parallel_loop3A_192 : vector<16xf32>
        %parallel_loop3A_195 = arith.addf %parallel_loop3A_181, %parallel_loop3A_194 : vector<16xf32>
        %parallel_loop3A_196 = arith.index_cast %parallel_loop3A_82 : i32 to index
        %parallel_loop3A_197 = arith.constant 240 : index
        %parallel_loop3A_198 = tpu.vector_load %arg7[%parallel_loop3A_196, %parallel_loop3A_197] {strides = array<i32>} : memref<32x768xf32, #tpu.memory_space<vmem>>, vector<1x16xf32>,
        %parallel_loop3A_199 = vector.shape_cast %parallel_loop3A_198 : vector<1x16xf32> to vector<16xf32>
        %parallel_loop3A_200 = arith.addf %parallel_loop3A_186, %parallel_loop3A_199 : vector<16xf32>
        %parallel_loop3A_201 = arith.mulf %parallel_loop3A_199, %parallel_loop3A_199 : vector<16xf32>
        %parallel_loop3A_202 = arith.addf %parallel_loop3A_188, %parallel_loop3A_201 : vector<16xf32>
        %parallel_loop3A_203 = arith.index_cast %parallel_loop3A_82 : i32 to index
        %parallel_loop3A_204 = arith.constant 256 : index
        %parallel_loop3A_205 = tpu.vector_load %arg7[%parallel_loop3A_203, %parallel_loop3A_204] {strides = array<i32>} : memref<32x768xf32, #tpu.memory_space<vmem>>, vector<1x16xf32>,
        %parallel_loop3A_206 = vector.shape_cast %parallel_loop3A_205 : vector<1x16xf32> to vector<16xf32>
        %parallel_loop3A_207 = arith.addf %parallel_loop3A_193, %parallel_loop3A_206 : vector<16xf32>
        %parallel_loop3A_208 = arith.mulf %parallel_loop3A_206, %parallel_loop3A_206 : vector<16xf32>
        %parallel_loop3A_209 = arith.addf %parallel_loop3A_195, %parallel_loop3A_208 : vector<16xf32>
        %parallel_loop3A_210 = arith.index_cast %parallel_loop3A_82 : i32 to index
        %parallel_loop3A_211 = arith.constant 272 : index
        %parallel_loop3A_212 = tpu.vector_load %arg7[%parallel_loop3A_210, %parallel_loop3A_211] {strides = array<i32>} : memref<32x768xf32, #tpu.memory_space<vmem>>, vector<1x16xf32>,
        %parallel_loop3A_213 = vector.shape_cast %parallel_loop3A_212 : vector<1x16xf32> to vector<16xf32>
        %parallel_loop3A_214 = arith.addf %parallel_loop3A_200, %parallel_loop3A_213 : vector<16xf32>
        %parallel_loop3A_215 = arith.mulf %parallel_loop3A_213, %parallel_loop3A_213 : vector<16xf32>
        %parallel_loop3A_216 = arith.addf %parallel_loop3A_202, %parallel_loop3A_215 : vector<16xf32>
        %parallel_loop3A_217 = arith.index_cast %parallel_loop3A_82 : i32 to index
        %parallel_loop3A_218 = arith.constant 288 : index
        %parallel_loop3A_219 = tpu.vector_load %arg7[%parallel_loop3A_217, %parallel_loop3A_218] {strides = array<i32>} : memref<32x768xf32, #tpu.memory_space<vmem>>, vector<1x16xf32>,
        %parallel_loop3A_220 = vector.shape_cast %parallel_loop3A_219 : vector<1x16xf32> to vector<16xf32>
        %parallel_loop3A_221 = arith.addf %parallel_loop3A_207, %parallel_loop3A_220 : vector<16xf32>
        %parallel_loop3A_222 = arith.mulf %parallel_loop3A_220, %parallel_loop3A_220 : vector<16xf32>
        %parallel_loop3A_223 = arith.addf %parallel_loop3A_209, %parallel_loop3A_222 : vector<16xf32>
        %parallel_loop3A_224 = arith.index_cast %parallel_loop3A_82 : i32 to index
        %parallel_loop3A_225 = arith.constant 304 : index
        %parallel_loop3A_226 = tpu.vector_load %arg7[%parallel_loop3A_224, %parallel_loop3A_225] {strides = array<i32>} : memref<32x768xf32, #tpu.memory_space<vmem>>, vector<1x16xf32>,
        %parallel_loop3A_227 = vector.shape_cast %parallel_loop3A_226 : vector<1x16xf32> to vector<16xf32>
        %parallel_loop3A_228 = arith.addf %parallel_loop3A_214, %parallel_loop3A_227 : vector<16xf32>
        %parallel_loop3A_229 = arith.mulf %parallel_loop3A_227, %parallel_loop3A_227 : vector<16xf32>
        %parallel_loop3A_230 = arith.addf %parallel_loop3A_216, %parallel_loop3A_229 : vector<16xf32>
        %parallel_loop3A_231 = arith.index_cast %parallel_loop3A_82 : i32 to index
        %parallel_loop3A_232 = arith.constant 320 : index
        %parallel_loop3A_233 = tpu.vector_load %arg7[%parallel_loop3A_231, %parallel_loop3A_232] {strides = array<i32>} : memref<32x768xf32, #tpu.memory_space<vmem>>, vector<1x16xf32>,
        %parallel_loop3A_234 = vector.shape_cast %parallel_loop3A_233 : vector<1x16xf32> to vector<16xf32>
        %parallel_loop3A_235 = arith.addf %parallel_loop3A_221, %parallel_loop3A_234 : vector<16xf32>
        %parallel_loop3A_236 = arith.mulf %parallel_loop3A_234, %parallel_loop3A_234 : vector<16xf32>
        %parallel_loop3A_237 = arith.addf %parallel_loop3A_223, %parallel_loop3A_236 : vector<16xf32>
        %parallel_loop3A_238 = arith.index_cast %parallel_loop3A_82 : i32 to index
        %parallel_loop3A_239 = arith.constant 336 : index
        %parallel_loop3A_240 = tpu.vector_load %arg7[%parallel_loop3A_238, %parallel_loop3A_239] {strides = array<i32>} : memref<32x768xf32, #tpu.memory_space<vmem>>, vector<1x16xf32>,
        %parallel_loop3A_241 = vector.shape_cast %parallel_loop3A_240 : vector<1x16xf32> to vector<16xf32>
        %parallel_loop3A_242 = arith.addf %parallel_loop3A_228, %parallel_loop3A_241 : vector<16xf32>
        %parallel_loop3A_243 = arith.mulf %parallel_loop3A_241, %parallel_loop3A_241 : vector<16xf32>
        %parallel_loop3A_244 = arith.addf %parallel_loop3A_230, %parallel_loop3A_243 : vector<16xf32>
        %parallel_loop3A_245 = arith.index_cast %parallel_loop3A_82 : i32 to index
        %parallel_loop3A_246 = arith.constant 352 : index
        %parallel_loop3A_247 = tpu.vector_load %arg7[%parallel_loop3A_245, %parallel_loop3A_246] {strides = array<i32>} : memref<32x768xf32, #tpu.memory_space<vmem>>, vector<1x16xf32>,
        %parallel_loop3A_248 = vector.shape_cast %parallel_loop3A_247 : vector<1x16xf32> to vector<16xf32>
        %parallel_loop3A_249 = arith.addf %parallel_loop3A_235, %parallel_loop3A_248 : vector<16xf32>
        %parallel_loop3A_250 = arith.mulf %parallel_loop3A_248, %parallel_loop3A_248 : vector<16xf32>
        %parallel_loop3A_251 = arith.addf %parallel_loop3A_237, %parallel_loop3A_250 : vector<16xf32>
        %parallel_loop3A_252 = arith.index_cast %parallel_loop3A_82 : i32 to index
        %parallel_loop3A_253 = arith.constant 368 : index
        %parallel_loop3A_254 = tpu.vector_load %arg7[%parallel_loop3A_252, %parallel_loop3A_253] {strides = array<i32>} : memref<32x768xf32, #tpu.memory_space<vmem>>, vector<1x16xf32>,
        %parallel_loop3A_255 = vector.shape_cast %parallel_loop3A_254 : vector<1x16xf32> to vector<16xf32>
        %parallel_loop3A_256 = arith.addf %parallel_loop3A_242, %parallel_loop3A_255 : vector<16xf32>
        %parallel_loop3A_257 = arith.mulf %parallel_loop3A_255, %parallel_loop3A_255 : vector<16xf32>
        %parallel_loop3A_258 = arith.addf %parallel_loop3A_244, %parallel_loop3A_257 : vector<16xf32>
        %parallel_loop3A_259 = arith.index_cast %parallel_loop3A_82 : i32 to index
        %parallel_loop3A_260 = arith.constant 384 : index
        %parallel_loop3A_261 = tpu.vector_load %arg7[%parallel_loop3A_259, %parallel_loop3A_260] {strides = array<i32>} : memref<32x768xf32, #tpu.memory_space<vmem>>, vector<1x16xf32>,
        %parallel_loop3A_262 = vector.shape_cast %parallel_loop3A_261 : vector<1x16xf32> to vector<16xf32>
        %parallel_loop3A_263 = arith.addf %parallel_loop3A_249, %parallel_loop3A_262 : vector<16xf32>
        %parallel_loop3A_264 = arith.mulf %parallel_loop3A_262, %parallel_loop3A_262 : vector<16xf32>
        %parallel_loop3A_265 = arith.addf %parallel_loop3A_251, %parallel_loop3A_264 : vector<16xf32>
        %parallel_loop3A_266 = arith.index_cast %parallel_loop3A_82 : i32 to index
        %parallel_loop3A_267 = arith.constant 400 : index
        %parallel_loop3A_268 = tpu.vector_load %arg7[%parallel_loop3A_266, %parallel_loop3A_267] {strides = array<i32>} : memref<32x768xf32, #tpu.memory_space<vmem>>, vector<1x16xf32>,
        %parallel_loop3A_269 = vector.shape_cast %parallel_loop3A_268 : vector<1x16xf32> to vector<16xf32>
        %parallel_loop3A_270 = arith.addf %parallel_loop3A_256, %parallel_loop3A_269 : vector<16xf32>
        %parallel_loop3A_271 = arith.mulf %parallel_loop3A_269, %parallel_loop3A_269 : vector<16xf32>
        %parallel_loop3A_272 = arith.addf %parallel_loop3A_258, %parallel_loop3A_271 : vector<16xf32>
        %parallel_loop3A_273 = arith.index_cast %parallel_loop3A_82 : i32 to index
        %parallel_loop3A_274 = arith.constant 416 : index
        %parallel_loop3A_275 = tpu.vector_load %arg7[%parallel_loop3A_273, %parallel_loop3A_274] {strides = array<i32>} : memref<32x768xf32, #tpu.memory_space<vmem>>, vector<1x16xf32>,
        %parallel_loop3A_276 = vector.shape_cast %parallel_loop3A_275 : vector<1x16xf32> to vector<16xf32>
        %parallel_loop3A_277 = arith.addf %parallel_loop3A_263, %parallel_loop3A_276 : vector<16xf32>
        %parallel_loop3A_278 = arith.mulf %parallel_loop3A_276, %parallel_loop3A_276 : vector<16xf32>
        %parallel_loop3A_279 = arith.addf %parallel_loop3A_265, %parallel_loop3A_278 : vector<16xf32>
        %parallel_loop3A_280 = arith.index_cast %parallel_loop3A_82 : i32 to index
        %parallel_loop3A_281 = arith.constant 432 : index
        %parallel_loop3A_282 = tpu.vector_load %arg7[%parallel_loop3A_280, %parallel_loop3A_281] {strides = array<i32>} : memref<32x768xf32, #tpu.memory_space<vmem>>, vector<1x16xf32>,
        %parallel_loop3A_283 = vector.shape_cast %parallel_loop3A_282 : vector<1x16xf32> to vector<16xf32>
        %parallel_loop3A_284 = arith.addf %parallel_loop3A_270, %parallel_loop3A_283 : vector<16xf32>
        %parallel_loop3A_285 = arith.mulf %parallel_loop3A_283, %parallel_loop3A_283 : vector<16xf32>
        %parallel_loop3A_286 = arith.addf %parallel_loop3A_272, %parallel_loop3A_285 : vector<16xf32>
        %parallel_loop3A_287 = arith.index_cast %parallel_loop3A_82 : i32 to index
        %parallel_loop3A_288 = arith.constant 448 : index
        %parallel_loop3A_289 = tpu.vector_load %arg7[%parallel_loop3A_287, %parallel_loop3A_288] {strides = array<i32>} : memref<32x768xf32, #tpu.memory_space<vmem>>, vector<1x16xf32>,
        %parallel_loop3A_290 = vector.shape_cast %parallel_loop3A_289 : vector<1x16xf32> to vector<16xf32>
        %parallel_loop3A_291 = arith.addf %parallel_loop3A_277, %parallel_loop3A_290 : vector<16xf32>
        %parallel_loop3A_292 = arith.mulf %parallel_loop3A_290, %parallel_loop3A_290 : vector<16xf32>
        %parallel_loop3A_293 = arith.addf %parallel_loop3A_279, %parallel_loop3A_292 : vector<16xf32>
        %parallel_loop3A_294 = arith.index_cast %parallel_loop3A_82 : i32 to index
        %parallel_loop3A_295 = arith.constant 464 : index
        %parallel_loop3A_296 = tpu.vector_load %arg7[%parallel_loop3A_294, %parallel_loop3A_295] {strides = array<i32>} : memref<32x768xf32, #tpu.memory_space<vmem>>, vector<1x16xf32>,
        %parallel_loop3A_297 = vector.shape_cast %parallel_loop3A_296 : vector<1x16xf32> to vector<16xf32>
        %parallel_loop3A_298 = arith.addf %parallel_loop3A_284, %parallel_loop3A_297 : vector<16xf32>
        %parallel_loop3A_299 = arith.mulf %parallel_loop3A_297, %parallel_loop3A_297 : vector<16xf32>
        %parallel_loop3A_300 = arith.addf %parallel_loop3A_286, %parallel_loop3A_299 : vector<16xf32>
        %parallel_loop3A_301 = arith.index_cast %parallel_loop3A_82 : i32 to index
        %parallel_loop3A_302 = arith.constant 480 : index
        %parallel_loop3A_303 = tpu.vector_load %arg7[%parallel_loop3A_301, %parallel_loop3A_302] {strides = array<i32>} : memref<32x768xf32, #tpu.memory_space<vmem>>, vector<1x16xf32>,
        %parallel_loop3A_304 = vector.shape_cast %parallel_loop3A_303 : vector<1x16xf32> to vector<16xf32>
        %parallel_loop3A_305 = arith.addf %parallel_loop3A_291, %parallel_loop3A_304 : vector<16xf32>
        %parallel_loop3A_306 = arith.mulf %parallel_loop3A_304, %parallel_loop3A_304 : vector<16xf32>
        %parallel_loop3A_307 = arith.addf %parallel_loop3A_293, %parallel_loop3A_306 : vector<16xf32>
        %parallel_loop3A_308 = arith.index_cast %parallel_loop3A_82 : i32 to index
        %parallel_loop3A_309 = arith.constant 496 : index
        %parallel_loop3A_310 = tpu.vector_load %arg7[%parallel_loop3A_308, %parallel_loop3A_309] {strides = array<i32>} : memref<32x768xf32, #tpu.memory_space<vmem>>, vector<1x16xf32>,
        %parallel_loop3A_311 = vector.shape_cast %parallel_loop3A_310 : vector<1x16xf32> to vector<16xf32>
        %parallel_loop3A_312 = arith.addf %parallel_loop3A_298, %parallel_loop3A_311 : vector<16xf32>
        %parallel_loop3A_313 = arith.mulf %parallel_loop3A_311, %parallel_loop3A_311 : vector<16xf32>
        %parallel_loop3A_314 = arith.addf %parallel_loop3A_300, %parallel_loop3A_313 : vector<16xf32>
        %parallel_loop3A_315 = arith.index_cast %parallel_loop3A_82 : i32 to index
        %parallel_loop3A_316 = arith.constant 512 : index
        %parallel_loop3A_317 = tpu.vector_load %arg7[%parallel_loop3A_315, %parallel_loop3A_316] {strides = array<i32>} : memref<32x768xf32, #tpu.memory_space<vmem>>, vector<1x16xf32>,
        %parallel_loop3A_318 = vector.shape_cast %parallel_loop3A_317 : vector<1x16xf32> to vector<16xf32>
        %parallel_loop3A_319 = arith.addf %parallel_loop3A_305, %parallel_loop3A_318 : vector<16xf32>
        %parallel_loop3A_320 = arith.mulf %parallel_loop3A_318, %parallel_loop3A_318 : vector<16xf32>
        %parallel_loop3A_321 = arith.addf %parallel_loop3A_307, %parallel_loop3A_320 : vector<16xf32>
        %parallel_loop3A_322 = arith.index_cast %parallel_loop3A_82 : i32 to index
        %parallel_loop3A_323 = arith.constant 528 : index
        %parallel_loop3A_324 = tpu.vector_load %arg7[%parallel_loop3A_322, %parallel_loop3A_323] {strides = array<i32>} : memref<32x768xf32, #tpu.memory_space<vmem>>, vector<1x16xf32>,
        %parallel_loop3A_325 = vector.shape_cast %parallel_loop3A_324 : vector<1x16xf32> to vector<16xf32>
        %parallel_loop3A_326 = arith.addf %parallel_loop3A_312, %parallel_loop3A_325 : vector<16xf32>
        %parallel_loop3A_327 = arith.mulf %parallel_loop3A_325, %parallel_loop3A_325 : vector<16xf32>
        %parallel_loop3A_328 = arith.addf %parallel_loop3A_314, %parallel_loop3A_327 : vector<16xf32>
        %parallel_loop3A_329 = arith.index_cast %parallel_loop3A_82 : i32 to index
        %parallel_loop3A_330 = arith.constant 544 : index
        %parallel_loop3A_331 = tpu.vector_load %arg7[%parallel_loop3A_329, %parallel_loop3A_330] {strides = array<i32>} : memref<32x768xf32, #tpu.memory_space<vmem>>, vector<1x16xf32>,
        %parallel_loop3A_332 = vector.shape_cast %parallel_loop3A_331 : vector<1x16xf32> to vector<16xf32>
        %parallel_loop3A_333 = arith.addf %parallel_loop3A_319, %parallel_loop3A_332 : vector<16xf32>
        %parallel_loop3A_334 = arith.mulf %parallel_loop3A_332, %parallel_loop3A_332 : vector<16xf32>
        %parallel_loop3A_335 = arith.addf %parallel_loop3A_321, %parallel_loop3A_334 : vector<16xf32>
        %parallel_loop3A_336 = arith.index_cast %parallel_loop3A_82 : i32 to index
        %parallel_loop3A_337 = arith.constant 560 : index
        %parallel_loop3A_338 = tpu.vector_load %arg7[%parallel_loop3A_336, %parallel_loop3A_337] {strides = array<i32>} : memref<32x768xf32, #tpu.memory_space<vmem>>, vector<1x16xf32>,
        %parallel_loop3A_339 = vector.shape_cast %parallel_loop3A_338 : vector<1x16xf32> to vector<16xf32>
        %parallel_loop3A_340 = arith.addf %parallel_loop3A_326, %parallel_loop3A_339 : vector<16xf32>
        %parallel_loop3A_341 = arith.mulf %parallel_loop3A_339, %parallel_loop3A_339 : vector<16xf32>
        %parallel_loop3A_342 = arith.addf %parallel_loop3A_328, %parallel_loop3A_341 : vector<16xf32>
        %parallel_loop3A_343 = arith.index_cast %parallel_loop3A_82 : i32 to index
        %parallel_loop3A_344 = arith.constant 576 : index
        %parallel_loop3A_345 = tpu.vector_load %arg7[%parallel_loop3A_343, %parallel_loop3A_344] {strides = array<i32>} : memref<32x768xf32, #tpu.memory_space<vmem>>, vector<1x16xf32>,
        %parallel_loop3A_346 = vector.shape_cast %parallel_loop3A_345 : vector<1x16xf32> to vector<16xf32>
        %parallel_loop3A_347 = arith.addf %parallel_loop3A_333, %parallel_loop3A_346 : vector<16xf32>
        %parallel_loop3A_348 = arith.mulf %parallel_loop3A_346, %parallel_loop3A_346 : vector<16xf32>
        %parallel_loop3A_349 = arith.addf %parallel_loop3A_335, %parallel_loop3A_348 : vector<16xf32>
        %parallel_loop3A_350 = arith.index_cast %parallel_loop3A_82 : i32 to index
        %parallel_loop3A_351 = arith.constant 592 : index
        %parallel_loop3A_352 = tpu.vector_load %arg7[%parallel_loop3A_350, %parallel_loop3A_351] {strides = array<i32>} : memref<32x768xf32, #tpu.memory_space<vmem>>, vector<1x16xf32>,
        %parallel_loop3A_353 = vector.shape_cast %parallel_loop3A_352 : vector<1x16xf32> to vector<16xf32>
        %parallel_loop3A_354 = arith.addf %parallel_loop3A_340, %parallel_loop3A_353 : vector<16xf32>
        %parallel_loop3A_355 = arith.mulf %parallel_loop3A_353, %parallel_loop3A_353 : vector<16xf32>
        %parallel_loop3A_356 = arith.addf %parallel_loop3A_342, %parallel_loop3A_355 : vector<16xf32>
        %parallel_loop3A_357 = arith.index_cast %parallel_loop3A_82 : i32 to index
        %parallel_loop3A_358 = arith.constant 608 : index
        %parallel_loop3A_359 = tpu.vector_load %arg7[%parallel_loop3A_357, %parallel_loop3A_358] {strides = array<i32>} : memref<32x768xf32, #tpu.memory_space<vmem>>, vector<1x16xf32>,
        %parallel_loop3A_360 = vector.shape_cast %parallel_loop3A_359 : vector<1x16xf32> to vector<16xf32>
        %parallel_loop3A_361 = arith.addf %parallel_loop3A_347, %parallel_loop3A_360 : vector<16xf32>
        %parallel_loop3A_362 = arith.mulf %parallel_loop3A_360, %parallel_loop3A_360 : vector<16xf32>
        %parallel_loop3A_363 = arith.addf %parallel_loop3A_349, %parallel_loop3A_362 : vector<16xf32>
        %parallel_loop3A_364 = arith.index_cast %parallel_loop3A_82 : i32 to index
        %parallel_loop3A_365 = arith.constant 624 : index
        %parallel_loop3A_366 = tpu.vector_load %arg7[%parallel_loop3A_364, %parallel_loop3A_365] {strides = array<i32>} : memref<32x768xf32, #tpu.memory_space<vmem>>, vector<1x16xf32>,
        %parallel_loop3A_367 = vector.shape_cast %parallel_loop3A_366 : vector<1x16xf32> to vector<16xf32>
        %parallel_loop3A_368 = arith.addf %parallel_loop3A_354, %parallel_loop3A_367 : vector<16xf32>
        %parallel_loop3A_369 = arith.mulf %parallel_loop3A_367, %parallel_loop3A_367 : vector<16xf32>
        %parallel_loop3A_370 = arith.addf %parallel_loop3A_356, %parallel_loop3A_369 : vector<16xf32>
        %parallel_loop3A_371 = arith.index_cast %parallel_loop3A_82 : i32 to index
        %parallel_loop3A_372 = arith.constant 640 : index
        %parallel_loop3A_373 = tpu.vector_load %arg7[%parallel_loop3A_371, %parallel_loop3A_372] {strides = array<i32>} : memref<32x768xf32, #tpu.memory_space<vmem>>, vector<1x16xf32>,
        %parallel_loop3A_374 = vector.shape_cast %parallel_loop3A_373 : vector<1x16xf32> to vector<16xf32>
        %parallel_loop3A_375 = arith.addf %parallel_loop3A_361, %parallel_loop3A_374 : vector<16xf32>
        %parallel_loop3A_376 = arith.mulf %parallel_loop3A_374, %parallel_loop3A_374 : vector<16xf32>
        %parallel_loop3A_377 = arith.addf %parallel_loop3A_363, %parallel_loop3A_376 : vector<16xf32>
        %parallel_loop3A_378 = arith.index_cast %parallel_loop3A_82 : i32 to index
        %parallel_loop3A_379 = arith.constant 656 : index
        %parallel_loop3A_380 = tpu.vector_load %arg7[%parallel_loop3A_378, %parallel_loop3A_379] {strides = array<i32>} : memref<32x768xf32, #tpu.memory_space<vmem>>, vector<1x16xf32>,
        %parallel_loop3A_381 = vector.shape_cast %parallel_loop3A_380 : vector<1x16xf32> to vector<16xf32>
        %parallel_loop3A_382 = arith.addf %parallel_loop3A_368, %parallel_loop3A_381 : vector<16xf32>
        %parallel_loop3A_383 = arith.mulf %parallel_loop3A_381, %parallel_loop3A_381 : vector<16xf32>
        %parallel_loop3A_384 = arith.addf %parallel_loop3A_370, %parallel_loop3A_383 : vector<16xf32>
        %parallel_loop3A_385 = arith.index_cast %parallel_loop3A_82 : i32 to index
        %parallel_loop3A_386 = arith.constant 672 : index
        %parallel_loop3A_387 = tpu.vector_load %arg7[%parallel_loop3A_385, %parallel_loop3A_386] {strides = array<i32>} : memref<32x768xf32, #tpu.memory_space<vmem>>, vector<1x16xf32>,
        %parallel_loop3A_388 = vector.shape_cast %parallel_loop3A_387 : vector<1x16xf32> to vector<16xf32>
        %parallel_loop3A_389 = arith.addf %parallel_loop3A_375, %parallel_loop3A_388 : vector<16xf32>
        %parallel_loop3A_390 = arith.mulf %parallel_loop3A_388, %parallel_loop3A_388 : vector<16xf32>
        %parallel_loop3A_391 = arith.addf %parallel_loop3A_377, %parallel_loop3A_390 : vector<16xf32>
        %parallel_loop3A_392 = arith.index_cast %parallel_loop3A_82 : i32 to index
        %parallel_loop3A_393 = arith.constant 688 : index
        %parallel_loop3A_394 = tpu.vector_load %arg7[%parallel_loop3A_392, %parallel_loop3A_393] {strides = array<i32>} : memref<32x768xf32, #tpu.memory_space<vmem>>, vector<1x16xf32>,
        %parallel_loop3A_395 = vector.shape_cast %parallel_loop3A_394 : vector<1x16xf32> to vector<16xf32>
        %parallel_loop3A_396 = arith.addf %parallel_loop3A_382, %parallel_loop3A_395 : vector<16xf32>
        %parallel_loop3A_397 = arith.mulf %parallel_loop3A_395, %parallel_loop3A_395 : vector<16xf32>
        %parallel_loop3A_398 = arith.addf %parallel_loop3A_384, %parallel_loop3A_397 : vector<16xf32>
        %parallel_loop3A_399 = arith.index_cast %parallel_loop3A_82 : i32 to index
        %parallel_loop3A_400 = arith.constant 704 : index
        %parallel_loop3A_401 = tpu.vector_load %arg7[%parallel_loop3A_399, %parallel_loop3A_400] {strides = array<i32>} : memref<32x768xf32, #tpu.memory_space<vmem>>, vector<1x16xf32>,
        %parallel_loop3A_402 = vector.shape_cast %parallel_loop3A_401 : vector<1x16xf32> to vector<16xf32>
        %parallel_loop3A_403 = arith.addf %parallel_loop3A_389, %parallel_loop3A_402 : vector<16xf32>
        %parallel_loop3A_404 = arith.mulf %parallel_loop3A_402, %parallel_loop3A_402 : vector<16xf32>
        %parallel_loop3A_405 = arith.addf %parallel_loop3A_391, %parallel_loop3A_404 : vector<16xf32>
        %parallel_loop3A_406 = arith.index_cast %parallel_loop3A_82 : i32 to index
        %parallel_loop3A_407 = arith.constant 720 : index
        %parallel_loop3A_408 = tpu.vector_load %arg7[%parallel_loop3A_406, %parallel_loop3A_407] {strides = array<i32>} : memref<32x768xf32, #tpu.memory_space<vmem>>, vector<1x16xf32>,
        %parallel_loop3A_409 = vector.shape_cast %parallel_loop3A_408 : vector<1x16xf32> to vector<16xf32>
        %parallel_loop3A_410 = arith.addf %parallel_loop3A_396, %parallel_loop3A_409 : vector<16xf32>
        %parallel_loop3A_411 = arith.mulf %parallel_loop3A_409, %parallel_loop3A_409 : vector<16xf32>
        %parallel_loop3A_412 = arith.addf %parallel_loop3A_398, %parallel_loop3A_411 : vector<16xf32>
        %parallel_loop3A_413 = arith.index_cast %parallel_loop3A_82 : i32 to index
        %parallel_loop3A_414 = arith.constant 736 : index
        %parallel_loop3A_415 = tpu.vector_load %arg7[%parallel_loop3A_413, %parallel_loop3A_414] {strides = array<i32>} : memref<32x768xf32, #tpu.memory_space<vmem>>, vector<1x16xf32>,
        %parallel_loop3A_416 = vector.shape_cast %parallel_loop3A_415 : vector<1x16xf32> to vector<16xf32>
        %parallel_loop3A_417 = arith.addf %parallel_loop3A_403, %parallel_loop3A_416 : vector<16xf32>
        %parallel_loop3A_418 = arith.mulf %parallel_loop3A_416, %parallel_loop3A_416 : vector<16xf32>
        %parallel_loop3A_419 = arith.addf %parallel_loop3A_405, %parallel_loop3A_418 : vector<16xf32>
        %parallel_loop3A_420 = arith.index_cast %parallel_loop3A_82 : i32 to index
        %parallel_loop3A_421 = arith.constant 752 : index
        %parallel_loop3A_422 = tpu.vector_load %arg7[%parallel_loop3A_420, %parallel_loop3A_421] {strides = array<i32>} : memref<32x768xf32, #tpu.memory_space<vmem>>, vector<1x16xf32>,
        %parallel_loop3A_423 = vector.shape_cast %parallel_loop3A_422 : vector<1x16xf32> to vector<16xf32>
        %parallel_loop3A_424 = arith.addf %parallel_loop3A_410, %parallel_loop3A_423 : vector<16xf32>
        %parallel_loop3A_425 = arith.mulf %parallel_loop3A_423, %parallel_loop3A_423 : vector<16xf32>
        %parallel_loop3A_426 = arith.addf %parallel_loop3A_412, %parallel_loop3A_425 : vector<16xf32>
        %parallel_loop3A_427 = arith.addf %parallel_loop3A_417, %parallel_loop3A_424 : vector<16xf32>
        %parallel_loop3A_428 = arith.addf %parallel_loop3A_419, %parallel_loop3A_426 : vector<16xf32>
        %parallel_loop3A_429 = tpu.iota {dimensions = array<i32: 0>} : vector<16xi32>
        %parallel_loop3A_430 = arith.constant 1 : i32
        %parallel_loop3A_431 = vector.broadcast %parallel_loop3A_430 : i32 to vector<16xi32>
        %parallel_loop3A_432 = arith.xori %parallel_loop3A_429, %parallel_loop3A_431 : vector<16xi32>
        %parallel_loop3A_433 = vector.shape_cast %parallel_loop3A_432 : vector<16xi32> to vector<16x1xi32>
        %parallel_loop3A_434 = vector.shape_cast %parallel_loop3A_433 : vector<16x1xi32> to vector<16xi32>
        %parallel_loop3A_435 = tpu.dynamic_gather %parallel_loop3A_427[%parallel_loop3A_434] in [0] : vector<16xf32>, vector<16xi32> -> vector<16xf32>
        %parallel_loop3A_436 = arith.addf %parallel_loop3A_427, %parallel_loop3A_435 : vector<16xf32>
        %parallel_loop3A_437 = arith.constant 2 : i32
        %parallel_loop3A_438 = vector.broadcast %parallel_loop3A_437 : i32 to vector<16xi32>
        %parallel_loop3A_439 = arith.xori %parallel_loop3A_429, %parallel_loop3A_438 : vector<16xi32>
        %parallel_loop3A_440 = vector.shape_cast %parallel_loop3A_439 : vector<16xi32> to vector<16x1xi32>
        %parallel_loop3A_441 = vector.shape_cast %parallel_loop3A_440 : vector<16x1xi32> to vector<16xi32>
        %parallel_loop3A_442 = tpu.dynamic_gather %parallel_loop3A_436[%parallel_loop3A_441] in [0] : vector<16xf32>, vector<16xi32> -> vector<16xf32>
        %parallel_loop3A_443 = arith.addf %parallel_loop3A_436, %parallel_loop3A_442 : vector<16xf32>
        %parallel_loop3A_444 = arith.constant 4 : i32
        %parallel_loop3A_445 = vector.broadcast %parallel_loop3A_444 : i32 to vector<16xi32>
        %parallel_loop3A_446 = arith.xori %parallel_loop3A_429, %parallel_loop3A_445 : vector<16xi32>
        %parallel_loop3A_447 = vector.shape_cast %parallel_loop3A_446 : vector<16xi32> to vector<16x1xi32>
        %parallel_loop3A_448 = vector.shape_cast %parallel_loop3A_447 : vector<16x1xi32> to vector<16xi32>
        %parallel_loop3A_449 = tpu.dynamic_gather %parallel_loop3A_443[%parallel_loop3A_448] in [0] : vector<16xf32>, vector<16xi32> -> vector<16xf32>
        %parallel_loop3A_450 = arith.addf %parallel_loop3A_443, %parallel_loop3A_449 : vector<16xf32>
        %parallel_loop3A_451 = arith.constant 8 : i32
        %parallel_loop3A_452 = vector.broadcast %parallel_loop3A_451 : i32 to vector<16xi32>
        %parallel_loop3A_453 = arith.xori %parallel_loop3A_429, %parallel_loop3A_452 : vector<16xi32>
        %parallel_loop3A_454 = vector.shape_cast %parallel_loop3A_453 : vector<16xi32> to vector<16x1xi32>
        %parallel_loop3A_455 = vector.shape_cast %parallel_loop3A_454 : vector<16x1xi32> to vector<16xi32>
        %parallel_loop3A_456 = tpu.dynamic_gather %parallel_loop3A_450[%parallel_loop3A_455] in [0] : vector<16xf32>, vector<16xi32> -> vector<16xf32>
        %parallel_loop3A_457 = arith.addf %parallel_loop3A_450, %parallel_loop3A_456 : vector<16xf32>
        %parallel_loop3A_458 = arith.constant 0.00130208337 : f32
        %parallel_loop3A_459 = vector.broadcast %parallel_loop3A_458 : f32 to vector<16xf32>
        %parallel_loop3A_460 = arith.mulf %parallel_loop3A_457, %parallel_loop3A_459 : vector<16xf32>
        %parallel_loop3A_461 = tpu.iota {dimensions = array<i32: 0>} : vector<16xi32>
        %parallel_loop3A_462 = arith.constant 1 : i32
        %parallel_loop3A_463 = vector.broadcast %parallel_loop3A_462 : i32 to vector<16xi32>
        %parallel_loop3A_464 = arith.xori %parallel_loop3A_461, %parallel_loop3A_463 : vector<16xi32>
        %parallel_loop3A_465 = vector.shape_cast %parallel_loop3A_464 : vector<16xi32> to vector<16x1xi32>
        %parallel_loop3A_466 = vector.shape_cast %parallel_loop3A_465 : vector<16x1xi32> to vector<16xi32>
        %parallel_loop3A_467 = tpu.dynamic_gather %parallel_loop3A_428[%parallel_loop3A_466] in [0] : vector<16xf32>, vector<16xi32> -> vector<16xf32>
        %parallel_loop3A_468 = arith.addf %parallel_loop3A_428, %parallel_loop3A_467 : vector<16xf32>
        %parallel_loop3A_469 = arith.constant 2 : i32
        %parallel_loop3A_470 = vector.broadcast %parallel_loop3A_469 : i32 to vector<16xi32>
        %parallel_loop3A_471 = arith.xori %parallel_loop3A_461, %parallel_loop3A_470 : vector<16xi32>
        %parallel_loop3A_472 = vector.shape_cast %parallel_loop3A_471 : vector<16xi32> to vector<16x1xi32>
        %parallel_loop3A_473 = vector.shape_cast %parallel_loop3A_472 : vector<16x1xi32> to vector<16xi32>
        %parallel_loop3A_474 = tpu.dynamic_gather %parallel_loop3A_468[%parallel_loop3A_473] in [0] : vector<16xf32>, vector<16xi32> -> vector<16xf32>
        %parallel_loop3A_475 = arith.addf %parallel_loop3A_468, %parallel_loop3A_474 : vector<16xf32>
        %parallel_loop3A_476 = arith.constant 4 : i32
        %parallel_loop3A_477 = vector.broadcast %parallel_loop3A_476 : i32 to vector<16xi32>
        %parallel_loop3A_478 = arith.xori %parallel_loop3A_461, %parallel_loop3A_477 : vector<16xi32>
        %parallel_loop3A_479 = vector.shape_cast %parallel_loop3A_478 : vector<16xi32> to vector<16x1xi32>
        %parallel_loop3A_480 = vector.shape_cast %parallel_loop3A_479 : vector<16x1xi32> to vector<16xi32>
        %parallel_loop3A_481 = tpu.dynamic_gather %parallel_loop3A_475[%parallel_loop3A_480] in [0] : vector<16xf32>, vector<16xi32> -> vector<16xf32>
        %parallel_loop3A_482 = arith.addf %parallel_loop3A_475, %parallel_loop3A_481 : vector<16xf32>
        %parallel_loop3A_483 = arith.constant 8 : i32
        %parallel_loop3A_484 = vector.broadcast %parallel_loop3A_483 : i32 to vector<16xi32>
        %parallel_loop3A_485 = arith.xori %parallel_loop3A_461, %parallel_loop3A_484 : vector<16xi32>
        %parallel_loop3A_486 = vector.shape_cast %parallel_loop3A_485 : vector<16xi32> to vector<16x1xi32>
        %parallel_loop3A_487 = vector.shape_cast %parallel_loop3A_486 : vector<16x1xi32> to vector<16xi32>
        %parallel_loop3A_488 = tpu.dynamic_gather %parallel_loop3A_482[%parallel_loop3A_487] in [0] : vector<16xf32>, vector<16xi32> -> vector<16xf32>
        %parallel_loop3A_489 = arith.addf %parallel_loop3A_482, %parallel_loop3A_488 : vector<16xf32>
        %parallel_loop3A_490 = arith.constant 0.00130208337 : f32
        %parallel_loop3A_491 = vector.broadcast %parallel_loop3A_490 : f32 to vector<16xf32>
        %parallel_loop3A_492 = arith.mulf %parallel_loop3A_489, %parallel_loop3A_491 : vector<16xf32>
        %parallel_loop3A_493 = arith.mulf %parallel_loop3A_460, %parallel_loop3A_460 : vector<16xf32>
        %parallel_loop3A_494 = arith.subf %parallel_loop3A_492, %parallel_loop3A_493 : vector<16xf32>
        %parallel_loop3A_495 = arith.constant 1.000000e-07 : f32
        %parallel_loop3A_496 = vector.broadcast %parallel_loop3A_495 : f32 to vector<16xf32>
        %parallel_loop3A_497 = arith.addf %parallel_loop3A_494, %parallel_loop3A_496 : vector<16xf32>
        %parallel_loop3A_498 = tpu.bitcast %parallel_loop3A_497 : vector<16xf32> -> vector<16xi32>
        %parallel_loop3A_499 = arith.constant 1 : i32
        %parallel_loop3A_500 = vector.broadcast %parallel_loop3A_499 : i32 to vector<16xi32>
        %parallel_loop3A_501 = arith.shrui %parallel_loop3A_498, %parallel_loop3A_500 : vector<16xi32>
        %parallel_loop3A_502 = arith.constant 1597463007 : i32
        %parallel_loop3A_503 = vector.broadcast %parallel_loop3A_502 : i32 to vector<16xi32>
        %parallel_loop3A_504 = arith.subi %parallel_loop3A_503, %parallel_loop3A_501 : vector<16xi32>
        %parallel_loop3A_505 = tpu.bitcast %parallel_loop3A_504 : vector<16xi32> -> vector<16xf32>
        %parallel_loop3A_506 = arith.constant 5.000000e-01 : f32
        %parallel_loop3A_507 = vector.broadcast %parallel_loop3A_506 : f32 to vector<16xf32>
        %parallel_loop3A_508 = arith.mulf %parallel_loop3A_507, %parallel_loop3A_497 : vector<16xf32>
        %parallel_loop3A_509 = arith.mulf %parallel_loop3A_508, %parallel_loop3A_505 : vector<16xf32>
        %parallel_loop3A_510 = arith.mulf %parallel_loop3A_509, %parallel_loop3A_505 : vector<16xf32>
        %parallel_loop3A_511 = arith.constant 1.500000e+00 : f32
        %parallel_loop3A_512 = vector.broadcast %parallel_loop3A_511 : f32 to vector<16xf32>
        %parallel_loop3A_513 = arith.subf %parallel_loop3A_512, %parallel_loop3A_510 : vector<16xf32>
        %parallel_loop3A_514 = arith.mulf %parallel_loop3A_505, %parallel_loop3A_513 : vector<16xf32>
        %parallel_loop3A_515 = arith.constant 5.000000e-01 : f32
        %parallel_loop3A_516 = vector.broadcast %parallel_loop3A_515 : f32 to vector<16xf32>
        %parallel_loop3A_517 = arith.mulf %parallel_loop3A_516, %parallel_loop3A_497 : vector<16xf32>
        %parallel_loop3A_518 = arith.mulf %parallel_loop3A_517, %parallel_loop3A_514 : vector<16xf32>
        %parallel_loop3A_519 = arith.mulf %parallel_loop3A_518, %parallel_loop3A_514 : vector<16xf32>
        %parallel_loop3A_520 = arith.constant 1.500000e+00 : f32
        %parallel_loop3A_521 = vector.broadcast %parallel_loop3A_520 : f32 to vector<16xf32>
        %parallel_loop3A_522 = arith.subf %parallel_loop3A_521, %parallel_loop3A_519 : vector<16xf32>
        %parallel_loop3A_523 = arith.mulf %parallel_loop3A_514, %parallel_loop3A_522 : vector<16xf32>
        %parallel_loop3A_524 = arith.constant 5.000000e-01 : f32
        %parallel_loop3A_525 = vector.broadcast %parallel_loop3A_524 : f32 to vector<16xf32>
        %parallel_loop3A_526 = arith.mulf %parallel_loop3A_525, %parallel_loop3A_497 : vector<16xf32>
        %parallel_loop3A_527 = arith.mulf %parallel_loop3A_526, %parallel_loop3A_523 : vector<16xf32>
        %parallel_loop3A_528 = arith.mulf %parallel_loop3A_527, %parallel_loop3A_523 : vector<16xf32>
        %parallel_loop3A_529 = arith.constant 1.500000e+00 : f32
        %parallel_loop3A_530 = vector.broadcast %parallel_loop3A_529 : f32 to vector<16xf32>
        %parallel_loop3A_531 = arith.subf %parallel_loop3A_530, %parallel_loop3A_528 : vector<16xf32>
        %parallel_loop3A_532 = arith.mulf %parallel_loop3A_523, %parallel_loop3A_531 : vector<16xf32>
        %parallel_loop3A_533 = arith.index_cast %parallel_loop3A_82 : i32 to index
        %parallel_loop3A_534 = arith.constant 0 : index
        %parallel_loop3A_535 = tpu.vector_load %arg7[%parallel_loop3A_533, %parallel_loop3A_534] {strides = array<i32>} : memref<32x768xf32, #tpu.memory_space<vmem>>, vector<1x16xf32>,
        %parallel_loop3A_536 = vector.shape_cast %parallel_loop3A_535 : vector<1x16xf32> to vector<16xf32>
        %parallel_loop3A_537 = arith.subf %parallel_loop3A_536, %parallel_loop3A_460 : vector<16xf32>
        %parallel_loop3A_538 = arith.mulf %parallel_loop3A_537, %parallel_loop3A_532 : vector<16xf32>
        %parallel_loop3A_539 = arith.index_cast %parallel_loop3A_82 : i32 to index
        %parallel_loop3A_540 = arith.constant 0 : index
        %parallel_loop3A_541 = tpu.vector_load %arg9[%parallel_loop3A_539, %parallel_loop3A_540] {strides = array<i32>} : memref<32x768xf32, #tpu.memory_space<vmem>>, vector<1x16xf32>,
        %parallel_loop3A_542 = vector.shape_cast %parallel_loop3A_541 : vector<1x16xf32> to vector<16xf32>
        %parallel_loop3A_543 = vector.shape_cast %parallel_loop3A_538 : vector<16xf32> to vector<1x16xf32>
        tpu.vector_store %arg9[%parallel_loop3A_539, %parallel_loop3A_540], %parallel_loop3A_543 {strides = array<i32>} : memref<32x768xf32, #tpu.memory_space<vmem>>, vector<1x16xf32>,
        %parallel_loop3A_544 = arith.index_cast %parallel_loop3A_82 : i32 to index
        %parallel_loop3A_545 = arith.constant 16 : index
        %parallel_loop3A_546 = tpu.vector_load %arg7[%parallel_loop3A_544, %parallel_loop3A_545] {strides = array<i32>} : memref<32x768xf32, #tpu.memory_space<vmem>>, vector<1x16xf32>,
        %parallel_loop3A_547 = vector.shape_cast %parallel_loop3A_546 : vector<1x16xf32> to vector<16xf32>
        %parallel_loop3A_548 = arith.subf %parallel_loop3A_547, %parallel_loop3A_460 : vector<16xf32>
        %parallel_loop3A_549 = arith.mulf %parallel_loop3A_548, %parallel_loop3A_532 : vector<16xf32>
        %parallel_loop3A_550 = arith.index_cast %parallel_loop3A_82 : i32 to index
        %parallel_loop3A_551 = arith.constant 16 : index
        %parallel_loop3A_552 = tpu.vector_load %arg9[%parallel_loop3A_550, %parallel_loop3A_551] {strides = array<i32>} : memref<32x768xf32, #tpu.memory_space<vmem>>, vector<1x16xf32>,
        %parallel_loop3A_553 = vector.shape_cast %parallel_loop3A_552 : vector<1x16xf32> to vector<16xf32>
        %parallel_loop3A_554 = vector.shape_cast %parallel_loop3A_549 : vector<16xf32> to vector<1x16xf32>
        tpu.vector_store %arg9[%parallel_loop3A_550, %parallel_loop3A_551], %parallel_loop3A_554 {strides = array<i32>} : memref<32x768xf32, #tpu.memory_space<vmem>>, vector<1x16xf32>,
        %parallel_loop3A_555 = arith.index_cast %parallel_loop3A_82 : i32 to index
        %parallel_loop3A_556 = arith.constant 32 : index
        %parallel_loop3A_557 = tpu.vector_load %arg7[%parallel_loop3A_555, %parallel_loop3A_556] {strides = array<i32>} : memref<32x768xf32, #tpu.memory_space<vmem>>, vector<1x16xf32>,
        %parallel_loop3A_558 = vector.shape_cast %parallel_loop3A_557 : vector<1x16xf32> to vector<16xf32>
        %parallel_loop3A_559 = arith.subf %parallel_loop3A_558, %parallel_loop3A_460 : vector<16xf32>
        %parallel_loop3A_560 = arith.mulf %parallel_loop3A_559, %parallel_loop3A_532 : vector<16xf32>
        %parallel_loop3A_561 = arith.index_cast %parallel_loop3A_82 : i32 to index
        %parallel_loop3A_562 = arith.constant 32 : index
        %parallel_loop3A_563 = tpu.vector_load %arg9[%parallel_loop3A_561, %parallel_loop3A_562] {strides = array<i32>} : memref<32x768xf32, #tpu.memory_space<vmem>>, vector<1x16xf32>,
        %parallel_loop3A_564 = vector.shape_cast %parallel_loop3A_563 : vector<1x16xf32> to vector<16xf32>
        %parallel_loop3A_565 = vector.shape_cast %parallel_loop3A_560 : vector<16xf32> to vector<1x16xf32>
        tpu.vector_store %arg9[%parallel_loop3A_561, %parallel_loop3A_562], %parallel_loop3A_565 {strides = array<i32>} : memref<32x768xf32, #tpu.memory_space<vmem>>, vector<1x16xf32>,
        %parallel_loop3A_566 = arith.index_cast %parallel_loop3A_82 : i32 to index
        %parallel_loop3A_567 = arith.constant 48 : index
        %parallel_loop3A_568 = tpu.vector_load %arg7[%parallel_loop3A_566, %parallel_loop3A_567] {strides = array<i32>} : memref<32x768xf32, #tpu.memory_space<vmem>>, vector<1x16xf32>,
        %parallel_loop3A_569 = vector.shape_cast %parallel_loop3A_568 : vector<1x16xf32> to vector<16xf32>
        %parallel_loop3A_570 = arith.subf %parallel_loop3A_569, %parallel_loop3A_460 : vector<16xf32>
        %parallel_loop3A_571 = arith.mulf %parallel_loop3A_570, %parallel_loop3A_532 : vector<16xf32>
        %parallel_loop3A_572 = arith.index_cast %parallel_loop3A_82 : i32 to index
        %parallel_loop3A_573 = arith.constant 48 : index
        %parallel_loop3A_574 = tpu.vector_load %arg9[%parallel_loop3A_572, %parallel_loop3A_573] {strides = array<i32>} : memref<32x768xf32, #tpu.memory_space<vmem>>, vector<1x16xf32>,
        %parallel_loop3A_575 = vector.shape_cast %parallel_loop3A_574 : vector<1x16xf32> to vector<16xf32>
        %parallel_loop3A_576 = vector.shape_cast %parallel_loop3A_571 : vector<16xf32> to vector<1x16xf32>
        tpu.vector_store %arg9[%parallel_loop3A_572, %parallel_loop3A_573], %parallel_loop3A_576 {strides = array<i32>} : memref<32x768xf32, #tpu.memory_space<vmem>>, vector<1x16xf32>,
        %parallel_loop3A_577 = arith.index_cast %parallel_loop3A_82 : i32 to index
        %parallel_loop3A_578 = arith.constant 64 : index
        %parallel_loop3A_579 = tpu.vector_load %arg7[%parallel_loop3A_577, %parallel_loop3A_578] {strides = array<i32>} : memref<32x768xf32, #tpu.memory_space<vmem>>, vector<1x16xf32>,
        %parallel_loop3A_580 = vector.shape_cast %parallel_loop3A_579 : vector<1x16xf32> to vector<16xf32>
        %parallel_loop3A_581 = arith.subf %parallel_loop3A_580, %parallel_loop3A_460 : vector<16xf32>
        %parallel_loop3A_582 = arith.mulf %parallel_loop3A_581, %parallel_loop3A_532 : vector<16xf32>
        %parallel_loop3A_583 = arith.index_cast %parallel_loop3A_82 : i32 to index
        %parallel_loop3A_584 = arith.constant 64 : index
        %parallel_loop3A_585 = tpu.vector_load %arg9[%parallel_loop3A_583, %parallel_loop3A_584] {strides = array<i32>} : memref<32x768xf32, #tpu.memory_space<vmem>>, vector<1x16xf32>,
        %parallel_loop3A_586 = vector.shape_cast %parallel_loop3A_585 : vector<1x16xf32> to vector<16xf32>
        %parallel_loop3A_587 = vector.shape_cast %parallel_loop3A_582 : vector<16xf32> to vector<1x16xf32>
        tpu.vector_store %arg9[%parallel_loop3A_583, %parallel_loop3A_584], %parallel_loop3A_587 {strides = array<i32>} : memref<32x768xf32, #tpu.memory_space<vmem>>, vector<1x16xf32>,
        %parallel_loop3A_588 = arith.index_cast %parallel_loop3A_82 : i32 to index
        %parallel_loop3A_589 = arith.constant 80 : index
        %parallel_loop3A_590 = tpu.vector_load %arg7[%parallel_loop3A_588, %parallel_loop3A_589] {strides = array<i32>} : memref<32x768xf32, #tpu.memory_space<vmem>>, vector<1x16xf32>,
        %parallel_loop3A_591 = vector.shape_cast %parallel_loop3A_590 : vector<1x16xf32> to vector<16xf32>
        %parallel_loop3A_592 = arith.subf %parallel_loop3A_591, %parallel_loop3A_460 : vector<16xf32>
        %parallel_loop3A_593 = arith.mulf %parallel_loop3A_592, %parallel_loop3A_532 : vector<16xf32>
        %parallel_loop3A_594 = arith.index_cast %parallel_loop3A_82 : i32 to index
        %parallel_loop3A_595 = arith.constant 80 : index
        %parallel_loop3A_596 = tpu.vector_load %arg9[%parallel_loop3A_594, %parallel_loop3A_595] {strides = array<i32>} : memref<32x768xf32, #tpu.memory_space<vmem>>, vector<1x16xf32>,
        %parallel_loop3A_597 = vector.shape_cast %parallel_loop3A_596 : vector<1x16xf32> to vector<16xf32>
        %parallel_loop3A_598 = vector.shape_cast %parallel_loop3A_593 : vector<16xf32> to vector<1x16xf32>
        tpu.vector_store %arg9[%parallel_loop3A_594, %parallel_loop3A_595], %parallel_loop3A_598 {strides = array<i32>} : memref<32x768xf32, #tpu.memory_space<vmem>>, vector<1x16xf32>,
        %parallel_loop3A_599 = arith.index_cast %parallel_loop3A_82 : i32 to index
        %parallel_loop3A_600 = arith.constant 96 : index
        %parallel_loop3A_601 = tpu.vector_load %arg7[%parallel_loop3A_599, %parallel_loop3A_600] {strides = array<i32>} : memref<32x768xf32, #tpu.memory_space<vmem>>, vector<1x16xf32>,
        %parallel_loop3A_602 = vector.shape_cast %parallel_loop3A_601 : vector<1x16xf32> to vector<16xf32>
        %parallel_loop3A_603 = arith.subf %parallel_loop3A_602, %parallel_loop3A_460 : vector<16xf32>
        %parallel_loop3A_604 = arith.mulf %parallel_loop3A_603, %parallel_loop3A_532 : vector<16xf32>
        %parallel_loop3A_605 = arith.index_cast %parallel_loop3A_82 : i32 to index
        %parallel_loop3A_606 = arith.constant 96 : index
        %parallel_loop3A_607 = tpu.vector_load %arg9[%parallel_loop3A_605, %parallel_loop3A_606] {strides = array<i32>} : memref<32x768xf32, #tpu.memory_space<vmem>>, vector<1x16xf32>,
        %parallel_loop3A_608 = vector.shape_cast %parallel_loop3A_607 : vector<1x16xf32> to vector<16xf32>
        %parallel_loop3A_609 = vector.shape_cast %parallel_loop3A_604 : vector<16xf32> to vector<1x16xf32>
        tpu.vector_store %arg9[%parallel_loop3A_605, %parallel_loop3A_606], %parallel_loop3A_609 {strides = array<i32>} : memref<32x768xf32, #tpu.memory_space<vmem>>, vector<1x16xf32>,
        %parallel_loop3A_610 = arith.index_cast %parallel_loop3A_82 : i32 to index
        %parallel_loop3A_611 = arith.constant 112 : index
        %parallel_loop3A_612 = tpu.vector_load %arg7[%parallel_loop3A_610, %parallel_loop3A_611] {strides = array<i32>} : memref<32x768xf32, #tpu.memory_space<vmem>>, vector<1x16xf32>,
        %parallel_loop3A_613 = vector.shape_cast %parallel_loop3A_612 : vector<1x16xf32> to vector<16xf32>
        %parallel_loop3A_614 = arith.subf %parallel_loop3A_613, %parallel_loop3A_460 : vector<16xf32>
        %parallel_loop3A_615 = arith.mulf %parallel_loop3A_614, %parallel_loop3A_532 : vector<16xf32>
        %parallel_loop3A_616 = arith.index_cast %parallel_loop3A_82 : i32 to index
        %parallel_loop3A_617 = arith.constant 112 : index
        %parallel_loop3A_618 = tpu.vector_load %arg9[%parallel_loop3A_616, %parallel_loop3A_617] {strides = array<i32>} : memref<32x768xf32, #tpu.memory_space<vmem>>, vector<1x16xf32>,
        %parallel_loop3A_619 = vector.shape_cast %parallel_loop3A_618 : vector<1x16xf32> to vector<16xf32>
        %parallel_loop3A_620 = vector.shape_cast %parallel_loop3A_615 : vector<16xf32> to vector<1x16xf32>
        tpu.vector_store %arg9[%parallel_loop3A_616, %parallel_loop3A_617], %parallel_loop3A_620 {strides = array<i32>} : memref<32x768xf32, #tpu.memory_space<vmem>>, vector<1x16xf32>,
        %parallel_loop3A_621 = arith.index_cast %parallel_loop3A_82 : i32 to index
        %parallel_loop3A_622 = arith.constant 128 : index
        %parallel_loop3A_623 = tpu.vector_load %arg7[%parallel_loop3A_621, %parallel_loop3A_622] {strides = array<i32>} : memref<32x768xf32, #tpu.memory_space<vmem>>, vector<1x16xf32>,
        %parallel_loop3A_624 = vector.shape_cast %parallel_loop3A_623 : vector<1x16xf32> to vector<16xf32>
        %parallel_loop3A_625 = arith.subf %parallel_loop3A_624, %parallel_loop3A_460 : vector<16xf32>
        %parallel_loop3A_626 = arith.mulf %parallel_loop3A_625, %parallel_loop3A_532 : vector<16xf32>
        %parallel_loop3A_627 = arith.index_cast %parallel_loop3A_82 : i32 to index
        %parallel_loop3A_628 = arith.constant 128 : index
        %parallel_loop3A_629 = tpu.vector_load %arg9[%parallel_loop3A_627, %parallel_loop3A_628] {strides = array<i32>} : memref<32x768xf32, #tpu.memory_space<vmem>>, vector<1x16xf32>,
        %parallel_loop3A_630 = vector.shape_cast %parallel_loop3A_629 : vector<1x16xf32> to vector<16xf32>
        %parallel_loop3A_631 = vector.shape_cast %parallel_loop3A_626 : vector<16xf32> to vector<1x16xf32>
        tpu.vector_store %arg9[%parallel_loop3A_627, %parallel_loop3A_628], %parallel_loop3A_631 {strides = array<i32>} : memref<32x768xf32, #tpu.memory_space<vmem>>, vector<1x16xf32>,
        %parallel_loop3A_632 = arith.index_cast %parallel_loop3A_82 : i32 to index
        %parallel_loop3A_633 = arith.constant 144 : index
        %parallel_loop3A_634 = tpu.vector_load %arg7[%parallel_loop3A_632, %parallel_loop3A_633] {strides = array<i32>} : memref<32x768xf32, #tpu.memory_space<vmem>>, vector<1x16xf32>,
        %parallel_loop3A_635 = vector.shape_cast %parallel_loop3A_634 : vector<1x16xf32> to vector<16xf32>
        %parallel_loop3A_636 = arith.subf %parallel_loop3A_635, %parallel_loop3A_460 : vector<16xf32>
        %parallel_loop3A_637 = arith.mulf %parallel_loop3A_636, %parallel_loop3A_532 : vector<16xf32>
        %parallel_loop3A_638 = arith.index_cast %parallel_loop3A_82 : i32 to index
        %parallel_loop3A_639 = arith.constant 144 : index
        %parallel_loop3A_640 = tpu.vector_load %arg9[%parallel_loop3A_638, %parallel_loop3A_639] {strides = array<i32>} : memref<32x768xf32, #tpu.memory_space<vmem>>, vector<1x16xf32>,
        %parallel_loop3A_641 = vector.shape_cast %parallel_loop3A_640 : vector<1x16xf32> to vector<16xf32>
        %parallel_loop3A_642 = vector.shape_cast %parallel_loop3A_637 : vector<16xf32> to vector<1x16xf32>
        tpu.vector_store %arg9[%parallel_loop3A_638, %parallel_loop3A_639], %parallel_loop3A_642 {strides = array<i32>} : memref<32x768xf32, #tpu.memory_space<vmem>>, vector<1x16xf32>,
        %parallel_loop3A_643 = arith.index_cast %parallel_loop3A_82 : i32 to index
        %parallel_loop3A_644 = arith.constant 160 : index
        %parallel_loop3A_645 = tpu.vector_load %arg7[%parallel_loop3A_643, %parallel_loop3A_644] {strides = array<i32>} : memref<32x768xf32, #tpu.memory_space<vmem>>, vector<1x16xf32>,
        %parallel_loop3A_646 = vector.shape_cast %parallel_loop3A_645 : vector<1x16xf32> to vector<16xf32>
        %parallel_loop3A_647 = arith.subf %parallel_loop3A_646, %parallel_loop3A_460 : vector<16xf32>
        %parallel_loop3A_648 = arith.mulf %parallel_loop3A_647, %parallel_loop3A_532 : vector<16xf32>
        %parallel_loop3A_649 = arith.index_cast %parallel_loop3A_82 : i32 to index
        %parallel_loop3A_650 = arith.constant 160 : index
        %parallel_loop3A_651 = tpu.vector_load %arg9[%parallel_loop3A_649, %parallel_loop3A_650] {strides = array<i32>} : memref<32x768xf32, #tpu.memory_space<vmem>>, vector<1x16xf32>,
        %parallel_loop3A_652 = vector.shape_cast %parallel_loop3A_651 : vector<1x16xf32> to vector<16xf32>
        %parallel_loop3A_653 = vector.shape_cast %parallel_loop3A_648 : vector<16xf32> to vector<1x16xf32>
        tpu.vector_store %arg9[%parallel_loop3A_649, %parallel_loop3A_650], %parallel_loop3A_653 {strides = array<i32>} : memref<32x768xf32, #tpu.memory_space<vmem>>, vector<1x16xf32>,
        %parallel_loop3A_654 = arith.index_cast %parallel_loop3A_82 : i32 to index
        %parallel_loop3A_655 = arith.constant 176 : index
        %parallel_loop3A_656 = tpu.vector_load %arg7[%parallel_loop3A_654, %parallel_loop3A_655] {strides = array<i32>} : memref<32x768xf32, #tpu.memory_space<vmem>>, vector<1x16xf32>,
        %parallel_loop3A_657 = vector.shape_cast %parallel_loop3A_656 : vector<1x16xf32> to vector<16xf32>
        %parallel_loop3A_658 = arith.subf %parallel_loop3A_657, %parallel_loop3A_460 : vector<16xf32>
        %parallel_loop3A_659 = arith.mulf %parallel_loop3A_658, %parallel_loop3A_532 : vector<16xf32>
        %parallel_loop3A_660 = arith.index_cast %parallel_loop3A_82 : i32 to index
        %parallel_loop3A_661 = arith.constant 176 : index
        %parallel_loop3A_662 = tpu.vector_load %arg9[%parallel_loop3A_660, %parallel_loop3A_661] {strides = array<i32>} : memref<32x768xf32, #tpu.memory_space<vmem>>, vector<1x16xf32>,
        %parallel_loop3A_663 = vector.shape_cast %parallel_loop3A_662 : vector<1x16xf32> to vector<16xf32>
        %parallel_loop3A_664 = vector.shape_cast %parallel_loop3A_659 : vector<16xf32> to vector<1x16xf32>
        tpu.vector_store %arg9[%parallel_loop3A_660, %parallel_loop3A_661], %parallel_loop3A_664 {strides = array<i32>} : memref<32x768xf32, #tpu.memory_space<vmem>>, vector<1x16xf32>,
        %parallel_loop3A_665 = arith.index_cast %parallel_loop3A_82 : i32 to index
        %parallel_loop3A_666 = arith.constant 192 : index
        %parallel_loop3A_667 = tpu.vector_load %arg7[%parallel_loop3A_665, %parallel_loop3A_666] {strides = array<i32>} : memref<32x768xf32, #tpu.memory_space<vmem>>, vector<1x16xf32>,
        %parallel_loop3A_668 = vector.shape_cast %parallel_loop3A_667 : vector<1x16xf32> to vector<16xf32>
        %parallel_loop3A_669 = arith.subf %parallel_loop3A_668, %parallel_loop3A_460 : vector<16xf32>
        %parallel_loop3A_670 = arith.mulf %parallel_loop3A_669, %parallel_loop3A_532 : vector<16xf32>
        %parallel_loop3A_671 = arith.index_cast %parallel_loop3A_82 : i32 to index
        %parallel_loop3A_672 = arith.constant 192 : index
        %parallel_loop3A_673 = tpu.vector_load %arg9[%parallel_loop3A_671, %parallel_loop3A_672] {strides = array<i32>} : memref<32x768xf32, #tpu.memory_space<vmem>>, vector<1x16xf32>,
        %parallel_loop3A_674 = vector.shape_cast %parallel_loop3A_673 : vector<1x16xf32> to vector<16xf32>
        %parallel_loop3A_675 = vector.shape_cast %parallel_loop3A_670 : vector<16xf32> to vector<1x16xf32>
        tpu.vector_store %arg9[%parallel_loop3A_671, %parallel_loop3A_672], %parallel_loop3A_675 {strides = array<i32>} : memref<32x768xf32, #tpu.memory_space<vmem>>, vector<1x16xf32>,
        %parallel_loop3A_676 = arith.index_cast %parallel_loop3A_82 : i32 to index
        %parallel_loop3A_677 = arith.constant 208 : index
        %parallel_loop3A_678 = tpu.vector_load %arg7[%parallel_loop3A_676, %parallel_loop3A_677] {strides = array<i32>} : memref<32x768xf32, #tpu.memory_space<vmem>>, vector<1x16xf32>,
        %parallel_loop3A_679 = vector.shape_cast %parallel_loop3A_678 : vector<1x16xf32> to vector<16xf32>
        %parallel_loop3A_680 = arith.subf %parallel_loop3A_679, %parallel_loop3A_460 : vector<16xf32>
        %parallel_loop3A_681 = arith.mulf %parallel_loop3A_680, %parallel_loop3A_532 : vector<16xf32>
        %parallel_loop3A_682 = arith.index_cast %parallel_loop3A_82 : i32 to index
        %parallel_loop3A_683 = arith.constant 208 : index
        %parallel_loop3A_684 = tpu.vector_load %arg9[%parallel_loop3A_682, %parallel_loop3A_683] {strides = array<i32>} : memref<32x768xf32, #tpu.memory_space<vmem>>, vector<1x16xf32>,
        %parallel_loop3A_685 = vector.shape_cast %parallel_loop3A_684 : vector<1x16xf32> to vector<16xf32>
        %parallel_loop3A_686 = vector.shape_cast %parallel_loop3A_681 : vector<16xf32> to vector<1x16xf32>
        tpu.vector_store %arg9[%parallel_loop3A_682, %parallel_loop3A_683], %parallel_loop3A_686 {strides = array<i32>} : memref<32x768xf32, #tpu.memory_space<vmem>>, vector<1x16xf32>,
        %parallel_loop3A_687 = arith.index_cast %parallel_loop3A_82 : i32 to index
        %parallel_loop3A_688 = arith.constant 224 : index
        %parallel_loop3A_689 = tpu.vector_load %arg7[%parallel_loop3A_687, %parallel_loop3A_688] {strides = array<i32>} : memref<32x768xf32, #tpu.memory_space<vmem>>, vector<1x16xf32>,
        %parallel_loop3A_690 = vector.shape_cast %parallel_loop3A_689 : vector<1x16xf32> to vector<16xf32>
        %parallel_loop3A_691 = arith.subf %parallel_loop3A_690, %parallel_loop3A_460 : vector<16xf32>
        %parallel_loop3A_692 = arith.mulf %parallel_loop3A_691, %parallel_loop3A_532 : vector<16xf32>
        %parallel_loop3A_693 = arith.index_cast %parallel_loop3A_82 : i32 to index
        %parallel_loop3A_694 = arith.constant 224 : index
        %parallel_loop3A_695 = tpu.vector_load %arg9[%parallel_loop3A_693, %parallel_loop3A_694] {strides = array<i32>} : memref<32x768xf32, #tpu.memory_space<vmem>>, vector<1x16xf32>,
        %parallel_loop3A_696 = vector.shape_cast %parallel_loop3A_695 : vector<1x16xf32> to vector<16xf32>
        %parallel_loop3A_697 = vector.shape_cast %parallel_loop3A_692 : vector<16xf32> to vector<1x16xf32>
        tpu.vector_store %arg9[%parallel_loop3A_693, %parallel_loop3A_694], %parallel_loop3A_697 {strides = array<i32>} : memref<32x768xf32, #tpu.memory_space<vmem>>, vector<1x16xf32>,
        %parallel_loop3A_698 = arith.index_cast %parallel_loop3A_82 : i32 to index
        %parallel_loop3A_699 = arith.constant 240 : index
        %parallel_loop3A_700 = tpu.vector_load %arg7[%parallel_loop3A_698, %parallel_loop3A_699] {strides = array<i32>} : memref<32x768xf32, #tpu.memory_space<vmem>>, vector<1x16xf32>,
        %parallel_loop3A_701 = vector.shape_cast %parallel_loop3A_700 : vector<1x16xf32> to vector<16xf32>
        %parallel_loop3A_702 = arith.subf %parallel_loop3A_701, %parallel_loop3A_460 : vector<16xf32>
        %parallel_loop3A_703 = arith.mulf %parallel_loop3A_702, %parallel_loop3A_532 : vector<16xf32>
        %parallel_loop3A_704 = arith.index_cast %parallel_loop3A_82 : i32 to index
        %parallel_loop3A_705 = arith.constant 240 : index
        %parallel_loop3A_706 = tpu.vector_load %arg9[%parallel_loop3A_704, %parallel_loop3A_705] {strides = array<i32>} : memref<32x768xf32, #tpu.memory_space<vmem>>, vector<1x16xf32>,
        %parallel_loop3A_707 = vector.shape_cast %parallel_loop3A_706 : vector<1x16xf32> to vector<16xf32>
        %parallel_loop3A_708 = vector.shape_cast %parallel_loop3A_703 : vector<16xf32> to vector<1x16xf32>
        tpu.vector_store %arg9[%parallel_loop3A_704, %parallel_loop3A_705], %parallel_loop3A_708 {strides = array<i32>} : memref<32x768xf32, #tpu.memory_space<vmem>>, vector<1x16xf32>,
        %parallel_loop3A_709 = arith.index_cast %parallel_loop3A_82 : i32 to index
        %parallel_loop3A_710 = arith.constant 256 : index
        %parallel_loop3A_711 = tpu.vector_load %arg7[%parallel_loop3A_709, %parallel_loop3A_710] {strides = array<i32>} : memref<32x768xf32, #tpu.memory_space<vmem>>, vector<1x16xf32>,
        %parallel_loop3A_712 = vector.shape_cast %parallel_loop3A_711 : vector<1x16xf32> to vector<16xf32>
        %parallel_loop3A_713 = arith.subf %parallel_loop3A_712, %parallel_loop3A_460 : vector<16xf32>
        %parallel_loop3A_714 = arith.mulf %parallel_loop3A_713, %parallel_loop3A_532 : vector<16xf32>
        %parallel_loop3A_715 = arith.index_cast %parallel_loop3A_82 : i32 to index
        %parallel_loop3A_716 = arith.constant 256 : index
        %parallel_loop3A_717 = tpu.vector_load %arg9[%parallel_loop3A_715, %parallel_loop3A_716] {strides = array<i32>} : memref<32x768xf32, #tpu.memory_space<vmem>>, vector<1x16xf32>,
        %parallel_loop3A_718 = vector.shape_cast %parallel_loop3A_717 : vector<1x16xf32> to vector<16xf32>
        %parallel_loop3A_719 = vector.shape_cast %parallel_loop3A_714 : vector<16xf32> to vector<1x16xf32>
        tpu.vector_store %arg9[%parallel_loop3A_715, %parallel_loop3A_716], %parallel_loop3A_719 {strides = array<i32>} : memref<32x768xf32, #tpu.memory_space<vmem>>, vector<1x16xf32>,
        %parallel_loop3A_720 = arith.index_cast %parallel_loop3A_82 : i32 to index
        %parallel_loop3A_721 = arith.constant 272 : index
        %parallel_loop3A_722 = tpu.vector_load %arg7[%parallel_loop3A_720, %parallel_loop3A_721] {strides = array<i32>} : memref<32x768xf32, #tpu.memory_space<vmem>>, vector<1x16xf32>,
        %parallel_loop3A_723 = vector.shape_cast %parallel_loop3A_722 : vector<1x16xf32> to vector<16xf32>
        %parallel_loop3A_724 = arith.subf %parallel_loop3A_723, %parallel_loop3A_460 : vector<16xf32>
        %parallel_loop3A_725 = arith.mulf %parallel_loop3A_724, %parallel_loop3A_532 : vector<16xf32>
        %parallel_loop3A_726 = arith.index_cast %parallel_loop3A_82 : i32 to index
        %parallel_loop3A_727 = arith.constant 272 : index
        %parallel_loop3A_728 = tpu.vector_load %arg9[%parallel_loop3A_726, %parallel_loop3A_727] {strides = array<i32>} : memref<32x768xf32, #tpu.memory_space<vmem>>, vector<1x16xf32>,
        %parallel_loop3A_729 = vector.shape_cast %parallel_loop3A_728 : vector<1x16xf32> to vector<16xf32>
        %parallel_loop3A_730 = vector.shape_cast %parallel_loop3A_725 : vector<16xf32> to vector<1x16xf32>
        tpu.vector_store %arg9[%parallel_loop3A_726, %parallel_loop3A_727], %parallel_loop3A_730 {strides = array<i32>} : memref<32x768xf32, #tpu.memory_space<vmem>>, vector<1x16xf32>,
        %parallel_loop3A_731 = arith.index_cast %parallel_loop3A_82 : i32 to index
        %parallel_loop3A_732 = arith.constant 288 : index
        %parallel_loop3A_733 = tpu.vector_load %arg7[%parallel_loop3A_731, %parallel_loop3A_732] {strides = array<i32>} : memref<32x768xf32, #tpu.memory_space<vmem>>, vector<1x16xf32>,
        %parallel_loop3A_734 = vector.shape_cast %parallel_loop3A_733 : vector<1x16xf32> to vector<16xf32>
        %parallel_loop3A_735 = arith.subf %parallel_loop3A_734, %parallel_loop3A_460 : vector<16xf32>
        %parallel_loop3A_736 = arith.mulf %parallel_loop3A_735, %parallel_loop3A_532 : vector<16xf32>
        %parallel_loop3A_737 = arith.index_cast %parallel_loop3A_82 : i32 to index
        %parallel_loop3A_738 = arith.constant 288 : index
        %parallel_loop3A_739 = tpu.vector_load %arg9[%parallel_loop3A_737, %parallel_loop3A_738] {strides = array<i32>} : memref<32x768xf32, #tpu.memory_space<vmem>>, vector<1x16xf32>,
        %parallel_loop3A_740 = vector.shape_cast %parallel_loop3A_739 : vector<1x16xf32> to vector<16xf32>
        %parallel_loop3A_741 = vector.shape_cast %parallel_loop3A_736 : vector<16xf32> to vector<1x16xf32>
        tpu.vector_store %arg9[%parallel_loop3A_737, %parallel_loop3A_738], %parallel_loop3A_741 {strides = array<i32>} : memref<32x768xf32, #tpu.memory_space<vmem>>, vector<1x16xf32>,
        %parallel_loop3A_742 = arith.index_cast %parallel_loop3A_82 : i32 to index
        %parallel_loop3A_743 = arith.constant 304 : index
        %parallel_loop3A_744 = tpu.vector_load %arg7[%parallel_loop3A_742, %parallel_loop3A_743] {strides = array<i32>} : memref<32x768xf32, #tpu.memory_space<vmem>>, vector<1x16xf32>,
        %parallel_loop3A_745 = vector.shape_cast %parallel_loop3A_744 : vector<1x16xf32> to vector<16xf32>
        %parallel_loop3A_746 = arith.subf %parallel_loop3A_745, %parallel_loop3A_460 : vector<16xf32>
        %parallel_loop3A_747 = arith.mulf %parallel_loop3A_746, %parallel_loop3A_532 : vector<16xf32>
        %parallel_loop3A_748 = arith.index_cast %parallel_loop3A_82 : i32 to index
        %parallel_loop3A_749 = arith.constant 304 : index
        %parallel_loop3A_750 = tpu.vector_load %arg9[%parallel_loop3A_748, %parallel_loop3A_749] {strides = array<i32>} : memref<32x768xf32, #tpu.memory_space<vmem>>, vector<1x16xf32>,
        %parallel_loop3A_751 = vector.shape_cast %parallel_loop3A_750 : vector<1x16xf32> to vector<16xf32>
        %parallel_loop3A_752 = vector.shape_cast %parallel_loop3A_747 : vector<16xf32> to vector<1x16xf32>
        tpu.vector_store %arg9[%parallel_loop3A_748, %parallel_loop3A_749], %parallel_loop3A_752 {strides = array<i32>} : memref<32x768xf32, #tpu.memory_space<vmem>>, vector<1x16xf32>,
        %parallel_loop3A_753 = arith.index_cast %parallel_loop3A_82 : i32 to index
        %parallel_loop3A_754 = arith.constant 320 : index
        %parallel_loop3A_755 = tpu.vector_load %arg7[%parallel_loop3A_753, %parallel_loop3A_754] {strides = array<i32>} : memref<32x768xf32, #tpu.memory_space<vmem>>, vector<1x16xf32>,
        %parallel_loop3A_756 = vector.shape_cast %parallel_loop3A_755 : vector<1x16xf32> to vector<16xf32>
        %parallel_loop3A_757 = arith.subf %parallel_loop3A_756, %parallel_loop3A_460 : vector<16xf32>
        %parallel_loop3A_758 = arith.mulf %parallel_loop3A_757, %parallel_loop3A_532 : vector<16xf32>
        %parallel_loop3A_759 = arith.index_cast %parallel_loop3A_82 : i32 to index
        %parallel_loop3A_760 = arith.constant 320 : index
        %parallel_loop3A_761 = tpu.vector_load %arg9[%parallel_loop3A_759, %parallel_loop3A_760] {strides = array<i32>} : memref<32x768xf32, #tpu.memory_space<vmem>>, vector<1x16xf32>,
        %parallel_loop3A_762 = vector.shape_cast %parallel_loop3A_761 : vector<1x16xf32> to vector<16xf32>
        %parallel_loop3A_763 = vector.shape_cast %parallel_loop3A_758 : vector<16xf32> to vector<1x16xf32>
        tpu.vector_store %arg9[%parallel_loop3A_759, %parallel_loop3A_760], %parallel_loop3A_763 {strides = array<i32>} : memref<32x768xf32, #tpu.memory_space<vmem>>, vector<1x16xf32>,
        %parallel_loop3A_764 = arith.index_cast %parallel_loop3A_82 : i32 to index
        %parallel_loop3A_765 = arith.constant 336 : index
        %parallel_loop3A_766 = tpu.vector_load %arg7[%parallel_loop3A_764, %parallel_loop3A_765] {strides = array<i32>} : memref<32x768xf32, #tpu.memory_space<vmem>>, vector<1x16xf32>,
        %parallel_loop3A_767 = vector.shape_cast %parallel_loop3A_766 : vector<1x16xf32> to vector<16xf32>
        %parallel_loop3A_768 = arith.subf %parallel_loop3A_767, %parallel_loop3A_460 : vector<16xf32>
        %parallel_loop3A_769 = arith.mulf %parallel_loop3A_768, %parallel_loop3A_532 : vector<16xf32>
        %parallel_loop3A_770 = arith.index_cast %parallel_loop3A_82 : i32 to index
        %parallel_loop3A_771 = arith.constant 336 : index
        %parallel_loop3A_772 = tpu.vector_load %arg9[%parallel_loop3A_770, %parallel_loop3A_771] {strides = array<i32>} : memref<32x768xf32, #tpu.memory_space<vmem>>, vector<1x16xf32>,
        %parallel_loop3A_773 = vector.shape_cast %parallel_loop3A_772 : vector<1x16xf32> to vector<16xf32>
        %parallel_loop3A_774 = vector.shape_cast %parallel_loop3A_769 : vector<16xf32> to vector<1x16xf32>
        tpu.vector_store %arg9[%parallel_loop3A_770, %parallel_loop3A_771], %parallel_loop3A_774 {strides = array<i32>} : memref<32x768xf32, #tpu.memory_space<vmem>>, vector<1x16xf32>,
        %parallel_loop3A_775 = arith.index_cast %parallel_loop3A_82 : i32 to index
        %parallel_loop3A_776 = arith.constant 352 : index
        %parallel_loop3A_777 = tpu.vector_load %arg7[%parallel_loop3A_775, %parallel_loop3A_776] {strides = array<i32>} : memref<32x768xf32, #tpu.memory_space<vmem>>, vector<1x16xf32>,
        %parallel_loop3A_778 = vector.shape_cast %parallel_loop3A_777 : vector<1x16xf32> to vector<16xf32>
        %parallel_loop3A_779 = arith.subf %parallel_loop3A_778, %parallel_loop3A_460 : vector<16xf32>
        %parallel_loop3A_780 = arith.mulf %parallel_loop3A_779, %parallel_loop3A_532 : vector<16xf32>
        %parallel_loop3A_781 = arith.index_cast %parallel_loop3A_82 : i32 to index
        %parallel_loop3A_782 = arith.constant 352 : index
        %parallel_loop3A_783 = tpu.vector_load %arg9[%parallel_loop3A_781, %parallel_loop3A_782] {strides = array<i32>} : memref<32x768xf32, #tpu.memory_space<vmem>>, vector<1x16xf32>,
        %parallel_loop3A_784 = vector.shape_cast %parallel_loop3A_783 : vector<1x16xf32> to vector<16xf32>
        %parallel_loop3A_785 = vector.shape_cast %parallel_loop3A_780 : vector<16xf32> to vector<1x16xf32>
        tpu.vector_store %arg9[%parallel_loop3A_781, %parallel_loop3A_782], %parallel_loop3A_785 {strides = array<i32>} : memref<32x768xf32, #tpu.memory_space<vmem>>, vector<1x16xf32>,
        %parallel_loop3A_786 = arith.index_cast %parallel_loop3A_82 : i32 to index
        %parallel_loop3A_787 = arith.constant 368 : index
        %parallel_loop3A_788 = tpu.vector_load %arg7[%parallel_loop3A_786, %parallel_loop3A_787] {strides = array<i32>} : memref<32x768xf32, #tpu.memory_space<vmem>>, vector<1x16xf32>,
        %parallel_loop3A_789 = vector.shape_cast %parallel_loop3A_788 : vector<1x16xf32> to vector<16xf32>
        %parallel_loop3A_790 = arith.subf %parallel_loop3A_789, %parallel_loop3A_460 : vector<16xf32>
        %parallel_loop3A_791 = arith.mulf %parallel_loop3A_790, %parallel_loop3A_532 : vector<16xf32>
        %parallel_loop3A_792 = arith.index_cast %parallel_loop3A_82 : i32 to index
        %parallel_loop3A_793 = arith.constant 368 : index
        %parallel_loop3A_794 = tpu.vector_load %arg9[%parallel_loop3A_792, %parallel_loop3A_793] {strides = array<i32>} : memref<32x768xf32, #tpu.memory_space<vmem>>, vector<1x16xf32>,
        %parallel_loop3A_795 = vector.shape_cast %parallel_loop3A_794 : vector<1x16xf32> to vector<16xf32>
        %parallel_loop3A_796 = vector.shape_cast %parallel_loop3A_791 : vector<16xf32> to vector<1x16xf32>
        tpu.vector_store %arg9[%parallel_loop3A_792, %parallel_loop3A_793], %parallel_loop3A_796 {strides = array<i32>} : memref<32x768xf32, #tpu.memory_space<vmem>>, vector<1x16xf32>,
        %parallel_loop3A_797 = arith.index_cast %parallel_loop3A_82 : i32 to index
        %parallel_loop3A_798 = arith.constant 384 : index
        %parallel_loop3A_799 = tpu.vector_load %arg7[%parallel_loop3A_797, %parallel_loop3A_798] {strides = array<i32>} : memref<32x768xf32, #tpu.memory_space<vmem>>, vector<1x16xf32>,
        %parallel_loop3A_800 = vector.shape_cast %parallel_loop3A_799 : vector<1x16xf32> to vector<16xf32>
        %parallel_loop3A_801 = arith.subf %parallel_loop3A_800, %parallel_loop3A_460 : vector<16xf32>
        %parallel_loop3A_802 = arith.mulf %parallel_loop3A_801, %parallel_loop3A_532 : vector<16xf32>
        %parallel_loop3A_803 = arith.index_cast %parallel_loop3A_82 : i32 to index
        %parallel_loop3A_804 = arith.constant 384 : index
        %parallel_loop3A_805 = tpu.vector_load %arg9[%parallel_loop3A_803, %parallel_loop3A_804] {strides = array<i32>} : memref<32x768xf32, #tpu.memory_space<vmem>>, vector<1x16xf32>,
        %parallel_loop3A_806 = vector.shape_cast %parallel_loop3A_805 : vector<1x16xf32> to vector<16xf32>
        %parallel_loop3A_807 = vector.shape_cast %parallel_loop3A_802 : vector<16xf32> to vector<1x16xf32>
        tpu.vector_store %arg9[%parallel_loop3A_803, %parallel_loop3A_804], %parallel_loop3A_807 {strides = array<i32>} : memref<32x768xf32, #tpu.memory_space<vmem>>, vector<1x16xf32>,
        %parallel_loop3A_808 = arith.index_cast %parallel_loop3A_82 : i32 to index
        %parallel_loop3A_809 = arith.constant 400 : index
        %parallel_loop3A_810 = tpu.vector_load %arg7[%parallel_loop3A_808, %parallel_loop3A_809] {strides = array<i32>} : memref<32x768xf32, #tpu.memory_space<vmem>>, vector<1x16xf32>,
        %parallel_loop3A_811 = vector.shape_cast %parallel_loop3A_810 : vector<1x16xf32> to vector<16xf32>
        %parallel_loop3A_812 = arith.subf %parallel_loop3A_811, %parallel_loop3A_460 : vector<16xf32>
        %parallel_loop3A_813 = arith.mulf %parallel_loop3A_812, %parallel_loop3A_532 : vector<16xf32>
        %parallel_loop3A_814 = arith.index_cast %parallel_loop3A_82 : i32 to index
        %parallel_loop3A_815 = arith.constant 400 : index
        %parallel_loop3A_816 = tpu.vector_load %arg9[%parallel_loop3A_814, %parallel_loop3A_815] {strides = array<i32>} : memref<32x768xf32, #tpu.memory_space<vmem>>, vector<1x16xf32>,
        %parallel_loop3A_817 = vector.shape_cast %parallel_loop3A_816 : vector<1x16xf32> to vector<16xf32>
        %parallel_loop3A_818 = vector.shape_cast %parallel_loop3A_813 : vector<16xf32> to vector<1x16xf32>
        tpu.vector_store %arg9[%parallel_loop3A_814, %parallel_loop3A_815], %parallel_loop3A_818 {strides = array<i32>} : memref<32x768xf32, #tpu.memory_space<vmem>>, vector<1x16xf32>,
        %parallel_loop3A_819 = arith.index_cast %parallel_loop3A_82 : i32 to index
        %parallel_loop3A_820 = arith.constant 416 : index
        %parallel_loop3A_821 = tpu.vector_load %arg7[%parallel_loop3A_819, %parallel_loop3A_820] {strides = array<i32>} : memref<32x768xf32, #tpu.memory_space<vmem>>, vector<1x16xf32>,
        %parallel_loop3A_822 = vector.shape_cast %parallel_loop3A_821 : vector<1x16xf32> to vector<16xf32>
        %parallel_loop3A_823 = arith.subf %parallel_loop3A_822, %parallel_loop3A_460 : vector<16xf32>
        %parallel_loop3A_824 = arith.mulf %parallel_loop3A_823, %parallel_loop3A_532 : vector<16xf32>
        %parallel_loop3A_825 = arith.index_cast %parallel_loop3A_82 : i32 to index
        %parallel_loop3A_826 = arith.constant 416 : index
        %parallel_loop3A_827 = tpu.vector_load %arg9[%parallel_loop3A_825, %parallel_loop3A_826] {strides = array<i32>} : memref<32x768xf32, #tpu.memory_space<vmem>>, vector<1x16xf32>,
        %parallel_loop3A_828 = vector.shape_cast %parallel_loop3A_827 : vector<1x16xf32> to vector<16xf32>
        %parallel_loop3A_829 = vector.shape_cast %parallel_loop3A_824 : vector<16xf32> to vector<1x16xf32>
        tpu.vector_store %arg9[%parallel_loop3A_825, %parallel_loop3A_826], %parallel_loop3A_829 {strides = array<i32>} : memref<32x768xf32, #tpu.memory_space<vmem>>, vector<1x16xf32>,
        %parallel_loop3A_830 = arith.index_cast %parallel_loop3A_82 : i32 to index
        %parallel_loop3A_831 = arith.constant 432 : index
        %parallel_loop3A_832 = tpu.vector_load %arg7[%parallel_loop3A_830, %parallel_loop3A_831] {strides = array<i32>} : memref<32x768xf32, #tpu.memory_space<vmem>>, vector<1x16xf32>,
        %parallel_loop3A_833 = vector.shape_cast %parallel_loop3A_832 : vector<1x16xf32> to vector<16xf32>
        %parallel_loop3A_834 = arith.subf %parallel_loop3A_833, %parallel_loop3A_460 : vector<16xf32>
        %parallel_loop3A_835 = arith.mulf %parallel_loop3A_834, %parallel_loop3A_532 : vector<16xf32>
        %parallel_loop3A_836 = arith.index_cast %parallel_loop3A_82 : i32 to index
        %parallel_loop3A_837 = arith.constant 432 : index
        %parallel_loop3A_838 = tpu.vector_load %arg9[%parallel_loop3A_836, %parallel_loop3A_837] {strides = array<i32>} : memref<32x768xf32, #tpu.memory_space<vmem>>, vector<1x16xf32>,
        %parallel_loop3A_839 = vector.shape_cast %parallel_loop3A_838 : vector<1x16xf32> to vector<16xf32>
        %parallel_loop3A_840 = vector.shape_cast %parallel_loop3A_835 : vector<16xf32> to vector<1x16xf32>
        tpu.vector_store %arg9[%parallel_loop3A_836, %parallel_loop3A_837], %parallel_loop3A_840 {strides = array<i32>} : memref<32x768xf32, #tpu.memory_space<vmem>>, vector<1x16xf32>,
        %parallel_loop3A_841 = arith.index_cast %parallel_loop3A_82 : i32 to index
        %parallel_loop3A_842 = arith.constant 448 : index
        %parallel_loop3A_843 = tpu.vector_load %arg7[%parallel_loop3A_841, %parallel_loop3A_842] {strides = array<i32>} : memref<32x768xf32, #tpu.memory_space<vmem>>, vector<1x16xf32>,
        %parallel_loop3A_844 = vector.shape_cast %parallel_loop3A_843 : vector<1x16xf32> to vector<16xf32>
        %parallel_loop3A_845 = arith.subf %parallel_loop3A_844, %parallel_loop3A_460 : vector<16xf32>
        %parallel_loop3A_846 = arith.mulf %parallel_loop3A_845, %parallel_loop3A_532 : vector<16xf32>
        %parallel_loop3A_847 = arith.index_cast %parallel_loop3A_82 : i32 to index
        %parallel_loop3A_848 = arith.constant 448 : index
        %parallel_loop3A_849 = tpu.vector_load %arg9[%parallel_loop3A_847, %parallel_loop3A_848] {strides = array<i32>} : memref<32x768xf32, #tpu.memory_space<vmem>>, vector<1x16xf32>,
        %parallel_loop3A_850 = vector.shape_cast %parallel_loop3A_849 : vector<1x16xf32> to vector<16xf32>
        %parallel_loop3A_851 = vector.shape_cast %parallel_loop3A_846 : vector<16xf32> to vector<1x16xf32>
        tpu.vector_store %arg9[%parallel_loop3A_847, %parallel_loop3A_848], %parallel_loop3A_851 {strides = array<i32>} : memref<32x768xf32, #tpu.memory_space<vmem>>, vector<1x16xf32>,
        %parallel_loop3A_852 = arith.index_cast %parallel_loop3A_82 : i32 to index
        %parallel_loop3A_853 = arith.constant 464 : index
        %parallel_loop3A_854 = tpu.vector_load %arg7[%parallel_loop3A_852, %parallel_loop3A_853] {strides = array<i32>} : memref<32x768xf32, #tpu.memory_space<vmem>>, vector<1x16xf32>,
        %parallel_loop3A_855 = vector.shape_cast %parallel_loop3A_854 : vector<1x16xf32> to vector<16xf32>
        %parallel_loop3A_856 = arith.subf %parallel_loop3A_855, %parallel_loop3A_460 : vector<16xf32>
        %parallel_loop3A_857 = arith.mulf %parallel_loop3A_856, %parallel_loop3A_532 : vector<16xf32>
        %parallel_loop3A_858 = arith.index_cast %parallel_loop3A_82 : i32 to index
        %parallel_loop3A_859 = arith.constant 464 : index
        %parallel_loop3A_860 = tpu.vector_load %arg9[%parallel_loop3A_858, %parallel_loop3A_859] {strides = array<i32>} : memref<32x768xf32, #tpu.memory_space<vmem>>, vector<1x16xf32>,
        %parallel_loop3A_861 = vector.shape_cast %parallel_loop3A_860 : vector<1x16xf32> to vector<16xf32>
        %parallel_loop3A_862 = vector.shape_cast %parallel_loop3A_857 : vector<16xf32> to vector<1x16xf32>
        tpu.vector_store %arg9[%parallel_loop3A_858, %parallel_loop3A_859], %parallel_loop3A_862 {strides = array<i32>} : memref<32x768xf32, #tpu.memory_space<vmem>>, vector<1x16xf32>,
        %parallel_loop3A_863 = arith.index_cast %parallel_loop3A_82 : i32 to index
        %parallel_loop3A_864 = arith.constant 480 : index
        %parallel_loop3A_865 = tpu.vector_load %arg7[%parallel_loop3A_863, %parallel_loop3A_864] {strides = array<i32>} : memref<32x768xf32, #tpu.memory_space<vmem>>, vector<1x16xf32>,
        %parallel_loop3A_866 = vector.shape_cast %parallel_loop3A_865 : vector<1x16xf32> to vector<16xf32>
        %parallel_loop3A_867 = arith.subf %parallel_loop3A_866, %parallel_loop3A_460 : vector<16xf32>
        %parallel_loop3A_868 = arith.mulf %parallel_loop3A_867, %parallel_loop3A_532 : vector<16xf32>
        %parallel_loop3A_869 = arith.index_cast %parallel_loop3A_82 : i32 to index
        %parallel_loop3A_870 = arith.constant 480 : index
        %parallel_loop3A_871 = tpu.vector_load %arg9[%parallel_loop3A_869, %parallel_loop3A_870] {strides = array<i32>} : memref<32x768xf32, #tpu.memory_space<vmem>>, vector<1x16xf32>,
        %parallel_loop3A_872 = vector.shape_cast %parallel_loop3A_871 : vector<1x16xf32> to vector<16xf32>
        %parallel_loop3A_873 = vector.shape_cast %parallel_loop3A_868 : vector<16xf32> to vector<1x16xf32>
        tpu.vector_store %arg9[%parallel_loop3A_869, %parallel_loop3A_870], %parallel_loop3A_873 {strides = array<i32>} : memref<32x768xf32, #tpu.memory_space<vmem>>, vector<1x16xf32>,
        %parallel_loop3A_874 = arith.index_cast %parallel_loop3A_82 : i32 to index
        %parallel_loop3A_875 = arith.constant 496 : index
        %parallel_loop3A_876 = tpu.vector_load %arg7[%parallel_loop3A_874, %parallel_loop3A_875] {strides = array<i32>} : memref<32x768xf32, #tpu.memory_space<vmem>>, vector<1x16xf32>,
        %parallel_loop3A_877 = vector.shape_cast %parallel_loop3A_876 : vector<1x16xf32> to vector<16xf32>
        %parallel_loop3A_878 = arith.subf %parallel_loop3A_877, %parallel_loop3A_460 : vector<16xf32>
        %parallel_loop3A_879 = arith.mulf %parallel_loop3A_878, %parallel_loop3A_532 : vector<16xf32>
        %parallel_loop3A_880 = arith.index_cast %parallel_loop3A_82 : i32 to index
        %parallel_loop3A_881 = arith.constant 496 : index
        %parallel_loop3A_882 = tpu.vector_load %arg9[%parallel_loop3A_880, %parallel_loop3A_881] {strides = array<i32>} : memref<32x768xf32, #tpu.memory_space<vmem>>, vector<1x16xf32>,
        %parallel_loop3A_883 = vector.shape_cast %parallel_loop3A_882 : vector<1x16xf32> to vector<16xf32>
        %parallel_loop3A_884 = vector.shape_cast %parallel_loop3A_879 : vector<16xf32> to vector<1x16xf32>
        tpu.vector_store %arg9[%parallel_loop3A_880, %parallel_loop3A_881], %parallel_loop3A_884 {strides = array<i32>} : memref<32x768xf32, #tpu.memory_space<vmem>>, vector<1x16xf32>,
        %parallel_loop3A_885 = arith.index_cast %parallel_loop3A_82 : i32 to index
        %parallel_loop3A_886 = arith.constant 512 : index
        %parallel_loop3A_887 = tpu.vector_load %arg7[%parallel_loop3A_885, %parallel_loop3A_886] {strides = array<i32>} : memref<32x768xf32, #tpu.memory_space<vmem>>, vector<1x16xf32>,
        %parallel_loop3A_888 = vector.shape_cast %parallel_loop3A_887 : vector<1x16xf32> to vector<16xf32>
        %parallel_loop3A_889 = arith.subf %parallel_loop3A_888, %parallel_loop3A_460 : vector<16xf32>
        %parallel_loop3A_890 = arith.mulf %parallel_loop3A_889, %parallel_loop3A_532 : vector<16xf32>
        %parallel_loop3A_891 = arith.index_cast %parallel_loop3A_82 : i32 to index
        %parallel_loop3A_892 = arith.constant 512 : index
        %parallel_loop3A_893 = tpu.vector_load %arg9[%parallel_loop3A_891, %parallel_loop3A_892] {strides = array<i32>} : memref<32x768xf32, #tpu.memory_space<vmem>>, vector<1x16xf32>,
        %parallel_loop3A_894 = vector.shape_cast %parallel_loop3A_893 : vector<1x16xf32> to vector<16xf32>
        %parallel_loop3A_895 = vector.shape_cast %parallel_loop3A_890 : vector<16xf32> to vector<1x16xf32>
        tpu.vector_store %arg9[%parallel_loop3A_891, %parallel_loop3A_892], %parallel_loop3A_895 {strides = array<i32>} : memref<32x768xf32, #tpu.memory_space<vmem>>, vector<1x16xf32>,
        %parallel_loop3A_896 = arith.index_cast %parallel_loop3A_82 : i32 to index
        %parallel_loop3A_897 = arith.constant 528 : index
        %parallel_loop3A_898 = tpu.vector_load %arg7[%parallel_loop3A_896, %parallel_loop3A_897] {strides = array<i32>} : memref<32x768xf32, #tpu.memory_space<vmem>>, vector<1x16xf32>,
        %parallel_loop3A_899 = vector.shape_cast %parallel_loop3A_898 : vector<1x16xf32> to vector<16xf32>
        %parallel_loop3A_900 = arith.subf %parallel_loop3A_899, %parallel_loop3A_460 : vector<16xf32>
        %parallel_loop3A_901 = arith.mulf %parallel_loop3A_900, %parallel_loop3A_532 : vector<16xf32>
        %parallel_loop3A_902 = arith.index_cast %parallel_loop3A_82 : i32 to index
        %parallel_loop3A_903 = arith.constant 528 : index
        %parallel_loop3A_904 = tpu.vector_load %arg9[%parallel_loop3A_902, %parallel_loop3A_903] {strides = array<i32>} : memref<32x768xf32, #tpu.memory_space<vmem>>, vector<1x16xf32>,
        %parallel_loop3A_905 = vector.shape_cast %parallel_loop3A_904 : vector<1x16xf32> to vector<16xf32>
        %parallel_loop3A_906 = vector.shape_cast %parallel_loop3A_901 : vector<16xf32> to vector<1x16xf32>
        tpu.vector_store %arg9[%parallel_loop3A_902, %parallel_loop3A_903], %parallel_loop3A_906 {strides = array<i32>} : memref<32x768xf32, #tpu.memory_space<vmem>>, vector<1x16xf32>,
        %parallel_loop3A_907 = arith.index_cast %parallel_loop3A_82 : i32 to index
        %parallel_loop3A_908 = arith.constant 544 : index
        %parallel_loop3A_909 = tpu.vector_load %arg7[%parallel_loop3A_907, %parallel_loop3A_908] {strides = array<i32>} : memref<32x768xf32, #tpu.memory_space<vmem>>, vector<1x16xf32>,
        %parallel_loop3A_910 = vector.shape_cast %parallel_loop3A_909 : vector<1x16xf32> to vector<16xf32>
        %parallel_loop3A_911 = arith.subf %parallel_loop3A_910, %parallel_loop3A_460 : vector<16xf32>
        %parallel_loop3A_912 = arith.mulf %parallel_loop3A_911, %parallel_loop3A_532 : vector<16xf32>
        %parallel_loop3A_913 = arith.index_cast %parallel_loop3A_82 : i32 to index
        %parallel_loop3A_914 = arith.constant 544 : index
        %parallel_loop3A_915 = tpu.vector_load %arg9[%parallel_loop3A_913, %parallel_loop3A_914] {strides = array<i32>} : memref<32x768xf32, #tpu.memory_space<vmem>>, vector<1x16xf32>,
        %parallel_loop3A_916 = vector.shape_cast %parallel_loop3A_915 : vector<1x16xf32> to vector<16xf32>
        %parallel_loop3A_917 = vector.shape_cast %parallel_loop3A_912 : vector<16xf32> to vector<1x16xf32>
        tpu.vector_store %arg9[%parallel_loop3A_913, %parallel_loop3A_914], %parallel_loop3A_917 {strides = array<i32>} : memref<32x768xf32, #tpu.memory_space<vmem>>, vector<1x16xf32>,
        %parallel_loop3A_918 = arith.index_cast %parallel_loop3A_82 : i32 to index
        %parallel_loop3A_919 = arith.constant 560 : index
        %parallel_loop3A_920 = tpu.vector_load %arg7[%parallel_loop3A_918, %parallel_loop3A_919] {strides = array<i32>} : memref<32x768xf32, #tpu.memory_space<vmem>>, vector<1x16xf32>,
        %parallel_loop3A_921 = vector.shape_cast %parallel_loop3A_920 : vector<1x16xf32> to vector<16xf32>
        %parallel_loop3A_922 = arith.subf %parallel_loop3A_921, %parallel_loop3A_460 : vector<16xf32>
        %parallel_loop3A_923 = arith.mulf %parallel_loop3A_922, %parallel_loop3A_532 : vector<16xf32>
        %parallel_loop3A_924 = arith.index_cast %parallel_loop3A_82 : i32 to index
        %parallel_loop3A_925 = arith.constant 560 : index
        %parallel_loop3A_926 = tpu.vector_load %arg9[%parallel_loop3A_924, %parallel_loop3A_925] {strides = array<i32>} : memref<32x768xf32, #tpu.memory_space<vmem>>, vector<1x16xf32>,
        %parallel_loop3A_927 = vector.shape_cast %parallel_loop3A_926 : vector<1x16xf32> to vector<16xf32>
        %parallel_loop3A_928 = vector.shape_cast %parallel_loop3A_923 : vector<16xf32> to vector<1x16xf32>
        tpu.vector_store %arg9[%parallel_loop3A_924, %parallel_loop3A_925], %parallel_loop3A_928 {strides = array<i32>} : memref<32x768xf32, #tpu.memory_space<vmem>>, vector<1x16xf32>,
        %parallel_loop3A_929 = arith.index_cast %parallel_loop3A_82 : i32 to index
        %parallel_loop3A_930 = arith.constant 576 : index
        %parallel_loop3A_931 = tpu.vector_load %arg7[%parallel_loop3A_929, %parallel_loop3A_930] {strides = array<i32>} : memref<32x768xf32, #tpu.memory_space<vmem>>, vector<1x16xf32>,
        %parallel_loop3A_932 = vector.shape_cast %parallel_loop3A_931 : vector<1x16xf32> to vector<16xf32>
        %parallel_loop3A_933 = arith.subf %parallel_loop3A_932, %parallel_loop3A_460 : vector<16xf32>
        %parallel_loop3A_934 = arith.mulf %parallel_loop3A_933, %parallel_loop3A_532 : vector<16xf32>
        %parallel_loop3A_935 = arith.index_cast %parallel_loop3A_82 : i32 to index
        %parallel_loop3A_936 = arith.constant 576 : index
        %parallel_loop3A_937 = tpu.vector_load %arg9[%parallel_loop3A_935, %parallel_loop3A_936] {strides = array<i32>} : memref<32x768xf32, #tpu.memory_space<vmem>>, vector<1x16xf32>,
        %parallel_loop3A_938 = vector.shape_cast %parallel_loop3A_937 : vector<1x16xf32> to vector<16xf32>
        %parallel_loop3A_939 = vector.shape_cast %parallel_loop3A_934 : vector<16xf32> to vector<1x16xf32>
        tpu.vector_store %arg9[%parallel_loop3A_935, %parallel_loop3A_936], %parallel_loop3A_939 {strides = array<i32>} : memref<32x768xf32, #tpu.memory_space<vmem>>, vector<1x16xf32>,
        %parallel_loop3A_940 = arith.index_cast %parallel_loop3A_82 : i32 to index
        %parallel_loop3A_941 = arith.constant 592 : index
        %parallel_loop3A_942 = tpu.vector_load %arg7[%parallel_loop3A_940, %parallel_loop3A_941] {strides = array<i32>} : memref<32x768xf32, #tpu.memory_space<vmem>>, vector<1x16xf32>,
        %parallel_loop3A_943 = vector.shape_cast %parallel_loop3A_942 : vector<1x16xf32> to vector<16xf32>
        %parallel_loop3A_944 = arith.subf %parallel_loop3A_943, %parallel_loop3A_460 : vector<16xf32>
        %parallel_loop3A_945 = arith.mulf %parallel_loop3A_944, %parallel_loop3A_532 : vector<16xf32>
        %parallel_loop3A_946 = arith.index_cast %parallel_loop3A_82 : i32 to index
        %parallel_loop3A_947 = arith.constant 592 : index
        %parallel_loop3A_948 = tpu.vector_load %arg9[%parallel_loop3A_946, %parallel_loop3A_947] {strides = array<i32>} : memref<32x768xf32, #tpu.memory_space<vmem>>, vector<1x16xf32>,
        %parallel_loop3A_949 = vector.shape_cast %parallel_loop3A_948 : vector<1x16xf32> to vector<16xf32>
        %parallel_loop3A_950 = vector.shape_cast %parallel_loop3A_945 : vector<16xf32> to vector<1x16xf32>
        tpu.vector_store %arg9[%parallel_loop3A_946, %parallel_loop3A_947], %parallel_loop3A_950 {strides = array<i32>} : memref<32x768xf32, #tpu.memory_space<vmem>>, vector<1x16xf32>,
        %parallel_loop3A_951 = arith.index_cast %parallel_loop3A_82 : i32 to index
        %parallel_loop3A_952 = arith.constant 608 : index
        %parallel_loop3A_953 = tpu.vector_load %arg7[%parallel_loop3A_951, %parallel_loop3A_952] {strides = array<i32>} : memref<32x768xf32, #tpu.memory_space<vmem>>, vector<1x16xf32>,
        %parallel_loop3A_954 = vector.shape_cast %parallel_loop3A_953 : vector<1x16xf32> to vector<16xf32>
        %parallel_loop3A_955 = arith.subf %parallel_loop3A_954, %parallel_loop3A_460 : vector<16xf32>
        %parallel_loop3A_956 = arith.mulf %parallel_loop3A_955, %parallel_loop3A_532 : vector<16xf32>
        %parallel_loop3A_957 = arith.index_cast %parallel_loop3A_82 : i32 to index
        %parallel_loop3A_958 = arith.constant 608 : index
        %parallel_loop3A_959 = tpu.vector_load %arg9[%parallel_loop3A_957, %parallel_loop3A_958] {strides = array<i32>} : memref<32x768xf32, #tpu.memory_space<vmem>>, vector<1x16xf32>,
        %parallel_loop3A_960 = vector.shape_cast %parallel_loop3A_959 : vector<1x16xf32> to vector<16xf32>
        %parallel_loop3A_961 = vector.shape_cast %parallel_loop3A_956 : vector<16xf32> to vector<1x16xf32>
        tpu.vector_store %arg9[%parallel_loop3A_957, %parallel_loop3A_958], %parallel_loop3A_961 {strides = array<i32>} : memref<32x768xf32, #tpu.memory_space<vmem>>, vector<1x16xf32>,
        %parallel_loop3A_962 = arith.index_cast %parallel_loop3A_82 : i32 to index
        %parallel_loop3A_963 = arith.constant 624 : index
        %parallel_loop3A_964 = tpu.vector_load %arg7[%parallel_loop3A_962, %parallel_loop3A_963] {strides = array<i32>} : memref<32x768xf32, #tpu.memory_space<vmem>>, vector<1x16xf32>,
        %parallel_loop3A_965 = vector.shape_cast %parallel_loop3A_964 : vector<1x16xf32> to vector<16xf32>
        %parallel_loop3A_966 = arith.subf %parallel_loop3A_965, %parallel_loop3A_460 : vector<16xf32>
        %parallel_loop3A_967 = arith.mulf %parallel_loop3A_966, %parallel_loop3A_532 : vector<16xf32>
        %parallel_loop3A_968 = arith.index_cast %parallel_loop3A_82 : i32 to index
        %parallel_loop3A_969 = arith.constant 624 : index
        %parallel_loop3A_970 = tpu.vector_load %arg9[%parallel_loop3A_968, %parallel_loop3A_969] {strides = array<i32>} : memref<32x768xf32, #tpu.memory_space<vmem>>, vector<1x16xf32>,
        %parallel_loop3A_971 = vector.shape_cast %parallel_loop3A_970 : vector<1x16xf32> to vector<16xf32>
        %parallel_loop3A_972 = vector.shape_cast %parallel_loop3A_967 : vector<16xf32> to vector<1x16xf32>
        tpu.vector_store %arg9[%parallel_loop3A_968, %parallel_loop3A_969], %parallel_loop3A_972 {strides = array<i32>} : memref<32x768xf32, #tpu.memory_space<vmem>>, vector<1x16xf32>,
        %parallel_loop3A_973 = arith.index_cast %parallel_loop3A_82 : i32 to index
        %parallel_loop3A_974 = arith.constant 640 : index
        %parallel_loop3A_975 = tpu.vector_load %arg7[%parallel_loop3A_973, %parallel_loop3A_974] {strides = array<i32>} : memref<32x768xf32, #tpu.memory_space<vmem>>, vector<1x16xf32>,
        %parallel_loop3A_976 = vector.shape_cast %parallel_loop3A_975 : vector<1x16xf32> to vector<16xf32>
        %parallel_loop3A_977 = arith.subf %parallel_loop3A_976, %parallel_loop3A_460 : vector<16xf32>
        %parallel_loop3A_978 = arith.mulf %parallel_loop3A_977, %parallel_loop3A_532 : vector<16xf32>
        %parallel_loop3A_979 = arith.index_cast %parallel_loop3A_82 : i32 to index
        %parallel_loop3A_980 = arith.constant 640 : index
        %parallel_loop3A_981 = tpu.vector_load %arg9[%parallel_loop3A_979, %parallel_loop3A_980] {strides = array<i32>} : memref<32x768xf32, #tpu.memory_space<vmem>>, vector<1x16xf32>,
        %parallel_loop3A_982 = vector.shape_cast %parallel_loop3A_981 : vector<1x16xf32> to vector<16xf32>
        %parallel_loop3A_983 = vector.shape_cast %parallel_loop3A_978 : vector<16xf32> to vector<1x16xf32>
        tpu.vector_store %arg9[%parallel_loop3A_979, %parallel_loop3A_980], %parallel_loop3A_983 {strides = array<i32>} : memref<32x768xf32, #tpu.memory_space<vmem>>, vector<1x16xf32>,
        %parallel_loop3A_984 = arith.index_cast %parallel_loop3A_82 : i32 to index
        %parallel_loop3A_985 = arith.constant 656 : index
        %parallel_loop3A_986 = tpu.vector_load %arg7[%parallel_loop3A_984, %parallel_loop3A_985] {strides = array<i32>} : memref<32x768xf32, #tpu.memory_space<vmem>>, vector<1x16xf32>,
        %parallel_loop3A_987 = vector.shape_cast %parallel_loop3A_986 : vector<1x16xf32> to vector<16xf32>
        %parallel_loop3A_988 = arith.subf %parallel_loop3A_987, %parallel_loop3A_460 : vector<16xf32>
        %parallel_loop3A_989 = arith.mulf %parallel_loop3A_988, %parallel_loop3A_532 : vector<16xf32>
        %parallel_loop3A_990 = arith.index_cast %parallel_loop3A_82 : i32 to index
        %parallel_loop3A_991 = arith.constant 656 : index
        %parallel_loop3A_992 = tpu.vector_load %arg9[%parallel_loop3A_990, %parallel_loop3A_991] {strides = array<i32>} : memref<32x768xf32, #tpu.memory_space<vmem>>, vector<1x16xf32>,
        %parallel_loop3A_993 = vector.shape_cast %parallel_loop3A_992 : vector<1x16xf32> to vector<16xf32>
        %parallel_loop3A_994 = vector.shape_cast %parallel_loop3A_989 : vector<16xf32> to vector<1x16xf32>
        tpu.vector_store %arg9[%parallel_loop3A_990, %parallel_loop3A_991], %parallel_loop3A_994 {strides = array<i32>} : memref<32x768xf32, #tpu.memory_space<vmem>>, vector<1x16xf32>,
        %parallel_loop3A_995 = arith.index_cast %parallel_loop3A_82 : i32 to index
        %parallel_loop3A_996 = arith.constant 672 : index
        %parallel_loop3A_997 = tpu.vector_load %arg7[%parallel_loop3A_995, %parallel_loop3A_996] {strides = array<i32>} : memref<32x768xf32, #tpu.memory_space<vmem>>, vector<1x16xf32>,
        %parallel_loop3A_998 = vector.shape_cast %parallel_loop3A_997 : vector<1x16xf32> to vector<16xf32>
        %parallel_loop3A_999 = arith.subf %parallel_loop3A_998, %parallel_loop3A_460 : vector<16xf32>
        %parallel_loop3A_1000 = arith.mulf %parallel_loop3A_999, %parallel_loop3A_532 : vector<16xf32>
        %parallel_loop3A_1001 = arith.index_cast %parallel_loop3A_82 : i32 to index
        %parallel_loop3A_1002 = arith.constant 672 : index
        %parallel_loop3A_1003 = tpu.vector_load %arg9[%parallel_loop3A_1001, %parallel_loop3A_1002] {strides = array<i32>} : memref<32x768xf32, #tpu.memory_space<vmem>>, vector<1x16xf32>,
        %parallel_loop3A_1004 = vector.shape_cast %parallel_loop3A_1003 : vector<1x16xf32> to vector<16xf32>
        %parallel_loop3A_1005 = vector.shape_cast %parallel_loop3A_1000 : vector<16xf32> to vector<1x16xf32>
        tpu.vector_store %arg9[%parallel_loop3A_1001, %parallel_loop3A_1002], %parallel_loop3A_1005 {strides = array<i32>} : memref<32x768xf32, #tpu.memory_space<vmem>>, vector<1x16xf32>,
        %parallel_loop3A_1006 = arith.index_cast %parallel_loop3A_82 : i32 to index
        %parallel_loop3A_1007 = arith.constant 688 : index
        %parallel_loop3A_1008 = tpu.vector_load %arg7[%parallel_loop3A_1006, %parallel_loop3A_1007] {strides = array<i32>} : memref<32x768xf32, #tpu.memory_space<vmem>>, vector<1x16xf32>,
        %parallel_loop3A_1009 = vector.shape_cast %parallel_loop3A_1008 : vector<1x16xf32> to vector<16xf32>
        %parallel_loop3A_1010 = arith.subf %parallel_loop3A_1009, %parallel_loop3A_460 : vector<16xf32>
        %parallel_loop3A_1011 = arith.mulf %parallel_loop3A_1010, %parallel_loop3A_532 : vector<16xf32>
        %parallel_loop3A_1012 = arith.index_cast %parallel_loop3A_82 : i32 to index
        %parallel_loop3A_1013 = arith.constant 688 : index
        %parallel_loop3A_1014 = tpu.vector_load %arg9[%parallel_loop3A_1012, %parallel_loop3A_1013] {strides = array<i32>} : memref<32x768xf32, #tpu.memory_space<vmem>>, vector<1x16xf32>,
        %parallel_loop3A_1015 = vector.shape_cast %parallel_loop3A_1014 : vector<1x16xf32> to vector<16xf32>
        %parallel_loop3A_1016 = vector.shape_cast %parallel_loop3A_1011 : vector<16xf32> to vector<1x16xf32>
        tpu.vector_store %arg9[%parallel_loop3A_1012, %parallel_loop3A_1013], %parallel_loop3A_1016 {strides = array<i32>} : memref<32x768xf32, #tpu.memory_space<vmem>>, vector<1x16xf32>,
        %parallel_loop3A_1017 = arith.index_cast %parallel_loop3A_82 : i32 to index
        %parallel_loop3A_1018 = arith.constant 704 : index
        %parallel_loop3A_1019 = tpu.vector_load %arg7[%parallel_loop3A_1017, %parallel_loop3A_1018] {strides = array<i32>} : memref<32x768xf32, #tpu.memory_space<vmem>>, vector<1x16xf32>,
        %parallel_loop3A_1020 = vector.shape_cast %parallel_loop3A_1019 : vector<1x16xf32> to vector<16xf32>
        %parallel_loop3A_1021 = arith.subf %parallel_loop3A_1020, %parallel_loop3A_460 : vector<16xf32>
        %parallel_loop3A_1022 = arith.mulf %parallel_loop3A_1021, %parallel_loop3A_532 : vector<16xf32>
        %parallel_loop3A_1023 = arith.index_cast %parallel_loop3A_82 : i32 to index
        %parallel_loop3A_1024 = arith.constant 704 : index
        %parallel_loop3A_1025 = tpu.vector_load %arg9[%parallel_loop3A_1023, %parallel_loop3A_1024] {strides = array<i32>} : memref<32x768xf32, #tpu.memory_space<vmem>>, vector<1x16xf32>,
        %parallel_loop3A_1026 = vector.shape_cast %parallel_loop3A_1025 : vector<1x16xf32> to vector<16xf32>
        %parallel_loop3A_1027 = vector.shape_cast %parallel_loop3A_1022 : vector<16xf32> to vector<1x16xf32>
        tpu.vector_store %arg9[%parallel_loop3A_1023, %parallel_loop3A_1024], %parallel_loop3A_1027 {strides = array<i32>} : memref<32x768xf32, #tpu.memory_space<vmem>>, vector<1x16xf32>,
        %parallel_loop3A_1028 = arith.index_cast %parallel_loop3A_82 : i32 to index
        %parallel_loop3A_1029 = arith.constant 720 : index
        %parallel_loop3A_1030 = tpu.vector_load %arg7[%parallel_loop3A_1028, %parallel_loop3A_1029] {strides = array<i32>} : memref<32x768xf32, #tpu.memory_space<vmem>>, vector<1x16xf32>,
        %parallel_loop3A_1031 = vector.shape_cast %parallel_loop3A_1030 : vector<1x16xf32> to vector<16xf32>
        %parallel_loop3A_1032 = arith.subf %parallel_loop3A_1031, %parallel_loop3A_460 : vector<16xf32>
        %parallel_loop3A_1033 = arith.mulf %parallel_loop3A_1032, %parallel_loop3A_532 : vector<16xf32>
        %parallel_loop3A_1034 = arith.index_cast %parallel_loop3A_82 : i32 to index
        %parallel_loop3A_1035 = arith.constant 720 : index
        %parallel_loop3A_1036 = tpu.vector_load %arg9[%parallel_loop3A_1034, %parallel_loop3A_1035] {strides = array<i32>} : memref<32x768xf32, #tpu.memory_space<vmem>>, vector<1x16xf32>,
        %parallel_loop3A_1037 = vector.shape_cast %parallel_loop3A_1036 : vector<1x16xf32> to vector<16xf32>
        %parallel_loop3A_1038 = vector.shape_cast %parallel_loop3A_1033 : vector<16xf32> to vector<1x16xf32>
        tpu.vector_store %arg9[%parallel_loop3A_1034, %parallel_loop3A_1035], %parallel_loop3A_1038 {strides = array<i32>} : memref<32x768xf32, #tpu.memory_space<vmem>>, vector<1x16xf32>,
        %parallel_loop3A_1039 = arith.index_cast %parallel_loop3A_82 : i32 to index
        %parallel_loop3A_1040 = arith.constant 736 : index
        %parallel_loop3A_1041 = tpu.vector_load %arg7[%parallel_loop3A_1039, %parallel_loop3A_1040] {strides = array<i32>} : memref<32x768xf32, #tpu.memory_space<vmem>>, vector<1x16xf32>,
        %parallel_loop3A_1042 = vector.shape_cast %parallel_loop3A_1041 : vector<1x16xf32> to vector<16xf32>
        %parallel_loop3A_1043 = arith.subf %parallel_loop3A_1042, %parallel_loop3A_460 : vector<16xf32>
        %parallel_loop3A_1044 = arith.mulf %parallel_loop3A_1043, %parallel_loop3A_532 : vector<16xf32>
        %parallel_loop3A_1045 = arith.index_cast %parallel_loop3A_82 : i32 to index
        %parallel_loop3A_1046 = arith.constant 736 : index
        %parallel_loop3A_1047 = tpu.vector_load %arg9[%parallel_loop3A_1045, %parallel_loop3A_1046] {strides = array<i32>} : memref<32x768xf32, #tpu.memory_space<vmem>>, vector<1x16xf32>,
        %parallel_loop3A_1048 = vector.shape_cast %parallel_loop3A_1047 : vector<1x16xf32> to vector<16xf32>
        %parallel_loop3A_1049 = vector.shape_cast %parallel_loop3A_1044 : vector<16xf32> to vector<1x16xf32>
        tpu.vector_store %arg9[%parallel_loop3A_1045, %parallel_loop3A_1046], %parallel_loop3A_1049 {strides = array<i32>} : memref<32x768xf32, #tpu.memory_space<vmem>>, vector<1x16xf32>,
        %parallel_loop3A_1050 = arith.index_cast %parallel_loop3A_82 : i32 to index
        %parallel_loop3A_1051 = arith.constant 752 : index
        %parallel_loop3A_1052 = tpu.vector_load %arg7[%parallel_loop3A_1050, %parallel_loop3A_1051] {strides = array<i32>} : memref<32x768xf32, #tpu.memory_space<vmem>>, vector<1x16xf32>,
        %parallel_loop3A_1053 = vector.shape_cast %parallel_loop3A_1052 : vector<1x16xf32> to vector<16xf32>
        %parallel_loop3A_1054 = arith.subf %parallel_loop3A_1053, %parallel_loop3A_460 : vector<16xf32>
        %parallel_loop3A_1055 = arith.mulf %parallel_loop3A_1054, %parallel_loop3A_532 : vector<16xf32>
        %parallel_loop3A_1056 = arith.index_cast %parallel_loop3A_82 : i32 to index
        %parallel_loop3A_1057 = arith.constant 752 : index
        %parallel_loop3A_1058 = tpu.vector_load %arg9[%parallel_loop3A_1056, %parallel_loop3A_1057] {strides = array<i32>} : memref<32x768xf32, #tpu.memory_space<vmem>>, vector<1x16xf32>,
        %parallel_loop3A_1059 = vector.shape_cast %parallel_loop3A_1058 : vector<1x16xf32> to vector<16xf32>
        %parallel_loop3A_1060 = vector.shape_cast %parallel_loop3A_1055 : vector<16xf32> to vector<1x16xf32>
        tpu.vector_store %arg9[%parallel_loop3A_1056, %parallel_loop3A_1057], %parallel_loop3A_1060 {strides = array<i32>} : memref<32x768xf32, #tpu.memory_space<vmem>>, vector<1x16xf32>,
      } {sc.loop_unroll_factor = 4 : i64, sc.parallel_access}
      %add3A_68 = arith.constant 1 : i32
      %add3A_69 = arith.addi %mul3A_30, %add3A_68 : i32
      %mul3A_70 = arith.constant 32 : i32
      %mul3A_71 = arith.muli %add3A_69, %mul3A_70 : i32
      %add3A_72 = arith.addi %mul3A_2, %mul3A_71 : i32
      %dma_start3A_73 = arith.constant 0 : i32
      %dma_start3A_74 = tpu.memref_slice %arg4[%add3A_72, %dma_start3A_73] : memref<16384x768xf32, #tpu.memory_space<hbm>> -> memref<32x768xf32, #tpu.memory_space<hbm>>
      %dma_start3A_75 = arith.constant 0 : i32
      %dma_start3A_76 = tpu.memref_slice %arg4[%add3A_72, %dma_start3A_75] : memref<16384x768xf32, #tpu.memory_space<hbm>> -> memref<32x768xf32, #tpu.memory_space<hbm>>
      tpu.enqueue_dma source(%arg9 : memref<32x768xf32, #tpu.memory_space<vmem>>) target(%dma_start3A_76 : memref<32x768xf32, #tpu.memory_space<hbm>>) target_semaphore(%arg13 : memref<!tpu.dma_semaphore, #tpu.memory_space<semaphore_mem>>)
      %lt3A_77 = arith.constant 7 : i32
      %lt3A_78 = arith.cmpi slt, %scan3A_28, %lt3A_77 : i32
      %convert_element_type3A_79 = arith.extui %lt3A_78 : i1 to i32
      %cond3A_80 = arith.constant 0 : i32
      %cond3A_81 = arith.cmpi ne, %convert_element_type3A_79, %cond3A_80 : i32
      scf.if %cond3A_81 {
        %add3A_82 = arith.constant 3 : i32
        %add3A_83 = arith.addi %mul3A_30, %add3A_82 : i32
        %mul3A_84 = arith.constant 32 : i32
        %mul3A_85 = arith.muli %add3A_83, %mul3A_84 : i32
        %dma_start3A_86 = tpu.memref_slice %arg5[%mul3A_85] : memref<512xi32, #tpu.memory_space<vmem>> -> memref<32xi32, #tpu.memory_space<vmem>>
        %dma_start3A_87 = arith.constant 0 : i32
        %dma_start3A_88 = arith.constant 0 : i32
        %dma_start3A_89 = tpu.memref_slice %arg3[%dma_start3A_87, %dma_start3A_88] : memref<100000x768xf32, #tpu.memory_space<hbm>> -> memref<100000x768xf32, #tpu.memory_space<hbm>>
        tpu.enqueue_indirect_dma source(%dma_start3A_89 : memref<100000x768xf32, #tpu.memory_space<hbm>>) target(%arg7 : memref<32x768xf32, #tpu.memory_space<vmem>>) offsets(%dma_start3A_86 : memref<32xi32, #tpu.memory_space<vmem>>) semaphore(%arg11 : memref<!tpu.dma_semaphore, #tpu.memory_space<semaphore_mem>>)
      } else {
      }
    }
    %scan3A_16 = arith.constant 8 : i32
    %add3A_17 = arith.constant 448 : i32
    %add3A_18 = arith.addi %mul3A_2, %add3A_17 : i32
    %dma_wait3A = arith.constant 0 : i32
    %dma_wait3A_19 = tpu.memref_slice %arg4[%add3A_18, %dma_wait3A] : memref<16384x768xf32, #tpu.memory_space<hbm>> -> memref<32x768xf32, #tpu.memory_space<hbm>>
    %dma_wait3A_20 = arith.constant 0 : i32
    %dma_wait3A_21 = tpu.memref_slice %arg4[%add3A_18, %dma_wait3A_20] : memref<16384x768xf32, #tpu.memory_space<hbm>> -> memref<32x768xf32, #tpu.memory_space<hbm>>
    tpu.wait_dma2 semaphore(%arg12 : memref<!tpu.dma_semaphore, #tpu.memory_space<semaphore_mem>>) src(%arg8 : memref<32x768xf32, #tpu.memory_space<vmem>>) dst(%dma_wait3A_21 : memref<32x768xf32, #tpu.memory_space<hbm>>)
    %add3A_22 = arith.constant 480 : i32
    %add3A_23 = arith.addi %mul3A_2, %add3A_22 : i32
    %dma_wait3A_24 = arith.constant 0 : i32
    %dma_wait3A_25 = tpu.memref_slice %arg4[%add3A_23, %dma_wait3A_24] : memref<16384x768xf32, #tpu.memory_space<hbm>> -> memref<32x768xf32, #tpu.memory_space<hbm>>
    %dma_wait3A_26 = arith.constant 0 : i32
    %dma_wait3A_27 = tpu.memref_slice %arg4[%add3A_23, %dma_wait3A_26] : memref<16384x768xf32, #tpu.memory_space<hbm>> -> memref<32x768xf32, #tpu.memory_space<hbm>>
    tpu.wait_dma2 semaphore(%arg13 : memref<!tpu.dma_semaphore, #tpu.memory_space<semaphore_mem>>) src(%arg9 : memref<32x768xf32, #tpu.memory_space<vmem>>) dst(%dma_wait3A_27 : memref<32x768xf32, #tpu.memory_space<hbm>>)
    return
  }
}

module attributes {stable_mosaic.version = 14 : i64} {
  func.func @_tc_rel_body(%arg0: memref<511x768xf32, #tpu.memory_space<vmem>>, %arg1: memref<768xf32, #tpu.memory_space<vmem>>, %arg2: memref<768xf32, #tpu.memory_space<vmem>>, %arg3: memref<511x768xf32, #tpu.memory_space<vmem>>) attributes {dimension_semantics = [], scalar_prefetch = 0 : i64, scratch_operands = 0 : i64, tpu.core_type = #tpu.core_type<tc>} {
    %get3A = arith.constant 0 : index
    %get3A_0 = arith.constant 0 : index
    %get3A_1 = vector.load %arg0[%get3A, %get3A_0] : memref<511x768xf32, #tpu.memory_space<vmem>>, vector<511x768xf32>
    %reduce_sum3A = arith.constant dense<0.000000e+00> : vector<511xf32>
    %reduce_sum3A_2 = vector.multi_reduction <add>, %get3A_1, %reduce_sum3A [1] : vector<511x768xf32> to vector<511xf32>
    %broadcast_in_dim3A = vector.shape_cast %reduce_sum3A_2 : vector<511xf32> to vector<511x1xf32>
    %div3A = arith.constant 7.680000e+02 : f32
    %div3A_3 = vector.broadcast %div3A : f32 to vector<511x1xf32>
    %div3A_4 = arith.divf %broadcast_in_dim3A, %div3A_3 : vector<511x1xf32>
    %sub3A = vector.broadcast %div3A_4 : vector<511x1xf32> to vector<511x768xf32>
    %sub3A_5 = arith.subf %get3A_1, %sub3A : vector<511x768xf32>
    %mul3A = arith.mulf %sub3A_5, %sub3A_5 : vector<511x768xf32>
    %reduce_sum3A_6 = arith.constant dense<0.000000e+00> : vector<511xf32>
    %reduce_sum3A_7 = vector.multi_reduction <add>, %mul3A, %reduce_sum3A_6 [1] : vector<511x768xf32> to vector<511xf32>
    %broadcast_in_dim3A_8 = vector.shape_cast %reduce_sum3A_7 : vector<511xf32> to vector<511x1xf32>
    %div3A_9 = arith.constant 7.680000e+02 : f32
    %div3A_10 = vector.broadcast %div3A_9 : f32 to vector<511x1xf32>
    %div3A_11 = arith.divf %broadcast_in_dim3A_8, %div3A_10 : vector<511x1xf32>
    %add3A = arith.constant 1.000000e-07 : f32
    %add3A_12 = vector.broadcast %add3A : f32 to vector<511x1xf32>
    %add3A_13 = arith.addf %div3A_11, %add3A_12 : vector<511x1xf32>
    %rsqrt3A = math.rsqrt %add3A_13 : vector<511x1xf32>
    %mul3A_14 = vector.broadcast %rsqrt3A : vector<511x1xf32> to vector<511x768xf32>
    %mul3A_15 = arith.mulf %sub3A_5, %mul3A_14 : vector<511x768xf32>
    %get3A_16 = arith.constant 0 : index
    %get3A_17 = vector.load %arg1[%get3A_16] : memref<768xf32, #tpu.memory_space<vmem>>, vector<768xf32>
    %broadcast_in_dim3A_18 = vector.shape_cast %get3A_17 : vector<768xf32> to vector<1x768xf32>
    %mul3A_19 = vector.broadcast %broadcast_in_dim3A_18 : vector<1x768xf32> to vector<511x768xf32>
    %mul3A_20 = arith.mulf %mul3A_15, %mul3A_19 : vector<511x768xf32>
    %get3A_21 = arith.constant 0 : index
    %get3A_22 = vector.load %arg2[%get3A_21] : memref<768xf32, #tpu.memory_space<vmem>>, vector<768xf32>
    %broadcast_in_dim3A_23 = vector.shape_cast %get3A_22 : vector<768xf32> to vector<1x768xf32>
    %add3A_24 = vector.broadcast %broadcast_in_dim3A_23 : vector<1x768xf32> to vector<511x768xf32>
    %add3A_25 = arith.addf %mul3A_20, %add3A_24 : vector<511x768xf32>
    %swap3A = arith.constant 0 : index
    %swap3A_26 = arith.constant 0 : index
    %swap3A_27 = vector.load %arg3[%swap3A, %swap3A_26] : memref<511x768xf32, #tpu.memory_space<vmem>>, vector<511x768xf32>
    tpu.vector_store %arg3[%swap3A, %swap3A_26], %add3A_25 {strides = array<i32>} : memref<511x768xf32, #tpu.memory_space<vmem>>, vector<511x768xf32>,
    return
  }
}

</mosaic_0001>

<sc_bundles>
// kernel: kernel.4.cloned.1.call-start
scs
__scs_entry_jumppad:
0x0: {  	(pc) =	sbr.rel $0x88, $3  }
0x1: {  	(tag) =	ssettag $0x0;
	lr =	simm.s32 $0x1  }
0x2: {  	[smem:$0x3F9C] =	sst lr;
	_ =	strace $0xD0000000  }
0x3: {  	_ = 	snop  }
0x4: {  	_ = 	snop  }
0x5: {  	_ = 	snop  }
0x6: {  	_ = 	snop  }
0x7: {  	_ = 	snop  }
__scs_overlays_trampoline_lowered:
0x8: {  	[smem:$0x3FAB] =	sst s0  }
0x9: {  	[smem:$0x3FAC] =	sst s1  }
0xa: {  	[smem:$0x3FAD] =	sst s2  }
0xb: {  	[smem:$0x3FAE] =	sst s3  }
0xc: {  	[smem:$0x3FAF] =	sst s4  }
0xd: {  	[smem:$0x3FB0] =	sst s5  }
0xe: {  	[smem:$0x3FB1] =	sst s6  }
0xf: {  	[smem:$0x3FB2] =	sst s7  }
0x10: {  	[smem:$0x3FB3] =	sst s8  }
0x11: {  	[smem:$0x3FB4] =	sst s9;
	s0 =	simm.s32 @!p0 $0x0  }
0x12: {  	s1 =	sld [smem:$0x3F9A];
	s0 =	simm.s32 @p0 $0x1  }
0x13: {  	[smem:$0x3FB5] =	sst s0;
	s0 =	simm.s32 @!p1 $0x0  }
0x14: {  	s2 =	sld [smem:$0x3F99];
	s0 =	simm.s32 @p1 $0x1  }
0x15: {  	[smem:$0x3FB6] =	sst s0;
	s0 =	simm.s32 @!p2 $0x0  }
0x16: {  	s3 =	sld [smem:$0x3FDB];
	s0 =	simm.s32 @p2 $0x1  }
0x17: {  	s4 =	simm.s32 $0x1BF5;
	[smem:$0x3FB8] =	sst s0  }
0x18: {  	s0 =	sld [smem:$0x3F9B];
	_ =	swait.ge [sflag:s4], $0x0  }
0x19: {  	s7 =	sld [smem:$0x3F9C]  }
0x1a: {  	s8 =	sadd.s32 $0xFFFFE003, lr  }
0x1b: {  	s9 =	sadd.s32 $0xFFFFFEF7, lr;
	s5 =	simm.s32 $0xFFFFFFFF;
	p2 =	slt.u32 s8, $0xFFFFF086  }
0x1c: {  	p1 =	slt.u32 s9, $0xF7A;
	s5 =	simm.s32 @!p2 $0x0  }
0x1d: {  	s5 =	simm.s32 @p1 $0x1;
	p0 =	seq.s32 s7, s2  }
0x1e: {  	s7 =	smul.u32 @!p0 $0xF7A, s2;
	p2 =	seq.s32 @!p0 s5, $0x0  }
0x1f: {  	s9 =	smul.u32 $0xF7A, s1;
	s8 =	simm.s32 @!p0 $0x1BF5;
	p2 =	por !p2, p0  }
0x20: {  	[sflag:s8] =	ssyncset.s32 @!p0 $0xFFFFF086;
	s6 =	sadd.s32 @!p0 s3, s7;
	s7 =	simm.s32 @!p0 $0x108  }
0x21: {  	s3 =	sadd.s32 s3, s9;
	s6 =	sadd.s32 @!p0 $0x88, s6;
	s7 =	simm.s32 @p2 $0x1082  }
0x22: {  	[simem:s7], [sflag:s8] =	dma.local @!p0 [hbm:s6], $0xF7A  }
0x23: {  	s9 =	sor.u32 $0xD0000000, s2;
	s6 =	simm.s32 $0x108;
	_ =	swait.ge @!p0 [sflag:s8], $0x0  }
0x24: {  	s3 =	sadd.s32 $0x88, s3;
	s6 =	simm.s32 @!p1 $0x1082;
	[sflag:s4] =	ssyncset.s32 $0xFFFFF086  }
0x25: {  	[simem:s6], [sflag:s4] =	dma.local [hbm:s3], $0xF7A  }
0x26: {  	[smem:$0x3F9C] =	sst s1;
	(tag) =	ssettag s2;
	_ =	strace s9  }
0x27: {  	s1 =	sld [smem:$0x3FAC]  }
0x28: {  	s2 =	sld [smem:$0x3FAD]  }
0x29: {  	s4 =	sld [smem:$0x3FAF]  }
0x2a: {  	p0 =	seq.s32 s5, $0x0;
	s5 =	sld [smem:$0x3FB0]  }
0x2b: {  	s6 =	sld [smem:$0x3FB1]  }
0x2c: {  	s7 =	sld [smem:$0x3FB2]  }
0x2d: {  	s3 =	simm.s32 $0x108;
	s8 =	sld [smem:$0x3FB3]  }
0x2e: {  	s3 =	simm.s32 @!p0 $0x1082;
	s9 =	sld [smem:$0x3FB4]  }
0x2f: {  	lr =	sadd.s32 s0, s3;
	s0 =	sld [smem:$0x3FAB]  }
0x30: {  	s3 =	sld [smem:$0x3FAE]  }
0x31: {  	[smem:$0x3FB7] =	sst s10  }
0x32: {  	s10 =	sld [smem:$0x3FB5];
	_ =	sdelay $0x3  }
0x33: {  	p0 =	seq.s32 s10, $0x1;
	s10 =	sld [smem:$0x3FB7];
	_ =	sdelay $0x3  }
0x34: {  	[smem:$0x3FB7] =	sst s10  }
0x35: {  	s10 =	sld [smem:$0x3FB6];
	_ =	sdelay $0x3  }
0x36: {  	p1 =	seq.s32 s10, $0x1;
	s10 =	sld [smem:$0x3FB7];
	_ =	sdelay $0x3  }
0x37: {  	[smem:$0x3FB7] =	sst s10  }
0x38: {  	s10 =	sld [smem:$0x3FB8]  }
0x39: {  	_ = 	snop;
	(pc) =	sbr.ind lr, $3  }
0x3a: {  	_ = 	snop  }
0x3b: {  	_ = 	snop  }
0x3c: {  	p2 =	seq.s32 s10, $0x1;
	s10 =	sld [smem:$0x3FB7]  }
0x3d: {  	_ =	shalt  }
0x3e: {  	_ =	shalt  }
0x3f: {  	_ =	shalt  }
0x40: {  	_ =	shalt  }
0x41: {  	_ =	shalt  }
0x42: {  	_ =	shalt  }
0x43: {  	_ =	shalt  }
0x44: {  	_ =	shalt  }
0x45: {  	_ =	shalt  }
0x46: {  	_ =	shalt  }
0x47: {  	_ =	shalt  }
0x48: {  	_ =	shalt  }
0x49: {  	_ =	shalt  }
0x4a: {  	_ =	shalt  }
0x4b: {  	_ =	shalt  }
0x4c: {  	_ =	shalt  }
0x4d: {  	_ =	shalt  }
0x4e: {  	_ =	shalt  }
0x4f: {  	_ =	shalt  }
0x50: {  	_ =	shalt  }
0x51: {  	_ =	shalt  }
0x52: {  	_ =	shalt  }
0x53: {  	_ =	shalt  }
0x54: {  	_ =	shalt  }
0x55: {  	_ =	shalt  }
0x56: {  	_ =	shalt  }
0x57: {  	_ =	shalt  }
0x58: {  	_ =	shalt  }
0x59: {  	_ =	shalt  }
0x5a: {  	_ =	shalt  }
0x5b: {  	_ =	shalt  }
0x5c: {  	_ =	shalt  }
0x5d: {  	_ =	shalt  }
0x5e: {  	_ =	shalt  }
0x5f: {  	_ =	shalt  }
0x60: {  	_ =	shalt  }
0x61: {  	_ =	shalt  }
0x62: {  	_ =	shalt  }
0x63: {  	_ =	shalt  }
0x64: {  	_ =	shalt  }
0x65: {  	_ =	shalt  }
0x66: {  	_ =	shalt  }
0x67: {  	_ =	shalt  }
0x68: {  	_ =	shalt  }
0x69: {  	_ =	shalt  }
0x6a: {  	_ =	shalt  }
0x6b: {  	_ =	shalt  }
0x6c: {  	_ =	shalt  }
0x6d: {  	_ =	shalt  }
0x6e: {  	_ =	shalt  }
0x6f: {  	_ =	shalt  }
0x70: {  	_ =	shalt  }
0x71: {  	_ =	shalt  }
0x72: {  	_ =	shalt  }
0x73: {  	_ =	shalt  }
0x74: {  	_ =	shalt  }
0x75: {  	_ =	shalt  }
0x76: {  	_ =	shalt  }
0x77: {  	_ =	shalt  }
0x78: {  	_ =	shalt  }
0x79: {  	_ =	shalt  }
0x7a: {  	_ =	shalt  }
0x7b: {  	_ =	shalt  }
0x7c: {  	_ =	shalt  }
0x7d: {  	_ =	shalt  }
0x7e: {  	_ =	shalt  }
0x7f: {  	_ =	shalt  }
0x80: {  	_ =	shalt  }
0x81: {  	_ =	shalt  }
0x82: {  	_ =	shalt  }
0x83: {  	_ =	shalt  }
0x84: {  	_ =	shalt  }
0x85: {  	_ =	shalt  }
0x86: {  	_ =	shalt  }
0x87: {  	_ =	shalt  }
.Lfunc_end0:
.L_simem_size_0:
called_computation_lowered:
.L_overlay_start_0:
0x88: {  	s2 =	sld [smem:$0x3FD9]  }
0x89: {  	s3 =	sld [smem:$0x3FFE];
	_ =	sdelay $0x1  }
0x8a: {  	s1 =	srdreg.scid  }
0x8b: {  	s0 =	sand.u32 $0x1, s1  }
0x8c: {  	s14 =	sshll.u32 s0, $0xA;
	s2 =	sadd.s32 s3, s2  }
0x8d: {  	s2 =	sadd.s32 s2, s14  }
0x8e: {  	[smem:$0x3FC3] =	sst s2  }
0x8f: {  	_ = 	snop  }
0x90: {  	s2 =	sld [smem:$0x3FD0];
	_ =	sdelay $0x2  }
0x91: {  	s4 =	simm.s32 $0xA;
	s5 =	simm.s32 $0x10;
	s15 =	sld [smem:$0x3FC8]  }
0x92: {  	[smem:s5], [sflag:s4] =	dma.local [hbm:s2], $0x1  }
0x93: {  	_ =	swait.eq [sflag:s4], $0x1  }
0x94: {  	[sflag:s4] =	ssyncset.done $0x0  }
0x95: {  	[sflag:s4] =	ssyncadd.s32 $0xFFFFFFFF  }
0x96: {  	s16 =	sld [smem:$0x10];
	(tm) =	ssettm $0x1  }
0x97: {  	s17 =	sld [smem:$0x3FFB];
	_ =	sdelay $0x3  }
0x98: {  	_ =	strace s17  }
0x99: {  	s4 =	sld [smem:$0x3FFC];
	_ =	sdelay $0x3  }
0x9a: {  	_ =	strace s4  }
0x9b: {  	s4 =	sld [smem:$0x3FFD];
	_ =	sdelay $0x3  }
0x9c: {  	_ =	strace s4  }
0x9d: {  	_ =	strace $0x8FFFFFFF  }
0x9e: {  	s18 =	sld [smem:$0x3FDB];
	_ =	sdelay $0x1  }
0x9f: {  	s19 =	simm.s32 $_scs_section_size  }
0xa0: {  	s6 =	simm.s32 $_size__tile_overlayer_lowered;
	s7 =	simm.s32 $_tile_overlayer_lowered  }
0xa1: {  	s22 =	simm.s32 $0x1BFF;
	s21 =	sshll.u32 s7, $0x1;
	s4 =	sadd.s32 s19, s18  }
0xa2: {  	s8 =	simm.s32 $0x0;
	s20 =	sshll.u32 s6, $0x1;
	s6 =	sadd.s32 s21, s4  }
0xa3: {  	[timem:s8], [sflag:s22] =	dma.local [hbm:s6], s20  }
0xa4: {  	_ =	swait.ge [sflag:s22], s20  }
0xa5: {  	s5 =	ssub.s32 $0x0, s20;
	[sflag:s22] =	ssyncset.done $0x0  }
0xa6: {  	[sflag:s22] =	ssyncadd.s32 s5;
	_ =	sdelay $0x1  }
0xa7: {  	s23 =	simm.s32 $0x1B8B  }
0xa8: {  	_ =	swait.ge [sflag:s23], $0x1  }
0xa9: {  	[sflag:s23] =	ssyncset.done $0x0  }
0xaa: {  	s25 =	simm.s32 $0x1B8E;
	s24 =	sld [smem:$0x3FFE];
	[sflag:s23] =	ssyncadd.s32 $0xFFFFFFFF  }
0xab: {  	s26 =	simm.s32 $execute0_lowered;
	[smem:$0x3FD2] =	sst s25  }
0xac: {  	s6 =	sshll.u32 s26, $0x1;
	_ =	strace $0x80000046;
	[dreg:$0x1] =	wrdreg $0xFFFFFFFF  }
0xad: {  	s28 =	simm.s32 $_size_execute0_lowered;
	s4 =	sadd.s32 s4, s6;
	[dreg:$0x0] =	wrdreg $0x0  }
0xae: {  	s6 =	sshll.u32 s28, $0x1;
	[dreg:$0x2] =	wrdreg s4  }
0xaf: {  	[dreg:$0x3] =	wrdreg s6  }
0xb0: {  	[dreg:$0x4] =	wrdreg $0xC0  }
0xb1: {  	_ =	task [dreg:s8], $0x5FFFF  }
0xb2: {  	[dreg:$0x1] =	wrdreg $0xFFFFFFFF  }
0xb3: {  	[dreg:$0x0] =	wrdreg $0x60  }
0xb4: {  	[dreg:$0x2] =	wrdreg s24  }
0xb5: {  	[dreg:$0x3] =	wrdreg s15  }
0xb6: {  	[dreg:$0x4] =	wrdreg s16  }
0xb7: {  	[dreg:$0x5] =	wrdreg $0x9  }
0xb8: {  	_ =	task.clear_ibuf [dreg:s8], $0x6FFFF;
	_ =	strace $0x90000046  }
0xb9: {  	s29 =	simm.s32 $0x9;
	_ =	strace $0x80000048  }
0xba: {  	_ =	swait.ge [sflag:s29], $0x1  }
0xbb: {  	[sflag:s29] =	ssyncadd.s32 $0xFFFFFFFF  }
0xbc: {  	_ =	strace $0x90000048  }
0xbd: {  	_ =	sfence  }
0xbe: {  	s30 =	sld [smem:$0x0];
	_ =	sdelay $0x2  }
0xbf: {  	s31 =	sshll.u32 s1, $0xD;
	s1 =	sshrl.u32 s1, $0x2  }
0xc0: {  	s3 =	sand.u32 $0x4000, s31;
	s1 =	sadd.s32 s1, s30  }
0xc1: {  	s0 =	sor.u32 s3, s0;
	s1 =	sshll.u32 s1, $0x11  }
0xc2: {  	s0 =	sor.u32 s1, s0  }
0xc3: {  	s0 =	sadd.s32 $0x8F2B, s0  }
0xc4: {  	[sflag:s0] =	ssyncadd.remote.s32 $0x1  }
0xc5: {  	_ =	sfence.sel $0xFFFF  }
0xc6: {  	[dreg:$0x0] =	wrdreg $0xFFFFFFFF;
	(pc) =	sbr.abs _section_cstart, $3  }
0xc7: {  	[dreg:$0x1] =	wrdreg $0xFFFFFFFF  }
0xc8: {  	_ =	task.clear_ibuf [dreg:s8], $0x2FFFF;
	_ =	strace $0x9FFFFFFF  }
0xc9: {  	(tm) =	ssettm $0x7FFFFFFF  }
tec
execute0_lowered:
.L_overlay_start_1:
0x0: {  	(tag) =	ssettag $0x1  }
0x1: {  	v0 =	vimm.s32 $0xEFCDAB89;
	v1 =	vimm.s32 $0x67452301  }
0x2: {  	v2 =	vlaneseq.u32;
	v0 =	vunpack.c.l.s4.s8 v0;
	v1 =	vunpack.c.l.s4.s8 v1  }
0x3: {  	s0 =	rddreg [dreg:$0x0];
	s1 =	srdreg.scid;
	v3 =	vimm.s32 $0xDCFE98BA;
	v4 =	vimm.s32 $0x54761032;
	v5 =	vimm.s32 $0xBA98FEDC  }
0x4: {  	s2 =	rddreg [dreg:$0x1];
	s3 =	stileid.u32;
	v3 =	vunpack.c.l.s4.s8 v3;
	v0 =	vunpack.c.0.s8.s32 v0;
	v1 =	vunpack.c.0.s8.s32 v1  }
0x5: {  	s6 =	rddreg [dreg:$0x2];
	s5 =	simm.s32 $0x0;
	v6 =	vimm.s32 $0x32107654;
	s11 =	simm.s32 $0x1;
	v4 =	vunpack.c.l.s4.s8 v4;
	v5 =	vunpack.c.l.s4.s8 v5  }
0x6: {  	s14 =	simm.s32 $0x2;
	s15 =	simm.s32 $0x4;
	s1 =	sand.u32 $0x1, s1;
	v7 =	vcombine.low v1, v0;
	v0 =	vunpack.c.0.s8.s32 v3;
	v1 =	vunpack.c.l.s4.s8 v6  }
0x7: {  	s3 =	sshll.u32 s3, $0xA;
	[smem:$0x7FF] =	sst s5;
	s31 =	sadd.s32 $0xC00, s6;
	v3 =	vunpack.c.0.s8.s32 v4;
	v4 =	vunpack.c.0.s8.s32 v5;
	v5 =	vimm.s32 $0xFEDCBA98  }
0x8: {  	s4 =	sshll.u32 s1, $0x9;
	s1 =	ssub.s32 $0x2, s1;
	_ =	strace $0x80000047;
	v6 =	vimm.s32 $0x76543210;
	v5 =	vunpack.c.l.s4.s8 v5;
	v1 =	vunpack.c.0.s8.s32 v1  }
.Ltmp0:
0x9: {  	vm0 =	vmmov $0xffff;
	s3 =	sor.u32 s4, s3;
	s29 =	sshrl.u32 s1, $0x1;
	v8 =	vcombine.low v3, v0;
	v3 =	vunpack.c.l.s4.s8 v6;
	(pc) =	sbr.rel .LBB2_1-.Ltmp0, $4  }
0xa: {  	s10 =	smov.u32 s3;
	s3 =	sshrl.u32 s3, $0x3;
	s1 =	ssub.s32 s1, s29;
	v0 =	vand.u32 $0x7, v2;
	v6 =	vcombine.low v1, v4;
	v4 =	vunpack.c.0.s8.s32 v5  }
0xb: {  	[dreg:$0x6] =	wrdreg s31;
	s0 =	sadd.s32 s3, s0;
	s30 =	smax.u32 s1, $0x1;
	v1 =	vshrl.u32 v2, $0x3;
	v9 =	vunpack.c.0.s8.s32 v3;
	v2 =	vor.u32 $0x8, v2  }
0xc: {  	s7 =	sadd.s32 $0x100, s2;
	s0 =	sadd.s32 $0xA00, s0;
	[dreg:$0x5] =	wrdreg s30;
	v3 =	vand.u32 $0xF, v7;
	v1 =	vmul.u32 $0x8, v1;
	v7 =	vand.u32 $0xF, v4  }
0xd: {  	s8 =	sadd.s32 $0x200, s2;
	s1 =	simm.s32 $0x0;
	[dreg:$0x4] =	wrdreg s0;
	v4 =	vand.u32 $0xF, v8;
	v5 =	vand.u32 $0xF, v6;
	v6 =	vcombine.low v7, v9  }
.LBB2_12:
0xe: {  	s0 =	simm.s32 $0x3  }
0xf: {  	_ =	swait.ge [sflag:s0], $0x6000  }
0x10: {  	[sflag:s0] =	ssyncset.done $0x0  }
0x11: {  	[sflag:s0] =	ssyncadd.s32 $0xFFFFA000  }
0x12: {  	_ =	swait.ge [sflag:s15], $0x6000  }
0x13: {  	s1 =	rddreg [dreg:$0x7]  }
0x14: {  	s31 =	rddreg [dreg:$0x5];
	s1 =	sadd.s32 $0x1, s1  }
0x15: {  	p0 =	sne.s32 s1, s31  }
.Ltmp1:
0x16: {  	_ = 	snop;
	(pc) =	sbr.rel @!p0 .LBB2_13-.Ltmp1, $3  }
0x17: {  	_ =	sdelay $0x1  }
0x18: {  	[sflag:s15] =	ssyncset.done $0x0  }
0x19: {  	[sflag:s15] =	ssyncadd.s32 $0xFFFFA000  }
.LBB2_1:
0x1a: {  	[dreg:$0x7] =	wrdreg s1  }
0x1b: {  	s0 =	rddreg [dreg:$0x4];
	s29 =	simm.s32 $0x5  }
0x1c: {  	[tilespmem:s5], [sflag:$0x5] =	stream.linear.gather [hbm4b:s0+s5], $0x200, $0x38;
	[tilespmem:$0x18200] =	vst v63  }
0x1d: {  	_ =	swait.ge [sflag:s29], $0x200  }
0x1e: {  	[sflag:s29] =	ssyncset.done $0x0  }
0x1f: {  	[sflag:s29] =	ssyncadd.s32 $0xFFFFFE00  }
0x20: {  	v7 =	vld [tilespmem:$0x0];
	_ =	sdelay $0x4  }
0x21: {  	v8 =	vshrl.u32 v7, $0x3  }
0x22: {  	v8 =	vmul.u32 $0x30, v8  }
0x23: {  	v7 =	vand.u32 $0x7, v7  }
0x24: {  	v7 =	vor.u32 v7, v8  }
0x25: {  	v8 =	vperm.xlane v7, v0;
	_ =	sdelay $0x1  }
0x26: {  	v8 =	vadd.s32 v1, v8;
	_ =	sdelay $0x3  }
0x27: {  	s30 =	simm.s32 $0x200;
	v7 =	vperm.xlane v7, v2  }
0x28: {  	[tilespmem:s30], [sflag:$0x1] =	stream.indirect_vreg.gather [hbm4b:s2+s5], $0x80, v8, vm0, $0xb8;
	[tilespmem:$0x18200] =	vst v63  }
0x29: {  	s31 =	simm.s32 $0xA00;
	v7 =	vadd.s32 v1, v7  }
0x2a: {  	[tilespmem:s31], [sflag:$0x1] =	stream.indirect_vreg.gather [hbm4b:s7+s5], $0x80, v8, vm0, $0xb8;
	[tilespmem:$0x18200] =	vst v63  }
0x2b: {  	s1 =	simm.s32 $0x1200  }
0x2c: {  	[tilespmem:s1], [sflag:$0x1] =	stream.indirect_vreg.gather [hbm4b:s8+s5], $0x80, v8, vm0, $0xb8;
	[tilespmem:$0x18200] =	vst v63  }
0x2d: {  	s3 =	simm.s32 $0x1A00  }
0x2e: {  	[tilespmem:s3], [sflag:$0x1] =	stream.indirect_vreg.gather [hbm4b:s2+s5], $0x80, v7, vm0, $0xb8;
	[tilespmem:$0x18200] =	vst v63  }
0x2f: {  	s4 =	simm.s32 $0x2200  }
0x30: {  	[tilespmem:s4], [sflag:$0x1] =	stream.indirect_vreg.gather [hbm4b:s7+s5], $0x80, v7, vm0, $0xb8;
	[tilespmem:$0x18200] =	vst v63  }
0x31: {  	s6 =	simm.s32 $0x2A00  }
0x32: {  	[tilespmem:s6], [sflag:$0x1] =	stream.indirect_vreg.gather [hbm4b:s8+s5], $0x80, v7, vm0, $0xb8;
	[tilespmem:$0x18200] =	vst v63  }
0x33: {  	v7 =	vld [tilespmem:$0x10];
	_ =	sdelay $0x4  }
0x34: {  	v8 =	vshrl.u32 v7, $0x3  }
0x35: {  	v8 =	vmul.u32 $0x30, v8  }
0x36: {  	v7 =	vand.u32 $0x7, v7  }
0x37: {  	v7 =	vor.u32 v7, v8  }
0x38: {  	v8 =	vperm.xlane v7, v0;
	_ =	sdelay $0x1  }
0x39: {  	v8 =	vadd.s32 v1, v8;
	_ =	sdelay $0x3  }
0x3a: {  	s9 =	simm.s32 $0x3200;
	v7 =	vperm.xlane v7, v2  }
0x3b: {  	[tilespmem:s9], [sflag:$0x1] =	stream.indirect_vreg.gather [hbm4b:s2+s5], $0x80, v8, vm0, $0xb8;
	[tilespmem:$0x18200] =	vst v63  }
0x3c: {  	s12 =	simm.s32 $0x3A00;
	v7 =	vadd.s32 v1, v7  }
0x3d: {  	[tilespmem:s12], [sflag:$0x1] =	stream.indirect_vreg.gather [hbm4b:s7+s5], $0x80, v8, vm0, $0xb8;
	[tilespmem:$0x18200] =	vst v63  }
0x3e: {  	s13 =	simm.s32 $0x4200  }
0x3f: {  	[tilespmem:s13], [sflag:$0x1] =	stream.indirect_vreg.gather [hbm4b:s8+s5], $0x80, v8, vm0, $0xb8;
	[tilespmem:$0x18200] =	vst v63  }
0x40: {  	s16 =	simm.s32 $0x4A00  }
0x41: {  	[tilespmem:s16], [sflag:$0x1] =	stream.indirect_vreg.gather [hbm4b:s2+s5], $0x80, v7, vm0, $0xb8;
	[tilespmem:$0x18200] =	vst v63  }
0x42: {  	s17 =	simm.s32 $0x5200  }
0x43: {  	[tilespmem:s17], [sflag:$0x1] =	stream.indirect_vreg.gather [hbm4b:s7+s5], $0x80, v7, vm0, $0xb8;
	[tilespmem:$0x18200] =	vst v63  }
0x44: {  	s18 =	simm.s32 $0x5A00  }
0x45: {  	[tilespmem:s18], [sflag:$0x1] =	stream.indirect_vreg.gather [hbm4b:s8+s5], $0x80, v7, vm0, $0xb8;
	[tilespmem:$0x18200] =	vst v63  }
0x46: {  	v7 =	vld [tilespmem:$0x20];
	_ =	sdelay $0x4  }
0x47: {  	v8 =	vshrl.u32 v7, $0x3  }
0x48: {  	v8 =	vmul.u32 $0x30, v8  }
0x49: {  	v7 =	vand.u32 $0x7, v7  }
0x4a: {  	v7 =	vor.u32 v7, v8  }
0x4b: {  	v8 =	vperm.xlane v7, v0;
	_ =	sdelay $0x1  }
0x4c: {  	v8 =	vadd.s32 v1, v8;
	_ =	sdelay $0x3  }
0x4d: {  	s19 =	simm.s32 $0x6200;
	v7 =	vperm.xlane v7, v2  }
0x4e: {  	[tilespmem:s19], [sflag:$0x2] =	stream.indirect_vreg.gather [hbm4b:s2+s5], $0x80, v8, vm0, $0xb8;
	[tilespmem:$0x18200] =	vst v63  }
0x4f: {  	s20 =	simm.s32 $0x6A00;
	v7 =	vadd.s32 v1, v7  }
0x50: {  	[tilespmem:s20], [sflag:$0x2] =	stream.indirect_vreg.gather [hbm4b:s7+s5], $0x80, v8, vm0, $0xb8;
	[tilespmem:$0x18200] =	vst v63  }
0x51: {  	s21 =	simm.s32 $0x7200  }
0x52: {  	[tilespmem:s21], [sflag:$0x2] =	stream.indirect_vreg.gather [hbm4b:s8+s5], $0x80, v8, vm0, $0xb8;
	[tilespmem:$0x18200] =	vst v63  }
0x53: {  	s22 =	simm.s32 $0x7A00  }
0x54: {  	[tilespmem:s22], [sflag:$0x2] =	stream.indirect_vreg.gather [hbm4b:s2+s5], $0x80, v7, vm0, $0xb8;
	[tilespmem:$0x18200] =	vst v63  }
0x55: {  	s23 =	simm.s32 $0x8200  }
0x56: {  	[tilespmem:s23], [sflag:$0x2] =	stream.indirect_vreg.gather [hbm4b:s7+s5], $0x80, v7, vm0, $0xb8;
	[tilespmem:$0x18200] =	vst v63  }
0x57: {  	s24 =	simm.s32 $0x8A00  }
0x58: {  	[tilespmem:s24], [sflag:$0x2] =	stream.indirect_vreg.gather [hbm4b:s8+s5], $0x80, v7, vm0, $0xb8;
	[tilespmem:$0x18200] =	vst v63  }
0x59: {  	v7 =	vld [tilespmem:$0x30];
	_ =	sdelay $0x4  }
0x5a: {  	v8 =	vshrl.u32 v7, $0x3  }
0x5b: {  	v8 =	vmul.u32 $0x30, v8  }
0x5c: {  	v7 =	vand.u32 $0x7, v7  }
0x5d: {  	v7 =	vor.u32 v7, v8  }
0x5e: {  	v8 =	vperm.xlane v7, v0;
	_ =	sdelay $0x1  }
0x5f: {  	v8 =	vadd.s32 v1, v8;
	_ =	sdelay $0x3  }
0x60: {  	s25 =	simm.s32 $0x9200;
	v7 =	vperm.xlane v7, v2  }
0x61: {  	[tilespmem:s25], [sflag:$0x2] =	stream.indirect_vreg.gather [hbm4b:s2+s5], $0x80, v8, vm0, $0xb8;
	[tilespmem:$0x18200] =	vst v63  }
0x62: {  	s26 =	simm.s32 $0x9A00;
	v7 =	vadd.s32 v1, v7  }
0x63: {  	[tilespmem:s26], [sflag:$0x2] =	stream.indirect_vreg.gather [hbm4b:s7+s5], $0x80, v8, vm0, $0xb8;
	[tilespmem:$0x18200] =	vst v63  }
0x64: {  	s28 =	simm.s32 $0xA200  }
0x65: {  	[tilespmem:s28], [sflag:$0x2] =	stream.indirect_vreg.gather [hbm4b:s8+s5], $0x80, v8, vm0, $0xb8;
	[tilespmem:$0x18200] =	vst v63  }
0x66: {  	s29 =	simm.s32 $0xAA00  }
0x67: {  	[tilespmem:s29], [sflag:$0x2] =	stream.indirect_vreg.gather [hbm4b:s2+s5], $0x80, v7, vm0, $0xb8;
	[tilespmem:$0x18200] =	vst v63  }
0x68: {  	s30 =	simm.s32 $0xB200  }
0x69: {  	[tilespmem:s30], [sflag:$0x2] =	stream.indirect_vreg.gather [hbm4b:s7+s5], $0x80, v7, vm0, $0xb8;
	[tilespmem:$0x18200] =	vst v63  }
0x6a: {  	s31 =	simm.s32 $0xBA00;
	s17 =	simm.s32 $0x0  }
0x6b: {  	[tilespmem:s31], [sflag:$0x2] =	stream.indirect_vreg.gather [hbm4b:s8+s5], $0x80, v7, vm0, $0xb8;
	[tilespmem:$0x18200] =	vst v63  }
.LBB2_2:
0x6c: {  	_ =	swait.ge [sflag:s11], $0x6000  }
0x6d: {  	p0 =	seq.s32 s17, $0x0;
	[sflag:s11] =	ssyncset.done $0x0  }
0x6e: {  	s0 =	simm.s32 @!p0 $0x3;
	[sflag:s11] =	ssyncadd.s32 $0xFFFFA000  }
0x6f: {  	_ =	swait.ge @!p0 [sflag:s0], $0x6000  }
0x70: {  	[sflag:s0] =	ssyncset.done @!p0 $0x0  }
0x71: {  	s18 =	simm.s32 $0xFFFFFFFC;
	s19 =	simm.s32 $0x0;
	[sflag:s0] =	ssyncadd.s32 @!p0 $0xFFFFA000  }
.LBB2_3:
0x72: {  	s18 =	sadd.s32 $0x4, s18  }
0x73: {  	s0 =	sshrl.u32 s18, $0x3  }
0x74: {  	s26 =	smul.u32 $0x1800, s0  }
0x75: {  	s28 =	sand.u32 $0x200, s19  }
0x76: {  	s4 =	sor.u32 s28, s26  }
0x77: {  	v7 =	vld [tilespmem:s4+$0x200]  }
0x78: {  	v8 =	vld [tilespmem:s4+$0x210]  }
0x79: {  	v9 =	vld [tilespmem:s4+$0x220]  }
0x7a: {  	v10 =	vld [tilespmem:s4+$0x230]  }
0x7b: {  	v11 =	vld [tilespmem:s4+$0x240]  }
0x7c: {  	v12 =	vld [tilespmem:s4+$0x250]  }
0x7d: {  	v14 =	vld [tilespmem:s4+$0x260];
	v13 =	vadd.f32 $0.0e+00, v7  }
0x7e: {  	v18 =	vld [tilespmem:s4+$0x270];
	v15 =	vmul.f32 v7, v7;
	v16 =	vadd.f32 $0.0e+00, v8;
	v17 =	vmul.f32 v9, v9  }
0x7f: {  	v19 =	vld [tilespmem:s4+$0x600];
	v8 =	vmul.f32 v8, v8;
	v40 =	vmul.f32 v10, v10  }
0x80: {  	v42 =	vld [tilespmem:s4+$0x610];
	v41 =	vmul.f32 v11, v11;
	v9 =	vadd.f32 v9, v13;
	v10 =	vadd.f32 v10, v16  }
0x81: {  	v44 =	vld [tilespmem:s4+$0x620];
	v43 =	vmul.f32 v12, v12;
	v15 =	vadd.f32 v17, v15;
	v8 =	vadd.f32 v40, v8  }
0x82: {  	v46 =	vld [tilespmem:s4+$0x630];
	v45 =	vmul.f32 v14, v14;
	v9 =	vadd.f32 v11, v9;
	v10 =	vadd.f32 v12, v10  }
0x83: {  	v48 =	vld [tilespmem:s4+$0x640];
	v47 =	vmul.f32 v18, v18;
	v15 =	vadd.f32 v41, v15;
	v8 =	vadd.f32 v43, v8  }
0x84: {  	v50 =	vld [tilespmem:s4+$0x650];
	v49 =	vmul.f32 v19, v19;
	v9 =	vadd.f32 v14, v9;
	v10 =	vadd.f32 v18, v10  }
0x85: {  	s3 =	sadd.s32 $0x800, s26;
	v52 =	vld [tilespmem:s4+$0x660];
	v51 =	vmul.f32 v42, v42;
	v12 =	vadd.f32 v45, v15;
	v8 =	vadd.f32 v47, v8  }
0x86: {  	v54 =	vld [tilespmem:s4+$0x670];
	s1 =	sor.u32 s28, s3;
	v53 =	vmul.f32 v44, v44;
	v9 =	vadd.f32 v19, v9;
	v10 =	vadd.f32 v42, v10  }
0x87: {  	v56 =	vld [tilespmem:s1+$0x200];
	v55 =	vmul.f32 v46, v46;
	v12 =	vadd.f32 v49, v12;
	v8 =	vadd.f32 v51, v8  }
0x88: {  	v58 =	vld [tilespmem:s1+$0x210];
	v57 =	vmul.f32 v48, v48;
	v9 =	vadd.f32 v44, v9;
	v10 =	vadd.f32 v46, v10  }
0x89: {  	v60 =	vld [tilespmem:s1+$0x220];
	v59 =	vmul.f32 v50, v50;
	v12 =	vadd.f32 v53, v12;
	v8 =	vadd.f32 v55, v8  }
0x8a: {  	v62 =	vld [tilespmem:s1+$0x230];
	v61 =	vmul.f32 v52, v52;
	v9 =	vadd.f32 v48, v9;
	v10 =	vadd.f32 v50, v10  }
0x8b: {  	v21 =	vld [tilespmem:s1+$0x240];
	v63 =	vmul.f32 v54, v54;
	v12 =	vadd.f32 v57, v12;
	v8 =	vadd.f32 v59, v8  }
0x8c: {  	v23 =	vld [tilespmem:s1+$0x250];
	v22 =	vmul.f32 v56, v56;
	v9 =	vadd.f32 v52, v9;
	v10 =	vadd.f32 v54, v10  }
0x8d: {  	s23 =	sadd.s32 $0xC00, s26;
	v25 =	vld [tilespmem:s1+$0x260];
	v24 =	vmul.f32 v58, v58;
	v12 =	vadd.f32 v61, v12;
	v8 =	vadd.f32 v63, v8  }
0x8e: {  	s6 =	sor.u32 s28, s23;
	v27 =	vld [tilespmem:s1+$0x270];
	v26 =	vmul.f32 v60, v60;
	v9 =	vadd.f32 v56, v9;
	v10 =	vadd.f32 v58, v10  }
0x8f: {  	v29 =	vld [tilespmem:s6+$0x200];
	v28 =	vmul.f32 v62, v62;
	v12 =	vadd.f32 v22, v12;
	v8 =	vadd.f32 v24, v8  }
0x90: {  	v31 =	vld [tilespmem:s6+$0x210];
	v30 =	vmul.f32 v21, v21;
	v9 =	vadd.f32 v60, v9;
	v10 =	vadd.f32 v62, v10  }
0x91: {  	v33 =	vld [tilespmem:s6+$0x220];
	v32 =	vmul.f32 v23, v23;
	v12 =	vadd.f32 v26, v12;
	v8 =	vadd.f32 v28, v8  }
0x92: {  	v35 =	vld [tilespmem:s6+$0x230];
	v34 =	vmul.f32 v25, v25;
	v9 =	vadd.f32 v21, v9;
	v10 =	vadd.f32 v23, v10  }
0x93: {  	v37 =	vld [tilespmem:s6+$0x240];
	v36 =	vmul.f32 v27, v27;
	v12 =	vadd.f32 v30, v12;
	v8 =	vadd.f32 v32, v8  }
0x94: {  	v39 =	vld [tilespmem:s6+$0x250];
	v38 =	vmul.f32 v29, v29;
	v9 =	vadd.f32 v25, v9;
	v10 =	vadd.f32 v27, v10  }
0x95: {  	s24 =	sadd.s32 $0x1000, s26;
	v40 =	vmul.f32 v31, v31;
	v41 =	vld [tilespmem:s6+$0x260];
	v12 =	vadd.f32 v34, v12;
	v8 =	vadd.f32 v36, v8  }
0x96: {  	s22 =	sor.u32 s28, s24;
	v43 =	vld [tilespmem:s6+$0x270];
	v42 =	vmul.f32 v33, v33;
	v9 =	vadd.f32 v29, v9;
	v10 =	vadd.f32 v31, v10  }
0x97: {  	v45 =	vld [tilespmem:s22+$0x200];
	v44 =	vmul.f32 v35, v35;
	v12 =	vadd.f32 v38, v12;
	v8 =	vadd.f32 v40, v8  }
0x98: {  	v47 =	vld [tilespmem:s22+$0x210];
	v46 =	vmul.f32 v37, v37;
	v9 =	vadd.f32 v33, v9;
	v10 =	vadd.f32 v35, v10  }
0x99: {  	v49 =	vld [tilespmem:s22+$0x220];
	v48 =	vmul.f32 v39, v39;
	v12 =	vadd.f32 v42, v12;
	v8 =	vadd.f32 v44, v8  }
0x9a: {  	v51 =	vld [tilespmem:s22+$0x230];
	v50 =	vmul.f32 v41, v41;
	v9 =	vadd.f32 v37, v9;
	v10 =	vadd.f32 v39, v10  }
0x9b: {  	v53 =	vld [tilespmem:s22+$0x240];
	v52 =	vmul.f32 v43, v43;
	v12 =	vadd.f32 v46, v12;
	v8 =	vadd.f32 v48, v8  }
0x9c: {  	v55 =	vld [tilespmem:s22+$0x250];
	v54 =	vmul.f32 v45, v45;
	v9 =	vadd.f32 v41, v9;
	v10 =	vadd.f32 v43, v10  }
0x9d: {  	s25 =	sadd.s32 $0x1400, s26;
	v57 =	vld [tilespmem:s22+$0x260];
	v56 =	vmul.f32 v47, v47;
	v12 =	vadd.f32 v50, v12;
	v8 =	vadd.f32 v52, v8  }
0x9e: {  	s21 =	sor.u32 s28, s25;
	v59 =	vld [tilespmem:s22+$0x270];
	v58 =	vmul.f32 v49, v49;
	v9 =	vadd.f32 v45, v9;
	v10 =	vadd.f32 v47, v10  }
0x9f: {  	v61 =	vld [tilespmem:s21+$0x200];
	v60 =	vmul.f32 v51, v51;
	v12 =	vadd.f32 v54, v12;
	v8 =	vadd.f32 v56, v8  }
0xa0: {  	v63 =	vld [tilespmem:s21+$0x210];
	v62 =	vmul.f32 v53, v53;
	v9 =	vadd.f32 v49, v9;
	v10 =	vadd.f32 v51, v10  }
0xa1: {  	v22 =	vld [tilespmem:s21+$0x220];
	v21 =	vmul.f32 v55, v55;
	v12 =	vadd.f32 v58, v12;
	v8 =	vadd.f32 v60, v8  }
0xa2: {  	v24 =	vld [tilespmem:s21+$0x230];
	v23 =	vmul.f32 v57, v57;
	v9 =	vadd.f32 v53, v9;
	v10 =	vadd.f32 v55, v10  }
0xa3: {  	v26 =	vld [tilespmem:s21+$0x240];
	v25 =	vmul.f32 v59, v59;
	v12 =	vadd.f32 v62, v12;
	v8 =	vadd.f32 v21, v8  }
0xa4: {  	v28 =	vld [tilespmem:s21+$0x250];
	v27 =	vmul.f32 v61, v61;
	v9 =	vadd.f32 v57, v9;
	v10 =	vadd.f32 v59, v10  }
0xa5: {  	v29 =	vmul.f32 v63, v63;
	v12 =	vadd.f32 v23, v12;
	v8 =	vadd.f32 v25, v8  }
0xa6: {  	v30 =	vmul.f32 v22, v22;
	v31 =	vld [tilespmem:s21+$0x260];
	v9 =	vadd.f32 v61, v9;
	v10 =	vadd.f32 v63, v10  }
0xa7: {  	v32 =	vmul.f32 v24, v24;
	v33 =	vld [tilespmem:s21+$0x270];
	v12 =	vadd.f32 v27, v12;
	v8 =	vadd.f32 v29, v8  }
0xa8: {  	v34 =	vmul.f32 v26, v26;
	v9 =	vadd.f32 v22, v9;
	v10 =	vadd.f32 v24, v10  }
0xa9: {  	v35 =	vmul.f32 v28, v28;
	v12 =	vadd.f32 v30, v12;
	v8 =	vadd.f32 v32, v8  }
0xaa: {  	v9 =	vadd.f32 v26, v9;
	v10 =	vadd.f32 v28, v10  }
0xab: {  	v36 =	vmul.f32 v31, v31;
	v11 =	vadd.f32 v34, v12;
	v8 =	vadd.f32 v35, v8  }
0xac: {  	v37 =	vmul.f32 v33, v33;
	v9 =	vadd.f32 v31, v9;
	v10 =	vadd.f32 v33, v10  }
0xad: {  	v11 =	vadd.f32 v36, v11  }
0xae: {  	v8 =	vadd.f32 v37, v8;
	v9 =	vadd.f32 v10, v9;
	_ =	sdelay $0x1  }
0xaf: {  	v8 =	vadd.f32 v8, v11;
	v10 =	vperm.xlane v9, v3;
	_ =	sdelay $0x1  }
0xb0: {  	v38 =	vperm.xlane v8, v3;
	v9 =	vadd.f32 v9, v10;
	_ =	sdelay $0x1  }
0xb1: {  	v8 =	vadd.f32 v38, v8;
	v39 =	vperm.xlane v9, v4;
	_ =	sdelay $0x1  }
0xb2: {  	v10 =	vperm.xlane v8, v4;
	v9 =	vadd.f32 v9, v39;
	_ =	sdelay $0x1  }
0xb3: {  	v8 =	vadd.f32 v10, v8;
	v11 =	vperm.xlane v9, v5;
	_ =	sdelay $0x1  }
0xb4: {  	v10 =	vperm.xlane v8, v5;
	v9 =	vadd.f32 v9, v11;
	_ =	sdelay $0x1  }
0xb5: {  	v8 =	vadd.f32 v10, v8;
	v11 =	vperm.xlane v9, v6;
	_ =	sdelay $0x1  }
0xb6: {  	v10 =	vperm.xlane v8, v6;
	v9 =	vadd.f32 v9, v11;
	_ =	sdelay $0x1  }
0xb7: {  	v8 =	vadd.f32 v10, v8;
	v9 =	vmul.f32 $1.302083370e-03, v9;
	_ =	sdelay $0x1  }
0xb8: {  	v8 =	vmul.f32 $1.302083370e-03, v8;
	v40 =	vmul.f32 v9, v9;
	_ =	sdelay $0x1  }
0xb9: {  	v8 =	vsub.f32 v8, v40;
	_ =	sdelay $0x1  }
0xba: {  	v8 =	vadd.f32 $1.000000010e-07, v8;
	_ =	sdelay $0x1  }
0xbb: {  	v41 =	vshrl.u32 v8, $0x1;
	v8 =	vmul.f32 $5.000000000e-01, v8  }
0xbc: {  	v10 =	vsub.s32 $0x5F3759DF, v41  }
0xbd: {  	v42 =	vmul.f32 v10, v8;
	_ =	sdelay $0x1  }
0xbe: {  	v11 =	vmul.f32 v10, v42;
	_ =	sdelay $0x1  }
0xbf: {  	v11 =	vsub.f32 $1.500000000e+00, v11;
	_ =	sdelay $0x1  }
0xc0: {  	v10 =	vmul.f32 v10, v11;
	_ =	sdelay $0x1  }
0xc1: {  	v11 =	vmul.f32 v10, v8;
	_ =	sdelay $0x1  }
0xc2: {  	v11 =	vmul.f32 v11, v10;
	_ =	sdelay $0x1  }
0xc3: {  	v11 =	vsub.f32 $1.500000000e+00, v11;
	_ =	sdelay $0x1  }
0xc4: {  	v10 =	vmul.f32 v11, v10;
	_ =	sdelay $0x1  }
0xc5: {  	v8 =	vmul.f32 v10, v8;
	_ =	sdelay $0x1  }
0xc6: {  	v43 =	vld [tilespmem:s4+$0x210];
	v8 =	vmul.f32 v8, v10  }
0xc7: {  	v44 =	vld [tilespmem:s4+$0x220]  }
0xc8: {  	v45 =	vld [tilespmem:s4+$0x230];
	v8 =	vsub.f32 $1.500000000e+00, v8  }
0xc9: {  	v46 =	vld [tilespmem:s4+$0x240]  }
0xca: {  	v7 =	vsub.f32 v7, v9;
	v10 =	vmul.f32 v8, v10;
	v8 =	vld [tilespmem:s4+$0x250]  }
0xcb: {  	v47 =	vld [tilespmem:s4+$0x260];
	v11 =	vsub.f32 v43, v9  }
0xcc: {  	v48 =	vld [tilespmem:s4+$0x270];
	v12 =	vsub.f32 v44, v9;
	v7 =	vmul.f32 v10, v7  }
0xcd: {  	v49 =	vld [tilespmem:s4+$0x600];
	v13 =	vsub.f32 v45, v9;
	v11 =	vmul.f32 v10, v11  }
0xce: {  	v51 =	vld [tilespmem:s4+$0x610];
	v50 =	vsub.f32 v46, v9;
	[tilespmem:s4+$0xC200] =	vst v7;
	v7 =	vmul.f32 v10, v12  }
0xcf: {  	v53 =	vld [tilespmem:s4+$0x620];
	v52 =	vmul.f32 v10, v13;
	[tilespmem:s4+$0xC210] =	vst v11;
	v8 =	vsub.f32 v8, v9  }
0xd0: {  	v55 =	vld [tilespmem:s4+$0x630];
	v54 =	vsub.f32 v47, v9;
	[tilespmem:s4+$0xC220] =	vst v7;
	v7 =	vmul.f32 v10, v50  }
0xd1: {  	v57 =	vld [tilespmem:s4+$0x640];
	v56 =	vsub.f32 v48, v9;
	[tilespmem:s4+$0xC230] =	vst v52;
	v8 =	vmul.f32 v10, v8  }
0xd2: {  	v58 =	vsub.f32 v49, v9;
	[tilespmem:s4+$0xC240] =	vst v7;
	v7 =	vmul.f32 v10, v54  }
0xd3: {  	v59 =	vsub.f32 v51, v9;
	[tilespmem:s4+$0xC250] =	vst v8;
	v8 =	vmul.f32 v10, v56  }
0xd4: {  	v60 =	vsub.f32 v53, v9;
	[tilespmem:s4+$0xC260] =	vst v7;
	v7 =	vmul.f32 v10, v58  }
0xd5: {  	v61 =	vsub.f32 v55, v9;
	[tilespmem:s4+$0xC270] =	vst v8;
	v8 =	vmul.f32 v10, v59  }
0xd6: {  	v62 =	vsub.f32 v57, v9;
	[tilespmem:s4+$0xC600] =	vst v7;
	v7 =	vmul.f32 v60, v10  }
0xd7: {  	[tilespmem:s4+$0xC610] =	vst v8;
	v8 =	vmul.f32 v61, v10  }
0xd8: {  	[tilespmem:s4+$0xC620] =	vst v7;
	v7 =	vmul.f32 v62, v10  }
0xd9: {  	s12 =	sor.u32 $0x80, s28;
	[tilespmem:s4+$0xC630] =	vst v8  }
0xda: {  	s9 =	sor.u32 s26, s12;
	[tilespmem:s4+$0xC640] =	vst v7  }
0xdb: {  	v11 =	vld [tilespmem:s9+$0x200]  }
0xdc: {  	v7 =	vld [tilespmem:s9+$0x210]  }
0xdd: {  	v8 =	vld [tilespmem:s9+$0x220]  }
0xde: {  	v63 =	vld [tilespmem:s9+$0x230]  }
0xdf: {  	v24 =	vld [tilespmem:s9+$0x240]  }
0xe0: {  	v25 =	vld [tilespmem:s9+$0x250]  }
0xe1: {  	v27 =	vld [tilespmem:s9+$0x260];
	v26 =	vadd.f32 $0.0e+00, v11  }
0xe2: {  	v20 =	vld [tilespmem:s9+$0x270];
	v28 =	vmul.f32 v11, v11;
	v29 =	vadd.f32 $0.0e+00, v7;
	v30 =	vmul.f32 v8, v8  }
0xe3: {  	v21 =	vld [tilespmem:s9+$0x600];
	v7 =	vmul.f32 v7, v7;
	v31 =	vmul.f32 v63, v63  }
0xe4: {  	v33 =	vld [tilespmem:s9+$0x610];
	v32 =	vmul.f32 v24, v24;
	v8 =	vadd.f32 v8, v26;
	v12 =	vadd.f32 v63, v29  }
0xe5: {  	v35 =	vld [tilespmem:s9+$0x620];
	v34 =	vmul.f32 v25, v25;
	v17 =	vadd.f32 v30, v28;
	v7 =	vadd.f32 v31, v7  }
0xe6: {  	v37 =	vld [tilespmem:s9+$0x630];
	v36 =	vmul.f32 v27, v27;
	v8 =	vadd.f32 v24, v8;
	v12 =	vadd.f32 v25, v12  }
0xe7: {  	v39 =	vld [tilespmem:s9+$0x640];
	v38 =	vmul.f32 v20, v20;
	v17 =	vadd.f32 v32, v17;
	v7 =	vadd.f32 v34, v7  }
0xe8: {  	v41 =	vld [tilespmem:s9+$0x650];
	v40 =	vmul.f32 v21, v21;
	v8 =	vadd.f32 v27, v8;
	v12 =	vadd.f32 v20, v12  }
0xe9: {  	v43 =	vld [tilespmem:s9+$0x660];
	v42 =	vmul.f32 v33, v33;
	v14 =	vadd.f32 v36, v17;
	v7 =	vadd.f32 v38, v7  }
0xea: {  	s13 =	sor.u32 s12, s3;
	v45 =	vld [tilespmem:s9+$0x670];
	v44 =	vmul.f32 v35, v35;
	v8 =	vadd.f32 v21, v8;
	v12 =	vadd.f32 v33, v12  }
0xeb: {  	v47 =	vld [tilespmem:s13+$0x200];
	v46 =	vmul.f32 v37, v37;
	v14 =	vadd.f32 v40, v14;
	v7 =	vadd.f32 v42, v7  }
0xec: {  	v49 =	vld [tilespmem:s13+$0x210];
	v48 =	vmul.f32 v39, v39;
	v8 =	vadd.f32 v35, v8;
	v12 =	vadd.f32 v37, v12  }
0xed: {  	v51 =	vld [tilespmem:s13+$0x220];
	v50 =	vmul.f32 v41, v41;
	v14 =	vadd.f32 v44, v14;
	v7 =	vadd.f32 v46, v7  }
0xee: {  	v53 =	vld [tilespmem:s13+$0x230];
	v52 =	vmul.f32 v43, v43;
	v8 =	vadd.f32 v39, v8;
	v12 =	vadd.f32 v41, v12  }
0xef: {  	v57 =	vld [tilespmem:s13+$0x250];
	v54 =	vmul.f32 v45, v45;
	v14 =	vadd.f32 v48, v14;
	v7 =	vadd.f32 v50, v7  }
0xf0: {  	v55 =	vld [tilespmem:s13+$0x240];
	v56 =	vmul.f32 v47, v47;
	v8 =	vadd.f32 v43, v8;
	v12 =	vadd.f32 v45, v12  }
0xf1: {  	v59 =	vld [tilespmem:s13+$0x260];
	v58 =	vmul.f32 v49, v49;
	v14 =	vadd.f32 v52, v14;
	v7 =	vadd.f32 v54, v7  }
0xf2: {  	s0 =	sor.u32 s12, s23;
	v61 =	vld [tilespmem:s13+$0x270];
	v60 =	vmul.f32 v51, v51;
	v8 =	vadd.f32 v47, v8;
	v12 =	vadd.f32 v49, v12  }
0xf3: {  	v62 =	vmul.f32 v53, v53;
	v63 =	vld [tilespmem:s0+$0x200];
	v14 =	vadd.f32 v56, v14;
	v7 =	vadd.f32 v58, v7  }
0xf4: {  	v26 =	vmul.f32 v57, v57;
	v25 =	vld [tilespmem:s0+$0x210];
	v8 =	vadd.f32 v51, v8;
	v12 =	vadd.f32 v53, v12  }
0xf5: {  	v29 =	vld [tilespmem:s0+$0x230];
	v24 =	vmul.f32 v55, v55;
	v14 =	vadd.f32 v60, v14;
	v7 =	vadd.f32 v62, v7  }
0xf6: {  	v28 =	vmul.f32 v59, v59;
	v27 =	vld [tilespmem:s0+$0x220];
	v8 =	vadd.f32 v55, v8;
	v12 =	vadd.f32 v57, v12  }
0xf7: {  	v30 =	vmul.f32 v61, v61;
	v31 =	vld [tilespmem:s0+$0x240];
	v14 =	vadd.f32 v24, v14;
	v7 =	vadd.f32 v26, v7  }
0xf8: {  	v32 =	vmul.f32 v63, v63;
	v33 =	vld [tilespmem:s0+$0x250];
	v8 =	vadd.f32 v59, v8;
	v12 =	vadd.f32 v61, v12  }
0xf9: {  	v34 =	vmul.f32 v25, v25;
	v35 =	vld [tilespmem:s0+$0x260];
	v14 =	vadd.f32 v28, v14;
	v7 =	vadd.f32 v30, v7  }
0xfa: {  	s30 =	sor.u32 s12, s24;
	v38 =	vmul.f32 v29, v29;
	v37 =	vld [tilespmem:s0+$0x270];
	v8 =	vadd.f32 v63, v8;
	v12 =	vadd.f32 v25, v12  }
0xfb: {  	v36 =	vmul.f32 v27, v27;
	v39 =	vld [tilespmem:s30+$0x200];
	v14 =	vadd.f32 v32, v14;
	v7 =	vadd.f32 v34, v7  }
0xfc: {  	v40 =	vmul.f32 v31, v31;
	v41 =	vld [tilespmem:s30+$0x210];
	v8 =	vadd.f32 v27, v8;
	v12 =	vadd.f32 v29, v12  }
0xfd: {  	v42 =	vmul.f32 v33, v33;
	v43 =	vld [tilespmem:s30+$0x220];
	v14 =	vadd.f32 v36, v14;
	v7 =	vadd.f32 v38, v7  }
0xfe: {  	v45 =	vld [tilespmem:s30+$0x230];
	v44 =	vmul.f32 v35, v35;
	v8 =	vadd.f32 v31, v8;
	v12 =	vadd.f32 v33, v12  }
0xff: {  	v46 =	vmul.f32 v37, v37;
	v47 =	vld [tilespmem:s30+$0x240];
	v14 =	vadd.f32 v40, v14;
	v7 =	vadd.f32 v42, v7  }
0x100: {  	v49 =	vld [tilespmem:s30+$0x250];
	v48 =	vmul.f32 v39, v39;
	v8 =	vadd.f32 v35, v8;
	v12 =	vadd.f32 v37, v12  }
0x101: {  	v50 =	vmul.f32 v41, v41;
	v51 =	vld [tilespmem:s30+$0x260];
	v14 =	vadd.f32 v44, v14;
	v7 =	vadd.f32 v46, v7  }
0x102: {  	s20 =	sor.u32 s12, s25;
	v53 =	vld [tilespmem:s30+$0x270];
	v52 =	vmul.f32 v43, v43;
	v8 =	vadd.f32 v39, v8;
	v12 =	vadd.f32 v41, v12  }
0x103: {  	v54 =	vmul.f32 v45, v45;
	v55 =	vld [tilespmem:s20+$0x200];
	v14 =	vadd.f32 v48, v14;
	v7 =	vadd.f32 v50, v7  }
0x104: {  	v57 =	vld [tilespmem:s20+$0x210];
	v56 =	vmul.f32 v47, v47;
	v8 =	vadd.f32 v43, v8;
	v12 =	vadd.f32 v45, v12  }
0x105: {  	v58 =	vmul.f32 v49, v49;
	v59 =	vld [tilespmem:s20+$0x220];
	v14 =	vadd.f32 v52, v14;
	v7 =	vadd.f32 v54, v7  }
0x106: {  	v61 =	vld [tilespmem:s20+$0x230];
	v60 =	vmul.f32 v51, v51;
	v8 =	vadd.f32 v47, v8;
	v12 =	vadd.f32 v49, v12  }
0x107: {  	v62 =	vmul.f32 v53, v53;
	v63 =	vld [tilespmem:s20+$0x240];
	v14 =	vadd.f32 v56, v14;
	v7 =	vadd.f32 v58, v7  }
0x108: {  	v25 =	vld [tilespmem:s20+$0x250];
	v24 =	vmul.f32 v55, v55;
	v8 =	vadd.f32 v51, v8;
	v12 =	vadd.f32 v53, v12  }
0x109: {  	v26 =	vmul.f32 v57, v57;
	v14 =	vadd.f32 v60, v14;
	v7 =	vadd.f32 v62, v7  }
0x10a: {  	v28 =	vld [tilespmem:s20+$0x260];
	v27 =	vmul.f32 v59, v59;
	v8 =	vadd.f32 v55, v8;
	v12 =	vadd.f32 v57, v12  }
0x10b: {  	v30 =	vld [tilespmem:s20+$0x270];
	v29 =	vmul.f32 v61, v61;
	v14 =	vadd.f32 v24, v14;
	v7 =	vadd.f32 v26, v7  }
0x10c: {  	v31 =	vmul.f32 v63, v63;
	v8 =	vadd.f32 v59, v8;
	v12 =	vadd.f32 v61, v12  }
0x10d: {  	v32 =	vmul.f32 v25, v25;
	v14 =	vadd.f32 v27, v14;
	v7 =	vadd.f32 v29, v7  }
0x10e: {  	v8 =	vadd.f32 v63, v8;
	v12 =	vadd.f32 v25, v12  }
0x10f: {  	v33 =	vmul.f32 v28, v28;
	v13 =	vadd.f32 v31, v14;
	v7 =	vadd.f32 v32, v7  }
0x110: {  	v34 =	vmul.f32 v30, v30;
	v8 =	vadd.f32 v28, v8;
	v12 =	vadd.f32 v30, v12  }
0x111: {  	v13 =	vadd.f32 v33, v13  }
0x112: {  	v7 =	vadd.f32 v34, v7;
	v8 =	vadd.f32 v12, v8;
	_ =	sdelay $0x1  }
0x113: {  	v7 =	vadd.f32 v7, v13;
	v12 =	vperm.xlane v8, v3;
	_ =	sdelay $0x1  }
0x114: {  	v35 =	vperm.xlane v7, v3;
	v8 =	vadd.f32 v8, v12;
	_ =	sdelay $0x1  }
0x115: {  	v7 =	vadd.f32 v35, v7;
	v36 =	vperm.xlane v8, v4;
	_ =	sdelay $0x1  }
0x116: {  	v12 =	vperm.xlane v7, v4;
	v8 =	vadd.f32 v8, v36;
	_ =	sdelay $0x1  }
0x117: {  	v7 =	vadd.f32 v12, v7;
	v13 =	vperm.xlane v8, v5;
	_ =	sdelay $0x1  }
0x118: {  	v12 =	vperm.xlane v7, v5;
	v8 =	vadd.f32 v8, v13;
	_ =	sdelay $0x1  }
0x119: {  	v12 =	vadd.f32 v12, v7;
	v13 =	vperm.xlane v8, v6;
	_ =	sdelay $0x1  }
0x11a: {  	v7 =	vadd.f32 v8, v13;
	v8 =	vperm.xlane v12, v6;
	_ =	sdelay $0x1  }
0x11b: {  	v7 =	vmul.f32 $1.302083370e-03, v7;
	v8 =	vadd.f32 v8, v12;
	_ =	sdelay $0x1  }
0x11c: {  	v8 =	vmul.f32 $1.302083370e-03, v8;
	v37 =	vmul.f32 v7, v7;
	_ =	sdelay $0x1  }
0x11d: {  	v8 =	vsub.f32 v8, v37;
	_ =	sdelay $0x1  }
0x11e: {  	v41 =	vld [tilespmem:s4+$0x670];
	v8 =	vadd.f32 $1.000000010e-07, v8  }
0x11f: {  	v39 =	vld [tilespmem:s4+$0x660]  }
0x120: {  	v38 =	vld [tilespmem:s4+$0x650];
	v40 =	vshrl.u32 v8, $0x1;
	v8 =	vmul.f32 $5.000000000e-01, v8  }
0x121: {  	v58 =	vld [tilespmem:s9+$0x220];
	v14 =	vsub.s32 $0x5F3759DF, v40  }
0x122: {  	v60 =	vld [tilespmem:s9+$0x230];
	v42 =	vmul.f32 v14, v8  }
0x123: {  	v15 =	vsub.f32 v41, v9;
	v55 =	vld [tilespmem:s9+$0x210]  }
0x124: {  	v24 =	vld [tilespmem:s9+$0x250];
	v13 =	vsub.f32 v39, v9;
	v16 =	vmul.f32 v14, v42  }
0x125: {  	v43 =	vmul.f32 v15, v10;
	v27 =	vld [tilespmem:s9+$0x260];
	v12 =	vsub.f32 v38, v9  }
0x126: {  	v29 =	vld [tilespmem:s9+$0x270];
	v13 =	vmul.f32 v13, v10;
	v16 =	vsub.f32 $1.500000000e+00, v16  }
0x127: {  	[tilespmem:s4+$0xC670] =	vst v43;
	v63 =	vld [tilespmem:s9+$0x240];
	v12 =	vmul.f32 v12, v10  }
0x128: {  	v32 =	vld [tilespmem:s9+$0x600];
	[tilespmem:s4+$0xC660] =	vst v13;
	v14 =	vmul.f32 v14, v16  }
0x129: {  	v35 =	vld [tilespmem:s9+$0x610];
	[tilespmem:s4+$0xC650] =	vst v12  }
0x12a: {  	v13 =	vld [tilespmem:s1+$0x200];
	v44 =	vmul.f32 v14, v8  }
0x12b: {  	v45 =	vld [tilespmem:s1+$0x210]  }
0x12c: {  	v47 =	vld [tilespmem:s1+$0x230];
	v12 =	vmul.f32 v44, v14  }
0x12d: {  	v48 =	vld [tilespmem:s1+$0x240]  }
0x12e: {  	v49 =	vld [tilespmem:s1+$0x250];
	v12 =	vsub.f32 $1.500000000e+00, v12  }
0x12f: {  	v51 =	vld [tilespmem:s1+$0x260]  }
0x130: {  	s29 =	sor.u32 $0x100, s28;
	v52 =	vld [tilespmem:s1+$0x270];
	v13 =	vsub.f32 v13, v9;
	v12 =	vmul.f32 v12, v14  }
0x131: {  	s12 =	sor.u32 s26, s29;
	v41 =	vsub.f32 v29, v7;
	v46 =	vld [tilespmem:s1+$0x220];
	v17 =	vsub.f32 v47, v9  }
0x132: {  	v29 =	vld [tilespmem:s12+$0x220];
	v54 =	vsub.f32 v48, v9;
	v13 =	vmul.f32 v13, v10;
	v8 =	vmul.f32 v12, v8  }
0x133: {  	v37 =	vld [tilespmem:s9+$0x620];
	v50 =	vsub.f32 v45, v9;
	v57 =	vsub.f32 v49, v9;
	v56 =	vmul.f32 v17, v10  }
0x134: {  	v15 =	vsub.f32 v51, v9;
	v45 =	vld [tilespmem:s9+$0x650];
	v59 =	vmul.f32 v54, v10;
	[tilespmem:s1+$0xC200] =	vst v13;
	v8 =	vmul.f32 v8, v12  }
0x135: {  	v62 =	vsub.f32 v52, v9;
	v61 =	vmul.f32 v57, v10;
	v42 =	vld [tilespmem:s9+$0x640];
	[tilespmem:s1+$0xC230] =	vst v56  }
0x136: {  	v40 =	vld [tilespmem:s9+$0x630];
	v23 =	vmul.f32 v15, v10;
	[tilespmem:s1+$0xC240] =	vst v59;
	v16 =	vsub.f32 v46, v9;
	v8 =	vsub.f32 $1.500000000e+00, v8  }
0x137: {  	v48 =	vld [tilespmem:s9+$0x660];
	v25 =	vmul.f32 v62, v10;
	[tilespmem:s1+$0xC250] =	vst v61  }
0x138: {  	v11 =	vsub.f32 v11, v7;
	v51 =	vld [tilespmem:s9+$0x670];
	[tilespmem:s1+$0xC260] =	vst v23;
	v53 =	vmul.f32 v16, v10;
	v8 =	vmul.f32 v8, v12  }
0x139: {  	v26 =	vsub.f32 v55, v7;
	[tilespmem:s1+$0xC270] =	vst v25;
	v59 =	vsub.f32 v45, v7;
	v45 =	vld [tilespmem:s12+$0x610];
	v14 =	vmul.f32 v50, v10  }
0x13a: {  	v28 =	vsub.f32 v58, v7;
	v56 =	vsub.f32 v42, v7;
	v42 =	vld [tilespmem:s12+$0x260];
	[tilespmem:s1+$0xC220] =	vst v53;
	v11 =	vmul.f32 v8, v11  }
0x13b: {  	v31 =	vsub.f32 v60, v7;
	v53 =	vsub.f32 v40, v7;
	v40 =	vld [tilespmem:s12+$0x250];
	[tilespmem:s1+$0xC210] =	vst v14;
	v30 =	vmul.f32 v8, v26  }
0x13c: {  	v34 =	vsub.f32 v63, v7;
	v54 =	vld [tilespmem:s6+$0x200];
	v33 =	vmul.f32 v8, v28;
	[tilespmem:s9+$0xC200] =	vst v11  }
0x13d: {  	v57 =	vld [tilespmem:s6+$0x210];
	v12 =	vsub.f32 v24, v7;
	v36 =	vmul.f32 v8, v31;
	[tilespmem:s9+$0xC210] =	vst v30  }
0x13e: {  	v39 =	vsub.f32 v27, v7;
	v60 =	vld [tilespmem:s6+$0x220];
	v38 =	vmul.f32 v8, v34;
	[tilespmem:s9+$0xC220] =	vst v33  }
0x13f: {  	v63 =	vld [tilespmem:s6+$0x230];
	v12 =	vmul.f32 v8, v12;
	[tilespmem:s9+$0xC230] =	vst v36  }
0x140: {  	v44 =	vsub.f32 v32, v7;
	v32 =	vld [tilespmem:s6+$0x240];
	v43 =	vmul.f32 v8, v39;
	[tilespmem:s9+$0xC240] =	vst v38  }
0x141: {  	v47 =	vsub.f32 v35, v7;
	v24 =	vld [tilespmem:s6+$0x270];
	v46 =	vmul.f32 v8, v41;
	[tilespmem:s9+$0xC250] =	vst v12  }
0x142: {  	v50 =	vsub.f32 v37, v7;
	v18 =	vsub.f32 v57, v9;
	v57 =	vld [tilespmem:s12+$0x670];
	v49 =	vmul.f32 v8, v44;
	[tilespmem:s9+$0xC260] =	vst v43  }
0x143: {  	v52 =	vmul.f32 v8, v47;
	v34 =	vld [tilespmem:s6+$0x250];
	[tilespmem:s9+$0xC270] =	vst v46  }
0x144: {  	v55 =	vmul.f32 v50, v8;
	v28 =	vld [tilespmem:s12+$0x210];
	[tilespmem:s9+$0xC600] =	vst v49  }
0x145: {  	v58 =	vmul.f32 v53, v8;
	v39 =	vld [tilespmem:s12+$0x240];
	[tilespmem:s9+$0xC610] =	vst v52  }
0x146: {  	v62 =	vsub.f32 v48, v7;
	v61 =	vmul.f32 v56, v8;
	v47 =	vld [tilespmem:s12+$0x620];
	[tilespmem:s9+$0xC620] =	vst v55  }
0x147: {  	v31 =	vsub.f32 v51, v7;
	v51 =	vld [tilespmem:s12+$0x640];
	[tilespmem:s9+$0xC630] =	vst v58;
	v30 =	vmul.f32 v59, v8  }
0x148: {  	v53 =	vld [tilespmem:s12+$0x650];
	[tilespmem:s9+$0xC640] =	vst v61;
	v33 =	vmul.f32 v62, v8  }
0x149: {  	v35 =	vmul.f32 v31, v8;
	v36 =	vld [tilespmem:s6+$0x260];
	[tilespmem:s9+$0xC650] =	vst v30  }
0x14a: {  	v48 =	vmul.f32 v42, v42;
	v17 =	vsub.f32 v54, v9;
	v11 =	vld [tilespmem:s12+$0x200];
	[tilespmem:s9+$0xC660] =	vst v33  }
0x14b: {  	v16 =	vsub.f32 v60, v9;
	v37 =	vsub.f32 v63, v9;
	v54 =	vmul.f32 v45, v45;
	[tilespmem:s9+$0xC670] =	vst v35;
	v30 =	vld [tilespmem:s12+$0x230]  }
0x14c: {  	v15 =	vsub.f32 v32, v9;
	v23 =	vmul.f32 v17, v10;
	v22 =	vmul.f32 v18, v10;
	v12 =	vld [tilespmem:s13+$0x200]  }
0x14d: {  	v21 =	vmul.f32 v16, v10;
	v20 =	vmul.f32 v37, v10;
	v25 =	vld [tilespmem:s13+$0x210]  }
0x14e: {  	v18 =	vmul.f32 v15, v10;
	v46 =	vmul.f32 v40, v40;
	v19 =	vsub.f32 v24, v9;
	v26 =	vld [tilespmem:s13+$0x220]  }
0x14f: {  	v33 =	vmul.f32 v29, v29;
	v27 =	vld [tilespmem:s13+$0x230];
	v13 =	vsub.f32 v34, v9;
	v31 =	vmul.f32 v11, v11  }
0x150: {  	v49 =	vld [tilespmem:s12+$0x630];
	v32 =	vadd.f32 $0.0e+00, v28;
	v28 =	vmul.f32 v28, v28;
	v38 =	vsub.f32 v36, v9  }
0x151: {  	v55 =	vld [tilespmem:s12+$0x660];
	v44 =	vmul.f32 v39, v39;
	v41 =	vadd.f32 $0.0e+00, v11;
	v31 =	vadd.f32 v33, v31  }
0x152: {  	v34 =	vld [tilespmem:s12+$0x270];
	v43 =	vmul.f32 v30, v30;
	v30 =	vadd.f32 v30, v32;
	v15 =	vsub.f32 v12, v7  }
0x153: {  	v35 =	vld [tilespmem:s12+$0x600];
	s9 =	sor.u32 s29, s3;
	v17 =	vmul.f32 v13, v10;
	v14 =	vsub.f32 v25, v7;
	v13 =	vsub.f32 v26, v7  }
0x154: {  	v56 =	vmul.f32 v47, v47;
	v59 =	vld [tilespmem:s9+$0x200];
	v12 =	vsub.f32 v27, v7;
	v26 =	vadd.f32 v29, v41  }
0x155: {  	v60 =	vmul.f32 v51, v51;
	v61 =	vld [tilespmem:s9+$0x210];
	v28 =	vadd.f32 v43, v28;
	v25 =	vadd.f32 v40, v30  }
0x156: {  	v62 =	vmul.f32 v53, v53;
	v63 =	vld [tilespmem:s9+$0x220];
	v31 =	vadd.f32 v44, v31;
	v24 =	vadd.f32 v39, v26  }
0x157: {  	v37 =	vld [tilespmem:s9+$0x230];
	v50 =	vmul.f32 v34, v34;
	v26 =	vadd.f32 v46, v28;
	v25 =	vadd.f32 v34, v25  }
0x158: {  	v52 =	vmul.f32 v35, v35;
	v41 =	vld [tilespmem:s9+$0x250];
	v30 =	vadd.f32 v48, v31;
	v24 =	vadd.f32 v42, v24  }
0x159: {  	s28 =	sor.u32 $0x180, s28;
	v43 =	vld [tilespmem:s9+$0x260];
	v14 =	vmul.f32 v14, v8;
	v26 =	vadd.f32 v50, v26;
	v25 =	vadd.f32 v45, v25  }
0x15a: {  	s16 =	sor.u32 s26, s28;
	v58 =	vmul.f32 v49, v49;
	v39 =	vld [tilespmem:s9+$0x240];
	v30 =	vadd.f32 v52, v30;
	v24 =	vadd.f32 v35, v24  }
0x15b: {  	v36 =	vmul.f32 v55, v55;
	[tilespmem:s13+$0xC210] =	vst v14;
	v14 =	vld [tilespmem:s16+$0x200];
	v26 =	vadd.f32 v54, v26;
	v25 =	vadd.f32 v49, v25  }
0x15c: {  	s31 =	sor.u32 s29, s23;
	v16 =	vmul.f32 v38, v10;
	v45 =	vld [tilespmem:s9+$0x270];
	v30 =	vadd.f32 v56, v30;
	v24 =	vadd.f32 v47, v24  }
0x15d: {  	v38 =	vmul.f32 v57, v57;
	v49 =	vld [tilespmem:s31+$0x210];
	v26 =	vadd.f32 v58, v26;
	v25 =	vadd.f32 v53, v25  }
0x15e: {  	v40 =	vmul.f32 v59, v59;
	v47 =	vld [tilespmem:s31+$0x200];
	v30 =	vadd.f32 v60, v30;
	v24 =	vadd.f32 v51, v24  }
0x15f: {  	v44 =	vmul.f32 v63, v63;
	v53 =	vld [tilespmem:s31+$0x230];
	v26 =	vadd.f32 v62, v26;
	v25 =	vadd.f32 v57, v25  }
0x160: {  	v15 =	vmul.f32 v15, v8;
	v51 =	vld [tilespmem:s31+$0x220];
	v30 =	vadd.f32 v36, v30;
	v24 =	vadd.f32 v55, v24  }
0x161: {  	v42 =	vmul.f32 v61, v61;
	v57 =	vld [tilespmem:s31+$0x250];
	v26 =	vadd.f32 v38, v26;
	v25 =	vadd.f32 v61, v25  }
0x162: {  	v46 =	vmul.f32 v37, v37;
	v55 =	vld [tilespmem:s31+$0x240];
	v30 =	vadd.f32 v40, v30;
	v24 =	vadd.f32 v59, v24  }
0x163: {  	v50 =	vmul.f32 v41, v41;
	v61 =	vld [tilespmem:s31+$0x270];
	v26 =	vadd.f32 v42, v26;
	v25 =	vadd.f32 v37, v25  }
0x164: {  	s1 =	sor.u32 s29, s24;
	v48 =	vmul.f32 v39, v39;
	v59 =	vld [tilespmem:s31+$0x260];
	v30 =	vadd.f32 v44, v30;
	v24 =	vadd.f32 v63, v24  }
0x165: {  	v52 =	vmul.f32 v43, v43;
	v37 =	vld [tilespmem:s1+$0x210];
	v26 =	vadd.f32 v46, v26;
	v25 =	vadd.f32 v41, v25  }
0x166: {  	v54 =	vmul.f32 v45, v45;
	v63 =	vld [tilespmem:s1+$0x200];
	v30 =	vadd.f32 v48, v30;
	v24 =	vadd.f32 v39, v24  }
0x167: {  	v58 =	vmul.f32 v49, v49;
	v41 =	vld [tilespmem:s1+$0x230];
	v26 =	vadd.f32 v50, v26;
	v25 =	vadd.f32 v45, v25  }
0x168: {  	v56 =	vmul.f32 v47, v47;
	v39 =	vld [tilespmem:s1+$0x220];
	v30 =	vadd.f32 v52, v30;
	v24 =	vadd.f32 v43, v24  }
0x169: {  	v62 =	vmul.f32 v53, v53;
	v45 =	vld [tilespmem:s1+$0x250];
	v26 =	vadd.f32 v54, v26;
	v25 =	vadd.f32 v49, v25  }
0x16a: {  	v60 =	vmul.f32 v51, v51;
	v43 =	vld [tilespmem:s1+$0x240];
	v30 =	vadd.f32 v56, v30;
	v24 =	vadd.f32 v47, v24  }
0x16b: {  	v38 =	vmul.f32 v57, v57;
	v49 =	vld [tilespmem:s1+$0x270];
	v26 =	vadd.f32 v58, v26;
	v25 =	vadd.f32 v53, v25  }
0x16c: {  	s29 =	sor.u32 s29, s25;
	v36 =	vmul.f32 v55, v55;
	v47 =	vld [tilespmem:s1+$0x260];
	v30 =	vadd.f32 v60, v30;
	v24 =	vadd.f32 v51, v24  }
0x16d: {  	v42 =	vmul.f32 v61, v61;
	v53 =	vld [tilespmem:s29+$0x210];
	v26 =	vadd.f32 v62, v26;
	v25 =	vadd.f32 v57, v25  }
0x16e: {  	v40 =	vmul.f32 v59, v59;
	v51 =	vld [tilespmem:s29+$0x200];
	v30 =	vadd.f32 v36, v30;
	v24 =	vadd.f32 v55, v24  }
0x16f: {  	[tilespmem:s6+$0xC200] =	vst v23;
	v46 =	vmul.f32 v37, v37;
	v57 =	vld [tilespmem:s29+$0x230];
	v26 =	vadd.f32 v38, v26;
	v25 =	vadd.f32 v61, v25  }
0x170: {  	[tilespmem:s6+$0xC210] =	vst v22;
	v44 =	vmul.f32 v63, v63;
	v55 =	vld [tilespmem:s29+$0x220];
	v30 =	vadd.f32 v40, v30;
	v24 =	vadd.f32 v59, v24  }
0x171: {  	[tilespmem:s6+$0xC220] =	vst v21;
	v50 =	vmul.f32 v41, v41;
	v61 =	vld [tilespmem:s29+$0x250];
	v26 =	vadd.f32 v42, v26;
	v25 =	vadd.f32 v37, v25  }
0x172: {  	[tilespmem:s6+$0xC230] =	vst v20;
	v48 =	vmul.f32 v39, v39;
	v38 =	vld [tilespmem:s29+$0x270];
	v30 =	vadd.f32 v44, v30;
	v24 =	vadd.f32 v63, v24  }
0x173: {  	[tilespmem:s6+$0xC240] =	vst v18;
	v52 =	vmul.f32 v43, v43;
	v59 =	vld [tilespmem:s29+$0x240];
	v26 =	vadd.f32 v46, v26;
	v25 =	vadd.f32 v41, v25  }
0x174: {  	[tilespmem:s6+$0xC250] =	vst v17;
	v44 =	vld [tilespmem:s13+$0x240];
	v30 =	vadd.f32 v48, v30;
	v46 =	vmul.f32 v19, v10;
	v24 =	vadd.f32 v39, v24  }
0x175: {  	[tilespmem:s6+$0xC260] =	vst v16;
	v54 =	vmul.f32 v45, v45;
	v63 =	vld [tilespmem:s29+$0x260];
	v26 =	vadd.f32 v50, v26;
	v25 =	vadd.f32 v45, v25  }
0x176: {  	v56 =	vmul.f32 v47, v47;
	v48 =	vld [tilespmem:s13+$0x260];
	v30 =	vadd.f32 v52, v30;
	[tilespmem:s6+$0xC270] =	vst v46;
	v24 =	vadd.f32 v43, v24  }
0x177: {  	v58 =	vmul.f32 v49, v49;
	v33 =	vld [tilespmem:s22+$0x240];
	v26 =	vadd.f32 v54, v26;
	v25 =	vadd.f32 v49, v25  }
0x178: {  	v60 =	vmul.f32 v51, v51;
	v30 =	vadd.f32 v56, v30;
	v54 =	vld [tilespmem:s22+$0x200];
	v24 =	vadd.f32 v47, v24  }
0x179: {  	v62 =	vmul.f32 v53, v53;
	v47 =	vld [tilespmem:s13+$0x250];
	v26 =	vadd.f32 v58, v26;
	v25 =	vadd.f32 v53, v25  }
0x17a: {  	v37 =	vmul.f32 v55, v55;
	v36 =	vadd.f32 v60, v30;
	v24 =	vadd.f32 v51, v24;
	v51 =	vld [tilespmem:s13+$0x270]  }
0x17b: {  	v40 =	vmul.f32 v57, v57;
	v39 =	vadd.f32 v62, v26;
	v42 =	vadd.f32 v57, v25;
	v57 =	vld [tilespmem:s22+$0x210]  }
0x17c: {  	v43 =	vmul.f32 v59, v59;
	v41 =	vadd.f32 v37, v36;
	v36 =	vld [tilespmem:s22+$0x250];
	v24 =	vadd.f32 v55, v24  }
0x17d: {  	v13 =	vmul.f32 v13, v8;
	v55 =	vsub.f32 v44, v7;
	v22 =	vadd.f32 v40, v39;
	v39 =	vld [tilespmem:s22+$0x260]  }
0x17e: {  	v12 =	vmul.f32 v12, v8;
	v21 =	vadd.f32 v43, v41;
	v23 =	vadd.f32 v61, v42;
	v41 =	vld [tilespmem:s22+$0x270]  }
0x17f: {  	v45 =	vmul.f32 v61, v61;
	v43 =	vsub.f32 v54, v9;
	v54 =	vld [tilespmem:s16+$0x230];
	v24 =	vadd.f32 v59, v24  }
0x180: {  	v50 =	vmul.f32 v38, v38;
	v58 =	vsub.f32 v47, v7;
	v61 =	vsub.f32 v48, v7;
	v59 =	vld [tilespmem:s22+$0x220]  }
0x181: {  	v49 =	vmul.f32 v63, v63;
	v22 =	vadd.f32 v45, v22;
	v24 =	vadd.f32 v63, v24;
	v63 =	vld [tilespmem:s22+$0x230]  }
0x182: {  	[tilespmem:s13+$0xC200] =	vst v15;
	v60 =	vmul.f32 v55, v8;
	v23 =	vadd.f32 v38, v23;
	v46 =	vsub.f32 v57, v9;
	v57 =	vld [tilespmem:s16+$0x250]  }
0x183: {  	[tilespmem:s13+$0xC220] =	vst v13;
	v52 =	vadd.f32 v49, v21;
	v30 =	vmul.f32 v58, v8;
	v20 =	vsub.f32 v36, v9;
	v36 =	vld [tilespmem:s16+$0x270]  }
0x184: {  	[tilespmem:s13+$0xC230] =	vst v12;
	v31 =	vsub.f32 v51, v7;
	v34 =	vmul.f32 v61, v8;
	v53 =	vadd.f32 v50, v22;
	v50 =	vld [tilespmem:s16+$0x210]  }
0x185: {  	v51 =	vsub.f32 v33, v9;
	v58 =	vadd.f32 $0.0e+00, v14;
	[tilespmem:s13+$0xC240] =	vst v60;
	v22 =	vmul.f32 v43, v10;
	v43 =	vld [tilespmem:s16+$0x620]  }
0x186: {  	[tilespmem:s13+$0xC250] =	vst v30;
	v37 =	vmul.f32 v31, v8;
	v56 =	vadd.f32 v23, v24;
	v24 =	vsub.f32 v41, v9;
	v41 =	vld [tilespmem:s16+$0x610]  }
0x187: {  	v60 =	vmul.f32 v14, v14;
	[tilespmem:s13+$0xC260] =	vst v34;
	v23 =	vmul.f32 v51, v10;
	v51 =	vld [tilespmem:s16+$0x660];
	v18 =	vadd.f32 v53, v52  }
0x188: {  	v19 =	vmul.f32 v46, v10;
	v20 =	vmul.f32 v20, v10;
	[tilespmem:s13+$0xC270] =	vst v37;
	v47 =	vsub.f32 v59, v9;
	v52 =	vld [tilespmem:s16+$0x220]  }
0x189: {  	v25 =	vsub.f32 v39, v9;
	v62 =	vperm.xlane v56, v3;
	v42 =	vld [tilespmem:s0+$0x200];
	v32 =	vperm.xlane v18, v3  }
0x18a: {  	v15 =	vld [tilespmem:s0+$0x220];
	v21 =	vsub.f32 v63, v9;
	v17 =	vmul.f32 v47, v10;
	v63 =	vmul.f32 v54, v54  }
0x18b: {  	v59 =	vld [tilespmem:s16+$0x260];
	v46 =	vmul.f32 v36, v36;
	v35 =	vadd.f32 v56, v62;
	v61 =	vadd.f32 $0.0e+00, v50  }
0x18c: {  	v44 =	vld [tilespmem:s0+$0x210];
	v28 =	vmul.f32 v50, v50;
	v38 =	vadd.f32 v32, v18;
	v50 =	vmul.f32 v41, v41  }
0x18d: {  	v56 =	vld [tilespmem:s16+$0x240];
	v40 =	vperm.xlane v35, v4;
	v62 =	vmul.f32 v52, v52;
	v26 =	vadd.f32 v52, v58  }
0x18e: {  	v47 =	vld [tilespmem:s16+$0x640];
	v32 =	vadd.f32 v54, v61;
	v28 =	vadd.f32 v63, v28;
	v52 =	vmul.f32 v43, v43  }
0x18f: {  	v16 =	vperm.xlane v38, v4;
	v18 =	vsub.f32 v42, v7;
	v15 =	vsub.f32 v15, v7  }
0x190: {  	v42 =	vmul.f32 v57, v57;
	v13 =	vadd.f32 v35, v40;
	v31 =	vadd.f32 v62, v60  }
0x191: {  	v27 =	vadd.f32 v57, v32;
	v60 =	vmul.f32 v51, v51;
	v45 =	vadd.f32 v16, v38  }
0x192: {  	v37 =	vld [tilespmem:s16+$0x600];
	v16 =	vmul.f32 v21, v10;
	v21 =	vsub.f32 v44, v7;
	v40 =	vmul.f32 v56, v56  }
0x193: {  	s6 =	sor.u32 s28, s3;
	v26 =	vadd.f32 v56, v26;
	v44 =	vmul.f32 v59, v59;
	v56 =	vmul.f32 v47, v47  }
0x194: {  	v61 =	vld [tilespmem:s6+$0x230];
	v28 =	vadd.f32 v42, v28;
	v48 =	vperm.xlane v13, v5;
	v49 =	vperm.xlane v45, v5  }
0x195: {  	v63 =	vld [tilespmem:s6+$0x240];
	v18 =	vmul.f32 v18, v8;
	v27 =	vadd.f32 v36, v27;
	v31 =	vadd.f32 v40, v31  }
0x196: {  	v15 =	vmul.f32 v15, v8;
	v13 =	vadd.f32 v13, v48;
	v29 =	vadd.f32 v49, v45;
	v45 =	vld [tilespmem:s16+$0x630]  }
0x197: {  	v57 =	vld [tilespmem:s6+$0x210];
	v26 =	vadd.f32 v59, v26;
	v28 =	vadd.f32 v46, v28;
	v48 =	vmul.f32 v37, v37  }
0x198: {  	v27 =	vadd.f32 v41, v27;
	v31 =	vadd.f32 v44, v31;
	v49 =	vld [tilespmem:s16+$0x650];
	v53 =	vperm.xlane v13, v6  }
0x199: {  	v59 =	vld [tilespmem:s6+$0x220];
	v26 =	vadd.f32 v37, v26;
	v28 =	vadd.f32 v50, v28;
	v55 =	vperm.xlane v29, v6  }
0x19a: {  	v46 =	vmul.f32 v61, v61;
	v31 =	vadd.f32 v48, v31;
	v12 =	vadd.f32 v13, v53;
	v53 =	vld [tilespmem:s16+$0x670]  }
0x19b: {  	v26 =	vadd.f32 v43, v26;
	v13 =	vadd.f32 v55, v29;
	v55 =	vld [tilespmem:s6+$0x200];
	v54 =	vmul.f32 v45, v45  }
0x19c: {  	v21 =	vmul.f32 v21, v8;
	v41 =	vld [tilespmem:s6+$0x250];
	v31 =	vadd.f32 v52, v31;
	v27 =	vadd.f32 v45, v27  }
0x19d: {  	s23 =	sor.u32 s28, s23;
	v43 =	vld [tilespmem:s6+$0x260];
	v26 =	vadd.f32 v47, v26;
	v58 =	vmul.f32 v49, v49;
	v28 =	vadd.f32 v54, v28  }
0x19e: {  	v42 =	vmul.f32 v57, v57;
	v47 =	vld [tilespmem:s23+$0x200];
	v31 =	vadd.f32 v56, v31;
	v27 =	vadd.f32 v49, v27  }
0x19f: {  	v45 =	vld [tilespmem:s6+$0x270];
	v26 =	vadd.f32 v51, v26;
	v62 =	vmul.f32 v53, v53;
	v28 =	vadd.f32 v58, v28  }
0x1a0: {  	v51 =	vld [tilespmem:s23+$0x220];
	v31 =	vadd.f32 v60, v31;
	v27 =	vadd.f32 v53, v27;
	v40 =	vmul.f32 v55, v55  }
0x1a1: {  	v48 =	vmul.f32 v63, v63;
	v49 =	vld [tilespmem:s23+$0x210];
	v26 =	vadd.f32 v55, v26;
	v28 =	vadd.f32 v62, v28  }
0x1a2: {  	v44 =	vmul.f32 v59, v59;
	v53 =	vld [tilespmem:s23+$0x230];
	v31 =	vadd.f32 v40, v31;
	v27 =	vadd.f32 v57, v27  }
0x1a3: {  	v50 =	vmul.f32 v41, v41;
	v55 =	vld [tilespmem:s23+$0x240];
	v26 =	vadd.f32 v59, v26;
	v28 =	vadd.f32 v42, v28  }
0x1a4: {  	v52 =	vmul.f32 v43, v43;
	v57 =	vld [tilespmem:s23+$0x250];
	v31 =	vadd.f32 v44, v31;
	v27 =	vadd.f32 v61, v27  }
0x1a5: {  	v56 =	vmul.f32 v47, v47;
	v59 =	vld [tilespmem:s23+$0x260];
	v26 =	vadd.f32 v63, v26;
	v28 =	vadd.f32 v46, v28  }
0x1a6: {  	s26 =	sor.u32 s28, s24;
	v54 =	vmul.f32 v45, v45;
	v61 =	vld [tilespmem:s23+$0x270];
	v31 =	vadd.f32 v48, v31;
	v27 =	vadd.f32 v41, v27  }
0x1a7: {  	v60 =	vmul.f32 v51, v51;
	v63 =	vld [tilespmem:s26+$0x200];
	v26 =	vadd.f32 v43, v26;
	v28 =	vadd.f32 v50, v28  }
0x1a8: {  	v58 =	vmul.f32 v49, v49;
	v41 =	vld [tilespmem:s26+$0x210];
	v31 =	vadd.f32 v52, v31;
	v27 =	vadd.f32 v45, v27  }
0x1a9: {  	v62 =	vmul.f32 v53, v53;
	v43 =	vld [tilespmem:s26+$0x220];
	v26 =	vadd.f32 v47, v26;
	v28 =	vadd.f32 v54, v28  }
0x1aa: {  	v40 =	vmul.f32 v55, v55;
	v45 =	vld [tilespmem:s26+$0x230];
	v31 =	vadd.f32 v56, v31;
	v27 =	vadd.f32 v49, v27  }
0x1ab: {  	v42 =	vmul.f32 v57, v57;
	v47 =	vld [tilespmem:s26+$0x240];
	v26 =	vadd.f32 v51, v26;
	v28 =	vadd.f32 v58, v28  }
0x1ac: {  	v44 =	vmul.f32 v59, v59;
	v49 =	vld [tilespmem:s26+$0x250];
	v31 =	vadd.f32 v60, v31;
	v27 =	vadd.f32 v53, v27  }
0x1ad: {  	v46 =	vmul.f32 v61, v61;
	v51 =	vld [tilespmem:s26+$0x260];
	v26 =	vadd.f32 v55, v26;
	v28 =	vadd.f32 v62, v28  }
0x1ae: {  	s28 =	sor.u32 s28, s25;
	v48 =	vmul.f32 v63, v63;
	v53 =	vld [tilespmem:s26+$0x270];
	v31 =	vadd.f32 v40, v31;
	v27 =	vadd.f32 v57, v27  }
0x1af: {  	v50 =	vmul.f32 v41, v41;
	v55 =	vld [tilespmem:s28+$0x200];
	v26 =	vadd.f32 v59, v26;
	v28 =	vadd.f32 v42, v28  }
0x1b0: {  	v52 =	vmul.f32 v43, v43;
	v57 =	vld [tilespmem:s28+$0x210];
	v31 =	vadd.f32 v44, v31;
	v27 =	vadd.f32 v61, v27  }
0x1b1: {  	v54 =	vmul.f32 v45, v45;
	v59 =	vld [tilespmem:s28+$0x220];
	v26 =	vadd.f32 v63, v26;
	v28 =	vadd.f32 v46, v28  }
0x1b2: {  	v56 =	vmul.f32 v47, v47;
	v62 =	vld [tilespmem:s0+$0x230];
	v31 =	vadd.f32 v48, v31;
	v27 =	vadd.f32 v41, v27  }
0x1b3: {  	v58 =	vmul.f32 v49, v49;
	v44 =	vld [tilespmem:s0+$0x250];
	v26 =	vadd.f32 v43, v26;
	v28 =	vadd.f32 v50, v28  }
0x1b4: {  	v60 =	vmul.f32 v51, v51;
	v61 =	vld [tilespmem:s28+$0x230];
	v31 =	vadd.f32 v52, v31;
	v27 =	vadd.f32 v45, v27  }
0x1b5: {  	v63 =	vmul.f32 v53, v53;
	v26 =	vadd.f32 v47, v26;
	v47 =	vld [tilespmem:s0+$0x260];
	v28 =	vadd.f32 v54, v28  }
0x1b6: {  	v40 =	vmul.f32 v55, v55;
	v41 =	vld [tilespmem:s28+$0x240];
	v31 =	vadd.f32 v56, v31;
	v27 =	vadd.f32 v49, v27  }
0x1b7: {  	[tilespmem:s22+$0xC200] =	vst v22;
	v43 =	vmul.f32 v57, v57;
	v26 =	vadd.f32 v51, v26;
	v56 =	vsub.f32 v62, v7  }
0x1b8: {  	[tilespmem:s22+$0xC210] =	vst v19;
	v42 =	vld [tilespmem:s0+$0x240];
	v45 =	vmul.f32 v59, v59;
	v62 =	vsub.f32 v44, v7;
	v28 =	vadd.f32 v58, v28  }
0x1b9: {  	[tilespmem:s22+$0xC240] =	vst v23;
	v48 =	vmul.f32 v61, v61;
	v51 =	vld [tilespmem:s28+$0x250];
	v31 =	vadd.f32 v60, v31;
	v27 =	vadd.f32 v53, v27  }
0x1ba: {  	[tilespmem:s22+$0xC250] =	vst v20;
	v49 =	vmul.f32 v25, v10;
	v26 =	vadd.f32 v55, v26;
	v53 =	vld [tilespmem:s0+$0x270];
	v33 =	vsub.f32 v47, v7  }
0x1bb: {  	[tilespmem:s22+$0xC220] =	vst v17;
	v54 =	vmul.f32 v41, v41;
	v28 =	vadd.f32 v63, v28;
	v31 =	vadd.f32 v40, v31  }
0x1bc: {  	[tilespmem:s22+$0xC230] =	vst v16;
	v55 =	vmul.f32 v24, v10;
	v27 =	vadd.f32 v57, v27;
	v26 =	vadd.f32 v59, v26;
	v57 =	vld [tilespmem:s28+$0x260]  }
0x1bd: {  	[tilespmem:s0+$0xC200] =	vst v18;
	v60 =	vmul.f32 v56, v8;
	v59 =	vld [tilespmem:s28+$0x270];
	v46 =	vadd.f32 v43, v28;
	v50 =	vadd.f32 v45, v31  }
0x1be: {  	[tilespmem:s0+$0xC220] =	vst v15;
	v19 =	vmul.f32 v62, v8;
	v52 =	vadd.f32 v61, v27;
	v26 =	vadd.f32 v41, v26  }
0x1bf: {  	[tilespmem:s0+$0xC210] =	vst v21;
	v63 =	vmul.f32 v51, v51;
	v61 =	vsub.f32 v42, v7;
	v27 =	vsub.f32 v53, v7  }
0x1c0: {  	[tilespmem:s22+$0xC260] =	vst v49;
	v38 =	vmul.f32 v33, v8;
	v22 =	vadd.f32 v48, v46;
	v17 =	vadd.f32 v51, v52  }
0x1c1: {  	[tilespmem:s22+$0xC270] =	vst v55;
	v58 =	vadd.f32 v54, v50;
	v35 =	vmul.f32 v57, v57;
	v36 =	vadd.f32 v57, v26  }
0x1c2: {  	[tilespmem:s0+$0xC230] =	vst v60;
	v25 =	vmul.f32 v59, v59;
	v34 =	vadd.f32 v63, v22;
	v17 =	vadd.f32 v59, v17  }
0x1c3: {  	v12 =	vmul.f32 $1.302083370e-03, v12;
	[tilespmem:s0+$0xC250] =	vst v19;
	v32 =	vmul.f32 v61, v8;
	v22 =	vadd.f32 v35, v58  }
0x1c4: {  	[tilespmem:s0+$0xC260] =	vst v38;
	v39 =	vmul.f32 v27, v8;
	v18 =	vadd.f32 v25, v34;
	v17 =	vadd.f32 v17, v36  }
0x1c5: {  	v13 =	vmul.f32 $1.302083370e-03, v13;
	v37 =	vmul.f32 v12, v12;
	[tilespmem:s0+$0xC240] =	vst v32  }
0x1c6: {  	v41 =	vld [tilespmem:s21+$0x200];
	[tilespmem:s0+$0xC270] =	vst v39;
	v18 =	vadd.f32 v18, v22;
	v40 =	vperm.xlane v17, v3  }
0x1c7: {  	v13 =	vsub.f32 v13, v37;
	v46 =	vld [tilespmem:s30+$0x210]  }
0x1c8: {  	v49 =	vld [tilespmem:s30+$0x220];
	v42 =	vadd.f32 v17, v40;
	v43 =	vperm.xlane v18, v3  }
0x1c9: {  	v13 =	vadd.f32 $1.000000010e-07, v13;
	v52 =	vld [tilespmem:s30+$0x230]  }
0x1ca: {  	v53 =	vld [tilespmem:s30+$0x240];
	v47 =	vperm.xlane v42, v4;
	v17 =	vadd.f32 v43, v18  }
0x1cb: {  	v45 =	vshrl.u32 v13, $0x1;
	v57 =	vld [tilespmem:s30+$0x250]  }
0x1cc: {  	v58 =	vld [tilespmem:s30+$0x260];
	v22 =	vmul.f32 $5.000000000e-01, v13;
	v13 =	vadd.f32 v42, v47;
	v51 =	vperm.xlane v17, v4  }
0x1cd: {  	v48 =	vsub.s32 $0x5F3759DF, v45;
	v15 =	vsub.f32 v41, v9  }
0x1ce: {  	v56 =	vsub.f32 v46, v7;
	v54 =	vperm.xlane v13, v5;
	v16 =	vadd.f32 v51, v17  }
0x1cf: {  	v50 =	vmul.f32 v48, v22;
	v20 =	vsub.f32 v49, v7;
	v24 =	vsub.f32 v52, v7  }
0x1d0: {  	v60 =	vld [tilespmem:s30+$0x270];
	v25 =	vsub.f32 v53, v7;
	v13 =	vadd.f32 v13, v54;
	v59 =	vperm.xlane v16, v5  }
0x1d1: {  	v21 =	vsub.f32 v57, v7;
	v27 =	vsub.f32 v58, v7;
	v23 =	vmul.f32 v48, v50  }
0x1d2: {  	v44 =	vld [tilespmem:s30+$0x200];
	v19 =	vmul.f32 v56, v8;
	v61 =	vperm.xlane v13, v6;
	v16 =	vadd.f32 v59, v16  }
0x1d3: {  	v20 =	vmul.f32 v20, v8;
	v24 =	vmul.f32 v24, v8;
	v23 =	vsub.f32 $1.500000000e+00, v23  }
0x1d4: {  	v62 =	vld [tilespmem:s21+$0x210];
	v25 =	vmul.f32 v25, v8;
	[tilespmem:s30+$0xC210] =	vst v19;
	v13 =	vadd.f32 v13, v61;
	v32 =	vperm.xlane v16, v6  }
0x1d5: {  	v39 =	vld [tilespmem:s21+$0x250];
	v36 =	vsub.f32 v60, v7;
	v21 =	vmul.f32 v21, v8;
	[tilespmem:s30+$0xC220] =	vst v20;
	v18 =	vmul.f32 v48, v23  }
0x1d6: {  	v33 =	vld [tilespmem:s21+$0x230];
	v35 =	vmul.f32 v27, v8;
	[tilespmem:s30+$0xC230] =	vst v24;
	v13 =	vmul.f32 $1.302083370e-03, v13;
	v16 =	vadd.f32 v32, v16  }
0x1d7: {  	v41 =	vld [tilespmem:s21+$0x260];
	v55 =	vsub.f32 v44, v7;
	v40 =	vmul.f32 v36, v8;
	[tilespmem:s30+$0xC240] =	vst v25;
	v37 =	vmul.f32 v18, v22  }
0x1d8: {  	v34 =	vld [tilespmem:s21+$0x240];
	[tilespmem:s30+$0xC250] =	vst v21;
	v16 =	vmul.f32 $1.302083370e-03, v16;
	v38 =	vmul.f32 v13, v13  }
0x1d9: {  	v26 =	vsub.f32 v62, v9;
	[tilespmem:s30+$0xC260] =	vst v35;
	v17 =	vmul.f32 v55, v8  }
0x1da: {  	v63 =	vld [tilespmem:s21+$0x220];
	v49 =	vsub.f32 v39, v9;
	[tilespmem:s30+$0xC270] =	vst v40;
	v42 =	vmul.f32 v37, v18;
	v16 =	vsub.f32 v16, v38  }
0x1db: {  	v15 =	vmul.f32 v15, v10;
	v44 =	vld [tilespmem:s21+$0x270];
	v43 =	vmul.f32 v26, v10;
	v19 =	vsub.f32 v33, v9;
	[tilespmem:s30+$0xC200] =	vst v17  }
0x1dc: {  	v52 =	vmul.f32 v49, v10;
	v45 =	vld [tilespmem:s20+$0x200];
	v23 =	vsub.f32 $1.500000000e+00, v42;
	v16 =	vadd.f32 $1.000000010e-07, v16  }
0x1dd: {  	v20 =	vsub.f32 v34, v9;
	v24 =	vsub.f32 v41, v9;
	v19 =	vmul.f32 v19, v10;
	v46 =	vld [tilespmem:s20+$0x210]  }
0x1de: {  	[tilespmem:s21+$0xC200] =	vst v15;
	v47 =	vld [tilespmem:s20+$0x220];
	v18 =	vmul.f32 v23, v18;
	v48 =	vshrl.u32 v16, $0x1;
	v16 =	vmul.f32 $5.000000000e-01, v16  }
0x1df: {  	[tilespmem:s21+$0xC210] =	vst v43;
	v20 =	vmul.f32 v20, v10;
	v17 =	vsub.f32 v63, v9;
	v23 =	vsub.s32 $0x5F3759DF, v48  }
0x1e0: {  	[tilespmem:s21+$0xC250] =	vst v52;
	v50 =	vld [tilespmem:s20+$0x230];
	v22 =	vmul.f32 v18, v22;
	v51 =	vmul.f32 v23, v16  }
0x1e1: {  	v53 =	vmul.f32 v24, v10;
	v9 =	vsub.f32 v44, v9;
	[tilespmem:s21+$0xC230] =	vst v19;
	v17 =	vmul.f32 v17, v10  }
0x1e2: {  	v55 =	vld [tilespmem:s12+$0x210];
	[tilespmem:s21+$0xC240] =	vst v20;
	v54 =	vsub.f32 v45, v7;
	v22 =	vmul.f32 v22, v18;
	v56 =	vmul.f32 v23, v51  }
0x1e3: {  	v58 =	vld [tilespmem:s12+$0x220];
	[tilespmem:s21+$0xC260] =	vst v53;
	v9 =	vmul.f32 v9, v10;
	v57 =	vsub.f32 v46, v7;
	v15 =	vsub.f32 v47, v7  }
0x1e4: {  	v60 =	vld [tilespmem:s12+$0x230];
	[tilespmem:s21+$0xC220] =	vst v17;
	v20 =	vmul.f32 v54, v8;
	v59 =	vsub.f32 $1.500000000e+00, v22;
	v25 =	vsub.f32 $1.500000000e+00, v56  }
0x1e5: {  	[tilespmem:s21+$0xC270] =	vst v9;
	v61 =	vld [tilespmem:s12+$0x240];
	v17 =	vsub.f32 v50, v7;
	v10 =	vmul.f32 v57, v8;
	v15 =	vmul.f32 v15, v8  }
0x1e6: {  	v11 =	vsub.f32 v11, v12;
	v62 =	vld [tilespmem:s12+$0x250];
	[tilespmem:s20+$0xC200] =	vst v20;
	v9 =	vmul.f32 v59, v18;
	v63 =	vmul.f32 v23, v25  }
0x1e7: {  	v30 =	vld [tilespmem:s12+$0x260];
	v29 =	vsub.f32 v55, v12;
	v28 =	vmul.f32 v17, v8;
	[tilespmem:s20+$0xC210] =	vst v10  }
0x1e8: {  	v35 =	vld [tilespmem:s12+$0x600];
	v31 =	vsub.f32 v58, v12;
	[tilespmem:s20+$0xC220] =	vst v15;
	v11 =	vmul.f32 v9, v11;
	v23 =	vmul.f32 v63, v16  }
0x1e9: {  	v41 =	vld [tilespmem:s12+$0x620];
	v34 =	vsub.f32 v60, v12;
	[tilespmem:s20+$0xC230] =	vst v28;
	v33 =	vmul.f32 v9, v29  }
0x1ea: {  	v44 =	vld [tilespmem:s12+$0x630];
	v37 =	vsub.f32 v61, v12;
	v36 =	vmul.f32 v9, v31;
	[tilespmem:s12+$0xC200] =	vst v11;
	v23 =	vmul.f32 v23, v63  }
0x1eb: {  	v40 =	vsub.f32 v62, v12;
	v53 =	vld [tilespmem:s12+$0x660];
	v39 =	vmul.f32 v9, v34;
	[tilespmem:s12+$0xC210] =	vst v33  }
0x1ec: {  	v43 =	vsub.f32 v30, v12;
	v38 =	vld [tilespmem:s12+$0x610];
	v42 =	vmul.f32 v9, v37;
	[tilespmem:s12+$0xC220] =	vst v36;
	v23 =	vsub.f32 $1.500000000e+00, v23  }
0x1ed: {  	v49 =	vsub.f32 v35, v12;
	v32 =	vld [tilespmem:s12+$0x270];
	v45 =	vmul.f32 v9, v40;
	[tilespmem:s12+$0xC230] =	vst v39  }
0x1ee: {  	v55 =	vsub.f32 v41, v12;
	v47 =	vld [tilespmem:s12+$0x640];
	v48 =	vmul.f32 v9, v43;
	[tilespmem:s12+$0xC240] =	vst v42;
	v20 =	vmul.f32 v23, v63  }
0x1ef: {  	v58 =	vsub.f32 v44, v12;
	v54 =	vmul.f32 v9, v49;
	[tilespmem:s12+$0xC250] =	vst v45;
	v56 =	vld [tilespmem:s12+$0x670]  }
0x1f0: {  	v50 =	vld [tilespmem:s12+$0x650];
	v26 =	vsub.f32 v53, v12;
	v59 =	vmul.f32 v55, v9;
	[tilespmem:s12+$0xC260] =	vst v48;
	v16 =	vmul.f32 v20, v16  }
0x1f1: {  	v52 =	vsub.f32 v38, v12;
	v62 =	vmul.f32 v58, v9;
	[tilespmem:s12+$0xC600] =	vst v54  }
0x1f2: {  	v61 =	vld [tilespmem:s16+$0x210];
	v46 =	vsub.f32 v32, v12;
	v29 =	vmul.f32 v26, v9;
	[tilespmem:s12+$0xC620] =	vst v59;
	v16 =	vmul.f32 v16, v20  }
0x1f3: {  	v24 =	vld [tilespmem:s16+$0x220];
	v60 =	vsub.f32 v47, v12;
	v57 =	vmul.f32 v9, v52;
	[tilespmem:s12+$0xC630] =	vst v62  }
0x1f4: {  	v27 =	vld [tilespmem:s16+$0x230];
	v51 =	vmul.f32 v9, v46;
	[tilespmem:s12+$0xC660] =	vst v29;
	v18 =	vsub.f32 v56, v12;
	v16 =	vsub.f32 $1.500000000e+00, v16  }
0x1f5: {  	v28 =	vld [tilespmem:s16+$0x240];
	[tilespmem:s12+$0xC610] =	vst v57;
	v25 =	vmul.f32 v60, v9;
	v63 =	vsub.f32 v50, v12  }
0x1f6: {  	v30 =	vld [tilespmem:s16+$0x250];
	v14 =	vsub.f32 v14, v13;
	[tilespmem:s12+$0xC270] =	vst v51;
	v31 =	vmul.f32 v18, v9;
	v10 =	vmul.f32 v16, v20  }
0x1f7: {  	v32 =	vsub.f32 v61, v13;
	v33 =	vld [tilespmem:s16+$0x260];
	[tilespmem:s12+$0xC640] =	vst v25;
	v17 =	vmul.f32 v63, v9  }
0x1f8: {  	v35 =	vsub.f32 v24, v13;
	v36 =	vld [tilespmem:s16+$0x270];
	[tilespmem:s12+$0xC670] =	vst v31;
	v34 =	vmul.f32 v10, v14  }
0x1f9: {  	v38 =	vsub.f32 v27, v13;
	v39 =	vld [tilespmem:s16+$0x600];
	[tilespmem:s12+$0xC650] =	vst v17;
	v37 =	vmul.f32 v10, v32  }
0x1fa: {  	v41 =	vsub.f32 v28, v13;
	v42 =	vld [tilespmem:s16+$0x610];
	v40 =	vmul.f32 v10, v35;
	[tilespmem:s16+$0xC200] =	vst v34  }
0x1fb: {  	v44 =	vld [tilespmem:s16+$0x620];
	v15 =	vsub.f32 v30, v13;
	v43 =	vmul.f32 v10, v38;
	[tilespmem:s16+$0xC210] =	vst v37  }
0x1fc: {  	v47 =	vld [tilespmem:s16+$0x630];
	v46 =	vsub.f32 v33, v13;
	v45 =	vmul.f32 v10, v41;
	[tilespmem:s16+$0xC220] =	vst v40  }
0x1fd: {  	v49 =	vld [tilespmem:s16+$0x640];
	v48 =	vsub.f32 v36, v13;
	v15 =	vmul.f32 v10, v15;
	[tilespmem:s16+$0xC230] =	vst v43  }
0x1fe: {  	v52 =	vld [tilespmem:s16+$0x650];
	v51 =	vsub.f32 v39, v13;
	v50 =	vmul.f32 v10, v46;
	[tilespmem:s16+$0xC240] =	vst v45  }
0x1ff: {  	v55 =	vld [tilespmem:s16+$0x660];
	v54 =	vsub.f32 v42, v13;
	v53 =	vmul.f32 v10, v48;
	[tilespmem:s16+$0xC250] =	vst v15  }
0x200: {  	v58 =	vld [tilespmem:s16+$0x670];
	v57 =	vsub.f32 v44, v13;
	v56 =	vmul.f32 v10, v51;
	[tilespmem:s16+$0xC260] =	vst v50  }
0x201: {  	v18 =	vsub.f32 v47, v13;
	v60 =	vld [tilespmem:s9+$0x200];
	v16 =	vmul.f32 v10, v54;
	[tilespmem:s16+$0xC270] =	vst v53  }
0x202: {  	v19 =	vsub.f32 v49, v13;
	v63 =	vld [tilespmem:s9+$0x230];
	v14 =	vmul.f32 v57, v10;
	[tilespmem:s16+$0xC600] =	vst v56  }
0x203: {  	v24 =	vld [tilespmem:s9+$0x240];
	v20 =	vsub.f32 v52, v13;
	v18 =	vmul.f32 v18, v10;
	[tilespmem:s16+$0xC610] =	vst v16  }
0x204: {  	v21 =	vsub.f32 v55, v13;
	v25 =	vld [tilespmem:s9+$0x250];
	v19 =	vmul.f32 v19, v10;
	[tilespmem:s16+$0xC620] =	vst v14  }
0x205: {  	v17 =	vsub.f32 v58, v13;
	v26 =	vld [tilespmem:s9+$0x260];
	v20 =	vmul.f32 v20, v10;
	[tilespmem:s16+$0xC630] =	vst v18  }
0x206: {  	v27 =	vld [tilespmem:s9+$0x270];
	v21 =	vmul.f32 v21, v10;
	v11 =	vsub.f32 v60, v12;
	[tilespmem:s16+$0xC640] =	vst v19  }
0x207: {  	v59 =	vld [tilespmem:s20+$0x240];
	v17 =	vmul.f32 v17, v10;
	v29 =	vsub.f32 v63, v12;
	[tilespmem:s16+$0xC650] =	vst v20  }
0x208: {  	v61 =	vld [tilespmem:s9+$0x210];
	v32 =	vsub.f32 v24, v12;
	[tilespmem:s16+$0xC660] =	vst v21;
	v11 =	vmul.f32 v11, v9  }
0x209: {  	v62 =	vld [tilespmem:s9+$0x220];
	v35 =	vsub.f32 v25, v12;
	[tilespmem:s16+$0xC670] =	vst v17;
	v34 =	vmul.f32 v29, v9  }
0x20a: {  	v38 =	vsub.f32 v26, v12;
	v37 =	vmul.f32 v32, v9;
	v30 =	vld [tilespmem:s6+$0x200];
	[tilespmem:s9+$0xC200] =	vst v11  }
0x20b: {  	v41 =	vsub.f32 v27, v12;
	v40 =	vmul.f32 v35, v9;
	v33 =	vld [tilespmem:s6+$0x210];
	[tilespmem:s9+$0xC230] =	vst v34  }
0x20c: {  	v15 =	vsub.f32 v59, v7;
	v43 =	vmul.f32 v38, v9;
	v36 =	vld [tilespmem:s6+$0x220];
	[tilespmem:s9+$0xC240] =	vst v37  }
0x20d: {  	v16 =	vsub.f32 v61, v12;
	v46 =	vmul.f32 v41, v9;
	v39 =	vld [tilespmem:s6+$0x230];
	[tilespmem:s9+$0xC250] =	vst v40  }
0x20e: {  	v14 =	vsub.f32 v62, v12;
	v42 =	vld [tilespmem:s6+$0x240];
	v15 =	vmul.f32 v15, v8;
	[tilespmem:s9+$0xC260] =	vst v43  }
0x20f: {  	v45 =	vld [tilespmem:s6+$0x250];
	v28 =	vmul.f32 v16, v9;
	[tilespmem:s9+$0xC270] =	vst v46;
	v44 =	vsub.f32 v30, v13  }
0x210: {  	v48 =	vld [tilespmem:s6+$0x260];
	v31 =	vmul.f32 v14, v9;
	[tilespmem:s20+$0xC240] =	vst v15;
	v47 =	vsub.f32 v33, v13  }
0x211: {  	v51 =	vld [tilespmem:s6+$0x270];
	[tilespmem:s9+$0xC210] =	vst v28;
	v50 =	vsub.f32 v36, v13;
	v49 =	vmul.f32 v44, v10  }
0x212: {  	v52 =	vld [tilespmem:s20+$0x250];
	[tilespmem:s9+$0xC220] =	vst v31;
	v21 =	vsub.f32 v39, v13;
	v16 =	vmul.f32 v47, v10  }
0x213: {  	v53 =	vld [tilespmem:s31+$0x200];
	v17 =	vsub.f32 v42, v13;
	v14 =	vmul.f32 v50, v10;
	[tilespmem:s6+$0xC200] =	vst v49  }
0x214: {  	v54 =	vld [tilespmem:s31+$0x210];
	v18 =	vsub.f32 v45, v13;
	v21 =	vmul.f32 v21, v10;
	[tilespmem:s6+$0xC210] =	vst v16  }
0x215: {  	v55 =	vld [tilespmem:s31+$0x220];
	v19 =	vsub.f32 v48, v13;
	v17 =	vmul.f32 v17, v10;
	[tilespmem:s6+$0xC220] =	vst v14  }
0x216: {  	v56 =	vld [tilespmem:s31+$0x230];
	v20 =	vsub.f32 v51, v13;
	v18 =	vmul.f32 v18, v10;
	[tilespmem:s6+$0xC230] =	vst v21  }
0x217: {  	v15 =	vsub.f32 v52, v7;
	v57 =	vld [tilespmem:s31+$0x240];
	v19 =	vmul.f32 v19, v10;
	[tilespmem:s6+$0xC240] =	vst v17  }
0x218: {  	v58 =	vld [tilespmem:s31+$0x250];
	v20 =	vmul.f32 v20, v10;
	v11 =	vsub.f32 v53, v12;
	[tilespmem:s6+$0xC250] =	vst v18  }
0x219: {  	v59 =	vld [tilespmem:s31+$0x260];
	v15 =	vmul.f32 v15, v8;
	v16 =	vsub.f32 v54, v12;
	[tilespmem:s6+$0xC260] =	vst v19  }
0x21a: {  	v60 =	vld [tilespmem:s31+$0x270];
	v14 =	vsub.f32 v55, v12;
	[tilespmem:s6+$0xC270] =	vst v20;
	v11 =	vmul.f32 v11, v9  }
0x21b: {  	[tilespmem:s20+$0xC250] =	vst v15;
	v62 =	vsub.f32 v56, v12;
	v63 =	vld [tilespmem:s23+$0x200];
	v61 =	vmul.f32 v16, v9  }
0x21c: {  	v23 =	vsub.f32 v57, v12;
	v24 =	vld [tilespmem:s23+$0x210];
	v22 =	vmul.f32 v14, v9;
	[tilespmem:s31+$0xC200] =	vst v11  }
0x21d: {  	v26 =	vsub.f32 v58, v12;
	v27 =	vld [tilespmem:s23+$0x220];
	v25 =	vmul.f32 v62, v9;
	[tilespmem:s31+$0xC210] =	vst v61  }
0x21e: {  	v29 =	vsub.f32 v59, v12;
	v30 =	vld [tilespmem:s23+$0x230];
	v28 =	vmul.f32 v23, v9;
	[tilespmem:s31+$0xC220] =	vst v22  }
0x21f: {  	v32 =	vsub.f32 v60, v12;
	v33 =	vld [tilespmem:s23+$0x240];
	v31 =	vmul.f32 v26, v9;
	[tilespmem:s31+$0xC230] =	vst v25  }
0x220: {  	v36 =	vld [tilespmem:s23+$0x250];
	v34 =	vmul.f32 v29, v9;
	[tilespmem:s31+$0xC240] =	vst v28;
	v35 =	vsub.f32 v63, v13  }
0x221: {  	v39 =	vld [tilespmem:s23+$0x260];
	v37 =	vmul.f32 v32, v9;
	[tilespmem:s31+$0xC250] =	vst v31;
	v38 =	vsub.f32 v24, v13  }
0x222: {  	v42 =	vld [tilespmem:s23+$0x270];
	[tilespmem:s31+$0xC260] =	vst v34;
	v41 =	vsub.f32 v27, v13;
	v40 =	vmul.f32 v35, v10  }
0x223: {  	v43 =	vld [tilespmem:s20+$0x260];
	[tilespmem:s31+$0xC270] =	vst v37;
	v19 =	vsub.f32 v30, v13;
	v16 =	vmul.f32 v38, v10  }
0x224: {  	v44 =	vld [tilespmem:s1+$0x200];
	v20 =	vsub.f32 v33, v13;
	v14 =	vmul.f32 v41, v10;
	[tilespmem:s23+$0xC200] =	vst v40  }
0x225: {  	v45 =	vld [tilespmem:s1+$0x210];
	v21 =	vsub.f32 v36, v13;
	v19 =	vmul.f32 v19, v10;
	[tilespmem:s23+$0xC210] =	vst v16  }
0x226: {  	v46 =	vld [tilespmem:s1+$0x220];
	v17 =	vsub.f32 v39, v13;
	v20 =	vmul.f32 v20, v10;
	[tilespmem:s23+$0xC220] =	vst v14  }
0x227: {  	v47 =	vld [tilespmem:s1+$0x230];
	v18 =	vsub.f32 v42, v13;
	v21 =	vmul.f32 v21, v10;
	[tilespmem:s23+$0xC230] =	vst v19  }
0x228: {  	v15 =	vsub.f32 v43, v7;
	v48 =	vld [tilespmem:s1+$0x240];
	v17 =	vmul.f32 v17, v10;
	[tilespmem:s23+$0xC240] =	vst v20  }
0x229: {  	v49 =	vld [tilespmem:s1+$0x250];
	v18 =	vmul.f32 v18, v10;
	v11 =	vsub.f32 v44, v12;
	[tilespmem:s23+$0xC250] =	vst v21  }
0x22a: {  	v15 =	vmul.f32 v15, v8;
	v50 =	vld [tilespmem:s1+$0x260];
	v16 =	vsub.f32 v45, v12;
	[tilespmem:s23+$0xC260] =	vst v17  }
0x22b: {  	v51 =	vld [tilespmem:s1+$0x270];
	v14 =	vsub.f32 v46, v12;
	[tilespmem:s23+$0xC270] =	vst v18;
	v11 =	vmul.f32 v11, v9  }
0x22c: {  	[tilespmem:s20+$0xC260] =	vst v15;
	v53 =	vsub.f32 v47, v12;
	v54 =	vld [tilespmem:s26+$0x200];
	v52 =	vmul.f32 v16, v9  }
0x22d: {  	v56 =	vsub.f32 v48, v12;
	v57 =	vld [tilespmem:s26+$0x210];
	v55 =	vmul.f32 v14, v9;
	[tilespmem:s1+$0xC200] =	vst v11  }
0x22e: {  	v59 =	vsub.f32 v49, v12;
	v60 =	vld [tilespmem:s26+$0x220];
	v58 =	vmul.f32 v53, v9;
	[tilespmem:s1+$0xC210] =	vst v52  }
0x22f: {  	v62 =	vsub.f32 v50, v12;
	v63 =	vld [tilespmem:s26+$0x230];
	v61 =	vmul.f32 v56, v9;
	[tilespmem:s1+$0xC220] =	vst v55  }
0x230: {  	v24 =	vsub.f32 v51, v12;
	v25 =	vld [tilespmem:s26+$0x240];
	v23 =	vmul.f32 v59, v9;
	[tilespmem:s1+$0xC230] =	vst v58  }
0x231: {  	v28 =	vld [tilespmem:s26+$0x250];
	v26 =	vmul.f32 v62, v9;
	[tilespmem:s1+$0xC240] =	vst v61;
	v27 =	vsub.f32 v54, v13  }
0x232: {  	v31 =	vld [tilespmem:s26+$0x260];
	v29 =	vmul.f32 v24, v9;
	[tilespmem:s1+$0xC250] =	vst v23;
	v30 =	vsub.f32 v57, v13  }
0x233: {  	v34 =	vld [tilespmem:s26+$0x270];
	[tilespmem:s1+$0xC260] =	vst v26;
	v33 =	vsub.f32 v60, v13;
	v32 =	vmul.f32 v27, v10  }
0x234: {  	v35 =	vld [tilespmem:s20+$0x270];
	[tilespmem:s1+$0xC270] =	vst v29;
	v17 =	vsub.f32 v63, v13;
	v16 =	vmul.f32 v30, v10  }
0x235: {  	v36 =	vld [tilespmem:s29+$0x200];
	v18 =	vsub.f32 v25, v13;
	v14 =	vmul.f32 v33, v10;
	[tilespmem:s26+$0xC200] =	vst v32  }
0x236: {  	v37 =	vld [tilespmem:s29+$0x210];
	v19 =	vsub.f32 v28, v13;
	v17 =	vmul.f32 v17, v10;
	[tilespmem:s26+$0xC210] =	vst v16  }
0x237: {  	v38 =	vld [tilespmem:s29+$0x220];
	v20 =	vsub.f32 v31, v13;
	v18 =	vmul.f32 v18, v10;
	[tilespmem:s26+$0xC220] =	vst v14  }
0x238: {  	v39 =	vld [tilespmem:s29+$0x230];
	v21 =	vsub.f32 v34, v13;
	v19 =	vmul.f32 v19, v10;
	[tilespmem:s26+$0xC230] =	vst v17  }
0x239: {  	v7 =	vsub.f32 v35, v7;
	v40 =	vld [tilespmem:s29+$0x240];
	v41 =	vmul.f32 v20, v10;
	[tilespmem:s26+$0xC240] =	vst v18  }
0x23a: {  	v42 =	vld [tilespmem:s29+$0x250];
	v43 =	vmul.f32 v21, v10;
	v11 =	vsub.f32 v36, v12;
	[tilespmem:s26+$0xC250] =	vst v19  }
0x23b: {  	v7 =	vmul.f32 v7, v8;
	v44 =	vld [tilespmem:s29+$0x260];
	v8 =	vsub.f32 v37, v12;
	[tilespmem:s26+$0xC260] =	vst v41  }
0x23c: {  	v45 =	vld [tilespmem:s29+$0x270];
	v14 =	vsub.f32 v38, v12;
	[tilespmem:s26+$0xC270] =	vst v43;
	v11 =	vmul.f32 v11, v9  }
0x23d: {  	[tilespmem:s20+$0xC270] =	vst v7;
	v46 =	vld [tilespmem:s28+$0x200];
	v7 =	vmul.f32 v8, v9;
	v8 =	vsub.f32 v39, v12  }
0x23e: {  	v48 =	vsub.f32 v40, v12;
	v49 =	vld [tilespmem:s28+$0x210];
	v47 =	vmul.f32 v14, v9;
	[tilespmem:s29+$0xC200] =	vst v11  }
0x23f: {  	v50 =	vld [tilespmem:s28+$0x220];
	[tilespmem:s29+$0xC210] =	vst v7;
	v7 =	vmul.f32 v8, v9;
	v8 =	vsub.f32 v42, v12  }
0x240: {  	v52 =	vsub.f32 v44, v12;
	v53 =	vld [tilespmem:s28+$0x230];
	v51 =	vmul.f32 v48, v9;
	[tilespmem:s29+$0xC220] =	vst v47  }
0x241: {  	v54 =	vld [tilespmem:s28+$0x240];
	[tilespmem:s29+$0xC230] =	vst v7;
	v7 =	vmul.f32 v8, v9;
	v8 =	vsub.f32 v45, v12  }
0x242: {  	v57 =	vld [tilespmem:s28+$0x250];
	v55 =	vmul.f32 v52, v9;
	[tilespmem:s29+$0xC240] =	vst v51;
	v56 =	vsub.f32 v46, v13  }
0x243: {  	v58 =	vld [tilespmem:s28+$0x260];
	[tilespmem:s29+$0xC250] =	vst v7;
	v7 =	vmul.f32 v8, v9;
	v8 =	vsub.f32 v49, v13  }
0x244: {  	v61 =	vld [tilespmem:s28+$0x270];
	[tilespmem:s29+$0xC260] =	vst v55;
	v60 =	vsub.f32 v50, v13;
	v59 =	vmul.f32 v56, v10  }
0x245: {  	[tilespmem:s29+$0xC270] =	vst v7;
	v7 =	vmul.f32 v8, v10;
	v8 =	vsub.f32 v53, v13  }
0x246: {  	v12 =	vsub.f32 v54, v13;
	v62 =	vmul.f32 v60, v10;
	[tilespmem:s28+$0xC200] =	vst v59  }
0x247: {  	[tilespmem:s28+$0xC210] =	vst v7;
	v7 =	vmul.f32 v8, v10;
	v8 =	vsub.f32 v57, v13  }
0x248: {  	p1 =	slt.u32 s18, $0x1C;
	v63 =	vmul.f32 v12, v10;
	v9 =	vsub.f32 v58, v13;
	[tilespmem:s28+$0xC220] =	vst v62  }
.Ltmp2:
0x249: {  	[tilespmem:s28+$0xC230] =	vst v7;
	v7 =	vmul.f32 v8, v10;
	v8 =	vsub.f32 v61, v13;
	(pc) =	sbr.rel @p1 .LBB2_3-.Ltmp2, $4  }
0x24a: {  	[tilespmem:s28+$0xC240] =	vst v63;
	v9 =	vmul.f32 v9, v10  }
0x24b: {  	[tilespmem:s28+$0xC250] =	vst v7;
	v7 =	vmul.f32 v8, v10  }
0x24c: {  	[tilespmem:s28+$0xC260] =	vst v9  }
0x24d: {  	s19 =	sadd.s32 $0x200, s19;
	[tilespmem:s28+$0xC270] =	vst v7  }
0x24e: {  	s18 =	sshll.u32 s17, $0x6  }
0x24f: {  	p1 =	sne.s32 s17, $0x7;
	s0 =	sor.u32 s10, s18  }
.Ltmp3:
0x250: {  	s0 =	sshrl.u32 s0, $0x3;
	(pc) =	sbr.rel @p1 .LBB2_6-.Ltmp3, $4  }
0x251: {  	s19 =	smul.u32 $0x300, s0  }
0x252: {  	s31 =	rddreg [dreg:$0x2]  }
0x253: {  	s1 =	simm.s32 $0xC200;
	s0 =	sadd.s32 s31, s19  }
0x254: {  	[hbm4b:s0+s5] =	stream.linear.scatter [tilespmem:s1], [sflag:$0x3], $0x6000, $0x38;
	[tilespmem:$0x18200] =	vst v63  }
.Ltmp4:
0x255: {  	(pc) =	sbr.rel .LBB2_7-.Ltmp4, $4  }
0x256: {  	_ = 	snop  }
0x257: {  	_ =	swait.ge [sflag:s14], $0x6000  }
0x258: {  	[sflag:s14] =	ssyncset.done $0x0  }
0x259: {  	[sflag:s14] =	ssyncadd.s32 $0xFFFFA000  }
.LBB2_6:
0x25a: {  	s0 =	sand.u32 $0x3FFFFFC0, s18  }
0x25b: {  	v7 =	vld [tilespmem:s0+$0x40];
	_ =	sdelay $0x4  }
0x25c: {  	v8 =	vshrl.u32 v7, $0x3  }
0x25d: {  	v8 =	vmul.u32 $0x30, v8  }
0x25e: {  	v7 =	vand.u32 $0x7, v7  }
0x25f: {  	v7 =	vor.u32 v7, v8  }
0x260: {  	v8 =	vperm.xlane v7, v0;
	_ =	sdelay $0x1  }
0x261: {  	v8 =	vadd.s32 v1, v8;
	_ =	sdelay $0x3  }
0x262: {  	s1 =	simm.s32 $0x200;
	v7 =	vperm.xlane v7, v2  }
0x263: {  	[tilespmem:s1], [sflag:$0x1] =	stream.indirect_vreg.gather [hbm4b:s2+s5], $0x80, v8, vm0, $0xb8;
	[tilespmem:$0x18200] =	vst v63  }
0x264: {  	s20 =	simm.s32 $0xA00;
	v7 =	vadd.s32 v1, v7  }
0x265: {  	[tilespmem:s20], [sflag:$0x1] =	stream.indirect_vreg.gather [hbm4b:s7+s5], $0x80, v8, vm0, $0xb8;
	[tilespmem:$0x18200] =	vst v63  }
0x266: {  	s21 =	simm.s32 $0x1200  }
0x267: {  	[tilespmem:s21], [sflag:$0x1] =	stream.indirect_vreg.gather [hbm4b:s8+s5], $0x80, v8, vm0, $0xb8;
	[tilespmem:$0x18200] =	vst v63  }
0x268: {  	s22 =	simm.s32 $0x1A00  }
0x269: {  	[tilespmem:s22], [sflag:$0x1] =	stream.indirect_vreg.gather [hbm4b:s2+s5], $0x80, v7, vm0, $0xb8;
	[tilespmem:$0x18200] =	vst v63  }
0x26a: {  	s23 =	simm.s32 $0x2200  }
0x26b: {  	[tilespmem:s23], [sflag:$0x1] =	stream.indirect_vreg.gather [hbm4b:s7+s5], $0x80, v7, vm0, $0xb8;
	[tilespmem:$0x18200] =	vst v63  }
0x26c: {  	s24 =	simm.s32 $0x2A00  }
0x26d: {  	[tilespmem:s24], [sflag:$0x1] =	stream.indirect_vreg.gather [hbm4b:s8+s5], $0x80, v7, vm0, $0xb8;
	[tilespmem:$0x18200] =	vst v63  }
0x26e: {  	v7 =	vld [tilespmem:s0+$0x50];
	_ =	sdelay $0x4  }
0x26f: {  	v8 =	vshrl.u32 v7, $0x3  }
0x270: {  	v8 =	vmul.u32 $0x30, v8  }
0x271: {  	v7 =	vand.u32 $0x7, v7  }
0x272: {  	v7 =	vor.u32 v7, v8  }
0x273: {  	v8 =	vperm.xlane v7, v0;
	_ =	sdelay $0x1  }
0x274: {  	v8 =	vadd.s32 v1, v8;
	_ =	sdelay $0x3  }
0x275: {  	s25 =	simm.s32 $0x3200;
	v7 =	vperm.xlane v7, v2  }
0x276: {  	[tilespmem:s25], [sflag:$0x1] =	stream.indirect_vreg.gather [hbm4b:s2+s5], $0x80, v8, vm0, $0xb8;
	[tilespmem:$0x18200] =	vst v63  }
0x277: {  	s26 =	simm.s32 $0x3A00;
	v7 =	vadd.s32 v1, v7  }
0x278: {  	[tilespmem:s26], [sflag:$0x1] =	stream.indirect_vreg.gather [hbm4b:s7+s5], $0x80, v8, vm0, $0xb8;
	[tilespmem:$0x18200] =	vst v63  }
0x279: {  	s28 =	simm.s32 $0x4200  }
0x27a: {  	[tilespmem:s28], [sflag:$0x1] =	stream.indirect_vreg.gather [hbm4b:s8+s5], $0x80, v8, vm0, $0xb8;
	[tilespmem:$0x18200] =	vst v63  }
0x27b: {  	s29 =	simm.s32 $0x4A00  }
0x27c: {  	[tilespmem:s29], [sflag:$0x1] =	stream.indirect_vreg.gather [hbm4b:s2+s5], $0x80, v7, vm0, $0xb8;
	[tilespmem:$0x18200] =	vst v63  }
0x27d: {  	s30 =	simm.s32 $0x5200  }
0x27e: {  	[tilespmem:s30], [sflag:$0x1] =	stream.indirect_vreg.gather [hbm4b:s7+s5], $0x80, v7, vm0, $0xb8;
	[tilespmem:$0x18200] =	vst v63  }
.Ltmp5:
0x27f: {  	s31 =	simm.s32 $0x5A00;
	(pc) =	sbr.rel @p0 .LBB2_8-.Ltmp5, $4  }
0x280: {  	[tilespmem:s31], [sflag:$0x1] =	stream.indirect_vreg.gather [hbm4b:s8+s5], $0x80, v7, vm0, $0xb8;
	[tilespmem:$0x18200] =	vst v63  }
0x281: {  	_ =	swait.ge [sflag:s14], $0x6000  }
0x282: {  	[sflag:s14] =	ssyncset.done $0x0  }
0x283: {  	[sflag:s14] =	ssyncadd.s32 $0xFFFFA000  }
.LBB2_7:
0x284: {  	_ =	swait.ge [sflag:s15], $0x6000  }
0x285: {  	[sflag:s15] =	ssyncset.done $0x0  }
0x286: {  	[sflag:s15] =	ssyncadd.s32 $0xFFFFA000  }
.LBB2_8:
0x287: {  	s20 =	simm.s32 $0xFFFFFFFC;
	s21 =	simm.s32 $0x0  }
.LBB2_9:
0x288: {  	s20 =	sadd.s32 $0x4, s20  }
0x289: {  	s0 =	sshrl.u32 s20, $0x3  }
0x28a: {  	s29 =	smul.u32 $0x1800, s0  }
0x28b: {  	s30 =	sand.u32 $0x200, s21  }
0x28c: {  	s9 =	sor.u32 s30, s29  }
0x28d: {  	v7 =	vld [tilespmem:s9+$0x6200]  }
0x28e: {  	v8 =	vld [tilespmem:s9+$0x6210]  }
0x28f: {  	v9 =	vld [tilespmem:s9+$0x6220]  }
0x290: {  	v10 =	vld [tilespmem:s9+$0x6230]  }
0x291: {  	v11 =	vld [tilespmem:s9+$0x6240]  }
0x292: {  	v12 =	vld [tilespmem:s9+$0x6250]  }
0x293: {  	v14 =	vld [tilespmem:s9+$0x6260];
	v13 =	vadd.f32 $0.0e+00, v7  }
0x294: {  	v18 =	vld [tilespmem:s9+$0x6270];
	v15 =	vmul.f32 v7, v7;
	v16 =	vadd.f32 $0.0e+00, v8;
	v17 =	vmul.f32 v9, v9  }
0x295: {  	v19 =	vld [tilespmem:s9+$0x6600];
	v8 =	vmul.f32 v8, v8;
	v40 =	vmul.f32 v10, v10  }
0x296: {  	v42 =	vld [tilespmem:s9+$0x6610];
	v41 =	vmul.f32 v11, v11;
	v9 =	vadd.f32 v9, v13;
	v10 =	vadd.f32 v10, v16  }
0x297: {  	v44 =	vld [tilespmem:s9+$0x6620];
	v43 =	vmul.f32 v12, v12;
	v15 =	vadd.f32 v17, v15;
	v8 =	vadd.f32 v40, v8  }
0x298: {  	v46 =	vld [tilespmem:s9+$0x6630];
	v45 =	vmul.f32 v14, v14;
	v9 =	vadd.f32 v11, v9;
	v10 =	vadd.f32 v12, v10  }
0x299: {  	v48 =	vld [tilespmem:s9+$0x6640];
	v47 =	vmul.f32 v18, v18;
	v15 =	vadd.f32 v41, v15;
	v8 =	vadd.f32 v43, v8  }
0x29a: {  	v50 =	vld [tilespmem:s9+$0x6650];
	v49 =	vmul.f32 v19, v19;
	v9 =	vadd.f32 v14, v9;
	v10 =	vadd.f32 v18, v10  }
0x29b: {  	s24 =	sadd.s32 $0x800, s29;
	v52 =	vld [tilespmem:s9+$0x6660];
	v51 =	vmul.f32 v42, v42;
	v12 =	vadd.f32 v45, v15;
	v8 =	vadd.f32 v47, v8  }
0x29c: {  	v54 =	vld [tilespmem:s9+$0x6670];
	s31 =	sor.u32 s30, s24;
	v53 =	vmul.f32 v44, v44;
	v9 =	vadd.f32 v19, v9;
	v10 =	vadd.f32 v42, v10  }
0x29d: {  	v56 =	vld [tilespmem:s31+$0x6200];
	v55 =	vmul.f32 v46, v46;
	v12 =	vadd.f32 v49, v12;
	v8 =	vadd.f32 v51, v8  }
0x29e: {  	v58 =	vld [tilespmem:s31+$0x6210];
	v57 =	vmul.f32 v48, v48;
	v9 =	vadd.f32 v44, v9;
	v10 =	vadd.f32 v46, v10  }
0x29f: {  	v60 =	vld [tilespmem:s31+$0x6220];
	v59 =	vmul.f32 v50, v50;
	v12 =	vadd.f32 v53, v12;
	v8 =	vadd.f32 v55, v8  }
0x2a0: {  	v62 =	vld [tilespmem:s31+$0x6230];
	v61 =	vmul.f32 v52, v52;
	v9 =	vadd.f32 v48, v9;
	v10 =	vadd.f32 v50, v10  }
0x2a1: {  	v21 =	vld [tilespmem:s31+$0x6240];
	v63 =	vmul.f32 v54, v54;
	v12 =	vadd.f32 v57, v12;
	v8 =	vadd.f32 v59, v8  }
0x2a2: {  	v23 =	vld [tilespmem:s31+$0x6250];
	v22 =	vmul.f32 v56, v56;
	v9 =	vadd.f32 v52, v9;
	v10 =	vadd.f32 v54, v10  }
0x2a3: {  	s25 =	sadd.s32 $0xC00, s29;
	v25 =	vld [tilespmem:s31+$0x6260];
	v24 =	vmul.f32 v58, v58;
	v12 =	vadd.f32 v61, v12;
	v8 =	vadd.f32 v63, v8  }
0x2a4: {  	s13 =	sor.u32 s30, s25;
	v27 =	vld [tilespmem:s31+$0x6270];
	v26 =	vmul.f32 v60, v60;
	v9 =	vadd.f32 v56, v9;
	v10 =	vadd.f32 v58, v10  }
0x2a5: {  	v29 =	vld [tilespmem:s13+$0x6200];
	v28 =	vmul.f32 v62, v62;
	v12 =	vadd.f32 v22, v12;
	v8 =	vadd.f32 v24, v8  }
0x2a6: {  	v31 =	vld [tilespmem:s13+$0x6210];
	v30 =	vmul.f32 v21, v21;
	v9 =	vadd.f32 v60, v9;
	v10 =	vadd.f32 v62, v10  }
0x2a7: {  	v33 =	vld [tilespmem:s13+$0x6220];
	v32 =	vmul.f32 v23, v23;
	v12 =	vadd.f32 v26, v12;
	v8 =	vadd.f32 v28, v8  }
0x2a8: {  	v35 =	vld [tilespmem:s13+$0x6230];
	v34 =	vmul.f32 v25, v25;
	v9 =	vadd.f32 v21, v9;
	v10 =	vadd.f32 v23, v10  }
0x2a9: {  	v37 =	vld [tilespmem:s13+$0x6240];
	v36 =	vmul.f32 v27, v27;
	v12 =	vadd.f32 v30, v12;
	v8 =	vadd.f32 v32, v8  }
0x2aa: {  	v39 =	vld [tilespmem:s13+$0x6250];
	v38 =	vmul.f32 v29, v29;
	v9 =	vadd.f32 v25, v9;
	v10 =	vadd.f32 v27, v10  }
0x2ab: {  	s26 =	sadd.s32 $0x1000, s29;
	v40 =	vmul.f32 v31, v31;
	v41 =	vld [tilespmem:s13+$0x6260];
	v12 =	vadd.f32 v34, v12;
	v8 =	vadd.f32 v36, v8  }
0x2ac: {  	s3 =	sor.u32 s30, s26;
	v43 =	vld [tilespmem:s13+$0x6270];
	v42 =	vmul.f32 v33, v33;
	v9 =	vadd.f32 v29, v9;
	v10 =	vadd.f32 v31, v10  }
0x2ad: {  	v45 =	vld [tilespmem:s3+$0x6200];
	v44 =	vmul.f32 v35, v35;
	v12 =	vadd.f32 v38, v12;
	v8 =	vadd.f32 v40, v8  }
0x2ae: {  	v47 =	vld [tilespmem:s3+$0x6210];
	v46 =	vmul.f32 v37, v37;
	v9 =	vadd.f32 v33, v9;
	v10 =	vadd.f32 v35, v10  }
0x2af: {  	v49 =	vld [tilespmem:s3+$0x6220];
	v48 =	vmul.f32 v39, v39;
	v12 =	vadd.f32 v42, v12;
	v8 =	vadd.f32 v44, v8  }
0x2b0: {  	v51 =	vld [tilespmem:s3+$0x6230];
	v50 =	vmul.f32 v41, v41;
	v9 =	vadd.f32 v37, v9;
	v10 =	vadd.f32 v39, v10  }
0x2b1: {  	v53 =	vld [tilespmem:s3+$0x6240];
	v52 =	vmul.f32 v43, v43;
	v12 =	vadd.f32 v46, v12;
	v8 =	vadd.f32 v48, v8  }
0x2b2: {  	v55 =	vld [tilespmem:s3+$0x6250];
	v54 =	vmul.f32 v45, v45;
	v9 =	vadd.f32 v41, v9;
	v10 =	vadd.f32 v43, v10  }
0x2b3: {  	s28 =	sadd.s32 $0x1400, s29;
	v57 =	vld [tilespmem:s3+$0x6260];
	v56 =	vmul.f32 v47, v47;
	v12 =	vadd.f32 v50, v12;
	v8 =	vadd.f32 v52, v8  }
0x2b4: {  	s23 =	sor.u32 s30, s28;
	v59 =	vld [tilespmem:s3+$0x6270];
	v58 =	vmul.f32 v49, v49;
	v9 =	vadd.f32 v45, v9;
	v10 =	vadd.f32 v47, v10  }
0x2b5: {  	v61 =	vld [tilespmem:s23+$0x6200];
	v60 =	vmul.f32 v51, v51;
	v12 =	vadd.f32 v54, v12;
	v8 =	vadd.f32 v56, v8  }
0x2b6: {  	v63 =	vld [tilespmem:s23+$0x6210];
	v62 =	vmul.f32 v53, v53;
	v9 =	vadd.f32 v49, v9;
	v10 =	vadd.f32 v51, v10  }
0x2b7: {  	v22 =	vld [tilespmem:s23+$0x6220];
	v21 =	vmul.f32 v55, v55;
	v12 =	vadd.f32 v58, v12;
	v8 =	vadd.f32 v60, v8  }
0x2b8: {  	v24 =	vld [tilespmem:s23+$0x6230];
	v23 =	vmul.f32 v57, v57;
	v9 =	vadd.f32 v53, v9;
	v10 =	vadd.f32 v55, v10  }
0x2b9: {  	v26 =	vld [tilespmem:s23+$0x6240];
	v25 =	vmul.f32 v59, v59;
	v12 =	vadd.f32 v62, v12;
	v8 =	vadd.f32 v21, v8  }
0x2ba: {  	v28 =	vld [tilespmem:s23+$0x6250];
	v27 =	vmul.f32 v61, v61;
	v9 =	vadd.f32 v57, v9;
	v10 =	vadd.f32 v59, v10  }
0x2bb: {  	v29 =	vmul.f32 v63, v63;
	v12 =	vadd.f32 v23, v12;
	v8 =	vadd.f32 v25, v8  }
0x2bc: {  	v30 =	vmul.f32 v22, v22;
	v31 =	vld [tilespmem:s23+$0x6260];
	v9 =	vadd.f32 v61, v9;
	v10 =	vadd.f32 v63, v10  }
0x2bd: {  	v32 =	vmul.f32 v24, v24;
	v33 =	vld [tilespmem:s23+$0x6270];
	v12 =	vadd.f32 v27, v12;
	v8 =	vadd.f32 v29, v8  }
0x2be: {  	v34 =	vmul.f32 v26, v26;
	v9 =	vadd.f32 v22, v9;
	v10 =	vadd.f32 v24, v10  }
0x2bf: {  	v35 =	vmul.f32 v28, v28;
	v12 =	vadd.f32 v30, v12;
	v8 =	vadd.f32 v32, v8  }
0x2c0: {  	v9 =	vadd.f32 v26, v9;
	v10 =	vadd.f32 v28, v10  }
0x2c1: {  	v36 =	vmul.f32 v31, v31;
	v11 =	vadd.f32 v34, v12;
	v8 =	vadd.f32 v35, v8  }
0x2c2: {  	v37 =	vmul.f32 v33, v33;
	v9 =	vadd.f32 v31, v9;
	v10 =	vadd.f32 v33, v10  }
0x2c3: {  	v11 =	vadd.f32 v36, v11  }
0x2c4: {  	v8 =	vadd.f32 v37, v8;
	v9 =	vadd.f32 v10, v9;
	_ =	sdelay $0x1  }
0x2c5: {  	v8 =	vadd.f32 v8, v11;
	v10 =	vperm.xlane v9, v3;
	_ =	sdelay $0x1  }
0x2c6: {  	v38 =	vperm.xlane v8, v3;
	v9 =	vadd.f32 v9, v10;
	_ =	sdelay $0x1  }
0x2c7: {  	v8 =	vadd.f32 v38, v8;
	v39 =	vperm.xlane v9, v4;
	_ =	sdelay $0x1  }
0x2c8: {  	v10 =	vperm.xlane v8, v4;
	v9 =	vadd.f32 v9, v39;
	_ =	sdelay $0x1  }
0x2c9: {  	v8 =	vadd.f32 v10, v8;
	v11 =	vperm.xlane v9, v5;
	_ =	sdelay $0x1  }
0x2ca: {  	v10 =	vperm.xlane v8, v5;
	v9 =	vadd.f32 v9, v11;
	_ =	sdelay $0x1  }
0x2cb: {  	v8 =	vadd.f32 v10, v8;
	v11 =	vperm.xlane v9, v6;
	_ =	sdelay $0x1  }
0x2cc: {  	v10 =	vperm.xlane v8, v6;
	v9 =	vadd.f32 v9, v11;
	_ =	sdelay $0x1  }
0x2cd: {  	v8 =	vadd.f32 v10, v8;
	v9 =	vmul.f32 $1.302083370e-03, v9;
	_ =	sdelay $0x1  }
0x2ce: {  	v8 =	vmul.f32 $1.302083370e-03, v8;
	v40 =	vmul.f32 v9, v9;
	_ =	sdelay $0x1  }
0x2cf: {  	v8 =	vsub.f32 v8, v40;
	_ =	sdelay $0x1  }
0x2d0: {  	v8 =	vadd.f32 $1.000000010e-07, v8;
	_ =	sdelay $0x1  }
0x2d1: {  	v41 =	vshrl.u32 v8, $0x1;
	v8 =	vmul.f32 $5.000000000e-01, v8  }
0x2d2: {  	v10 =	vsub.s32 $0x5F3759DF, v41  }
0x2d3: {  	v42 =	vmul.f32 v10, v8;
	_ =	sdelay $0x1  }
0x2d4: {  	v11 =	vmul.f32 v10, v42;
	_ =	sdelay $0x1  }
0x2d5: {  	v11 =	vsub.f32 $1.500000000e+00, v11;
	_ =	sdelay $0x1  }
0x2d6: {  	v10 =	vmul.f32 v10, v11;
	_ =	sdelay $0x1  }
0x2d7: {  	v11 =	vmul.f32 v10, v8;
	_ =	sdelay $0x1  }
0x2d8: {  	v11 =	vmul.f32 v11, v10;
	_ =	sdelay $0x1  }
0x2d9: {  	v11 =	vsub.f32 $1.500000000e+00, v11;
	_ =	sdelay $0x1  }
0x2da: {  	v10 =	vmul.f32 v11, v10;
	_ =	sdelay $0x1  }
0x2db: {  	v8 =	vmul.f32 v10, v8;
	_ =	sdelay $0x1  }
0x2dc: {  	v43 =	vld [tilespmem:s9+$0x6210];
	v8 =	vmul.f32 v8, v10  }
0x2dd: {  	v44 =	vld [tilespmem:s9+$0x6220]  }
0x2de: {  	v45 =	vld [tilespmem:s9+$0x6230];
	v8 =	vsub.f32 $1.500000000e+00, v8  }
0x2df: {  	v46 =	vld [tilespmem:s9+$0x6240]  }
0x2e0: {  	v7 =	vsub.f32 v7, v9;
	v10 =	vmul.f32 v8, v10;
	v8 =	vld [tilespmem:s9+$0x6250]  }
0x2e1: {  	v47 =	vld [tilespmem:s9+$0x6260];
	v11 =	vsub.f32 v43, v9  }
0x2e2: {  	v48 =	vld [tilespmem:s9+$0x6270];
	v12 =	vsub.f32 v44, v9;
	v7 =	vmul.f32 v10, v7  }
0x2e3: {  	v49 =	vld [tilespmem:s9+$0x6600];
	v13 =	vsub.f32 v45, v9;
	v11 =	vmul.f32 v10, v11  }
0x2e4: {  	v51 =	vld [tilespmem:s9+$0x6610];
	v50 =	vsub.f32 v46, v9;
	[tilespmem:s9+$0x12200] =	vst v7;
	v7 =	vmul.f32 v10, v12  }
0x2e5: {  	v53 =	vld [tilespmem:s9+$0x6620];
	v52 =	vmul.f32 v10, v13;
	[tilespmem:s9+$0x12210] =	vst v11;
	v8 =	vsub.f32 v8, v9  }
0x2e6: {  	v55 =	vld [tilespmem:s9+$0x6630];
	v54 =	vsub.f32 v47, v9;
	[tilespmem:s9+$0x12220] =	vst v7;
	v7 =	vmul.f32 v10, v50  }
0x2e7: {  	v57 =	vld [tilespmem:s9+$0x6640];
	v56 =	vsub.f32 v48, v9;
	[tilespmem:s9+$0x12230] =	vst v52;
	v8 =	vmul.f32 v10, v8  }
0x2e8: {  	v58 =	vsub.f32 v49, v9;
	[tilespmem:s9+$0x12240] =	vst v7;
	v7 =	vmul.f32 v10, v54  }
0x2e9: {  	v59 =	vsub.f32 v51, v9;
	[tilespmem:s9+$0x12250] =	vst v8;
	v8 =	vmul.f32 v10, v56  }
0x2ea: {  	v60 =	vsub.f32 v53, v9;
	[tilespmem:s9+$0x12260] =	vst v7;
	v7 =	vmul.f32 v10, v58  }
0x2eb: {  	v61 =	vsub.f32 v55, v9;
	[tilespmem:s9+$0x12270] =	vst v8;
	v8 =	vmul.f32 v10, v59  }
0x2ec: {  	v62 =	vsub.f32 v57, v9;
	[tilespmem:s9+$0x12600] =	vst v7;
	v7 =	vmul.f32 v60, v10  }
0x2ed: {  	[tilespmem:s9+$0x12610] =	vst v8;
	v8 =	vmul.f32 v61, v10  }
0x2ee: {  	[tilespmem:s9+$0x12620] =	vst v7;
	v7 =	vmul.f32 v62, v10  }
0x2ef: {  	s16 =	sor.u32 $0x80, s30;
	[tilespmem:s9+$0x12630] =	vst v8  }
0x2f0: {  	s12 =	sor.u32 s29, s16;
	[tilespmem:s9+$0x12640] =	vst v7  }
0x2f1: {  	v11 =	vld [tilespmem:s12+$0x6200]  }
0x2f2: {  	v7 =	vld [tilespmem:s12+$0x6210]  }
0x2f3: {  	v8 =	vld [tilespmem:s12+$0x6220]  }
0x2f4: {  	v63 =	vld [tilespmem:s12+$0x6230]  }
0x2f5: {  	v24 =	vld [tilespmem:s12+$0x6240]  }
0x2f6: {  	v25 =	vld [tilespmem:s12+$0x6250]  }
0x2f7: {  	v27 =	vld [tilespmem:s12+$0x6260];
	v26 =	vadd.f32 $0.0e+00, v11  }
0x2f8: {  	v20 =	vld [tilespmem:s12+$0x6270];
	v28 =	vmul.f32 v11, v11;
	v29 =	vadd.f32 $0.0e+00, v7;
	v30 =	vmul.f32 v8, v8  }
0x2f9: {  	v21 =	vld [tilespmem:s12+$0x6600];
	v7 =	vmul.f32 v7, v7;
	v31 =	vmul.f32 v63, v63  }
0x2fa: {  	v33 =	vld [tilespmem:s12+$0x6610];
	v32 =	vmul.f32 v24, v24;
	v8 =	vadd.f32 v8, v26;
	v12 =	vadd.f32 v63, v29  }
0x2fb: {  	v35 =	vld [tilespmem:s12+$0x6620];
	v34 =	vmul.f32 v25, v25;
	v17 =	vadd.f32 v30, v28;
	v7 =	vadd.f32 v31, v7  }
0x2fc: {  	v37 =	vld [tilespmem:s12+$0x6630];
	v36 =	vmul.f32 v27, v27;
	v8 =	vadd.f32 v24, v8;
	v12 =	vadd.f32 v25, v12  }
0x2fd: {  	v39 =	vld [tilespmem:s12+$0x6640];
	v38 =	vmul.f32 v20, v20;
	v17 =	vadd.f32 v32, v17;
	v7 =	vadd.f32 v34, v7  }
0x2fe: {  	v41 =	vld [tilespmem:s12+$0x6650];
	v40 =	vmul.f32 v21, v21;
	v8 =	vadd.f32 v27, v8;
	v12 =	vadd.f32 v20, v12  }
0x2ff: {  	v43 =	vld [tilespmem:s12+$0x6660];
	v42 =	vmul.f32 v33, v33;
	v14 =	vadd.f32 v36, v17;
	v7 =	vadd.f32 v38, v7  }
0x300: {  	s4 =	sor.u32 s16, s24;
	v45 =	vld [tilespmem:s12+$0x6670];
	v44 =	vmul.f32 v35, v35;
	v8 =	vadd.f32 v21, v8;
	v12 =	vadd.f32 v33, v12  }
0x301: {  	v47 =	vld [tilespmem:s4+$0x6200];
	v46 =	vmul.f32 v37, v37;
	v14 =	vadd.f32 v40, v14;
	v7 =	vadd.f32 v42, v7  }
0x302: {  	v49 =	vld [tilespmem:s4+$0x6210];
	v48 =	vmul.f32 v39, v39;
	v8 =	vadd.f32 v35, v8;
	v12 =	vadd.f32 v37, v12  }
0x303: {  	v51 =	vld [tilespmem:s4+$0x6220];
	v50 =	vmul.f32 v41, v41;
	v14 =	vadd.f32 v44, v14;
	v7 =	vadd.f32 v46, v7  }
0x304: {  	v53 =	vld [tilespmem:s4+$0x6230];
	v52 =	vmul.f32 v43, v43;
	v8 =	vadd.f32 v39, v8;
	v12 =	vadd.f32 v41, v12  }
0x305: {  	v57 =	vld [tilespmem:s4+$0x6250];
	v54 =	vmul.f32 v45, v45;
	v14 =	vadd.f32 v48, v14;
	v7 =	vadd.f32 v50, v7  }
0x306: {  	v55 =	vld [tilespmem:s4+$0x6240];
	v56 =	vmul.f32 v47, v47;
	v8 =	vadd.f32 v43, v8;
	v12 =	vadd.f32 v45, v12  }
0x307: {  	v59 =	vld [tilespmem:s4+$0x6260];
	v58 =	vmul.f32 v49, v49;
	v14 =	vadd.f32 v52, v14;
	v7 =	vadd.f32 v54, v7  }
0x308: {  	s6 =	sor.u32 s16, s25;
	v61 =	vld [tilespmem:s4+$0x6270];
	v60 =	vmul.f32 v51, v51;
	v8 =	vadd.f32 v47, v8;
	v12 =	vadd.f32 v49, v12  }
0x309: {  	v62 =	vmul.f32 v53, v53;
	v63 =	vld [tilespmem:s6+$0x6200];
	v14 =	vadd.f32 v56, v14;
	v7 =	vadd.f32 v58, v7  }
0x30a: {  	v26 =	vmul.f32 v57, v57;
	v25 =	vld [tilespmem:s6+$0x6210];
	v8 =	vadd.f32 v51, v8;
	v12 =	vadd.f32 v53, v12  }
0x30b: {  	v29 =	vld [tilespmem:s6+$0x6230];
	v24 =	vmul.f32 v55, v55;
	v14 =	vadd.f32 v60, v14;
	v7 =	vadd.f32 v62, v7  }
0x30c: {  	v28 =	vmul.f32 v59, v59;
	v27 =	vld [tilespmem:s6+$0x6220];
	v8 =	vadd.f32 v55, v8;
	v12 =	vadd.f32 v57, v12  }
0x30d: {  	v30 =	vmul.f32 v61, v61;
	v31 =	vld [tilespmem:s6+$0x6240];
	v14 =	vadd.f32 v24, v14;
	v7 =	vadd.f32 v26, v7  }
0x30e: {  	v32 =	vmul.f32 v63, v63;
	v33 =	vld [tilespmem:s6+$0x6250];
	v8 =	vadd.f32 v59, v8;
	v12 =	vadd.f32 v61, v12  }
0x30f: {  	v34 =	vmul.f32 v25, v25;
	v35 =	vld [tilespmem:s6+$0x6260];
	v14 =	vadd.f32 v28, v14;
	v7 =	vadd.f32 v30, v7  }
0x310: {  	s1 =	sor.u32 s16, s26;
	v38 =	vmul.f32 v29, v29;
	v37 =	vld [tilespmem:s6+$0x6270];
	v8 =	vadd.f32 v63, v8;
	v12 =	vadd.f32 v25, v12  }
0x311: {  	v36 =	vmul.f32 v27, v27;
	v39 =	vld [tilespmem:s1+$0x6200];
	v14 =	vadd.f32 v32, v14;
	v7 =	vadd.f32 v34, v7  }
0x312: {  	v40 =	vmul.f32 v31, v31;
	v41 =	vld [tilespmem:s1+$0x6210];
	v8 =	vadd.f32 v27, v8;
	v12 =	vadd.f32 v29, v12  }
0x313: {  	v42 =	vmul.f32 v33, v33;
	v43 =	vld [tilespmem:s1+$0x6220];
	v14 =	vadd.f32 v36, v14;
	v7 =	vadd.f32 v38, v7  }
0x314: {  	v45 =	vld [tilespmem:s1+$0x6230];
	v44 =	vmul.f32 v35, v35;
	v8 =	vadd.f32 v31, v8;
	v12 =	vadd.f32 v33, v12  }
0x315: {  	v46 =	vmul.f32 v37, v37;
	v47 =	vld [tilespmem:s1+$0x6240];
	v14 =	vadd.f32 v40, v14;
	v7 =	vadd.f32 v42, v7  }
0x316: {  	v49 =	vld [tilespmem:s1+$0x6250];
	v48 =	vmul.f32 v39, v39;
	v8 =	vadd.f32 v35, v8;
	v12 =	vadd.f32 v37, v12  }
0x317: {  	v50 =	vmul.f32 v41, v41;
	v51 =	vld [tilespmem:s1+$0x6260];
	v14 =	vadd.f32 v44, v14;
	v7 =	vadd.f32 v46, v7  }
0x318: {  	s22 =	sor.u32 s16, s28;
	v53 =	vld [tilespmem:s1+$0x6270];
	v52 =	vmul.f32 v43, v43;
	v8 =	vadd.f32 v39, v8;
	v12 =	vadd.f32 v41, v12  }
0x319: {  	v54 =	vmul.f32 v45, v45;
	v55 =	vld [tilespmem:s22+$0x6200];
	v14 =	vadd.f32 v48, v14;
	v7 =	vadd.f32 v50, v7  }
0x31a: {  	v57 =	vld [tilespmem:s22+$0x6210];
	v56 =	vmul.f32 v47, v47;
	v8 =	vadd.f32 v43, v8;
	v12 =	vadd.f32 v45, v12  }
0x31b: {  	v58 =	vmul.f32 v49, v49;
	v59 =	vld [tilespmem:s22+$0x6220];
	v14 =	vadd.f32 v52, v14;
	v7 =	vadd.f32 v54, v7  }
0x31c: {  	v61 =	vld [tilespmem:s22+$0x6230];
	v60 =	vmul.f32 v51, v51;
	v8 =	vadd.f32 v47, v8;
	v12 =	vadd.f32 v49, v12  }
0x31d: {  	v62 =	vmul.f32 v53, v53;
	v63 =	vld [tilespmem:s22+$0x6240];
	v14 =	vadd.f32 v56, v14;
	v7 =	vadd.f32 v58, v7  }
0x31e: {  	v25 =	vld [tilespmem:s22+$0x6250];
	v24 =	vmul.f32 v55, v55;
	v8 =	vadd.f32 v51, v8;
	v12 =	vadd.f32 v53, v12  }
0x31f: {  	v26 =	vmul.f32 v57, v57;
	v14 =	vadd.f32 v60, v14;
	v7 =	vadd.f32 v62, v7  }
0x320: {  	v28 =	vld [tilespmem:s22+$0x6260];
	v27 =	vmul.f32 v59, v59;
	v8 =	vadd.f32 v55, v8;
	v12 =	vadd.f32 v57, v12  }
0x321: {  	v30 =	vld [tilespmem:s22+$0x6270];
	v29 =	vmul.f32 v61, v61;
	v14 =	vadd.f32 v24, v14;
	v7 =	vadd.f32 v26, v7  }
0x322: {  	v31 =	vmul.f32 v63, v63;
	v8 =	vadd.f32 v59, v8;
	v12 =	vadd.f32 v61, v12  }
0x323: {  	v32 =	vmul.f32 v25, v25;
	v14 =	vadd.f32 v27, v14;
	v7 =	vadd.f32 v29, v7  }
0x324: {  	v8 =	vadd.f32 v63, v8;
	v12 =	vadd.f32 v25, v12  }
0x325: {  	v33 =	vmul.f32 v28, v28;
	v13 =	vadd.f32 v31, v14;
	v7 =	vadd.f32 v32, v7  }
0x326: {  	v34 =	vmul.f32 v30, v30;
	v8 =	vadd.f32 v28, v8;
	v12 =	vadd.f32 v30, v12  }
0x327: {  	v13 =	vadd.f32 v33, v13  }
0x328: {  	v7 =	vadd.f32 v34, v7;
	v8 =	vadd.f32 v12, v8;
	_ =	sdelay $0x1  }
0x329: {  	v7 =	vadd.f32 v7, v13;
	v12 =	vperm.xlane v8, v3;
	_ =	sdelay $0x1  }
0x32a: {  	v35 =	vperm.xlane v7, v3;
	v8 =	vadd.f32 v8, v12;
	_ =	sdelay $0x1  }
0x32b: {  	v7 =	vadd.f32 v35, v7;
	v36 =	vperm.xlane v8, v4;
	_ =	sdelay $0x1  }
0x32c: {  	v12 =	vperm.xlane v7, v4;
	v8 =	vadd.f32 v8, v36;
	_ =	sdelay $0x1  }
0x32d: {  	v7 =	vadd.f32 v12, v7;
	v13 =	vperm.xlane v8, v5;
	_ =	sdelay $0x1  }
0x32e: {  	v12 =	vperm.xlane v7, v5;
	v8 =	vadd.f32 v8, v13;
	_ =	sdelay $0x1  }
0x32f: {  	v12 =	vadd.f32 v12, v7;
	v13 =	vperm.xlane v8, v6;
	_ =	sdelay $0x1  }
0x330: {  	v7 =	vadd.f32 v8, v13;
	v8 =	vperm.xlane v12, v6;
	_ =	sdelay $0x1  }
0x331: {  	v7 =	vmul.f32 $1.302083370e-03, v7;
	v8 =	vadd.f32 v8, v12;
	_ =	sdelay $0x1  }
0x332: {  	v8 =	vmul.f32 $1.302083370e-03, v8;
	v37 =	vmul.f32 v7, v7  }
0x333: {  	v41 =	vld [tilespmem:s9+$0x6670]  }
0x334: {  	v39 =	vld [tilespmem:s9+$0x6660];
	v8 =	vsub.f32 v8, v37  }
0x335: {  	v38 =	vld [tilespmem:s9+$0x6650]  }
0x336: {  	v8 =	vadd.f32 $1.000000010e-07, v8;
	_ =	sdelay $0x1  }
0x337: {  	v15 =	vsub.f32 v41, v9;
	v40 =	vshrl.u32 v8, $0x1;
	v8 =	vmul.f32 $5.000000000e-01, v8  }
0x338: {  	v58 =	vld [tilespmem:s12+$0x6220];
	v13 =	vsub.f32 v39, v9;
	v14 =	vsub.s32 $0x5F3759DF, v40  }
0x339: {  	v60 =	vld [tilespmem:s12+$0x6230];
	v43 =	vmul.f32 v15, v10;
	v12 =	vsub.f32 v38, v9;
	v42 =	vmul.f32 v14, v8  }
0x33a: {  	v55 =	vld [tilespmem:s12+$0x6210];
	v13 =	vmul.f32 v13, v10  }
0x33b: {  	v24 =	vld [tilespmem:s12+$0x6250];
	[tilespmem:s9+$0x12670] =	vst v43;
	v12 =	vmul.f32 v12, v10;
	v16 =	vmul.f32 v14, v42  }
0x33c: {  	v27 =	vld [tilespmem:s12+$0x6260];
	[tilespmem:s9+$0x12660] =	vst v13  }
0x33d: {  	v29 =	vld [tilespmem:s12+$0x6270];
	[tilespmem:s9+$0x12650] =	vst v12;
	v16 =	vsub.f32 $1.500000000e+00, v16  }
0x33e: {  	v13 =	vld [tilespmem:s31+$0x6200]  }
0x33f: {  	v47 =	vld [tilespmem:s31+$0x6230];
	v14 =	vmul.f32 v14, v16  }
0x340: {  	v48 =	vld [tilespmem:s31+$0x6240]  }
0x341: {  	v49 =	vld [tilespmem:s31+$0x6250];
	v44 =	vmul.f32 v14, v8  }
0x342: {  	v51 =	vld [tilespmem:s31+$0x6260]  }
0x343: {  	v52 =	vld [tilespmem:s31+$0x6270];
	v13 =	vsub.f32 v13, v9;
	v12 =	vmul.f32 v44, v14  }
0x344: {  	v46 =	vld [tilespmem:s31+$0x6220];
	v17 =	vsub.f32 v47, v9  }
0x345: {  	v45 =	vld [tilespmem:s31+$0x6210];
	v54 =	vsub.f32 v48, v9;
	v13 =	vmul.f32 v13, v10;
	v12 =	vsub.f32 $1.500000000e+00, v12  }
0x346: {  	v63 =	vld [tilespmem:s12+$0x6240];
	v57 =	vsub.f32 v49, v9;
	v56 =	vmul.f32 v17, v10  }
0x347: {  	v32 =	vld [tilespmem:s12+$0x6600];
	v15 =	vsub.f32 v51, v9;
	v59 =	vmul.f32 v54, v10;
	[tilespmem:s31+$0x12200] =	vst v13;
	v12 =	vmul.f32 v12, v14  }
0x348: {  	v35 =	vld [tilespmem:s12+$0x6610];
	v62 =	vsub.f32 v52, v9;
	v61 =	vmul.f32 v57, v10;
	[tilespmem:s31+$0x12230] =	vst v56  }
0x349: {  	v37 =	vld [tilespmem:s12+$0x6620];
	v23 =	vmul.f32 v15, v10;
	[tilespmem:s31+$0x12240] =	vst v59;
	v16 =	vsub.f32 v46, v9;
	v8 =	vmul.f32 v12, v8  }
0x34a: {  	v40 =	vld [tilespmem:s12+$0x6630];
	v50 =	vsub.f32 v45, v9;
	v25 =	vmul.f32 v62, v10;
	[tilespmem:s31+$0x12250] =	vst v61  }
0x34b: {  	v45 =	vld [tilespmem:s12+$0x6650];
	[tilespmem:s31+$0x12260] =	vst v23;
	v53 =	vmul.f32 v16, v10;
	v8 =	vmul.f32 v8, v12  }
0x34c: {  	v48 =	vld [tilespmem:s12+$0x6660];
	[tilespmem:s31+$0x12270] =	vst v25;
	v14 =	vmul.f32 v50, v10  }
0x34d: {  	v51 =	vld [tilespmem:s12+$0x6670];
	[tilespmem:s31+$0x12220] =	vst v53;
	v8 =	vsub.f32 $1.500000000e+00, v8  }
0x34e: {  	v42 =	vld [tilespmem:s12+$0x6640];
	[tilespmem:s31+$0x12210] =	vst v14  }
0x34f: {  	v11 =	vsub.f32 v11, v7;
	v54 =	vld [tilespmem:s13+$0x6200];
	v8 =	vmul.f32 v8, v12  }
0x350: {  	v26 =	vsub.f32 v55, v7;
	v57 =	vld [tilespmem:s13+$0x6210]  }
0x351: {  	v28 =	vsub.f32 v58, v7;
	v31 =	vsub.f32 v60, v7;
	v60 =	vld [tilespmem:s13+$0x6220];
	v11 =	vmul.f32 v8, v11  }
0x352: {  	v34 =	vsub.f32 v63, v7;
	s31 =	sor.u32 $0x100, s30;
	v63 =	vld [tilespmem:s13+$0x6230];
	v30 =	vmul.f32 v8, v26  }
0x353: {  	v44 =	vsub.f32 v32, v7;
	v32 =	vld [tilespmem:s13+$0x6240];
	s16 =	sor.u32 s29, s31;
	v33 =	vmul.f32 v8, v28;
	[tilespmem:s12+$0x12200] =	vst v11  }
0x354: {  	v41 =	vsub.f32 v29, v7;
	v29 =	vld [tilespmem:s16+$0x6220];
	v12 =	vsub.f32 v24, v7;
	v36 =	vmul.f32 v8, v31;
	[tilespmem:s12+$0x12210] =	vst v30  }
0x355: {  	v39 =	vsub.f32 v27, v7;
	v53 =	vsub.f32 v40, v7;
	v40 =	vld [tilespmem:s16+$0x6250];
	v38 =	vmul.f32 v8, v34;
	[tilespmem:s12+$0x12220] =	vst v33  }
0x356: {  	v56 =	vsub.f32 v42, v7;
	v42 =	vld [tilespmem:s16+$0x6260];
	v12 =	vmul.f32 v8, v12;
	[tilespmem:s12+$0x12230] =	vst v36  }
0x357: {  	v59 =	vsub.f32 v45, v7;
	v45 =	vld [tilespmem:s16+$0x6610];
	v43 =	vmul.f32 v8, v39;
	[tilespmem:s12+$0x12240] =	vst v38  }
0x358: {  	v47 =	vsub.f32 v35, v7;
	v24 =	vld [tilespmem:s13+$0x6270];
	v46 =	vmul.f32 v8, v41;
	[tilespmem:s12+$0x12250] =	vst v12  }
0x359: {  	v50 =	vsub.f32 v37, v7;
	v49 =	vmul.f32 v8, v44;
	v34 =	vld [tilespmem:s13+$0x6250];
	[tilespmem:s12+$0x12260] =	vst v43  }
0x35a: {  	v52 =	vmul.f32 v8, v47;
	v28 =	vld [tilespmem:s16+$0x6210];
	[tilespmem:s12+$0x12270] =	vst v46  }
0x35b: {  	v55 =	vmul.f32 v50, v8;
	v39 =	vld [tilespmem:s16+$0x6240];
	[tilespmem:s12+$0x12600] =	vst v49  }
0x35c: {  	v58 =	vmul.f32 v53, v8;
	v47 =	vld [tilespmem:s16+$0x6620];
	[tilespmem:s12+$0x12610] =	vst v52  }
0x35d: {  	v62 =	vsub.f32 v48, v7;
	v61 =	vmul.f32 v56, v8;
	v31 =	vsub.f32 v51, v7;
	v51 =	vld [tilespmem:s16+$0x6640];
	[tilespmem:s12+$0x12620] =	vst v55  }
0x35e: {  	v17 =	vsub.f32 v54, v9;
	v53 =	vld [tilespmem:s16+$0x6650];
	[tilespmem:s12+$0x12630] =	vst v58;
	v30 =	vmul.f32 v59, v8  }
0x35f: {  	v18 =	vsub.f32 v57, v9;
	v16 =	vsub.f32 v60, v9;
	[tilespmem:s12+$0x12640] =	vst v61;
	v33 =	vmul.f32 v62, v8;
	v36 =	vld [tilespmem:s13+$0x6260]  }
0x360: {  	v37 =	vsub.f32 v63, v9;
	v48 =	vmul.f32 v42, v42;
	v35 =	vmul.f32 v31, v8;
	v11 =	vld [tilespmem:s16+$0x6200];
	[tilespmem:s12+$0x12650] =	vst v30  }
0x361: {  	v15 =	vsub.f32 v32, v9;
	v54 =	vmul.f32 v45, v45;
	v23 =	vmul.f32 v17, v10;
	v49 =	vld [tilespmem:s16+$0x6630];
	[tilespmem:s12+$0x12660] =	vst v33  }
0x362: {  	v22 =	vmul.f32 v18, v10;
	v21 =	vmul.f32 v16, v10;
	[tilespmem:s12+$0x12670] =	vst v35;
	v30 =	vld [tilespmem:s16+$0x6230]  }
0x363: {  	v20 =	vmul.f32 v37, v10;
	v18 =	vmul.f32 v15, v10;
	v12 =	vld [tilespmem:s4+$0x6200]  }
0x364: {  	v46 =	vmul.f32 v40, v40;
	v19 =	vsub.f32 v24, v9;
	v33 =	vmul.f32 v29, v29;
	v25 =	vld [tilespmem:s4+$0x6210]  }
0x365: {  	v26 =	vld [tilespmem:s4+$0x6220];
	v32 =	vadd.f32 $0.0e+00, v28;
	v28 =	vmul.f32 v28, v28;
	v44 =	vmul.f32 v39, v39  }
0x366: {  	v27 =	vld [tilespmem:s4+$0x6230];
	v13 =	vsub.f32 v34, v9;
	v56 =	vmul.f32 v47, v47;
	v31 =	vmul.f32 v11, v11  }
0x367: {  	v55 =	vld [tilespmem:s16+$0x6660];
	v60 =	vmul.f32 v51, v51;
	v38 =	vsub.f32 v36, v9;
	v41 =	vadd.f32 $0.0e+00, v11  }
0x368: {  	v34 =	vld [tilespmem:s16+$0x6270];
	v43 =	vmul.f32 v30, v30;
	v31 =	vadd.f32 v33, v31;
	v30 =	vadd.f32 v30, v32  }
0x369: {  	v62 =	vmul.f32 v53, v53;
	v15 =	vsub.f32 v12, v7;
	v14 =	vsub.f32 v25, v7  }
0x36a: {  	v35 =	vld [tilespmem:s16+$0x6600];
	v17 =	vmul.f32 v13, v10;
	v13 =	vsub.f32 v26, v7;
	v26 =	vadd.f32 v29, v41  }
0x36b: {  	v57 =	vld [tilespmem:s16+$0x6670];
	s12 =	sor.u32 s31, s24;
	v58 =	vmul.f32 v49, v49;
	v12 =	vsub.f32 v27, v7;
	v25 =	vadd.f32 v40, v30  }
0x36c: {  	v59 =	vld [tilespmem:s12+$0x6200];
	v36 =	vmul.f32 v55, v55;
	v28 =	vadd.f32 v43, v28;
	v24 =	vadd.f32 v39, v26  }
0x36d: {  	v63 =	vld [tilespmem:s12+$0x6220];
	v16 =	vmul.f32 v38, v10;
	v31 =	vadd.f32 v44, v31;
	v25 =	vadd.f32 v34, v25  }
0x36e: {  	v50 =	vmul.f32 v34, v34;
	v26 =	vadd.f32 v46, v28;
	v24 =	vadd.f32 v42, v24  }
0x36f: {  	v52 =	vmul.f32 v35, v35;
	v30 =	vadd.f32 v48, v31;
	v25 =	vadd.f32 v45, v25  }
0x370: {  	v61 =	vld [tilespmem:s12+$0x6210];
	v38 =	vmul.f32 v57, v57;
	v26 =	vadd.f32 v50, v26;
	v24 =	vadd.f32 v35, v24  }
0x371: {  	v37 =	vld [tilespmem:s12+$0x6230];
	v40 =	vmul.f32 v59, v59;
	v30 =	vadd.f32 v52, v30;
	v25 =	vadd.f32 v49, v25  }
0x372: {  	v41 =	vld [tilespmem:s12+$0x6250];
	v44 =	vmul.f32 v63, v63;
	v26 =	vadd.f32 v54, v26;
	v24 =	vadd.f32 v47, v24  }
0x373: {  	v43 =	vld [tilespmem:s12+$0x6260];
	v15 =	vmul.f32 v15, v8;
	v30 =	vadd.f32 v56, v30;
	v25 =	vadd.f32 v53, v25  }
0x374: {  	v39 =	vld [tilespmem:s12+$0x6240];
	v14 =	vmul.f32 v14, v8;
	v26 =	vadd.f32 v58, v26;
	v24 =	vadd.f32 v51, v24  }
0x375: {  	s9 =	sor.u32 s31, s25;
	v13 =	vmul.f32 v13, v8;
	v45 =	vld [tilespmem:s12+$0x6270];
	v30 =	vadd.f32 v60, v30;
	v25 =	vadd.f32 v57, v25  }
0x376: {  	v12 =	vmul.f32 v12, v8;
	v49 =	vld [tilespmem:s9+$0x6210];
	v26 =	vadd.f32 v62, v26;
	v24 =	vadd.f32 v55, v24  }
0x377: {  	v46 =	vmul.f32 v37, v37;
	v47 =	vld [tilespmem:s9+$0x6200];
	v30 =	vadd.f32 v36, v30;
	v25 =	vadd.f32 v61, v25  }
0x378: {  	v42 =	vmul.f32 v61, v61;
	v53 =	vld [tilespmem:s9+$0x6230];
	v26 =	vadd.f32 v38, v26;
	v24 =	vadd.f32 v59, v24  }
0x379: {  	v50 =	vmul.f32 v41, v41;
	v51 =	vld [tilespmem:s9+$0x6220];
	v30 =	vadd.f32 v40, v30;
	v25 =	vadd.f32 v37, v25  }
0x37a: {  	v52 =	vmul.f32 v43, v43;
	v57 =	vld [tilespmem:s9+$0x6250];
	v26 =	vadd.f32 v42, v26;
	v24 =	vadd.f32 v63, v24  }
0x37b: {  	v48 =	vmul.f32 v39, v39;
	v55 =	vld [tilespmem:s9+$0x6240];
	v30 =	vadd.f32 v44, v30;
	v25 =	vadd.f32 v41, v25  }
0x37c: {  	v54 =	vmul.f32 v45, v45;
	v61 =	vld [tilespmem:s9+$0x6270];
	v26 =	vadd.f32 v46, v26;
	v24 =	vadd.f32 v39, v24  }
0x37d: {  	s0 =	sor.u32 s31, s26;
	v58 =	vmul.f32 v49, v49;
	v59 =	vld [tilespmem:s9+$0x6260];
	v30 =	vadd.f32 v48, v30;
	v25 =	vadd.f32 v45, v25  }
0x37e: {  	v56 =	vmul.f32 v47, v47;
	v37 =	vld [tilespmem:s0+$0x6210];
	v26 =	vadd.f32 v50, v26;
	v24 =	vadd.f32 v43, v24  }
0x37f: {  	v62 =	vmul.f32 v53, v53;
	v63 =	vld [tilespmem:s0+$0x6200];
	v30 =	vadd.f32 v52, v30;
	v25 =	vadd.f32 v49, v25  }
0x380: {  	v60 =	vmul.f32 v51, v51;
	v41 =	vld [tilespmem:s0+$0x6230];
	v26 =	vadd.f32 v54, v26;
	v24 =	vadd.f32 v47, v24  }
0x381: {  	v38 =	vmul.f32 v57, v57;
	v39 =	vld [tilespmem:s0+$0x6220];
	v30 =	vadd.f32 v56, v30;
	v25 =	vadd.f32 v53, v25  }
0x382: {  	v36 =	vmul.f32 v55, v55;
	v45 =	vld [tilespmem:s0+$0x6250];
	v26 =	vadd.f32 v58, v26;
	v24 =	vadd.f32 v51, v24  }
0x383: {  	v42 =	vmul.f32 v61, v61;
	v43 =	vld [tilespmem:s0+$0x6240];
	v30 =	vadd.f32 v60, v30;
	v25 =	vadd.f32 v57, v25  }
0x384: {  	v40 =	vmul.f32 v59, v59;
	v49 =	vld [tilespmem:s0+$0x6270];
	v26 =	vadd.f32 v62, v26;
	v24 =	vadd.f32 v55, v24  }
0x385: {  	s31 =	sor.u32 s31, s28;
	v46 =	vmul.f32 v37, v37;
	v47 =	vld [tilespmem:s0+$0x6260];
	v30 =	vadd.f32 v36, v30;
	v25 =	vadd.f32 v61, v25  }
0x386: {  	v44 =	vmul.f32 v63, v63;
	v53 =	vld [tilespmem:s31+$0x6210];
	v26 =	vadd.f32 v38, v26;
	v24 =	vadd.f32 v59, v24  }
0x387: {  	v50 =	vmul.f32 v41, v41;
	v51 =	vld [tilespmem:s31+$0x6200];
	v30 =	vadd.f32 v40, v30;
	v25 =	vadd.f32 v37, v25  }
0x388: {  	v48 =	vmul.f32 v39, v39;
	v57 =	vld [tilespmem:s31+$0x6230];
	v26 =	vadd.f32 v42, v26;
	v24 =	vadd.f32 v63, v24  }
0x389: {  	v54 =	vmul.f32 v45, v45;
	v55 =	vld [tilespmem:s31+$0x6220];
	v30 =	vadd.f32 v44, v30;
	v25 =	vadd.f32 v41, v25  }
0x38a: {  	[tilespmem:s13+$0x12200] =	vst v23;
	v52 =	vmul.f32 v43, v43;
	v61 =	vld [tilespmem:s31+$0x6250];
	v26 =	vadd.f32 v46, v26;
	v24 =	vadd.f32 v39, v24  }
0x38b: {  	[tilespmem:s13+$0x12210] =	vst v22;
	v58 =	vmul.f32 v49, v49;
	v38 =	vld [tilespmem:s31+$0x6270];
	v30 =	vadd.f32 v48, v30;
	v25 =	vadd.f32 v45, v25  }
0x38c: {  	[tilespmem:s13+$0x12220] =	vst v21;
	v56 =	vmul.f32 v47, v47;
	v59 =	vld [tilespmem:s31+$0x6240];
	v26 =	vadd.f32 v50, v26;
	v24 =	vadd.f32 v43, v24  }
0x38d: {  	[tilespmem:s13+$0x12230] =	vst v20;
	v62 =	vmul.f32 v53, v53;
	v44 =	vld [tilespmem:s4+$0x6240];
	v30 =	vadd.f32 v52, v30;
	v25 =	vadd.f32 v49, v25  }
0x38e: {  	[tilespmem:s13+$0x12240] =	vst v18;
	v60 =	vmul.f32 v51, v51;
	v26 =	vadd.f32 v54, v26;
	v24 =	vadd.f32 v47, v24;
	v47 =	vld [tilespmem:s4+$0x6250]  }
0x38f: {  	[tilespmem:s13+$0x12250] =	vst v17;
	v46 =	vmul.f32 v19, v10;
	v48 =	vld [tilespmem:s4+$0x6260];
	v30 =	vadd.f32 v56, v30;
	v25 =	vadd.f32 v53, v25  }
0x390: {  	[tilespmem:s13+$0x12260] =	vst v16;
	v40 =	vmul.f32 v57, v57;
	v26 =	vadd.f32 v58, v26;
	v24 =	vadd.f32 v51, v24;
	v51 =	vld [tilespmem:s4+$0x6270]  }
0x391: {  	v63 =	vld [tilespmem:s31+$0x6260];
	v37 =	vmul.f32 v55, v55;
	[tilespmem:s13+$0x12270] =	vst v46;
	v36 =	vadd.f32 v60, v30;
	v42 =	vadd.f32 v57, v25  }
0x392: {  	[tilespmem:s4+$0x12200] =	vst v15;
	v45 =	vmul.f32 v61, v61;
	v33 =	vld [tilespmem:s3+$0x6240];
	v24 =	vadd.f32 v55, v24;
	v55 =	vsub.f32 v44, v7  }
0x393: {  	[tilespmem:s4+$0x12210] =	vst v14;
	v43 =	vmul.f32 v59, v59;
	v54 =	vld [tilespmem:s3+$0x6200];
	v39 =	vadd.f32 v62, v26;
	v58 =	vsub.f32 v47, v7  }
0x394: {  	[tilespmem:s4+$0x12220] =	vst v13;
	v57 =	vld [tilespmem:s3+$0x6210];
	v23 =	vadd.f32 v61, v42;
	v61 =	vsub.f32 v48, v7;
	v60 =	vmul.f32 v55, v8  }
0x395: {  	[tilespmem:s4+$0x12230] =	vst v12;
	v41 =	vadd.f32 v37, v36;
	v36 =	vld [tilespmem:s3+$0x6250];
	v30 =	vmul.f32 v58, v8;
	v31 =	vsub.f32 v51, v7  }
0x396: {  	v22 =	vadd.f32 v40, v39;
	v39 =	vld [tilespmem:s3+$0x6260];
	v34 =	vmul.f32 v61, v8;
	[tilespmem:s4+$0x12240] =	vst v60  }
0x397: {  	v21 =	vadd.f32 v43, v41;
	v41 =	vld [tilespmem:s3+$0x6270];
	v24 =	vadd.f32 v59, v24;
	[tilespmem:s4+$0x12250] =	vst v30;
	v37 =	vmul.f32 v31, v8  }
0x398: {  	v59 =	vld [tilespmem:s3+$0x6220];
	[tilespmem:s4+$0x12260] =	vst v34  }
0x399: {  	v49 =	vmul.f32 v63, v63;
	v24 =	vadd.f32 v63, v24;
	v63 =	vld [tilespmem:s3+$0x6230];
	[tilespmem:s4+$0x12270] =	vst v37  }
0x39a: {  	v50 =	vmul.f32 v38, v38;
	v22 =	vadd.f32 v45, v22;
	v42 =	vld [tilespmem:s6+$0x6200]  }
0x39b: {  	v23 =	vadd.f32 v38, v23;
	s4 =	sor.u32 $0x180, s30;
	v44 =	vld [tilespmem:s6+$0x6210]  }
0x39c: {  	v52 =	vadd.f32 v49, v21;
	v53 =	vadd.f32 v50, v22;
	v15 =	vld [tilespmem:s6+$0x6220];
	s30 =	sor.u32 s29, s4  }
0x39d: {  	v56 =	vadd.f32 v23, v24;
	v14 =	vld [tilespmem:s30+$0x6200]  }
0x39e: {  	v43 =	vsub.f32 v54, v9;
	v18 =	vadd.f32 v53, v52;
	v50 =	vld [tilespmem:s30+$0x6210]  }
0x39f: {  	v51 =	vsub.f32 v33, v9;
	v46 =	vsub.f32 v57, v9;
	v62 =	vperm.xlane v56, v3;
	v52 =	vld [tilespmem:s30+$0x6220]  }
0x3a0: {  	v20 =	vsub.f32 v36, v9;
	v25 =	vsub.f32 v39, v9;
	v32 =	vperm.xlane v18, v3;
	v54 =	vld [tilespmem:s30+$0x6230]  }
0x3a1: {  	v22 =	vmul.f32 v43, v10;
	v24 =	vsub.f32 v41, v9;
	v57 =	vld [tilespmem:s30+$0x6250];
	v35 =	vadd.f32 v56, v62  }
0x3a2: {  	v19 =	vmul.f32 v46, v10;
	v47 =	vsub.f32 v59, v9;
	v36 =	vld [tilespmem:s30+$0x6270];
	v38 =	vadd.f32 v32, v18  }
0x3a3: {  	v23 =	vmul.f32 v51, v10;
	v21 =	vsub.f32 v63, v9;
	v41 =	vld [tilespmem:s30+$0x6610];
	v40 =	vperm.xlane v35, v4  }
0x3a4: {  	v17 =	vmul.f32 v47, v10;
	v56 =	vld [tilespmem:s30+$0x6240];
	v16 =	vperm.xlane v38, v4;
	v18 =	vsub.f32 v42, v7  }
0x3a5: {  	v59 =	vld [tilespmem:s30+$0x6260];
	v15 =	vsub.f32 v15, v7;
	v13 =	vadd.f32 v35, v40;
	v60 =	vmul.f32 v14, v14  }
0x3a6: {  	v58 =	vadd.f32 $0.0e+00, v14;
	v62 =	vmul.f32 v52, v52;
	v28 =	vmul.f32 v50, v50  }
0x3a7: {  	v61 =	vadd.f32 $0.0e+00, v50;
	v63 =	vmul.f32 v54, v54;
	v42 =	vmul.f32 v57, v57  }
0x3a8: {  	v46 =	vmul.f32 v36, v36;
	v50 =	vmul.f32 v41, v41;
	v45 =	vadd.f32 v16, v38  }
0x3a9: {  	v43 =	vld [tilespmem:s30+$0x6620];
	v16 =	vmul.f32 v21, v10;
	v21 =	vsub.f32 v44, v7;
	v40 =	vmul.f32 v56, v56  }
0x3aa: {  	v44 =	vmul.f32 v59, v59;
	v48 =	vperm.xlane v13, v5;
	v26 =	vadd.f32 v52, v58  }
0x3ab: {  	v37 =	vld [tilespmem:s30+$0x6600];
	v18 =	vmul.f32 v18, v8;
	v31 =	vadd.f32 v62, v60;
	v32 =	vadd.f32 v54, v61  }
0x3ac: {  	v51 =	vld [tilespmem:s30+$0x6660];
	v15 =	vmul.f32 v15, v8;
	v28 =	vadd.f32 v63, v28;
	v13 =	vadd.f32 v13, v48  }
0x3ad: {  	s24 =	sor.u32 s4, s24;
	v47 =	vld [tilespmem:s30+$0x6640];
	v49 =	vperm.xlane v45, v5;
	v26 =	vadd.f32 v56, v26;
	v31 =	vadd.f32 v40, v31  }
0x3ae: {  	v52 =	vmul.f32 v43, v43;
	v61 =	vld [tilespmem:s24+$0x6230];
	v27 =	vadd.f32 v57, v32;
	v28 =	vadd.f32 v42, v28  }
0x3af: {  	v29 =	vadd.f32 v49, v45;
	v45 =	vld [tilespmem:s30+$0x6630];
	v53 =	vperm.xlane v13, v6;
	v26 =	vadd.f32 v59, v26  }
0x3b0: {  	v63 =	vld [tilespmem:s24+$0x6240];
	v48 =	vmul.f32 v37, v37;
	v31 =	vadd.f32 v44, v31;
	v27 =	vadd.f32 v36, v27  }
0x3b1: {  	v60 =	vmul.f32 v51, v51;
	v49 =	vld [tilespmem:s30+$0x6650];
	v28 =	vadd.f32 v46, v28;
	v12 =	vadd.f32 v13, v53  }
0x3b2: {  	v57 =	vld [tilespmem:s24+$0x6210];
	v55 =	vperm.xlane v29, v6;
	v26 =	vadd.f32 v37, v26;
	v31 =	vadd.f32 v48, v31  }
0x3b3: {  	v21 =	vmul.f32 v21, v8;
	v27 =	vadd.f32 v41, v27;
	v53 =	vld [tilespmem:s30+$0x6670];
	v28 =	vadd.f32 v50, v28  }
0x3b4: {  	v13 =	vadd.f32 v55, v29;
	v55 =	vld [tilespmem:s24+$0x6200];
	v26 =	vadd.f32 v43, v26;
	v54 =	vmul.f32 v45, v45  }
0x3b5: {  	v56 =	vmul.f32 v47, v47;
	v59 =	vld [tilespmem:s24+$0x6220];
	v31 =	vadd.f32 v52, v31;
	v27 =	vadd.f32 v45, v27  }
0x3b6: {  	v41 =	vld [tilespmem:s24+$0x6250];
	v58 =	vmul.f32 v49, v49;
	v28 =	vadd.f32 v54, v28;
	v26 =	vadd.f32 v47, v26  }
0x3b7: {  	v46 =	vmul.f32 v61, v61;
	v43 =	vld [tilespmem:s24+$0x6260];
	v31 =	vadd.f32 v56, v31;
	v27 =	vadd.f32 v49, v27  }
0x3b8: {  	s25 =	sor.u32 s4, s25;
	v45 =	vld [tilespmem:s24+$0x6270];
	v62 =	vmul.f32 v53, v53;
	v28 =	vadd.f32 v58, v28;
	v26 =	vadd.f32 v51, v26  }
0x3b9: {  	v47 =	vld [tilespmem:s25+$0x6200];
	v31 =	vadd.f32 v60, v31;
	v27 =	vadd.f32 v53, v27;
	v40 =	vmul.f32 v55, v55  }
0x3ba: {  	v42 =	vmul.f32 v57, v57;
	v49 =	vld [tilespmem:s25+$0x6210];
	v28 =	vadd.f32 v62, v28;
	v26 =	vadd.f32 v55, v26  }
0x3bb: {  	v44 =	vmul.f32 v59, v59;
	v51 =	vld [tilespmem:s25+$0x6220];
	v31 =	vadd.f32 v40, v31;
	v27 =	vadd.f32 v57, v27  }
0x3bc: {  	v48 =	vmul.f32 v63, v63;
	v53 =	vld [tilespmem:s25+$0x6230];
	v28 =	vadd.f32 v42, v28;
	v26 =	vadd.f32 v59, v26  }
0x3bd: {  	v50 =	vmul.f32 v41, v41;
	v55 =	vld [tilespmem:s25+$0x6240];
	v31 =	vadd.f32 v44, v31;
	v27 =	vadd.f32 v61, v27  }
0x3be: {  	v52 =	vmul.f32 v43, v43;
	v57 =	vld [tilespmem:s25+$0x6250];
	v28 =	vadd.f32 v46, v28;
	v26 =	vadd.f32 v63, v26  }
0x3bf: {  	v54 =	vmul.f32 v45, v45;
	v59 =	vld [tilespmem:s25+$0x6260];
	v31 =	vadd.f32 v48, v31;
	v27 =	vadd.f32 v41, v27  }
0x3c0: {  	s26 =	sor.u32 s4, s26;
	v56 =	vmul.f32 v47, v47;
	v61 =	vld [tilespmem:s25+$0x6270];
	v28 =	vadd.f32 v50, v28;
	v26 =	vadd.f32 v43, v26  }
0x3c1: {  	v58 =	vmul.f32 v49, v49;
	v63 =	vld [tilespmem:s26+$0x6200];
	v31 =	vadd.f32 v52, v31;
	v27 =	vadd.f32 v45, v27  }
0x3c2: {  	v60 =	vmul.f32 v51, v51;
	v41 =	vld [tilespmem:s26+$0x6210];
	v28 =	vadd.f32 v54, v28;
	v26 =	vadd.f32 v47, v26  }
0x3c3: {  	v62 =	vmul.f32 v53, v53;
	v43 =	vld [tilespmem:s26+$0x6220];
	v31 =	vadd.f32 v56, v31;
	v27 =	vadd.f32 v49, v27  }
0x3c4: {  	v40 =	vmul.f32 v55, v55;
	v45 =	vld [tilespmem:s26+$0x6230];
	v28 =	vadd.f32 v58, v28;
	v26 =	vadd.f32 v51, v26  }
0x3c5: {  	v42 =	vmul.f32 v57, v57;
	v47 =	vld [tilespmem:s26+$0x6240];
	v31 =	vadd.f32 v60, v31;
	v27 =	vadd.f32 v53, v27  }
0x3c6: {  	v44 =	vmul.f32 v59, v59;
	v49 =	vld [tilespmem:s26+$0x6250];
	v28 =	vadd.f32 v62, v28;
	v26 =	vadd.f32 v55, v26  }
0x3c7: {  	v46 =	vmul.f32 v61, v61;
	v51 =	vld [tilespmem:s26+$0x6260];
	v31 =	vadd.f32 v40, v31;
	v27 =	vadd.f32 v57, v27  }
0x3c8: {  	s13 =	sor.u32 s4, s28;
	v48 =	vmul.f32 v63, v63;
	v53 =	vld [tilespmem:s26+$0x6270];
	v28 =	vadd.f32 v42, v28;
	v26 =	vadd.f32 v59, v26  }
0x3c9: {  	v50 =	vmul.f32 v41, v41;
	v55 =	vld [tilespmem:s13+$0x6200];
	v31 =	vadd.f32 v44, v31;
	v27 =	vadd.f32 v61, v27  }
0x3ca: {  	v52 =	vmul.f32 v43, v43;
	v62 =	vld [tilespmem:s6+$0x6230];
	v28 =	vadd.f32 v46, v28;
	v26 =	vadd.f32 v63, v26  }
0x3cb: {  	v54 =	vmul.f32 v45, v45;
	v44 =	vld [tilespmem:s6+$0x6250];
	v31 =	vadd.f32 v48, v31;
	v27 =	vadd.f32 v41, v27  }
0x3cc: {  	v57 =	vld [tilespmem:s13+$0x6210];
	v56 =	vmul.f32 v47, v47;
	v28 =	vadd.f32 v50, v28;
	v26 =	vadd.f32 v43, v26  }
0x3cd: {  	v58 =	vmul.f32 v49, v49;
	v59 =	vld [tilespmem:s13+$0x6220];
	v31 =	vadd.f32 v52, v31;
	v27 =	vadd.f32 v45, v27  }
0x3ce: {  	v61 =	vld [tilespmem:s13+$0x6230];
	v60 =	vmul.f32 v51, v51;
	v28 =	vadd.f32 v54, v28;
	v26 =	vadd.f32 v47, v26  }
0x3cf: {  	v63 =	vmul.f32 v53, v53;
	v41 =	vld [tilespmem:s13+$0x6240];
	v31 =	vadd.f32 v56, v31;
	v27 =	vadd.f32 v49, v27  }
0x3d0: {  	v40 =	vmul.f32 v55, v55;
	v47 =	vld [tilespmem:s6+$0x6260];
	v56 =	vsub.f32 v62, v7;
	v62 =	vsub.f32 v44, v7  }
0x3d1: {  	v42 =	vld [tilespmem:s6+$0x6240];
	v43 =	vmul.f32 v57, v57;
	v28 =	vadd.f32 v58, v28;
	v26 =	vadd.f32 v51, v26  }
0x3d2: {  	v45 =	vmul.f32 v59, v59;
	v31 =	vadd.f32 v60, v31;
	v27 =	vadd.f32 v53, v27;
	v51 =	vld [tilespmem:s13+$0x6250]  }
0x3d3: {  	v48 =	vmul.f32 v61, v61;
	v53 =	vld [tilespmem:s6+$0x6270];
	v28 =	vadd.f32 v63, v28;
	v26 =	vadd.f32 v55, v26  }
0x3d4: {  	v49 =	vmul.f32 v25, v10;
	v31 =	vadd.f32 v40, v31;
	v27 =	vadd.f32 v57, v27  }
0x3d5: {  	[tilespmem:s3+$0x12200] =	vst v22;
	v54 =	vmul.f32 v41, v41;
	v57 =	vld [tilespmem:s13+$0x6260];
	v33 =	vsub.f32 v47, v7;
	v46 =	vadd.f32 v43, v28  }
0x3d6: {  	[tilespmem:s3+$0x12210] =	vst v19;
	v60 =	vmul.f32 v56, v8;
	v26 =	vadd.f32 v59, v26;
	v50 =	vadd.f32 v45, v31;
	v59 =	vld [tilespmem:s13+$0x6270]  }
0x3d7: {  	[tilespmem:s3+$0x12220] =	vst v17;
	v19 =	vmul.f32 v62, v8;
	v52 =	vadd.f32 v61, v27;
	v61 =	vsub.f32 v42, v7  }
0x3d8: {  	[tilespmem:s6+$0x12200] =	vst v18;
	v63 =	vmul.f32 v51, v51;
	v27 =	vsub.f32 v53, v7;
	v22 =	vadd.f32 v48, v46  }
0x3d9: {  	[tilespmem:s6+$0x12220] =	vst v15;
	v38 =	vmul.f32 v33, v8;
	v26 =	vadd.f32 v41, v26;
	v17 =	vadd.f32 v51, v52  }
0x3da: {  	[tilespmem:s6+$0x12210] =	vst v21;
	v58 =	vadd.f32 v54, v50;
	v35 =	vmul.f32 v57, v57;
	v34 =	vadd.f32 v63, v22  }
0x3db: {  	[tilespmem:s6+$0x12230] =	vst v60;
	v36 =	vadd.f32 v57, v26;
	v17 =	vadd.f32 v59, v17;
	v25 =	vmul.f32 v59, v59  }
0x3dc: {  	v12 =	vmul.f32 $1.302083370e-03, v12;
	[tilespmem:s6+$0x12250] =	vst v19;
	v32 =	vmul.f32 v61, v8;
	v22 =	vadd.f32 v35, v58  }
0x3dd: {  	v39 =	vmul.f32 v27, v8;
	[tilespmem:s6+$0x12260] =	vst v38;
	v18 =	vadd.f32 v25, v34;
	v17 =	vadd.f32 v17, v36  }
0x3de: {  	v13 =	vmul.f32 $1.302083370e-03, v13;
	v37 =	vmul.f32 v12, v12;
	[tilespmem:s6+$0x12240] =	vst v32  }
0x3df: {  	[tilespmem:s6+$0x12270] =	vst v39;
	v18 =	vadd.f32 v18, v22;
	v40 =	vperm.xlane v17, v3  }
0x3e0: {  	v13 =	vsub.f32 v13, v37;
	v46 =	vld [tilespmem:s1+$0x6210]  }
0x3e1: {  	[tilespmem:s3+$0x12260] =	vst v49;
	v49 =	vld [tilespmem:s1+$0x6220];
	v42 =	vadd.f32 v17, v40;
	v43 =	vperm.xlane v18, v3  }
0x3e2: {  	v13 =	vadd.f32 $1.000000010e-07, v13;
	v52 =	vld [tilespmem:s1+$0x6230]  }
0x3e3: {  	v53 =	vld [tilespmem:s1+$0x6240];
	v47 =	vperm.xlane v42, v4;
	v17 =	vadd.f32 v43, v18  }
0x3e4: {  	v45 =	vshrl.u32 v13, $0x1;
	v57 =	vld [tilespmem:s1+$0x6250]  }
0x3e5: {  	v58 =	vld [tilespmem:s1+$0x6260];
	v22 =	vmul.f32 $5.000000000e-01, v13;
	v13 =	vadd.f32 v42, v47;
	v51 =	vperm.xlane v17, v4  }
0x3e6: {  	v20 =	vmul.f32 v20, v10;
	v55 =	vmul.f32 v24, v10;
	v48 =	vsub.s32 $0x5F3759DF, v45  }
0x3e7: {  	[tilespmem:s3+$0x12230] =	vst v16;
	v56 =	vsub.f32 v46, v7;
	v54 =	vperm.xlane v13, v5;
	v16 =	vadd.f32 v51, v17  }
0x3e8: {  	[tilespmem:s3+$0x12250] =	vst v20;
	v50 =	vmul.f32 v48, v22;
	v20 =	vsub.f32 v49, v7;
	v24 =	vsub.f32 v52, v7  }
0x3e9: {  	v60 =	vld [tilespmem:s1+$0x6270];
	v25 =	vsub.f32 v53, v7;
	v13 =	vadd.f32 v13, v54;
	v59 =	vperm.xlane v16, v5  }
0x3ea: {  	[tilespmem:s3+$0x12240] =	vst v23;
	v21 =	vsub.f32 v57, v7;
	v27 =	vsub.f32 v58, v7;
	v23 =	vmul.f32 v48, v50  }
0x3eb: {  	[tilespmem:s3+$0x12270] =	vst v55;
	v44 =	vld [tilespmem:s1+$0x6200];
	v19 =	vmul.f32 v56, v8;
	v61 =	vperm.xlane v13, v6;
	v16 =	vadd.f32 v59, v16  }
0x3ec: {  	v41 =	vld [tilespmem:s23+$0x6200];
	v20 =	vmul.f32 v20, v8;
	v24 =	vmul.f32 v24, v8;
	v23 =	vsub.f32 $1.500000000e+00, v23  }
0x3ed: {  	v62 =	vld [tilespmem:s23+$0x6210];
	v25 =	vmul.f32 v25, v8;
	[tilespmem:s1+$0x12210] =	vst v19;
	v13 =	vadd.f32 v13, v61;
	v32 =	vperm.xlane v16, v6  }
0x3ee: {  	v39 =	vld [tilespmem:s23+$0x6250];
	v36 =	vsub.f32 v60, v7;
	v21 =	vmul.f32 v21, v8;
	[tilespmem:s1+$0x12220] =	vst v20;
	v18 =	vmul.f32 v48, v23  }
0x3ef: {  	v33 =	vld [tilespmem:s23+$0x6230];
	v35 =	vmul.f32 v27, v8;
	[tilespmem:s1+$0x12230] =	vst v24;
	v13 =	vmul.f32 $1.302083370e-03, v13;
	v16 =	vadd.f32 v32, v16  }
0x3f0: {  	v34 =	vld [tilespmem:s23+$0x6240];
	v55 =	vsub.f32 v44, v7;
	v40 =	vmul.f32 v36, v8;
	[tilespmem:s1+$0x12240] =	vst v25;
	v37 =	vmul.f32 v18, v22  }
0x3f1: {  	v15 =	vsub.f32 v41, v9;
	v41 =	vld [tilespmem:s23+$0x6260];
	[tilespmem:s1+$0x12250] =	vst v21;
	v16 =	vmul.f32 $1.302083370e-03, v16;
	v38 =	vmul.f32 v13, v13  }
0x3f2: {  	v26 =	vsub.f32 v62, v9;
	[tilespmem:s1+$0x12260] =	vst v35;
	v17 =	vmul.f32 v55, v8  }
0x3f3: {  	v63 =	vld [tilespmem:s23+$0x6220];
	v49 =	vsub.f32 v39, v9;
	[tilespmem:s1+$0x12270] =	vst v40;
	v42 =	vmul.f32 v37, v18;
	v16 =	vsub.f32 v16, v38  }
0x3f4: {  	v15 =	vmul.f32 v15, v10;
	v44 =	vld [tilespmem:s23+$0x6270];
	v43 =	vmul.f32 v26, v10;
	v19 =	vsub.f32 v33, v9;
	[tilespmem:s1+$0x12200] =	vst v17  }
0x3f5: {  	v52 =	vmul.f32 v49, v10;
	v45 =	vld [tilespmem:s22+$0x6200];
	v23 =	vsub.f32 $1.500000000e+00, v42;
	v16 =	vadd.f32 $1.000000010e-07, v16  }
0x3f6: {  	v20 =	vsub.f32 v34, v9;
	v24 =	vsub.f32 v41, v9;
	v19 =	vmul.f32 v19, v10;
	v46 =	vld [tilespmem:s22+$0x6210]  }
0x3f7: {  	[tilespmem:s23+$0x12200] =	vst v15;
	v47 =	vld [tilespmem:s22+$0x6220];
	v18 =	vmul.f32 v23, v18;
	v48 =	vshrl.u32 v16, $0x1;
	v16 =	vmul.f32 $5.000000000e-01, v16  }
0x3f8: {  	[tilespmem:s23+$0x12210] =	vst v43;
	v20 =	vmul.f32 v20, v10;
	v17 =	vsub.f32 v63, v9;
	v23 =	vsub.s32 $0x5F3759DF, v48  }
0x3f9: {  	[tilespmem:s23+$0x12250] =	vst v52;
	v50 =	vld [tilespmem:s22+$0x6230];
	v22 =	vmul.f32 v18, v22;
	v51 =	vmul.f32 v23, v16  }
0x3fa: {  	v53 =	vmul.f32 v24, v10;
	[tilespmem:s23+$0x12230] =	vst v19;
	v9 =	vsub.f32 v44, v9;
	v17 =	vmul.f32 v17, v10  }
0x3fb: {  	v55 =	vld [tilespmem:s16+$0x6210];
	[tilespmem:s23+$0x12240] =	vst v20;
	v54 =	vsub.f32 v45, v7;
	v22 =	vmul.f32 v22, v18;
	v56 =	vmul.f32 v23, v51  }
0x3fc: {  	v58 =	vld [tilespmem:s16+$0x6220];
	[tilespmem:s23+$0x12260] =	vst v53;
	v9 =	vmul.f32 v9, v10;
	v57 =	vsub.f32 v46, v7;
	v15 =	vsub.f32 v47, v7  }
0x3fd: {  	v60 =	vld [tilespmem:s16+$0x6230];
	[tilespmem:s23+$0x12220] =	vst v17;
	v20 =	vmul.f32 v54, v8;
	v59 =	vsub.f32 $1.500000000e+00, v22;
	v25 =	vsub.f32 $1.500000000e+00, v56  }
0x3fe: {  	[tilespmem:s23+$0x12270] =	vst v9;
	v61 =	vld [tilespmem:s16+$0x6240];
	v17 =	vsub.f32 v50, v7;
	v10 =	vmul.f32 v57, v8;
	v15 =	vmul.f32 v15, v8  }
0x3ff: {  	v11 =	vsub.f32 v11, v12;
	v62 =	vld [tilespmem:s16+$0x6250];
	[tilespmem:s22+$0x12200] =	vst v20;
	v9 =	vmul.f32 v59, v18;
	v63 =	vmul.f32 v23, v25  }
0x400: {  	v30 =	vld [tilespmem:s16+$0x6260];
	v29 =	vsub.f32 v55, v12;
	v28 =	vmul.f32 v17, v8;
	[tilespmem:s22+$0x12210] =	vst v10  }
0x401: {  	v35 =	vld [tilespmem:s16+$0x6600];
	v31 =	vsub.f32 v58, v12;
	[tilespmem:s22+$0x12220] =	vst v15;
	v11 =	vmul.f32 v9, v11;
	v23 =	vmul.f32 v63, v16  }
0x402: {  	v41 =	vld [tilespmem:s16+$0x6620];
	v34 =	vsub.f32 v60, v12;
	[tilespmem:s22+$0x12230] =	vst v28;
	v33 =	vmul.f32 v9, v29  }
0x403: {  	v44 =	vld [tilespmem:s16+$0x6630];
	v37 =	vsub.f32 v61, v12;
	v36 =	vmul.f32 v9, v31;
	[tilespmem:s16+$0x12200] =	vst v11;
	v23 =	vmul.f32 v23, v63  }
0x404: {  	v40 =	vsub.f32 v62, v12;
	v53 =	vld [tilespmem:s16+$0x6660];
	v39 =	vmul.f32 v9, v34;
	[tilespmem:s16+$0x12210] =	vst v33  }
0x405: {  	v43 =	vsub.f32 v30, v12;
	v38 =	vld [tilespmem:s16+$0x6610];
	v42 =	vmul.f32 v9, v37;
	[tilespmem:s16+$0x12220] =	vst v36;
	v23 =	vsub.f32 $1.500000000e+00, v23  }
0x406: {  	v49 =	vsub.f32 v35, v12;
	v32 =	vld [tilespmem:s16+$0x6270];
	v45 =	vmul.f32 v9, v40;
	[tilespmem:s16+$0x12230] =	vst v39  }
0x407: {  	v55 =	vsub.f32 v41, v12;
	v47 =	vld [tilespmem:s16+$0x6640];
	v48 =	vmul.f32 v9, v43;
	[tilespmem:s16+$0x12240] =	vst v42;
	v20 =	vmul.f32 v23, v63  }
0x408: {  	v58 =	vsub.f32 v44, v12;
	v54 =	vmul.f32 v9, v49;
	[tilespmem:s16+$0x12250] =	vst v45;
	v56 =	vld [tilespmem:s16+$0x6670]  }
0x409: {  	v26 =	vsub.f32 v53, v12;
	v50 =	vld [tilespmem:s16+$0x6650];
	v59 =	vmul.f32 v55, v9;
	[tilespmem:s16+$0x12260] =	vst v48;
	v16 =	vmul.f32 v20, v16  }
0x40a: {  	v52 =	vsub.f32 v38, v12;
	v62 =	vmul.f32 v58, v9;
	[tilespmem:s16+$0x12600] =	vst v54  }
0x40b: {  	v61 =	vld [tilespmem:s30+$0x6210];
	v46 =	vsub.f32 v32, v12;
	v29 =	vmul.f32 v26, v9;
	[tilespmem:s16+$0x12620] =	vst v59;
	v16 =	vmul.f32 v16, v20  }
0x40c: {  	v24 =	vld [tilespmem:s30+$0x6220];
	v60 =	vsub.f32 v47, v12;
	v57 =	vmul.f32 v9, v52;
	[tilespmem:s16+$0x12630] =	vst v62  }
0x40d: {  	v27 =	vld [tilespmem:s30+$0x6230];
	v51 =	vmul.f32 v9, v46;
	[tilespmem:s16+$0x12660] =	vst v29;
	v18 =	vsub.f32 v56, v12;
	v16 =	vsub.f32 $1.500000000e+00, v16  }
0x40e: {  	v28 =	vld [tilespmem:s30+$0x6240];
	[tilespmem:s16+$0x12610] =	vst v57;
	v25 =	vmul.f32 v60, v9;
	v63 =	vsub.f32 v50, v12  }
0x40f: {  	v30 =	vld [tilespmem:s30+$0x6250];
	v14 =	vsub.f32 v14, v13;
	[tilespmem:s16+$0x12270] =	vst v51;
	v31 =	vmul.f32 v18, v9;
	v10 =	vmul.f32 v16, v20  }
0x410: {  	v32 =	vsub.f32 v61, v13;
	v33 =	vld [tilespmem:s30+$0x6260];
	[tilespmem:s16+$0x12640] =	vst v25;
	v17 =	vmul.f32 v63, v9  }
0x411: {  	v35 =	vsub.f32 v24, v13;
	v36 =	vld [tilespmem:s30+$0x6270];
	[tilespmem:s16+$0x12670] =	vst v31;
	v34 =	vmul.f32 v10, v14  }
0x412: {  	v38 =	vsub.f32 v27, v13;
	v39 =	vld [tilespmem:s30+$0x6600];
	[tilespmem:s16+$0x12650] =	vst v17;
	v37 =	vmul.f32 v10, v32  }
0x413: {  	v41 =	vsub.f32 v28, v13;
	v42 =	vld [tilespmem:s30+$0x6610];
	v40 =	vmul.f32 v10, v35;
	[tilespmem:s30+$0x12200] =	vst v34  }
0x414: {  	v44 =	vld [tilespmem:s30+$0x6620];
	v15 =	vsub.f32 v30, v13;
	v43 =	vmul.f32 v10, v38;
	[tilespmem:s30+$0x12210] =	vst v37  }
0x415: {  	v47 =	vld [tilespmem:s30+$0x6630];
	v46 =	vsub.f32 v33, v13;
	v45 =	vmul.f32 v10, v41;
	[tilespmem:s30+$0x12220] =	vst v40  }
0x416: {  	v49 =	vld [tilespmem:s30+$0x6640];
	v48 =	vsub.f32 v36, v13;
	v15 =	vmul.f32 v10, v15;
	[tilespmem:s30+$0x12230] =	vst v43  }
0x417: {  	v52 =	vld [tilespmem:s30+$0x6650];
	v51 =	vsub.f32 v39, v13;
	v50 =	vmul.f32 v10, v46;
	[tilespmem:s30+$0x12240] =	vst v45  }
0x418: {  	v55 =	vld [tilespmem:s30+$0x6660];
	v54 =	vsub.f32 v42, v13;
	v53 =	vmul.f32 v10, v48;
	[tilespmem:s30+$0x12250] =	vst v15  }
0x419: {  	v58 =	vld [tilespmem:s30+$0x6670];
	v57 =	vsub.f32 v44, v13;
	v56 =	vmul.f32 v10, v51;
	[tilespmem:s30+$0x12260] =	vst v50  }
0x41a: {  	v18 =	vsub.f32 v47, v13;
	v60 =	vld [tilespmem:s12+$0x6200];
	v16 =	vmul.f32 v10, v54;
	[tilespmem:s30+$0x12270] =	vst v53  }
0x41b: {  	v19 =	vsub.f32 v49, v13;
	v63 =	vld [tilespmem:s12+$0x6230];
	v14 =	vmul.f32 v57, v10;
	[tilespmem:s30+$0x12600] =	vst v56  }
0x41c: {  	v24 =	vld [tilespmem:s12+$0x6240];
	v20 =	vsub.f32 v52, v13;
	v18 =	vmul.f32 v18, v10;
	[tilespmem:s30+$0x12610] =	vst v16  }
0x41d: {  	v21 =	vsub.f32 v55, v13;
	v25 =	vld [tilespmem:s12+$0x6250];
	v19 =	vmul.f32 v19, v10;
	[tilespmem:s30+$0x12620] =	vst v14  }
0x41e: {  	v17 =	vsub.f32 v58, v13;
	v26 =	vld [tilespmem:s12+$0x6260];
	v20 =	vmul.f32 v20, v10;
	[tilespmem:s30+$0x12630] =	vst v18  }
0x41f: {  	v27 =	vld [tilespmem:s12+$0x6270];
	v21 =	vmul.f32 v21, v10;
	v11 =	vsub.f32 v60, v12;
	[tilespmem:s30+$0x12640] =	vst v19  }
0x420: {  	v59 =	vld [tilespmem:s22+$0x6240];
	v17 =	vmul.f32 v17, v10;
	v29 =	vsub.f32 v63, v12;
	[tilespmem:s30+$0x12650] =	vst v20  }
0x421: {  	v61 =	vld [tilespmem:s12+$0x6210];
	v32 =	vsub.f32 v24, v12;
	[tilespmem:s30+$0x12660] =	vst v21;
	v11 =	vmul.f32 v11, v9  }
0x422: {  	v62 =	vld [tilespmem:s12+$0x6220];
	v35 =	vsub.f32 v25, v12;
	[tilespmem:s30+$0x12670] =	vst v17;
	v34 =	vmul.f32 v29, v9  }
0x423: {  	v38 =	vsub.f32 v26, v12;
	v37 =	vmul.f32 v32, v9;
	v30 =	vld [tilespmem:s24+$0x6200];
	[tilespmem:s12+$0x12200] =	vst v11  }
0x424: {  	v41 =	vsub.f32 v27, v12;
	v40 =	vmul.f32 v35, v9;
	v33 =	vld [tilespmem:s24+$0x6210];
	[tilespmem:s12+$0x12230] =	vst v34  }
0x425: {  	v15 =	vsub.f32 v59, v7;
	v43 =	vmul.f32 v38, v9;
	v36 =	vld [tilespmem:s24+$0x6220];
	[tilespmem:s12+$0x12240] =	vst v37  }
0x426: {  	v16 =	vsub.f32 v61, v12;
	v46 =	vmul.f32 v41, v9;
	v39 =	vld [tilespmem:s24+$0x6230];
	[tilespmem:s12+$0x12250] =	vst v40  }
0x427: {  	v14 =	vsub.f32 v62, v12;
	v42 =	vld [tilespmem:s24+$0x6240];
	v15 =	vmul.f32 v15, v8;
	[tilespmem:s12+$0x12260] =	vst v43  }
0x428: {  	v45 =	vld [tilespmem:s24+$0x6250];
	v28 =	vmul.f32 v16, v9;
	[tilespmem:s12+$0x12270] =	vst v46;
	v44 =	vsub.f32 v30, v13  }
0x429: {  	v48 =	vld [tilespmem:s24+$0x6260];
	v31 =	vmul.f32 v14, v9;
	[tilespmem:s22+$0x12240] =	vst v15;
	v47 =	vsub.f32 v33, v13  }
0x42a: {  	v51 =	vld [tilespmem:s24+$0x6270];
	[tilespmem:s12+$0x12210] =	vst v28;
	v50 =	vsub.f32 v36, v13;
	v49 =	vmul.f32 v44, v10  }
0x42b: {  	v52 =	vld [tilespmem:s22+$0x6250];
	[tilespmem:s12+$0x12220] =	vst v31;
	v21 =	vsub.f32 v39, v13;
	v16 =	vmul.f32 v47, v10  }
0x42c: {  	v53 =	vld [tilespmem:s9+$0x6200];
	v17 =	vsub.f32 v42, v13;
	v14 =	vmul.f32 v50, v10;
	[tilespmem:s24+$0x12200] =	vst v49  }
0x42d: {  	v54 =	vld [tilespmem:s9+$0x6210];
	v18 =	vsub.f32 v45, v13;
	v21 =	vmul.f32 v21, v10;
	[tilespmem:s24+$0x12210] =	vst v16  }
0x42e: {  	v55 =	vld [tilespmem:s9+$0x6220];
	v19 =	vsub.f32 v48, v13;
	v17 =	vmul.f32 v17, v10;
	[tilespmem:s24+$0x12220] =	vst v14  }
0x42f: {  	v56 =	vld [tilespmem:s9+$0x6230];
	v20 =	vsub.f32 v51, v13;
	v18 =	vmul.f32 v18, v10;
	[tilespmem:s24+$0x12230] =	vst v21  }
0x430: {  	v15 =	vsub.f32 v52, v7;
	v57 =	vld [tilespmem:s9+$0x6240];
	v19 =	vmul.f32 v19, v10;
	[tilespmem:s24+$0x12240] =	vst v17  }
0x431: {  	v58 =	vld [tilespmem:s9+$0x6250];
	v20 =	vmul.f32 v20, v10;
	v11 =	vsub.f32 v53, v12;
	[tilespmem:s24+$0x12250] =	vst v18  }
0x432: {  	v59 =	vld [tilespmem:s9+$0x6260];
	v15 =	vmul.f32 v15, v8;
	v16 =	vsub.f32 v54, v12;
	[tilespmem:s24+$0x12260] =	vst v19  }
0x433: {  	v60 =	vld [tilespmem:s9+$0x6270];
	v14 =	vsub.f32 v55, v12;
	[tilespmem:s24+$0x12270] =	vst v20;
	v11 =	vmul.f32 v11, v9  }
0x434: {  	[tilespmem:s22+$0x12250] =	vst v15;
	v62 =	vsub.f32 v56, v12;
	v63 =	vld [tilespmem:s25+$0x6200];
	v61 =	vmul.f32 v16, v9  }
0x435: {  	v23 =	vsub.f32 v57, v12;
	v24 =	vld [tilespmem:s25+$0x6210];
	v22 =	vmul.f32 v14, v9;
	[tilespmem:s9+$0x12200] =	vst v11  }
0x436: {  	v26 =	vsub.f32 v58, v12;
	v27 =	vld [tilespmem:s25+$0x6220];
	v25 =	vmul.f32 v62, v9;
	[tilespmem:s9+$0x12210] =	vst v61  }
0x437: {  	v29 =	vsub.f32 v59, v12;
	v30 =	vld [tilespmem:s25+$0x6230];
	v28 =	vmul.f32 v23, v9;
	[tilespmem:s9+$0x12220] =	vst v22  }
0x438: {  	v32 =	vsub.f32 v60, v12;
	v33 =	vld [tilespmem:s25+$0x6240];
	v31 =	vmul.f32 v26, v9;
	[tilespmem:s9+$0x12230] =	vst v25  }
0x439: {  	v36 =	vld [tilespmem:s25+$0x6250];
	v34 =	vmul.f32 v29, v9;
	[tilespmem:s9+$0x12240] =	vst v28;
	v35 =	vsub.f32 v63, v13  }
0x43a: {  	v39 =	vld [tilespmem:s25+$0x6260];
	v37 =	vmul.f32 v32, v9;
	[tilespmem:s9+$0x12250] =	vst v31;
	v38 =	vsub.f32 v24, v13  }
0x43b: {  	v42 =	vld [tilespmem:s25+$0x6270];
	[tilespmem:s9+$0x12260] =	vst v34;
	v41 =	vsub.f32 v27, v13;
	v40 =	vmul.f32 v35, v10  }
0x43c: {  	v43 =	vld [tilespmem:s22+$0x6260];
	[tilespmem:s9+$0x12270] =	vst v37;
	v19 =	vsub.f32 v30, v13;
	v16 =	vmul.f32 v38, v10  }
0x43d: {  	v44 =	vld [tilespmem:s0+$0x6200];
	v20 =	vsub.f32 v33, v13;
	v14 =	vmul.f32 v41, v10;
	[tilespmem:s25+$0x12200] =	vst v40  }
0x43e: {  	v45 =	vld [tilespmem:s0+$0x6210];
	v21 =	vsub.f32 v36, v13;
	v19 =	vmul.f32 v19, v10;
	[tilespmem:s25+$0x12210] =	vst v16  }
0x43f: {  	v46 =	vld [tilespmem:s0+$0x6220];
	v17 =	vsub.f32 v39, v13;
	v20 =	vmul.f32 v20, v10;
	[tilespmem:s25+$0x12220] =	vst v14  }
0x440: {  	v47 =	vld [tilespmem:s0+$0x6230];
	v18 =	vsub.f32 v42, v13;
	v21 =	vmul.f32 v21, v10;
	[tilespmem:s25+$0x12230] =	vst v19  }
0x441: {  	v15 =	vsub.f32 v43, v7;
	v48 =	vld [tilespmem:s0+$0x6240];
	v17 =	vmul.f32 v17, v10;
	[tilespmem:s25+$0x12240] =	vst v20  }
0x442: {  	v49 =	vld [tilespmem:s0+$0x6250];
	v18 =	vmul.f32 v18, v10;
	v11 =	vsub.f32 v44, v12;
	[tilespmem:s25+$0x12250] =	vst v21  }
0x443: {  	v15 =	vmul.f32 v15, v8;
	v50 =	vld [tilespmem:s0+$0x6260];
	v16 =	vsub.f32 v45, v12;
	[tilespmem:s25+$0x12260] =	vst v17  }
0x444: {  	v51 =	vld [tilespmem:s0+$0x6270];
	v14 =	vsub.f32 v46, v12;
	[tilespmem:s25+$0x12270] =	vst v18;
	v11 =	vmul.f32 v11, v9  }
0x445: {  	[tilespmem:s22+$0x12260] =	vst v15;
	v53 =	vsub.f32 v47, v12;
	v54 =	vld [tilespmem:s26+$0x6200];
	v52 =	vmul.f32 v16, v9  }
0x446: {  	v56 =	vsub.f32 v48, v12;
	v57 =	vld [tilespmem:s26+$0x6210];
	v55 =	vmul.f32 v14, v9;
	[tilespmem:s0+$0x12200] =	vst v11  }
0x447: {  	v59 =	vsub.f32 v49, v12;
	v60 =	vld [tilespmem:s26+$0x6220];
	v58 =	vmul.f32 v53, v9;
	[tilespmem:s0+$0x12210] =	vst v52  }
0x448: {  	v62 =	vsub.f32 v50, v12;
	v63 =	vld [tilespmem:s26+$0x6230];
	v61 =	vmul.f32 v56, v9;
	[tilespmem:s0+$0x12220] =	vst v55  }
0x449: {  	v24 =	vsub.f32 v51, v12;
	v25 =	vld [tilespmem:s26+$0x6240];
	v23 =	vmul.f32 v59, v9;
	[tilespmem:s0+$0x12230] =	vst v58  }
0x44a: {  	v28 =	vld [tilespmem:s26+$0x6250];
	v26 =	vmul.f32 v62, v9;
	[tilespmem:s0+$0x12240] =	vst v61;
	v27 =	vsub.f32 v54, v13  }
0x44b: {  	v31 =	vld [tilespmem:s26+$0x6260];
	v29 =	vmul.f32 v24, v9;
	[tilespmem:s0+$0x12250] =	vst v23;
	v30 =	vsub.f32 v57, v13  }
0x44c: {  	v34 =	vld [tilespmem:s26+$0x6270];
	[tilespmem:s0+$0x12260] =	vst v26;
	v33 =	vsub.f32 v60, v13;
	v32 =	vmul.f32 v27, v10  }
0x44d: {  	v35 =	vld [tilespmem:s22+$0x6270];
	[tilespmem:s0+$0x12270] =	vst v29;
	v17 =	vsub.f32 v63, v13;
	v16 =	vmul.f32 v30, v10  }
0x44e: {  	v36 =	vld [tilespmem:s31+$0x6200];
	v18 =	vsub.f32 v25, v13;
	v14 =	vmul.f32 v33, v10;
	[tilespmem:s26+$0x12200] =	vst v32  }
0x44f: {  	v37 =	vld [tilespmem:s31+$0x6210];
	v19 =	vsub.f32 v28, v13;
	v17 =	vmul.f32 v17, v10;
	[tilespmem:s26+$0x12210] =	vst v16  }
0x450: {  	v38 =	vld [tilespmem:s31+$0x6220];
	v20 =	vsub.f32 v31, v13;
	v18 =	vmul.f32 v18, v10;
	[tilespmem:s26+$0x12220] =	vst v14  }
0x451: {  	v39 =	vld [tilespmem:s31+$0x6230];
	v21 =	vsub.f32 v34, v13;
	v19 =	vmul.f32 v19, v10;
	[tilespmem:s26+$0x12230] =	vst v17  }
0x452: {  	v7 =	vsub.f32 v35, v7;
	v40 =	vld [tilespmem:s31+$0x6240];
	v41 =	vmul.f32 v20, v10;
	[tilespmem:s26+$0x12240] =	vst v18  }
0x453: {  	v42 =	vld [tilespmem:s31+$0x6250];
	v43 =	vmul.f32 v21, v10;
	v11 =	vsub.f32 v36, v12;
	[tilespmem:s26+$0x12250] =	vst v19  }
0x454: {  	v7 =	vmul.f32 v7, v8;
	v44 =	vld [tilespmem:s31+$0x6260];
	v8 =	vsub.f32 v37, v12;
	[tilespmem:s26+$0x12260] =	vst v41  }
0x455: {  	v45 =	vld [tilespmem:s31+$0x6270];
	v14 =	vsub.f32 v38, v12;
	[tilespmem:s26+$0x12270] =	vst v43;
	v11 =	vmul.f32 v11, v9  }
0x456: {  	[tilespmem:s22+$0x12270] =	vst v7;
	v46 =	vld [tilespmem:s13+$0x6200];
	v7 =	vmul.f32 v8, v9;
	v8 =	vsub.f32 v39, v12  }
0x457: {  	v48 =	vsub.f32 v40, v12;
	v49 =	vld [tilespmem:s13+$0x6210];
	v47 =	vmul.f32 v14, v9;
	[tilespmem:s31+$0x12200] =	vst v11  }
0x458: {  	v50 =	vld [tilespmem:s13+$0x6220];
	[tilespmem:s31+$0x12210] =	vst v7;
	v7 =	vmul.f32 v8, v9;
	v8 =	vsub.f32 v42, v12  }
0x459: {  	v52 =	vsub.f32 v44, v12;
	v53 =	vld [tilespmem:s13+$0x6230];
	v51 =	vmul.f32 v48, v9;
	[tilespmem:s31+$0x12220] =	vst v47  }
0x45a: {  	v54 =	vld [tilespmem:s13+$0x6240];
	[tilespmem:s31+$0x12230] =	vst v7;
	v7 =	vmul.f32 v8, v9;
	v8 =	vsub.f32 v45, v12  }
0x45b: {  	v57 =	vld [tilespmem:s13+$0x6250];
	v55 =	vmul.f32 v52, v9;
	[tilespmem:s31+$0x12240] =	vst v51;
	v56 =	vsub.f32 v46, v13  }
0x45c: {  	v58 =	vld [tilespmem:s13+$0x6260];
	[tilespmem:s31+$0x12250] =	vst v7;
	v7 =	vmul.f32 v8, v9;
	v8 =	vsub.f32 v49, v13  }
0x45d: {  	v61 =	vld [tilespmem:s13+$0x6270];
	[tilespmem:s31+$0x12260] =	vst v55;
	v60 =	vsub.f32 v50, v13;
	v59 =	vmul.f32 v56, v10  }
0x45e: {  	[tilespmem:s31+$0x12270] =	vst v7;
	v7 =	vmul.f32 v8, v10;
	v8 =	vsub.f32 v53, v13  }
0x45f: {  	v12 =	vsub.f32 v54, v13;
	v62 =	vmul.f32 v60, v10;
	[tilespmem:s13+$0x12200] =	vst v59  }
0x460: {  	[tilespmem:s13+$0x12210] =	vst v7;
	v7 =	vmul.f32 v8, v10;
	v8 =	vsub.f32 v57, v13  }
0x461: {  	p0 =	slt.u32 s20, $0x1C;
	v63 =	vmul.f32 v12, v10;
	v9 =	vsub.f32 v58, v13;
	[tilespmem:s13+$0x12220] =	vst v62  }
.Ltmp6:
0x462: {  	[tilespmem:s13+$0x12230] =	vst v7;
	v7 =	vmul.f32 v8, v10;
	v8 =	vsub.f32 v61, v13;
	(pc) =	sbr.rel @p0 .LBB2_9-.Ltmp6, $4  }
0x463: {  	[tilespmem:s13+$0x12240] =	vst v63;
	v9 =	vmul.f32 v9, v10  }
0x464: {  	[tilespmem:s13+$0x12250] =	vst v7;
	v7 =	vmul.f32 v8, v10  }
0x465: {  	[tilespmem:s13+$0x12260] =	vst v9  }
0x466: {  	s21 =	sadd.s32 $0x200, s21;
	[tilespmem:s13+$0x12270] =	vst v7  }
0x467: {  	p0 =	seq.s32 s17, $0x7  }
.Ltmp7:
0x468: {  	_ = 	snop;
	(pc) =	sbr.rel @p0 .LBB2_12-.Ltmp7, $4  }
0x469: {  	_ = 	snop  }
0x46a: {  	s0 =	rddreg [dreg:$0x6]  }
0x46b: {  	s1 =	simm.s32 $0x12200;
	s0 =	sadd.s32 s0, s19  }
0x46c: {  	[hbm4b:s0+s5] =	stream.linear.scatter [tilespmem:s1], [sflag:$0x4], $0x6000, $0x38;
	[tilespmem:$0x18200] =	vst v63  }
0x46d: {  	s0 =	sand.u32 $0x3FFFFFC0, s18  }
0x46e: {  	v7 =	vld [tilespmem:s0+$0x60];
	_ =	sdelay $0x4  }
0x46f: {  	v8 =	vshrl.u32 v7, $0x3  }
0x470: {  	v8 =	vmul.u32 $0x30, v8  }
0x471: {  	v7 =	vand.u32 $0x7, v7  }
0x472: {  	v7 =	vor.u32 v7, v8  }
0x473: {  	v8 =	vperm.xlane v7, v0;
	_ =	sdelay $0x1  }
0x474: {  	v8 =	vadd.s32 v1, v8;
	_ =	sdelay $0x3  }
0x475: {  	s1 =	simm.s32 $0x6200;
	v7 =	vperm.xlane v7, v2  }
0x476: {  	[tilespmem:s1], [sflag:$0x2] =	stream.indirect_vreg.gather [hbm4b:s2+s5], $0x80, v8, vm0, $0xb8;
	[tilespmem:$0x18200] =	vst v63  }
0x477: {  	s20 =	simm.s32 $0x6A00;
	v7 =	vadd.s32 v1, v7  }
0x478: {  	[tilespmem:s20], [sflag:$0x2] =	stream.indirect_vreg.gather [hbm4b:s7+s5], $0x80, v8, vm0, $0xb8;
	[tilespmem:$0x18200] =	vst v63  }
0x479: {  	s21 =	simm.s32 $0x7200  }
0x47a: {  	[tilespmem:s21], [sflag:$0x2] =	stream.indirect_vreg.gather [hbm4b:s8+s5], $0x80, v8, vm0, $0xb8;
	[tilespmem:$0x18200] =	vst v63  }
0x47b: {  	s22 =	simm.s32 $0x7A00  }
0x47c: {  	[tilespmem:s22], [sflag:$0x2] =	stream.indirect_vreg.gather [hbm4b:s2+s5], $0x80, v7, vm0, $0xb8;
	[tilespmem:$0x18200] =	vst v63  }
0x47d: {  	s23 =	simm.s32 $0x8200  }
0x47e: {  	[tilespmem:s23], [sflag:$0x2] =	stream.indirect_vreg.gather [hbm4b:s7+s5], $0x80, v7, vm0, $0xb8;
	[tilespmem:$0x18200] =	vst v63  }
0x47f: {  	s24 =	simm.s32 $0x8A00  }
0x480: {  	[tilespmem:s24], [sflag:$0x2] =	stream.indirect_vreg.gather [hbm4b:s8+s5], $0x80, v7, vm0, $0xb8;
	[tilespmem:$0x18200] =	vst v63  }
0x481: {  	v7 =	vld [tilespmem:s0+$0x70];
	_ =	sdelay $0x4  }
0x482: {  	v8 =	vshrl.u32 v7, $0x3  }
0x483: {  	v8 =	vmul.u32 $0x30, v8  }
0x484: {  	v7 =	vand.u32 $0x7, v7  }
0x485: {  	v7 =	vor.u32 v7, v8  }
0x486: {  	v8 =	vperm.xlane v7, v0;
	_ =	sdelay $0x1  }
0x487: {  	v8 =	vadd.s32 v1, v8;
	_ =	sdelay $0x3  }
0x488: {  	s25 =	simm.s32 $0x9200;
	v7 =	vperm.xlane v7, v2  }
0x489: {  	[tilespmem:s25], [sflag:$0x2] =	stream.indirect_vreg.gather [hbm4b:s2+s5], $0x80, v8, vm0, $0xb8;
	[tilespmem:$0x18200] =	vst v63  }
0x48a: {  	s26 =	simm.s32 $0x9A00;
	v7 =	vadd.s32 v1, v7  }
0x48b: {  	[tilespmem:s26], [sflag:$0x2] =	stream.indirect_vreg.gather [hbm4b:s7+s5], $0x80, v8, vm0, $0xb8;
	[tilespmem:$0x18200] =	vst v63  }
0x48c: {  	s28 =	simm.s32 $0xA200  }
0x48d: {  	[tilespmem:s28], [sflag:$0x2] =	stream.indirect_vreg.gather [hbm4b:s8+s5], $0x80, v8, vm0, $0xb8;
	[tilespmem:$0x18200] =	vst v63  }
0x48e: {  	s29 =	simm.s32 $0xAA00  }
0x48f: {  	[tilespmem:s29], [sflag:$0x2] =	stream.indirect_vreg.gather [hbm4b:s2+s5], $0x80, v7, vm0, $0xb8;
	[tilespmem:$0x18200] =	vst v63  }
.Ltmp8:
0x490: {  	_ = 	snop;
	(pc) =	sbr.rel .LBB2_2-.Ltmp8, $4  }
0x491: {  	s30 =	simm.s32 $0xB200  }
0x492: {  	[tilespmem:s30], [sflag:$0x2] =	stream.indirect_vreg.gather [hbm4b:s7+s5], $0x80, v7, vm0, $0xb8;
	[tilespmem:$0x18200] =	vst v63  }
0x493: {  	s31 =	simm.s32 $0xBA00;
	s17 =	sadd.s32 $0x1, s17  }
0x494: {  	[tilespmem:s31], [sflag:$0x2] =	stream.indirect_vreg.gather [hbm4b:s8+s5], $0x80, v7, vm0, $0xb8;
	[tilespmem:$0x18200] =	vst v63  }
.LBB2_13:
0x495: {  	_ =	sfence.sel $0x180000  }
0x496: {  	[bflag:$0x0] =	sbarrier.arrive $0xFFFF  }
0x497: {  	_ =	strace $0x90000047  }
0x498: {  	s0 =	stileid.u32;
	[bflag:$0x2] =	sbarrier.arrive $0xFFFF  }
0x499: {  	p0 =	sne.s32 s0, $0x0;
	s0 =	rddreg [dreg:$0x3]  }
0x49a: {  	s0 =	sadd.s32 @!p0 $0x100000, s0  }
0x49b: {  	[sflag:s0] =	ssyncadd.tile.s32 @!p0 $0x1;
	_ =	shalt  }
.Lfunc_end2:
_tile_overlayer_lowered:
.L_overlay_start_2:
0x49c: {  	(tag) =	ssettag $0x2  }
0x49d: {  	s0 =	rddreg [dreg:$0x0];
	s2 =	stileid.u32  }
0x49e: {  	s1 =	rddreg [dreg:$0x1];
	p0 =	sne.s32 s2, $0x0  }
0x49f: {  	s3 =	rddreg [dreg:$0x2];
	[bflag:$0x3] =	sbarrier.arrive $0xFFFF;
	s2 =	simm.s32 @!p0 $0x1C05  }
0x4a0: {  	[timem:s3], [sflag:s2] =	dma.local @!p0 [hbm:s0], s1  }
0x4a1: {  	s0 =	simm.s32 @!p0 $0x5  }
0x4a2: {  	_ =	swait.ge @!p0 [sflag:s0], s1  }
0x4a3: {  	s1 =	ssub.s32 @!p0 $0x0, s1;
	[sflag:s0] =	ssyncset.done @!p0 $0x0  }
0x4a4: {  	[sflag:s0] =	ssyncadd.s32 @!p0 s1  }
0x4a5: {  	[bflag:$0x3] =	sbarrier.arrive $0xFFFF  }
0x4a6: {  	_ =	shalt  }

</sc_bundles>
